<compile_context>
chip_gen: v7x
topology: tpu7x:2x2x1
jax: 0.10.2.dev20260603
libtpu: 0.0.44.dev20260713+nightly
codegen_flags: <defaults>
</compile_context>

<pallas_src>
import functools

import jax
import jax.numpy as jnp
from jax import lax
from jax.experimental import pallas as pl
from jax.experimental.pallas import tpu as pltpu
from jax.experimental.pallas import tpu_sc as plsc

_N = 10000
_E = 320000
_D = 128
_EPS = 1e-16
_NW = 32
_EW = _E // _NW
_B = 128
_NB = 80
_EWP = _NB * _B

_mesh = plsc.VectorSubcoreMesh(core_axis_name="c", subcore_axis_name="s")


def _dense_body(x_ref, w_ref, avs_ref, avd_ref, h_ref, as_ref, ad_ref, m_ref):
    h = jnp.dot(x_ref[...], w_ref[...], preferred_element_type=jnp.float32)
    h_ref[...] = h
    a_s = jnp.dot(h, avs_ref[...], preferred_element_type=jnp.float32)
    a_d = jnp.dot(h, avd_ref[...], preferred_element_type=jnp.float32)
    as_ref[...] = a_s
    ad_ref[...] = a_d
    m = jnp.maximum(jnp.max(a_s) + jnp.max(a_d), 0.0)
    m_ref[...] = jnp.full((16,), m, jnp.float32)


def _dense(x, w, att_s, att_d):
    return pl.pallas_call(
        _dense_body,
        out_shape=(
            jax.ShapeDtypeStruct((_N, _D), jnp.float32),
            jax.ShapeDtypeStruct((_N,), jnp.float32),
            jax.ShapeDtypeStruct((_N,), jnp.float32),
            jax.ShapeDtypeStruct((16,), jnp.float32),
        ),
    )(x, w, att_s, att_d)


def _mid_body(g_ref, s1p_ref, b1_ref, w2_ref, avs_ref, avd_ref,
              h2_ref, as_ref, ad_ref, m_ref):
    g = g_ref[0] + g_ref[1]
    s1 = jnp.sum(s1p_ref[...], axis=0)
    out1 = g / (s1[:, None] + _EPS) + b1_ref[...][None, :]
    x2 = jnp.maximum(out1, 0.0)
    h2 = jnp.dot(x2, w2_ref[...], preferred_element_type=jnp.float32)
    h2_ref[...] = h2
    a_s = jnp.dot(h2, avs_ref[...], preferred_element_type=jnp.float32)
    a_d = jnp.dot(h2, avd_ref[...], preferred_element_type=jnp.float32)
    as_ref[...] = a_s
    ad_ref[...] = a_d
    m = jnp.maximum(jnp.max(a_s) + jnp.max(a_d), 0.0)
    m_ref[...] = jnp.full((16,), m, jnp.float32)


def _mid(g, s1p, b1, w2, att_s, att_d):
    return pl.pallas_call(
        _mid_body,
        out_shape=(
            jax.ShapeDtypeStruct((_N, _D), jnp.float32),
            jax.ShapeDtypeStruct((_N,), jnp.float32),
            jax.ShapeDtypeStruct((_N,), jnp.float32),
            jax.ShapeDtypeStruct((16,), jnp.float32),
        ),
    )(g, s1p, b1, w2, att_s, att_d)


def _colsum_body(p_ref, o_ref):
    o_ref[...] = jnp.sum(p_ref[...], axis=0)


def _colsum(p):
    return pl.pallas_call(
        _colsum_body,
        out_shape=jax.ShapeDtypeStruct((_N,), jnp.float32),
    )(p)


def _final_body(wp_ref, h2_ref, b2_ref, o_ref):
    w = jnp.sum(wp_ref[...], axis=0)
    o_ref[...] = (jnp.dot(w, h2_ref[...], preferred_element_type=jnp.float32)
                  * (1.0 / _N) + b2_ref[...])


def _final(wp, h2, b2):
    return pl.pallas_call(
        _final_body,
        out_shape=jax.ShapeDtypeStruct((_D,), jnp.float32),
    )(wp, h2, b2)


def _edges_body(srcg, dstg, as_hbm, ad_hbm, m_hbm,
                ex_out, sp_out,
                srcd, dstd, asv, adv, spv, exd, mv):
    c = lax.axis_index("c")
    s = lax.axis_index("s")
    wid = c * 16 + s
    pltpu.sync_copy(srcg.at[wid], srcd)
    pltpu.sync_copy(dstg.at[wid], dstd)
    pltpu.sync_copy(as_hbm, asv)
    pltpu.sync_copy(ad_hbm, adv)
    pltpu.sync_copy(m_hbm, mv)
    mvec = mv[...]
    z16 = jnp.zeros((16,), jnp.float32)

    def zero(i, _):
        spv[pl.ds(i * 16, 16)] = z16
        return 0
    lax.fori_loop(0, _N // 16, zero, 0)
    for k in range(15):
        exd[pl.ds(_EW + k * 16, 16)] = z16

    def group(b, j):
        s16 = srcd[b, pl.ds(j * 16, 16)]
        d16 = dstd[b, pl.ds(j * 16, 16)]
        e = plsc.load_gather(asv, [s16]) + plsc.load_gather(adv, [d16])
        e = jnp.maximum(e, 0.2 * e)
        ex = jnp.exp(e - mvec)
        exd[pl.ds(b * _B + j * 16, 16)] = ex
        plsc.addupdate_scatter(spv, [d16], ex)

    def body(b, _):
        for j in range(_B // 16):
            group(b, j)
        return 0
    lax.fori_loop(0, 78, body, 0)
    group(78, 0)
    pltpu.sync_copy(exd, ex_out.at[wid, 0])
    pltpu.sync_copy(spv, sp_out.at[wid, 0])


_edges = functools.partial(
    pl.kernel,
    out_type=(
        jax.ShapeDtypeStruct((_NW, 1, _EWP), jnp.float32),
        jax.ShapeDtypeStruct((_NW, 1, _N), jnp.float32),
    ),
    mesh=_mesh,
    compiler_params=pltpu.CompilerParams(needs_layout_passes=False),
    scratch_types=[
        pltpu.VMEM((_NB, _B), jnp.int32),
        pltpu.VMEM((_NB, _B), jnp.int32),
        pltpu.VMEM((_N,), jnp.float32),
        pltpu.VMEM((_N,), jnp.float32),
        pltpu.VMEM((_N,), jnp.float32),
        pltpu.VMEM((_EWP,), jnp.float32),
        pltpu.VMEM((16,), jnp.float32),
    ],
)(_edges_body)


_NBM = 79


def _msg_phase(b, h1_hbm, srcf, exf, dstd, gsp, wid, me, other):
    rows_p, srcb_p, exb_p, sem_g_p, sem_s_p, sem_m_p = me
    rows_o, srcb_o, exb_o, sem_g_o, sem_s_o, sem_m_o = other

    @pl.when(b + 1 < _NBM)
    def _prefetch_gather():
        @pl.when(b >= 1)
        def _drain_prev_scatter():
            pltpu.make_async_copy(
                rows_o, gsp.at[dstd.at[b]], sem_s_o).wait()
        pltpu.make_async_copy(
            srcf.at[wid, 0, pl.ds(b * _B, _B)], srcb_o, sem_m_o).wait()
        pltpu.make_async_copy(
            exf.at[wid, 0, pl.ds(b * _B, _B)], exb_o, sem_m_o).wait()
        pltpu.async_copy(h1_hbm.at[srcb_o], rows_o, sem_g_o)

    pltpu.make_async_copy(h1_hbm.at[srcb_p], rows_p, sem_g_p).wait()

    def scale_group(g, _):
        exv16 = exb_p[pl.ds(g * 16, 16)]
        for r in range(16):
            exv = jnp.full((16,), exv16[r], jnp.float32)
            row = g * 16 + r
            for j in range(8):
                rows_p[row, pl.ds(j * 16, 16)] = (
                    rows_p[row, pl.ds(j * 16, 16)] * exv)
        return 0
    lax.fori_loop(0, _B // 16, scale_group, 0)
    pltpu.async_copy(rows_p, gsp.at[dstd.at[b]], sem_s_p, add=True)

    @pl.when(b + 2 < _NBM)
    def _prefetch_meta():
        pltpu.async_copy(srcf.at[wid, 0, pl.ds((b + 2) * _B, _B)],
                         srcb_p, sem_m_p)
        pltpu.async_copy(exf.at[wid, 0, pl.ds((b + 2) * _B, _B)],
                         exb_p, sem_m_p)


def _msg_body(h1_hbm, srcf, dstg, exf, zero_hbm, g_out,
              dstd, srcb0, srcb1, exb0, exb1, rows0, rows1,
              sem_g0, sem_g1, sem_s0, sem_s1, sem_m0, sem_m1, gsp):
    c = lax.axis_index("c")
    s = lax.axis_index("s")
    wid = c * 16 + s
    pltpu.sync_copy(dstg.at[wid], dstd)

    row0 = pl.multiple_of(s * 632, 8)

    @pl.when(s < 15)
    def _zero_main():
        pltpu.sync_copy(zero_hbm.at[pl.ds(row0, 632)],
                        gsp.at[pl.ds(row0, 632)])

    @pl.when(s == 15)
    def _zero_tail():
        pltpu.sync_copy(zero_hbm.at[pl.ds(9480, 520)],
                        gsp.at[pl.ds(9480, 520)])

    plsc.subcore_barrier()

    set0 = (rows0, srcb0, exb0, sem_g0, sem_s0, sem_m0)
    set1 = (rows1, srcb1, exb1, sem_g1, sem_s1, sem_m1)

    pltpu.sync_copy(srcf.at[wid, 0, pl.ds(0, _B)], srcb0)
    pltpu.sync_copy(exf.at[wid, 0, pl.ds(0, _B)], exb0)
    pltpu.async_copy(h1_hbm.at[srcb0], rows0, sem_g0)
    pltpu.async_copy(srcf.at[wid, 0, pl.ds(_B, _B)], srcb1, sem_m1)
    pltpu.async_copy(exf.at[wid, 0, pl.ds(_B, _B)], exb1, sem_m1)

    def body(b, _):
        parity = lax.rem(b, 2)

        @pl.when(parity == 0)
        def _even():
            _msg_phase(b, h1_hbm, srcf, exf, dstd, gsp, wid, set0, set1)

        @pl.when(parity == 1)
        def _odd():
            _msg_phase(b, h1_hbm, srcf, exf, dstd, gsp, wid, set1, set0)
        return 0
    lax.fori_loop(0, _NBM, body, 0)

    pltpu.make_async_copy(rows1, gsp.at[dstd.at[77]], sem_s1).wait()
    pltpu.make_async_copy(rows0, gsp.at[dstd.at[78]], sem_s0).wait()
    plsc.subcore_barrier()

    @pl.when(s < 15)
    def _dump_main():
        pltpu.sync_copy(gsp.at[pl.ds(row0, 632)],
                        g_out.at[c, pl.ds(row0, 632)])

    @pl.when(s == 15)
    def _dump_tail():
        pltpu.sync_copy(gsp.at[pl.ds(9480, 520)],
                        g_out.at[c, pl.ds(9480, 520)])


_msg = functools.partial(
    pl.kernel,
    out_type=jax.ShapeDtypeStruct((2, _N, _D), jnp.float32),
    mesh=_mesh,
    compiler_params=pltpu.CompilerParams(needs_layout_passes=False),
    scratch_types=[
        pltpu.VMEM((_NB, _B), jnp.int32),
        pltpu.VMEM((_B,), jnp.int32),
        pltpu.VMEM((_B,), jnp.int32),
        pltpu.VMEM((_B,), jnp.float32),
        pltpu.VMEM((_B,), jnp.float32),
        pltpu.VMEM((_B, _D), jnp.float32),
        pltpu.VMEM((_B, _D), jnp.float32),
        pltpu.SemaphoreType.DMA,
        pltpu.SemaphoreType.DMA,
        pltpu.SemaphoreType.DMA,
        pltpu.SemaphoreType.DMA,
        pltpu.SemaphoreType.DMA,
        pltpu.SemaphoreType.DMA,
        pltpu.VMEM_SHARED((_N, _D), jnp.float32),
    ],
)(_msg_body)


def _wpass_body(srcg, dstg, exg, s2_hbm, wp_out,
                srcd, dstd, exd, s2v, wpv):
    c = lax.axis_index("c")
    s = lax.axis_index("s")
    wid = c * 16 + s
    pltpu.sync_copy(srcg.at[wid], srcd)
    pltpu.sync_copy(dstg.at[wid], dstd)
    pltpu.sync_copy(exg.at[wid], exd)
    pltpu.sync_copy(s2_hbm, s2v)
    z16 = jnp.zeros((16,), jnp.float32)

    def zero(i, _):
        wpv[pl.ds(i * 16, 16)] = z16
        return 0
    lax.fori_loop(0, _N // 16, zero, 0)

    def group(b, j):
        s16 = srcd[b, pl.ds(j * 16, 16)]
        d16 = dstd[b, pl.ds(j * 16, 16)]
        ex = exd[b, pl.ds(j * 16, 16)]
        sv = plsc.load_gather(s2v, [d16])
        attn = ex / (sv + _EPS)
        plsc.addupdate_scatter(wpv, [s16], attn)

    def body(b, _):
        for j in range(_B // 16):
            group(b, j)
        return 0
    lax.fori_loop(0, 78, body, 0)
    group(78, 0)
    pltpu.sync_copy(wpv, wp_out.at[wid, 0])


_wpass = functools.partial(
    pl.kernel,
    out_type=jax.ShapeDtypeStruct((_NW, 1, _N), jnp.float32),
    mesh=_mesh,
    compiler_params=pltpu.CompilerParams(needs_layout_passes=False),
    scratch_types=[
        pltpu.VMEM((_NB, _B), jnp.int32),
        pltpu.VMEM((_NB, _B), jnp.int32),
        pltpu.VMEM((_NB, _B), jnp.float32),
        pltpu.VMEM((_N,), jnp.float32),
        pltpu.VMEM((_N,), jnp.float32),
    ],
)(_wpass_body)


def kernel(x, edge_index, W1, att_src1, att_dst1, b1,
           W2, att_src2, att_dst2, b2):
    pad = jnp.zeros((_NW, _EWP - _EW), jnp.int32)
    srcg = jnp.concatenate(
        [edge_index[0].reshape(_NW, _EW), pad], axis=1).reshape(_NW, _NB, _B)
    dstg = jnp.concatenate(
        [edge_index[1].reshape(_NW, _EW), pad], axis=1).reshape(_NW, _NB, _B)
    zeros = jnp.zeros((_N, _D), jnp.float32)

    h1, as1, ad1, m1v = _dense(x, W1, att_src1, att_dst1)
    ex1, s1p = _edges(srcg, dstg, as1, ad1, m1v)
    g = _msg(h1, srcg.reshape(_NW, 1, _EWP), dstg, ex1, zeros)
    h2, as2, ad2, m2v = _mid(g, s1p.reshape(_NW, _N), b1, W2,
                             att_src2, att_dst2)
    ex2, s2p = _edges(srcg, dstg, as2, ad2, m2v)
    s2 = _colsum(s2p.reshape(_NW, _N))
    wp = _wpass(srcg, dstg, ex2.reshape(_NW, _NB, _B), s2)
    return _final(wp.reshape(_NW, _N), h2, b2)

# --- scband reference (transcript-rebuilt; emitter-appended) ---
"""Pipeline reference for scband-persona-gnn-80796924772538 (READ-ONLY COPY).

The authoritative reference and input builder live on the scoring server;
editing this copy changes nothing except your own understanding.
"""

import jax, jax.numpy as jnp
import numpy as np

N = 10000
E = 320000
D_IN = 128
D_HID = 128
D_OUT = 128


def setup_inputs(seed: int = 0) -> dict:
    key = jax.random.key(seed)
    ks = jax.random.split(key, 12)
    x = jax.random.normal(ks[0], (N, D_IN), dtype=jnp.float32)
    edge_index = jax.random.randint(ks[1], (2, E), 0, N, dtype=jnp.int32)
    # GATConv layer 1 params (heads=1, PyG-style)
    W1 = jax.random.normal(ks[2], (D_IN, D_HID), dtype=jnp.float32) * (1.0 / np.sqrt(D_IN))
    att_src1 = jax.random.normal(ks[3], (D_HID,), dtype=jnp.float32) * 0.1
    att_dst1 = jax.random.normal(ks[4], (D_HID,), dtype=jnp.float32) * 0.1
    b1 = jnp.zeros((D_HID,), dtype=jnp.float32)
    # GATConv layer 2 params
    W2 = jax.random.normal(ks[5], (D_HID, D_OUT), dtype=jnp.float32) * (1.0 / np.sqrt(D_HID))
    att_src2 = jax.random.normal(ks[6], (D_OUT,), dtype=jnp.float32) * 0.1
    att_dst2 = jax.random.normal(ks[7], (D_OUT,), dtype=jnp.float32) * 0.1
    b2 = jnp.zeros((D_OUT,), dtype=jnp.float32)
    return {"x": x, "edge_index": edge_index, "W1": W1, "att_src1": att_src1,
            "att_dst1": att_dst1, "b1": b1, "W2": W2, "att_src2": att_src2,
            "att_dst2": att_dst2, "b2": b2}


def gat_conv(x, edge_index, W, att_src, att_dst, b, n_nodes):
    # PyG GATConv (heads=1): linear transform, edge attention, segment softmax over dst
    src = edge_index[0]
    dst = edge_index[1]
    h = x @ W  # [N, C]
    alpha_src = h @ att_src  # [N]
    alpha_dst = h @ att_dst  # [N]
    e = alpha_src[src] + alpha_dst[dst]  # [E], gather
    e = jax.nn.leaky_relu(e, negative_slope=0.2)
    # numerically stable segment softmax over edges grouped by dst node
    m = jax.ops.segment_max(e, dst, num_segments=n_nodes)
    m = jnp.where(jnp.isfinite(m), m, 0.0)
    m = jax.lax.stop_gradient(m)
    ex = jnp.exp(e - m[dst])
    s = jax.ops.segment_sum(ex, dst, num_segments=n_nodes)
    attn = ex / (s[dst] + 1e-16)  # [E]
    msg = attn[:, None] * h[src]  # [E, C], gather
    out = jax.ops.segment_sum(msg, dst, num_segments=n_nodes)  # scatter-add
    return out + b


def reference(x, edge_index, W1, att_src1, att_dst1, b1, W2, att_src2, att_dst2, b2):
    h = jax.nn.relu(gat_conv(x, edge_index, W1, att_src1, att_dst1, b1, N))
    h = gat_conv(h, edge_index, W2, att_src2, att_dst2, b2, N)
    return h.mean(axis=0)

if __name__ == "__main__":
    import jax
    _d = setup_inputs()
    print(jax.jit(kernel)(*tuple(_d.values())))

</pallas_src>

<mosaic_0001>
#map = affine_map<(d0, d1) -> (0, 0, 0)>
#map1 = affine_map<(d0, d1) -> (0)>
module attributes {stable_mosaic.version = 14 : i64} {
  func.func @_edges_body(%arg0: i32, %arg1: i32, %arg2: memref<32x80x128xi32, #tpu.memory_space<hbm>>, %arg3: memref<32x80x128xi32, #tpu.memory_space<hbm>>, %arg4: memref<10000xf32, #tpu.memory_space<hbm>>, %arg5: memref<10000xf32, #tpu.memory_space<hbm>>, %arg6: memref<16xf32, #tpu.memory_space<hbm>>, %arg7: memref<32x1x10240xf32, #tpu.memory_space<hbm>>, %arg8: memref<32x1x10000xf32, #tpu.memory_space<hbm>>, %arg9: memref<80x128xi32, #tpu.memory_space<vmem>>, %arg10: memref<80x128xi32, #tpu.memory_space<vmem>>, %arg11: memref<10000xf32, #tpu.memory_space<vmem>>, %arg12: memref<10000xf32, #tpu.memory_space<vmem>>, %arg13: memref<10000xf32, #tpu.memory_space<vmem>>, %arg14: memref<10240xf32, #tpu.memory_space<vmem>>, %arg15: memref<16xf32, #tpu.memory_space<vmem>>) attributes {dimension_semantics = [#tpu.dimension_semantics<core_parallel>, #tpu.dimension_semantics<subcore_parallel>], iteration_bounds = array<i64: 2, 16>, scalar_prefetch = 0 : i64, scratch_operands = 7 : i64, tpu.core_type = #tpu.core_type<sc_vector_subcore>, window_params = [{transform_indices = #map}, {transform_indices = #map}, {transform_indices = #map1}, {transform_indices = #map1}, {transform_indices = #map1}, {transform_indices = #map}, {transform_indices = #map}]} {
    %mul3A = arith.constant 16 : i32
    %mul3A_0 = arith.muli %arg0, %mul3A : i32
    %add3A = arith.addi %mul3A_0, %arg1 : i32
    "tpu.region"() ({
      %run_scoped3A_61 = tpu.sem_alloc : memref<!tpu.dma_semaphore, #tpu.memory_space<semaphore_mem>>
      %dma_start3A = arith.constant 0 : i32
      %dma_start3A_62 = arith.constant 0 : i32
      %dma_start3A_63 = tpu.memref_slice %arg2[%add3A, %dma_start3A, %dma_start3A_62] : memref<32x80x128xi32, #tpu.memory_space<hbm>> -> memref<1x80x128xi32, #tpu.memory_space<hbm>>
      %dma_start3A_64 = tpu.memref_squeeze %dma_start3A_63 : memref<1x80x128xi32, #tpu.memory_space<hbm>> -> memref<80x128xi32, #tpu.memory_space<hbm>>
      %dma_start3A_65 = arith.constant 0 : i32
      %dma_start3A_66 = arith.constant 0 : i32
      %dma_start3A_67 = tpu.memref_slice %arg2[%add3A, %dma_start3A_65, %dma_start3A_66] : memref<32x80x128xi32, #tpu.memory_space<hbm>> -> memref<1x80x128xi32, #tpu.memory_space<hbm>>
      %dma_start3A_68 = tpu.memref_squeeze %dma_start3A_67 : memref<1x80x128xi32, #tpu.memory_space<hbm>> -> memref<80x128xi32, #tpu.memory_space<hbm>>
      tpu.enqueue_dma source(%dma_start3A_68 : memref<80x128xi32, #tpu.memory_space<hbm>>) target(%arg9 : memref<80x128xi32, #tpu.memory_space<vmem>>) target_semaphore(%run_scoped3A_61 : memref<!tpu.dma_semaphore, #tpu.memory_space<semaphore_mem>>)
      %dma_wait3A = arith.constant 0 : i32
      %dma_wait3A_69 = arith.constant 0 : i32
      %dma_wait3A_70 = tpu.memref_slice %arg2[%add3A, %dma_wait3A, %dma_wait3A_69] : memref<32x80x128xi32, #tpu.memory_space<hbm>> -> memref<1x80x128xi32, #tpu.memory_space<hbm>>
      %dma_wait3A_71 = tpu.memref_squeeze %dma_wait3A_70 : memref<1x80x128xi32, #tpu.memory_space<hbm>> -> memref<80x128xi32, #tpu.memory_space<hbm>>
      %dma_wait3A_72 = arith.constant 0 : i32
      %dma_wait3A_73 = arith.constant 0 : i32
      %dma_wait3A_74 = tpu.memref_slice %arg2[%add3A, %dma_wait3A_72, %dma_wait3A_73] : memref<32x80x128xi32, #tpu.memory_space<hbm>> -> memref<1x80x128xi32, #tpu.memory_space<hbm>>
      %dma_wait3A_75 = tpu.memref_squeeze %dma_wait3A_74 : memref<1x80x128xi32, #tpu.memory_space<hbm>> -> memref<80x128xi32, #tpu.memory_space<hbm>>
      tpu.wait_dma2 semaphore(%run_scoped3A_61 : memref<!tpu.dma_semaphore, #tpu.memory_space<semaphore_mem>>) src(%dma_wait3A_75 : memref<80x128xi32, #tpu.memory_space<hbm>>) dst(%arg9 : memref<80x128xi32, #tpu.memory_space<vmem>>)
      tpu.yield
    }) : () -> ()
    "tpu.region"() ({
      %run_scoped3A_61 = tpu.sem_alloc : memref<!tpu.dma_semaphore, #tpu.memory_space<semaphore_mem>>
      %dma_start3A = arith.constant 0 : i32
      %dma_start3A_62 = arith.constant 0 : i32
      %dma_start3A_63 = tpu.memref_slice %arg3[%add3A, %dma_start3A, %dma_start3A_62] : memref<32x80x128xi32, #tpu.memory_space<hbm>> -> memref<1x80x128xi32, #tpu.memory_space<hbm>>
      %dma_start3A_64 = tpu.memref_squeeze %dma_start3A_63 : memref<1x80x128xi32, #tpu.memory_space<hbm>> -> memref<80x128xi32, #tpu.memory_space<hbm>>
      %dma_start3A_65 = arith.constant 0 : i32
      %dma_start3A_66 = arith.constant 0 : i32
      %dma_start3A_67 = tpu.memref_slice %arg3[%add3A, %dma_start3A_65, %dma_start3A_66] : memref<32x80x128xi32, #tpu.memory_space<hbm>> -> memref<1x80x128xi32, #tpu.memory_space<hbm>>
      %dma_start3A_68 = tpu.memref_squeeze %dma_start3A_67 : memref<1x80x128xi32, #tpu.memory_space<hbm>> -> memref<80x128xi32, #tpu.memory_space<hbm>>
      tpu.enqueue_dma source(%dma_start3A_68 : memref<80x128xi32, #tpu.memory_space<hbm>>) target(%arg10 : memref<80x128xi32, #tpu.memory_space<vmem>>) target_semaphore(%run_scoped3A_61 : memref<!tpu.dma_semaphore, #tpu.memory_space<semaphore_mem>>)
      %dma_wait3A = arith.constant 0 : i32
      %dma_wait3A_69 = arith.constant 0 : i32
      %dma_wait3A_70 = tpu.memref_slice %arg3[%add3A, %dma_wait3A, %dma_wait3A_69] : memref<32x80x128xi32, #tpu.memory_space<hbm>> -> memref<1x80x128xi32, #tpu.memory_space<hbm>>
      %dma_wait3A_71 = tpu.memref_squeeze %dma_wait3A_70 : memref<1x80x128xi32, #tpu.memory_space<hbm>> -> memref<80x128xi32, #tpu.memory_space<hbm>>
      %dma_wait3A_72 = arith.constant 0 : i32
      %dma_wait3A_73 = arith.constant 0 : i32
      %dma_wait3A_74 = tpu.memref_slice %arg3[%add3A, %dma_wait3A_72, %dma_wait3A_73] : memref<32x80x128xi32, #tpu.memory_space<hbm>> -> memref<1x80x128xi32, #tpu.memory_space<hbm>>
      %dma_wait3A_75 = tpu.memref_squeeze %dma_wait3A_74 : memref<1x80x128xi32, #tpu.memory_space<hbm>> -> memref<80x128xi32, #tpu.memory_space<hbm>>
      tpu.wait_dma2 semaphore(%run_scoped3A_61 : memref<!tpu.dma_semaphore, #tpu.memory_space<semaphore_mem>>) src(%dma_wait3A_75 : memref<80x128xi32, #tpu.memory_space<hbm>>) dst(%arg10 : memref<80x128xi32, #tpu.memory_space<vmem>>)
      tpu.yield
    }) : () -> ()
    "tpu.region"() ({
      %run_scoped3A_61 = tpu.sem_alloc : memref<!tpu.dma_semaphore, #tpu.memory_space<semaphore_mem>>
      tpu.enqueue_dma source(%arg4 : memref<10000xf32, #tpu.memory_space<hbm>>) target(%arg11 : memref<10000xf32, #tpu.memory_space<vmem>>) target_semaphore(%run_scoped3A_61 : memref<!tpu.dma_semaphore, #tpu.memory_space<semaphore_mem>>)
      tpu.wait_dma2 semaphore(%run_scoped3A_61 : memref<!tpu.dma_semaphore, #tpu.memory_space<semaphore_mem>>) src(%arg4 : memref<10000xf32, #tpu.memory_space<hbm>>) dst(%arg11 : memref<10000xf32, #tpu.memory_space<vmem>>)
      tpu.yield
    }) : () -> ()
    "tpu.region"() ({
      %run_scoped3A_61 = tpu.sem_alloc : memref<!tpu.dma_semaphore, #tpu.memory_space<semaphore_mem>>
      tpu.enqueue_dma source(%arg5 : memref<10000xf32, #tpu.memory_space<hbm>>) target(%arg12 : memref<10000xf32, #tpu.memory_space<vmem>>) target_semaphore(%run_scoped3A_61 : memref<!tpu.dma_semaphore, #tpu.memory_space<semaphore_mem>>)
      tpu.wait_dma2 semaphore(%run_scoped3A_61 : memref<!tpu.dma_semaphore, #tpu.memory_space<semaphore_mem>>) src(%arg5 : memref<10000xf32, #tpu.memory_space<hbm>>) dst(%arg12 : memref<10000xf32, #tpu.memory_space<vmem>>)
      tpu.yield
    }) : () -> ()
    "tpu.region"() ({
      %run_scoped3A_61 = tpu.sem_alloc : memref<!tpu.dma_semaphore, #tpu.memory_space<semaphore_mem>>
      tpu.enqueue_dma source(%arg6 : memref<16xf32, #tpu.memory_space<hbm>>) target(%arg15 : memref<16xf32, #tpu.memory_space<vmem>>) target_semaphore(%run_scoped3A_61 : memref<!tpu.dma_semaphore, #tpu.memory_space<semaphore_mem>>)
      tpu.wait_dma2 semaphore(%run_scoped3A_61 : memref<!tpu.dma_semaphore, #tpu.memory_space<semaphore_mem>>) src(%arg6 : memref<16xf32, #tpu.memory_space<hbm>>) dst(%arg15 : memref<16xf32, #tpu.memory_space<vmem>>)
      tpu.yield
    }) : () -> ()
    %get3A = arith.constant 0 : index
    %get3A_1 = tpu.vector_load %arg15[%get3A] {strides = array<i32>} : memref<16xf32, #tpu.memory_space<vmem>>, vector<16xf32>,
    %broadcast_in_dim3A = arith.constant 0.000000e+00 : f32
    %broadcast_in_dim3A_2 = vector.broadcast %broadcast_in_dim3A : f32 to vector<16xf32>
    %scan3A = arith.constant 0 : i32
    %scan3A_3 = arith.constant 0 : i32
    %scan3A_4 = arith.constant 625 : i32
    %scan3A_5 = arith.addi %scan3A_3, %scan3A_4 : i32
    %scan3A_6 = arith.constant 1 : i32
    %scan3A_7 = scf.for %scan3A_61 = %scan3A_3 to %scan3A_5 step %scan3A_6 iter_args(%scan3A_62 = %scan3A) -> (i32)  : i32 {
      %mul3A_63 = arith.constant 16 : i32
      %mul3A_64 = arith.muli %scan3A_61, %mul3A_63 : i32
      %swap3A_65 = arith.index_cast %mul3A_64 : i32 to index
      %swap3A_66 = tpu.vector_load %arg13[%swap3A_65] {strides = array<i32>} : memref<10000xf32, #tpu.memory_space<vmem>>, vector<16xf32>,
      tpu.vector_store %arg13[%swap3A_65], %broadcast_in_dim3A_2 {strides = array<i32>} : memref<10000xf32, #tpu.memory_space<vmem>>, vector<16xf32>,
      %scan3A_67 = arith.constant 0 : i32
      scf.yield %scan3A_67 : i32
    }
    %scan3A_8 = arith.constant 625 : i32
    %swap3A = arith.constant 10000 : index
    %swap3A_9 = tpu.vector_load %arg14[%swap3A] {strides = array<i32>} : memref<10240xf32, #tpu.memory_space<vmem>>, vector<16xf32>,
    tpu.vector_store %arg14[%swap3A], %broadcast_in_dim3A_2 {strides = array<i32>} : memref<10240xf32, #tpu.memory_space<vmem>>, vector<16xf32>,
    %swap3A_10 = arith.constant 10016 : index
    %swap3A_11 = tpu.vector_load %arg14[%swap3A_10] {strides = array<i32>} : memref<10240xf32, #tpu.memory_space<vmem>>, vector<16xf32>,
    tpu.vector_store %arg14[%swap3A_10], %broadcast_in_dim3A_2 {strides = array<i32>} : memref<10240xf32, #tpu.memory_space<vmem>>, vector<16xf32>,
    %swap3A_12 = arith.constant 10032 : index
    %swap3A_13 = tpu.vector_load %arg14[%swap3A_12] {strides = array<i32>} : memref<10240xf32, #tpu.memory_space<vmem>>, vector<16xf32>,
    tpu.vector_store %arg14[%swap3A_12], %broadcast_in_dim3A_2 {strides = array<i32>} : memref<10240xf32, #tpu.memory_space<vmem>>, vector<16xf32>,
    %swap3A_14 = arith.constant 10048 : index
    %swap3A_15 = tpu.vector_load %arg14[%swap3A_14] {strides = array<i32>} : memref<10240xf32, #tpu.memory_space<vmem>>, vector<16xf32>,
    tpu.vector_store %arg14[%swap3A_14], %broadcast_in_dim3A_2 {strides = array<i32>} : memref<10240xf32, #tpu.memory_space<vmem>>, vector<16xf32>,
    %swap3A_16 = arith.constant 10064 : index
    %swap3A_17 = tpu.vector_load %arg14[%swap3A_16] {strides = array<i32>} : memref<10240xf32, #tpu.memory_space<vmem>>, vector<16xf32>,
    tpu.vector_store %arg14[%swap3A_16], %broadcast_in_dim3A_2 {strides = array<i32>} : memref<10240xf32, #tpu.memory_space<vmem>>, vector<16xf32>,
    %swap3A_18 = arith.constant 10080 : index
    %swap3A_19 = tpu.vector_load %arg14[%swap3A_18] {strides = array<i32>} : memref<10240xf32, #tpu.memory_space<vmem>>, vector<16xf32>,
    tpu.vector_store %arg14[%swap3A_18], %broadcast_in_dim3A_2 {strides = array<i32>} : memref<10240xf32, #tpu.memory_space<vmem>>, vector<16xf32>,
    %swap3A_20 = arith.constant 10096 : index
    %swap3A_21 = tpu.vector_load %arg14[%swap3A_20] {strides = array<i32>} : memref<10240xf32, #tpu.memory_space<vmem>>, vector<16xf32>,
    tpu.vector_store %arg14[%swap3A_20], %broadcast_in_dim3A_2 {strides = array<i32>} : memref<10240xf32, #tpu.memory_space<vmem>>, vector<16xf32>,
    %swap3A_22 = arith.constant 10112 : index
    %swap3A_23 = tpu.vector_load %arg14[%swap3A_22] {strides = array<i32>} : memref<10240xf32, #tpu.memory_space<vmem>>, vector<16xf32>,
    tpu.vector_store %arg14[%swap3A_22], %broadcast_in_dim3A_2 {strides = array<i32>} : memref<10240xf32, #tpu.memory_space<vmem>>, vector<16xf32>,
    %swap3A_24 = arith.constant 10128 : index
    %swap3A_25 = tpu.vector_load %arg14[%swap3A_24] {strides = array<i32>} : memref<10240xf32, #tpu.memory_space<vmem>>, vector<16xf32>,
    tpu.vector_store %arg14[%swap3A_24], %broadcast_in_dim3A_2 {strides = array<i32>} : memref<10240xf32, #tpu.memory_space<vmem>>, vector<16xf32>,
    %swap3A_26 = arith.constant 10144 : index
    %swap3A_27 = tpu.vector_load %arg14[%swap3A_26] {strides = array<i32>} : memref<10240xf32, #tpu.memory_space<vmem>>, vector<16xf32>,
    tpu.vector_store %arg14[%swap3A_26], %broadcast_in_dim3A_2 {strides = array<i32>} : memref<10240xf32, #tpu.memory_space<vmem>>, vector<16xf32>,
    %swap3A_28 = arith.constant 10160 : index
    %swap3A_29 = tpu.vector_load %arg14[%swap3A_28] {strides = array<i32>} : memref<10240xf32, #tpu.memory_space<vmem>>, vector<16xf32>,
    tpu.vector_store %arg14[%swap3A_28], %broadcast_in_dim3A_2 {strides = array<i32>} : memref<10240xf32, #tpu.memory_space<vmem>>, vector<16xf32>,
    %swap3A_30 = arith.constant 10176 : index
    %swap3A_31 = tpu.vector_load %arg14[%swap3A_30] {strides = array<i32>} : memref<10240xf32, #tpu.memory_space<vmem>>, vector<16xf32>,
    tpu.vector_store %arg14[%swap3A_30], %broadcast_in_dim3A_2 {strides = array<i32>} : memref<10240xf32, #tpu.memory_space<vmem>>, vector<16xf32>,
    %swap3A_32 = arith.constant 10192 : index
    %swap3A_33 = tpu.vector_load %arg14[%swap3A_32] {strides = array<i32>} : memref<10240xf32, #tpu.memory_space<vmem>>, vector<16xf32>,
    tpu.vector_store %arg14[%swap3A_32], %broadcast_in_dim3A_2 {strides = array<i32>} : memref<10240xf32, #tpu.memory_space<vmem>>, vector<16xf32>,
    %swap3A_34 = arith.constant 10208 : index
    %swap3A_35 = tpu.vector_load %arg14[%swap3A_34] {strides = array<i32>} : memref<10240xf32, #tpu.memory_space<vmem>>, vector<16xf32>,
    tpu.vector_store %arg14[%swap3A_34], %broadcast_in_dim3A_2 {strides = array<i32>} : memref<10240xf32, #tpu.memory_space<vmem>>, vector<16xf32>,
    %swap3A_36 = arith.constant 10224 : index
    %swap3A_37 = tpu.vector_load %arg14[%swap3A_36] {strides = array<i32>} : memref<10240xf32, #tpu.memory_space<vmem>>, vector<16xf32>,
    tpu.vector_store %arg14[%swap3A_36], %broadcast_in_dim3A_2 {strides = array<i32>} : memref<10240xf32, #tpu.memory_space<vmem>>, vector<16xf32>,
    %scan3A_38 = arith.constant 0 : i32
    %scan3A_39 = arith.constant 0 : i32
    %scan3A_40 = arith.constant 78 : i32
    %scan3A_41 = arith.addi %scan3A_39, %scan3A_40 : i32
    %scan3A_42 = arith.constant 1 : i32
    %scan3A_43 = scf.for %scan3A_61 = %scan3A_39 to %scan3A_41 step %scan3A_42 iter_args(%scan3A_62 = %scan3A_38) -> (i32)  : i32 {
      %get3A_63 = arith.index_cast %scan3A_61 : i32 to index
      %get3A_64 = arith.constant 0 : index
      %get3A_65 = tpu.vector_load %arg9[%get3A_63, %get3A_64] {strides = array<i32>} : memref<80x128xi32, #tpu.memory_space<vmem>>, vector<16xi32>,
      %get3A_66 = arith.index_cast %scan3A_61 : i32 to index
      %get3A_67 = arith.constant 0 : index
      %get3A_68 = tpu.vector_load %arg10[%get3A_66, %get3A_67] {strides = array<i32>} : memref<80x128xi32, #tpu.memory_space<vmem>>, vector<16xi32>,
      %gather3A_69 = tpu.vector_load_idx %arg11[%get3A_65] : memref<10000xf32, #tpu.memory_space<vmem>>[vector<16xi32>], vector<16xf32>,
      %gather3A_70 = tpu.vector_load_idx %arg12[%get3A_68] : memref<10000xf32, #tpu.memory_space<vmem>>[vector<16xi32>], vector<16xf32>,
      %add3A_71 = arith.addf %gather3A_69, %gather3A_70 : vector<16xf32>
      %mul3A_72 = arith.constant 2.000000e-01 : f32
      %mul3A_73 = vector.broadcast %mul3A_72 : f32 to vector<16xf32>
      %mul3A_74 = arith.mulf %mul3A_73, %add3A_71 : vector<16xf32>
      %max3A_75 = arith.maximumf %add3A_71, %mul3A_74 : vector<16xf32>
      %sub3A_76 = arith.subf %max3A_75, %get3A_1 : vector<16xf32>
      %exp3A_77 = math.exp %sub3A_76 : vector<16xf32>
      %mul3A_78 = arith.constant 128 : i32
      %mul3A_79 = arith.muli %scan3A_61, %mul3A_78 : i32
      %add3A_80 = arith.constant 0 : i32
      %add3A_81 = arith.addi %mul3A_79, %add3A_80 : i32
      %swap3A_82 = arith.index_cast %add3A_81 : i32 to index
      %swap3A_83 = tpu.vector_load %arg14[%swap3A_82] {strides = array<i32>} : memref<10240xf32, #tpu.memory_space<vmem>>, vector<16xf32>,
      tpu.vector_store %arg14[%swap3A_82], %exp3A_77 {strides = array<i32>} : memref<10240xf32, #tpu.memory_space<vmem>>, vector<16xf32>,
      tpu.vector_store_idx %arg13[%get3A_68], %exp3A_77 {add = true} : memref<10000xf32, #tpu.memory_space<vmem>>[vector<16xi32>], vector<16xf32>,
      %get3A_84 = arith.index_cast %scan3A_61 : i32 to index
      %get3A_85 = arith.constant 16 : index
      %get3A_86 = tpu.vector_load %arg9[%get3A_84, %get3A_85] {strides = array<i32>} : memref<80x128xi32, #tpu.memory_space<vmem>>, vector<16xi32>,
      %get3A_87 = arith.index_cast %scan3A_61 : i32 to index
      %get3A_88 = arith.constant 16 : index
      %get3A_89 = tpu.vector_load %arg10[%get3A_87, %get3A_88] {strides = array<i32>} : memref<80x128xi32, #tpu.memory_space<vmem>>, vector<16xi32>,
      %gather3A_90 = tpu.vector_load_idx %arg11[%get3A_86] : memref<10000xf32, #tpu.memory_space<vmem>>[vector<16xi32>], vector<16xf32>,
      %gather3A_91 = tpu.vector_load_idx %arg12[%get3A_89] : memref<10000xf32, #tpu.memory_space<vmem>>[vector<16xi32>], vector<16xf32>,
      %add3A_92 = arith.addf %gather3A_90, %gather3A_91 : vector<16xf32>
      %mul3A_93 = arith.constant 2.000000e-01 : f32
      %mul3A_94 = vector.broadcast %mul3A_93 : f32 to vector<16xf32>
      %mul3A_95 = arith.mulf %mul3A_94, %add3A_92 : vector<16xf32>
      %max3A_96 = arith.maximumf %add3A_92, %mul3A_95 : vector<16xf32>
      %sub3A_97 = arith.subf %max3A_96, %get3A_1 : vector<16xf32>
      %exp3A_98 = math.exp %sub3A_97 : vector<16xf32>
      %mul3A_99 = arith.constant 128 : i32
      %mul3A_100 = arith.muli %scan3A_61, %mul3A_99 : i32
      %add3A_101 = arith.constant 16 : i32
      %add3A_102 = arith.addi %mul3A_100, %add3A_101 : i32
      %swap3A_103 = arith.index_cast %add3A_102 : i32 to index
      %swap3A_104 = tpu.vector_load %arg14[%swap3A_103] {strides = array<i32>} : memref<10240xf32, #tpu.memory_space<vmem>>, vector<16xf32>,
      tpu.vector_store %arg14[%swap3A_103], %exp3A_98 {strides = array<i32>} : memref<10240xf32, #tpu.memory_space<vmem>>, vector<16xf32>,
      tpu.vector_store_idx %arg13[%get3A_89], %exp3A_98 {add = true} : memref<10000xf32, #tpu.memory_space<vmem>>[vector<16xi32>], vector<16xf32>,
      %get3A_105 = arith.index_cast %scan3A_61 : i32 to index
      %get3A_106 = arith.constant 32 : index
      %get3A_107 = tpu.vector_load %arg9[%get3A_105, %get3A_106] {strides = array<i32>} : memref<80x128xi32, #tpu.memory_space<vmem>>, vector<16xi32>,
      %get3A_108 = arith.index_cast %scan3A_61 : i32 to index
      %get3A_109 = arith.constant 32 : index
      %get3A_110 = tpu.vector_load %arg10[%get3A_108, %get3A_109] {strides = array<i32>} : memref<80x128xi32, #tpu.memory_space<vmem>>, vector<16xi32>,
      %gather3A_111 = tpu.vector_load_idx %arg11[%get3A_107] : memref<10000xf32, #tpu.memory_space<vmem>>[vector<16xi32>], vector<16xf32>,
      %gather3A_112 = tpu.vector_load_idx %arg12[%get3A_110] : memref<10000xf32, #tpu.memory_space<vmem>>[vector<16xi32>], vector<16xf32>,
      %add3A_113 = arith.addf %gather3A_111, %gather3A_112 : vector<16xf32>
      %mul3A_114 = arith.constant 2.000000e-01 : f32
      %mul3A_115 = vector.broadcast %mul3A_114 : f32 to vector<16xf32>
      %mul3A_116 = arith.mulf %mul3A_115, %add3A_113 : vector<16xf32>
      %max3A_117 = arith.maximumf %add3A_113, %mul3A_116 : vector<16xf32>
      %sub3A_118 = arith.subf %max3A_117, %get3A_1 : vector<16xf32>
      %exp3A_119 = math.exp %sub3A_118 : vector<16xf32>
      %mul3A_120 = arith.constant 128 : i32
      %mul3A_121 = arith.muli %scan3A_61, %mul3A_120 : i32
      %add3A_122 = arith.constant 32 : i32
      %add3A_123 = arith.addi %mul3A_121, %add3A_122 : i32
      %swap3A_124 = arith.index_cast %add3A_123 : i32 to index
      %swap3A_125 = tpu.vector_load %arg14[%swap3A_124] {strides = array<i32>} : memref<10240xf32, #tpu.memory_space<vmem>>, vector<16xf32>,
      tpu.vector_store %arg14[%swap3A_124], %exp3A_119 {strides = array<i32>} : memref<10240xf32, #tpu.memory_space<vmem>>, vector<16xf32>,
      tpu.vector_store_idx %arg13[%get3A_110], %exp3A_119 {add = true} : memref<10000xf32, #tpu.memory_space<vmem>>[vector<16xi32>], vector<16xf32>,
      %get3A_126 = arith.index_cast %scan3A_61 : i32 to index
      %get3A_127 = arith.constant 48 : index
      %get3A_128 = tpu.vector_load %arg9[%get3A_126, %get3A_127] {strides = array<i32>} : memref<80x128xi32, #tpu.memory_space<vmem>>, vector<16xi32>,
      %get3A_129 = arith.index_cast %scan3A_61 : i32 to index
      %get3A_130 = arith.constant 48 : index
      %get3A_131 = tpu.vector_load %arg10[%get3A_129, %get3A_130] {strides = array<i32>} : memref<80x128xi32, #tpu.memory_space<vmem>>, vector<16xi32>,
      %gather3A_132 = tpu.vector_load_idx %arg11[%get3A_128] : memref<10000xf32, #tpu.memory_space<vmem>>[vector<16xi32>], vector<16xf32>,
      %gather3A_133 = tpu.vector_load_idx %arg12[%get3A_131] : memref<10000xf32, #tpu.memory_space<vmem>>[vector<16xi32>], vector<16xf32>,
      %add3A_134 = arith.addf %gather3A_132, %gather3A_133 : vector<16xf32>
      %mul3A_135 = arith.constant 2.000000e-01 : f32
      %mul3A_136 = vector.broadcast %mul3A_135 : f32 to vector<16xf32>
      %mul3A_137 = arith.mulf %mul3A_136, %add3A_134 : vector<16xf32>
      %max3A_138 = arith.maximumf %add3A_134, %mul3A_137 : vector<16xf32>
      %sub3A_139 = arith.subf %max3A_138, %get3A_1 : vector<16xf32>
      %exp3A_140 = math.exp %sub3A_139 : vector<16xf32>
      %mul3A_141 = arith.constant 128 : i32
      %mul3A_142 = arith.muli %scan3A_61, %mul3A_141 : i32
      %add3A_143 = arith.constant 48 : i32
      %add3A_144 = arith.addi %mul3A_142, %add3A_143 : i32
      %swap3A_145 = arith.index_cast %add3A_144 : i32 to index
      %swap3A_146 = tpu.vector_load %arg14[%swap3A_145] {strides = array<i32>} : memref<10240xf32, #tpu.memory_space<vmem>>, vector<16xf32>,
      tpu.vector_store %arg14[%swap3A_145], %exp3A_140 {strides = array<i32>} : memref<10240xf32, #tpu.memory_space<vmem>>, vector<16xf32>,
      tpu.vector_store_idx %arg13[%get3A_131], %exp3A_140 {add = true} : memref<10000xf32, #tpu.memory_space<vmem>>[vector<16xi32>], vector<16xf32>,
      %get3A_147 = arith.index_cast %scan3A_61 : i32 to index
      %get3A_148 = arith.constant 64 : index
      %get3A_149 = tpu.vector_load %arg9[%get3A_147, %get3A_148] {strides = array<i32>} : memref<80x128xi32, #tpu.memory_space<vmem>>, vector<16xi32>,
      %get3A_150 = arith.index_cast %scan3A_61 : i32 to index
      %get3A_151 = arith.constant 64 : index
      %get3A_152 = tpu.vector_load %arg10[%get3A_150, %get3A_151] {strides = array<i32>} : memref<80x128xi32, #tpu.memory_space<vmem>>, vector<16xi32>,
      %gather3A_153 = tpu.vector_load_idx %arg11[%get3A_149] : memref<10000xf32, #tpu.memory_space<vmem>>[vector<16xi32>], vector<16xf32>,
      %gather3A_154 = tpu.vector_load_idx %arg12[%get3A_152] : memref<10000xf32, #tpu.memory_space<vmem>>[vector<16xi32>], vector<16xf32>,
      %add3A_155 = arith.addf %gather3A_153, %gather3A_154 : vector<16xf32>
      %mul3A_156 = arith.constant 2.000000e-01 : f32
      %mul3A_157 = vector.broadcast %mul3A_156 : f32 to vector<16xf32>
      %mul3A_158 = arith.mulf %mul3A_157, %add3A_155 : vector<16xf32>
      %max3A_159 = arith.maximumf %add3A_155, %mul3A_158 : vector<16xf32>
      %sub3A_160 = arith.subf %max3A_159, %get3A_1 : vector<16xf32>
      %exp3A_161 = math.exp %sub3A_160 : vector<16xf32>
      %mul3A_162 = arith.constant 128 : i32
      %mul3A_163 = arith.muli %scan3A_61, %mul3A_162 : i32
      %add3A_164 = arith.constant 64 : i32
      %add3A_165 = arith.addi %mul3A_163, %add3A_164 : i32
      %swap3A_166 = arith.index_cast %add3A_165 : i32 to index
      %swap3A_167 = tpu.vector_load %arg14[%swap3A_166] {strides = array<i32>} : memref<10240xf32, #tpu.memory_space<vmem>>, vector<16xf32>,
      tpu.vector_store %arg14[%swap3A_166], %exp3A_161 {strides = array<i32>} : memref<10240xf32, #tpu.memory_space<vmem>>, vector<16xf32>,
      tpu.vector_store_idx %arg13[%get3A_152], %exp3A_161 {add = true} : memref<10000xf32, #tpu.memory_space<vmem>>[vector<16xi32>], vector<16xf32>,
      %get3A_168 = arith.index_cast %scan3A_61 : i32 to index
      %get3A_169 = arith.constant 80 : index
      %get3A_170 = tpu.vector_load %arg9[%get3A_168, %get3A_169] {strides = array<i32>} : memref<80x128xi32, #tpu.memory_space<vmem>>, vector<16xi32>,
      %get3A_171 = arith.index_cast %scan3A_61 : i32 to index
      %get3A_172 = arith.constant 80 : index
      %get3A_173 = tpu.vector_load %arg10[%get3A_171, %get3A_172] {strides = array<i32>} : memref<80x128xi32, #tpu.memory_space<vmem>>, vector<16xi32>,
      %gather3A_174 = tpu.vector_load_idx %arg11[%get3A_170] : memref<10000xf32, #tpu.memory_space<vmem>>[vector<16xi32>], vector<16xf32>,
      %gather3A_175 = tpu.vector_load_idx %arg12[%get3A_173] : memref<10000xf32, #tpu.memory_space<vmem>>[vector<16xi32>], vector<16xf32>,
      %add3A_176 = arith.addf %gather3A_174, %gather3A_175 : vector<16xf32>
      %mul3A_177 = arith.constant 2.000000e-01 : f32
      %mul3A_178 = vector.broadcast %mul3A_177 : f32 to vector<16xf32>
      %mul3A_179 = arith.mulf %mul3A_178, %add3A_176 : vector<16xf32>
      %max3A_180 = arith.maximumf %add3A_176, %mul3A_179 : vector<16xf32>
      %sub3A_181 = arith.subf %max3A_180, %get3A_1 : vector<16xf32>
      %exp3A_182 = math.exp %sub3A_181 : vector<16xf32>
      %mul3A_183 = arith.constant 128 : i32
      %mul3A_184 = arith.muli %scan3A_61, %mul3A_183 : i32
      %add3A_185 = arith.constant 80 : i32
      %add3A_186 = arith.addi %mul3A_184, %add3A_185 : i32
      %swap3A_187 = arith.index_cast %add3A_186 : i32 to index
      %swap3A_188 = tpu.vector_load %arg14[%swap3A_187] {strides = array<i32>} : memref<10240xf32, #tpu.memory_space<vmem>>, vector<16xf32>,
      tpu.vector_store %arg14[%swap3A_187], %exp3A_182 {strides = array<i32>} : memref<10240xf32, #tpu.memory_space<vmem>>, vector<16xf32>,
      tpu.vector_store_idx %arg13[%get3A_173], %exp3A_182 {add = true} : memref<10000xf32, #tpu.memory_space<vmem>>[vector<16xi32>], vector<16xf32>,
      %get3A_189 = arith.index_cast %scan3A_61 : i32 to index
      %get3A_190 = arith.constant 96 : index
      %get3A_191 = tpu.vector_load %arg9[%get3A_189, %get3A_190] {strides = array<i32>} : memref<80x128xi32, #tpu.memory_space<vmem>>, vector<16xi32>,
      %get3A_192 = arith.index_cast %scan3A_61 : i32 to index
      %get3A_193 = arith.constant 96 : index
      %get3A_194 = tpu.vector_load %arg10[%get3A_192, %get3A_193] {strides = array<i32>} : memref<80x128xi32, #tpu.memory_space<vmem>>, vector<16xi32>,
      %gather3A_195 = tpu.vector_load_idx %arg11[%get3A_191] : memref<10000xf32, #tpu.memory_space<vmem>>[vector<16xi32>], vector<16xf32>,
      %gather3A_196 = tpu.vector_load_idx %arg12[%get3A_194] : memref<10000xf32, #tpu.memory_space<vmem>>[vector<16xi32>], vector<16xf32>,
      %add3A_197 = arith.addf %gather3A_195, %gather3A_196 : vector<16xf32>
      %mul3A_198 = arith.constant 2.000000e-01 : f32
      %mul3A_199 = vector.broadcast %mul3A_198 : f32 to vector<16xf32>
      %mul3A_200 = arith.mulf %mul3A_199, %add3A_197 : vector<16xf32>
      %max3A_201 = arith.maximumf %add3A_197, %mul3A_200 : vector<16xf32>
      %sub3A_202 = arith.subf %max3A_201, %get3A_1 : vector<16xf32>
      %exp3A_203 = math.exp %sub3A_202 : vector<16xf32>
      %mul3A_204 = arith.constant 128 : i32
      %mul3A_205 = arith.muli %scan3A_61, %mul3A_204 : i32
      %add3A_206 = arith.constant 96 : i32
      %add3A_207 = arith.addi %mul3A_205, %add3A_206 : i32
      %swap3A_208 = arith.index_cast %add3A_207 : i32 to index
      %swap3A_209 = tpu.vector_load %arg14[%swap3A_208] {strides = array<i32>} : memref<10240xf32, #tpu.memory_space<vmem>>, vector<16xf32>,
      tpu.vector_store %arg14[%swap3A_208], %exp3A_203 {strides = array<i32>} : memref<10240xf32, #tpu.memory_space<vmem>>, vector<16xf32>,
      tpu.vector_store_idx %arg13[%get3A_194], %exp3A_203 {add = true} : memref<10000xf32, #tpu.memory_space<vmem>>[vector<16xi32>], vector<16xf32>,
      %get3A_210 = arith.index_cast %scan3A_61 : i32 to index
      %get3A_211 = arith.constant 112 : index
      %get3A_212 = tpu.vector_load %arg9[%get3A_210, %get3A_211] {strides = array<i32>} : memref<80x128xi32, #tpu.memory_space<vmem>>, vector<16xi32>,
      %get3A_213 = arith.index_cast %scan3A_61 : i32 to index
      %get3A_214 = arith.constant 112 : index
      %get3A_215 = tpu.vector_load %arg10[%get3A_213, %get3A_214] {strides = array<i32>} : memref<80x128xi32, #tpu.memory_space<vmem>>, vector<16xi32>,
      %gather3A_216 = tpu.vector_load_idx %arg11[%get3A_212] : memref<10000xf32, #tpu.memory_space<vmem>>[vector<16xi32>], vector<16xf32>,
      %gather3A_217 = tpu.vector_load_idx %arg12[%get3A_215] : memref<10000xf32, #tpu.memory_space<vmem>>[vector<16xi32>], vector<16xf32>,
      %add3A_218 = arith.addf %gather3A_216, %gather3A_217 : vector<16xf32>
      %mul3A_219 = arith.constant 2.000000e-01 : f32
      %mul3A_220 = vector.broadcast %mul3A_219 : f32 to vector<16xf32>
      %mul3A_221 = arith.mulf %mul3A_220, %add3A_218 : vector<16xf32>
      %max3A_222 = arith.maximumf %add3A_218, %mul3A_221 : vector<16xf32>
      %sub3A_223 = arith.subf %max3A_222, %get3A_1 : vector<16xf32>
      %exp3A_224 = math.exp %sub3A_223 : vector<16xf32>
      %mul3A_225 = arith.constant 128 : i32
      %mul3A_226 = arith.muli %scan3A_61, %mul3A_225 : i32
      %add3A_227 = arith.constant 112 : i32
      %add3A_228 = arith.addi %mul3A_226, %add3A_227 : i32
      %swap3A_229 = arith.index_cast %add3A_228 : i32 to index
      %swap3A_230 = tpu.vector_load %arg14[%swap3A_229] {strides = array<i32>} : memref<10240xf32, #tpu.memory_space<vmem>>, vector<16xf32>,
      tpu.vector_store %arg14[%swap3A_229], %exp3A_224 {strides = array<i32>} : memref<10240xf32, #tpu.memory_space<vmem>>, vector<16xf32>,
      tpu.vector_store_idx %arg13[%get3A_215], %exp3A_224 {add = true} : memref<10000xf32, #tpu.memory_space<vmem>>[vector<16xi32>], vector<16xf32>,
      %scan3A_231 = arith.constant 0 : i32
      scf.yield %scan3A_231 : i32
    }
    %scan3A_44 = arith.constant 78 : i32
    %get3A_45 = arith.constant 78 : i32
    %get3A_46 = arith.index_cast %get3A_45 : i32 to index
    %get3A_47 = arith.constant 0 : index
    %get3A_48 = tpu.vector_load %arg9[%get3A_46, %get3A_47] {strides = array<i32>} : memref<80x128xi32, #tpu.memory_space<vmem>>, vector<16xi32>,
    %get3A_49 = arith.constant 78 : i32
    %get3A_50 = arith.index_cast %get3A_49 : i32 to index
    %get3A_51 = arith.constant 0 : index
    %get3A_52 = tpu.vector_load %arg10[%get3A_50, %get3A_51] {strides = array<i32>} : memref<80x128xi32, #tpu.memory_space<vmem>>, vector<16xi32>,
    %gather3A = tpu.vector_load_idx %arg11[%get3A_48] : memref<10000xf32, #tpu.memory_space<vmem>>[vector<16xi32>], vector<16xf32>,
    %gather3A_53 = tpu.vector_load_idx %arg12[%get3A_52] : memref<10000xf32, #tpu.memory_space<vmem>>[vector<16xi32>], vector<16xf32>,
    %add3A_54 = arith.addf %gather3A, %gather3A_53 : vector<16xf32>
    %mul3A_55 = arith.constant 2.000000e-01 : f32
    %mul3A_56 = vector.broadcast %mul3A_55 : f32 to vector<16xf32>
    %mul3A_57 = arith.mulf %mul3A_56, %add3A_54 : vector<16xf32>
    %max3A = arith.maximumf %add3A_54, %mul3A_57 : vector<16xf32>
    %sub3A = arith.subf %max3A, %get3A_1 : vector<16xf32>
    %exp3A = math.exp %sub3A : vector<16xf32>
    %swap3A_58 = arith.constant 9984 : index
    %swap3A_59 = tpu.vector_load %arg14[%swap3A_58] {strides = array<i32>} : memref<10240xf32, #tpu.memory_space<vmem>>, vector<16xf32>,
    tpu.vector_store %arg14[%swap3A_58], %exp3A {strides = array<i32>} : memref<10240xf32, #tpu.memory_space<vmem>>, vector<16xf32>,
    tpu.vector_store_idx %arg13[%get3A_52], %exp3A {add = true} : memref<10000xf32, #tpu.memory_space<vmem>>[vector<16xi32>], vector<16xf32>,
    %run_scoped3A = arith.constant 0 : i32
    "tpu.region"() ({
      %run_scoped3A_61 = tpu.sem_alloc : memref<!tpu.dma_semaphore, #tpu.memory_space<semaphore_mem>>
      %dma_start3A = arith.constant 0 : i32
      %dma_start3A_62 = tpu.memref_slice %arg7[%add3A, %run_scoped3A, %dma_start3A] : memref<32x1x10240xf32, #tpu.memory_space<hbm>> -> memref<1x1x10240xf32, #tpu.memory_space<hbm>>
      %dma_start3A_63 = tpu.memref_squeeze %dma_start3A_62 : memref<1x1x10240xf32, #tpu.memory_space<hbm>> -> memref<10240xf32, #tpu.memory_space<hbm>>
      %dma_start3A_64 = arith.constant 0 : i32
      %dma_start3A_65 = tpu.memref_slice %arg7[%add3A, %run_scoped3A, %dma_start3A_64] : memref<32x1x10240xf32, #tpu.memory_space<hbm>> -> memref<1x1x10240xf32, #tpu.memory_space<hbm>>
      %dma_start3A_66 = tpu.memref_squeeze %dma_start3A_65 : memref<1x1x10240xf32, #tpu.memory_space<hbm>> -> memref<10240xf32, #tpu.memory_space<hbm>>
      tpu.enqueue_dma source(%arg14 : memref<10240xf32, #tpu.memory_space<vmem>>) target(%dma_start3A_66 : memref<10240xf32, #tpu.memory_space<hbm>>) target_semaphore(%run_scoped3A_61 : memref<!tpu.dma_semaphore, #tpu.memory_space<semaphore_mem>>)
      %dma_wait3A = arith.constant 0 : i32
      %dma_wait3A_67 = tpu.memref_slice %arg7[%add3A, %run_scoped3A, %dma_wait3A] : memref<32x1x10240xf32, #tpu.memory_space<hbm>> -> memref<1x1x10240xf32, #tpu.memory_space<hbm>>
      %dma_wait3A_68 = tpu.memref_squeeze %dma_wait3A_67 : memref<1x1x10240xf32, #tpu.memory_space<hbm>> -> memref<10240xf32, #tpu.memory_space<hbm>>
      %dma_wait3A_69 = arith.constant 0 : i32
      %dma_wait3A_70 = tpu.memref_slice %arg7[%add3A, %run_scoped3A, %dma_wait3A_69] : memref<32x1x10240xf32, #tpu.memory_space<hbm>> -> memref<1x1x10240xf32, #tpu.memory_space<hbm>>
      %dma_wait3A_71 = tpu.memref_squeeze %dma_wait3A_70 : memref<1x1x10240xf32, #tpu.memory_space<hbm>> -> memref<10240xf32, #tpu.memory_space<hbm>>
      tpu.wait_dma2 semaphore(%run_scoped3A_61 : memref<!tpu.dma_semaphore, #tpu.memory_space<semaphore_mem>>) src(%arg14 : memref<10240xf32, #tpu.memory_space<vmem>>) dst(%dma_wait3A_71 : memref<10240xf32, #tpu.memory_space<hbm>>)
      tpu.yield
    }) : () -> ()
    %run_scoped3A_60 = arith.constant 0 : i32
    "tpu.region"() ({
      %run_scoped3A_61 = tpu.sem_alloc : memref<!tpu.dma_semaphore, #tpu.memory_space<semaphore_mem>>
      %dma_start3A = arith.constant 0 : i32
      %dma_start3A_62 = tpu.memref_slice %arg8[%add3A, %run_scoped3A_60, %dma_start3A] : memref<32x1x10000xf32, #tpu.memory_space<hbm>> -> memref<1x1x10000xf32, #tpu.memory_space<hbm>>
      %dma_start3A_63 = tpu.memref_squeeze %dma_start3A_62 : memref<1x1x10000xf32, #tpu.memory_space<hbm>> -> memref<10000xf32, #tpu.memory_space<hbm>>
      %dma_start3A_64 = arith.constant 0 : i32
      %dma_start3A_65 = tpu.memref_slice %arg8[%add3A, %run_scoped3A_60, %dma_start3A_64] : memref<32x1x10000xf32, #tpu.memory_space<hbm>> -> memref<1x1x10000xf32, #tpu.memory_space<hbm>>
      %dma_start3A_66 = tpu.memref_squeeze %dma_start3A_65 : memref<1x1x10000xf32, #tpu.memory_space<hbm>> -> memref<10000xf32, #tpu.memory_space<hbm>>
      tpu.enqueue_dma source(%arg13 : memref<10000xf32, #tpu.memory_space<vmem>>) target(%dma_start3A_66 : memref<10000xf32, #tpu.memory_space<hbm>>) target_semaphore(%run_scoped3A_61 : memref<!tpu.dma_semaphore, #tpu.memory_space<semaphore_mem>>)
      %dma_wait3A = arith.constant 0 : i32
      %dma_wait3A_67 = tpu.memref_slice %arg8[%add3A, %run_scoped3A_60, %dma_wait3A] : memref<32x1x10000xf32, #tpu.memory_space<hbm>> -> memref<1x1x10000xf32, #tpu.memory_space<hbm>>
      %dma_wait3A_68 = tpu.memref_squeeze %dma_wait3A_67 : memref<1x1x10000xf32, #tpu.memory_space<hbm>> -> memref<10000xf32, #tpu.memory_space<hbm>>
      %dma_wait3A_69 = arith.constant 0 : i32
      %dma_wait3A_70 = tpu.memref_slice %arg8[%add3A, %run_scoped3A_60, %dma_wait3A_69] : memref<32x1x10000xf32, #tpu.memory_space<hbm>> -> memref<1x1x10000xf32, #tpu.memory_space<hbm>>
      %dma_wait3A_71 = tpu.memref_squeeze %dma_wait3A_70 : memref<1x1x10000xf32, #tpu.memory_space<hbm>> -> memref<10000xf32, #tpu.memory_space<hbm>>
      tpu.wait_dma2 semaphore(%run_scoped3A_61 : memref<!tpu.dma_semaphore, #tpu.memory_space<semaphore_mem>>) src(%arg13 : memref<10000xf32, #tpu.memory_space<vmem>>) dst(%dma_wait3A_71 : memref<10000xf32, #tpu.memory_space<hbm>>)
      tpu.yield
    }) : () -> ()
    return
  }
}

#map = affine_map<(d0, d1) -> (0, 0, 0)>
#map1 = affine_map<(d0, d1) -> (0)>
module attributes {stable_mosaic.version = 14 : i64} {
  func.func @_wpass_body(%arg0: i32, %arg1: i32, %arg2: memref<32x80x128xi32, #tpu.memory_space<hbm>>, %arg3: memref<32x80x128xi32, #tpu.memory_space<hbm>>, %arg4: memref<32x80x128xf32, #tpu.memory_space<hbm>>, %arg5: memref<10000xf32, #tpu.memory_space<hbm>>, %arg6: memref<32x1x10000xf32, #tpu.memory_space<hbm>>, %arg7: memref<80x128xi32, #tpu.memory_space<vmem>>, %arg8: memref<80x128xi32, #tpu.memory_space<vmem>>, %arg9: memref<80x128xf32, #tpu.memory_space<vmem>>, %arg10: memref<10000xf32, #tpu.memory_space<vmem>>, %arg11: memref<10000xf32, #tpu.memory_space<vmem>>) attributes {dimension_semantics = [#tpu.dimension_semantics<core_parallel>, #tpu.dimension_semantics<subcore_parallel>], iteration_bounds = array<i64: 2, 16>, scalar_prefetch = 0 : i64, scratch_operands = 5 : i64, tpu.core_type = #tpu.core_type<sc_vector_subcore>, window_params = [{transform_indices = #map}, {transform_indices = #map}, {transform_indices = #map}, {transform_indices = #map1}, {transform_indices = #map}]} {
    %mul3A = arith.constant 16 : i32
    %mul3A_0 = arith.muli %arg0, %mul3A : i32
    %add3A = arith.addi %mul3A_0, %arg1 : i32
    "tpu.region"() ({
      %run_scoped3A_29 = tpu.sem_alloc : memref<!tpu.dma_semaphore, #tpu.memory_space<semaphore_mem>>
      %dma_start3A = arith.constant 0 : i32
      %dma_start3A_30 = arith.constant 0 : i32
      %dma_start3A_31 = tpu.memref_slice %arg2[%add3A, %dma_start3A, %dma_start3A_30] : memref<32x80x128xi32, #tpu.memory_space<hbm>> -> memref<1x80x128xi32, #tpu.memory_space<hbm>>
      %dma_start3A_32 = tpu.memref_squeeze %dma_start3A_31 : memref<1x80x128xi32, #tpu.memory_space<hbm>> -> memref<80x128xi32, #tpu.memory_space<hbm>>
      %dma_start3A_33 = arith.constant 0 : i32
      %dma_start3A_34 = arith.constant 0 : i32
      %dma_start3A_35 = tpu.memref_slice %arg2[%add3A, %dma_start3A_33, %dma_start3A_34] : memref<32x80x128xi32, #tpu.memory_space<hbm>> -> memref<1x80x128xi32, #tpu.memory_space<hbm>>
      %dma_start3A_36 = tpu.memref_squeeze %dma_start3A_35 : memref<1x80x128xi32, #tpu.memory_space<hbm>> -> memref<80x128xi32, #tpu.memory_space<hbm>>
      tpu.enqueue_dma source(%dma_start3A_36 : memref<80x128xi32, #tpu.memory_space<hbm>>) target(%arg7 : memref<80x128xi32, #tpu.memory_space<vmem>>) target_semaphore(%run_scoped3A_29 : memref<!tpu.dma_semaphore, #tpu.memory_space<semaphore_mem>>)
      %dma_wait3A = arith.constant 0 : i32
      %dma_wait3A_37 = arith.constant 0 : i32
      %dma_wait3A_38 = tpu.memref_slice %arg2[%add3A, %dma_wait3A, %dma_wait3A_37] : memref<32x80x128xi32, #tpu.memory_space<hbm>> -> memref<1x80x128xi32, #tpu.memory_space<hbm>>
      %dma_wait3A_39 = tpu.memref_squeeze %dma_wait3A_38 : memref<1x80x128xi32, #tpu.memory_space<hbm>> -> memref<80x128xi32, #tpu.memory_space<hbm>>
      %dma_wait3A_40 = arith.constant 0 : i32
      %dma_wait3A_41 = arith.constant 0 : i32
      %dma_wait3A_42 = tpu.memref_slice %arg2[%add3A, %dma_wait3A_40, %dma_wait3A_41] : memref<32x80x128xi32, #tpu.memory_space<hbm>> -> memref<1x80x128xi32, #tpu.memory_space<hbm>>
      %dma_wait3A_43 = tpu.memref_squeeze %dma_wait3A_42 : memref<1x80x128xi32, #tpu.memory_space<hbm>> -> memref<80x128xi32, #tpu.memory_space<hbm>>
      tpu.wait_dma2 semaphore(%run_scoped3A_29 : memref<!tpu.dma_semaphore, #tpu.memory_space<semaphore_mem>>) src(%dma_wait3A_43 : memref<80x128xi32, #tpu.memory_space<hbm>>) dst(%arg7 : memref<80x128xi32, #tpu.memory_space<vmem>>)
      tpu.yield
    }) : () -> ()
    "tpu.region"() ({
      %run_scoped3A_29 = tpu.sem_alloc : memref<!tpu.dma_semaphore, #tpu.memory_space<semaphore_mem>>
      %dma_start3A = arith.constant 0 : i32
      %dma_start3A_30 = arith.constant 0 : i32
      %dma_start3A_31 = tpu.memref_slice %arg3[%add3A, %dma_start3A, %dma_start3A_30] : memref<32x80x128xi32, #tpu.memory_space<hbm>> -> memref<1x80x128xi32, #tpu.memory_space<hbm>>
      %dma_start3A_32 = tpu.memref_squeeze %dma_start3A_31 : memref<1x80x128xi32, #tpu.memory_space<hbm>> -> memref<80x128xi32, #tpu.memory_space<hbm>>
      %dma_start3A_33 = arith.constant 0 : i32
      %dma_start3A_34 = arith.constant 0 : i32
      %dma_start3A_35 = tpu.memref_slice %arg3[%add3A, %dma_start3A_33, %dma_start3A_34] : memref<32x80x128xi32, #tpu.memory_space<hbm>> -> memref<1x80x128xi32, #tpu.memory_space<hbm>>
      %dma_start3A_36 = tpu.memref_squeeze %dma_start3A_35 : memref<1x80x128xi32, #tpu.memory_space<hbm>> -> memref<80x128xi32, #tpu.memory_space<hbm>>
      tpu.enqueue_dma source(%dma_start3A_36 : memref<80x128xi32, #tpu.memory_space<hbm>>) target(%arg8 : memref<80x128xi32, #tpu.memory_space<vmem>>) target_semaphore(%run_scoped3A_29 : memref<!tpu.dma_semaphore, #tpu.memory_space<semaphore_mem>>)
      %dma_wait3A = arith.constant 0 : i32
      %dma_wait3A_37 = arith.constant 0 : i32
      %dma_wait3A_38 = tpu.memref_slice %arg3[%add3A, %dma_wait3A, %dma_wait3A_37] : memref<32x80x128xi32, #tpu.memory_space<hbm>> -> memref<1x80x128xi32, #tpu.memory_space<hbm>>
      %dma_wait3A_39 = tpu.memref_squeeze %dma_wait3A_38 : memref<1x80x128xi32, #tpu.memory_space<hbm>> -> memref<80x128xi32, #tpu.memory_space<hbm>>
      %dma_wait3A_40 = arith.constant 0 : i32
      %dma_wait3A_41 = arith.constant 0 : i32
      %dma_wait3A_42 = tpu.memref_slice %arg3[%add3A, %dma_wait3A_40, %dma_wait3A_41] : memref<32x80x128xi32, #tpu.memory_space<hbm>> -> memref<1x80x128xi32, #tpu.memory_space<hbm>>
      %dma_wait3A_43 = tpu.memref_squeeze %dma_wait3A_42 : memref<1x80x128xi32, #tpu.memory_space<hbm>> -> memref<80x128xi32, #tpu.memory_space<hbm>>
      tpu.wait_dma2 semaphore(%run_scoped3A_29 : memref<!tpu.dma_semaphore, #tpu.memory_space<semaphore_mem>>) src(%dma_wait3A_43 : memref<80x128xi32, #tpu.memory_space<hbm>>) dst(%arg8 : memref<80x128xi32, #tpu.memory_space<vmem>>)
      tpu.yield
    }) : () -> ()
    "tpu.region"() ({
      %run_scoped3A_29 = tpu.sem_alloc : memref<!tpu.dma_semaphore, #tpu.memory_space<semaphore_mem>>
      %dma_start3A = arith.constant 0 : i32
      %dma_start3A_30 = arith.constant 0 : i32
      %dma_start3A_31 = tpu.memref_slice %arg4[%add3A, %dma_start3A, %dma_start3A_30] : memref<32x80x128xf32, #tpu.memory_space<hbm>> -> memref<1x80x128xf32, #tpu.memory_space<hbm>>
      %dma_start3A_32 = tpu.memref_squeeze %dma_start3A_31 : memref<1x80x128xf32, #tpu.memory_space<hbm>> -> memref<80x128xf32, #tpu.memory_space<hbm>>
      %dma_start3A_33 = arith.constant 0 : i32
      %dma_start3A_34 = arith.constant 0 : i32
      %dma_start3A_35 = tpu.memref_slice %arg4[%add3A, %dma_start3A_33, %dma_start3A_34] : memref<32x80x128xf32, #tpu.memory_space<hbm>> -> memref<1x80x128xf32, #tpu.memory_space<hbm>>
      %dma_start3A_36 = tpu.memref_squeeze %dma_start3A_35 : memref<1x80x128xf32, #tpu.memory_space<hbm>> -> memref<80x128xf32, #tpu.memory_space<hbm>>
      tpu.enqueue_dma source(%dma_start3A_36 : memref<80x128xf32, #tpu.memory_space<hbm>>) target(%arg9 : memref<80x128xf32, #tpu.memory_space<vmem>>) target_semaphore(%run_scoped3A_29 : memref<!tpu.dma_semaphore, #tpu.memory_space<semaphore_mem>>)
      %dma_wait3A = arith.constant 0 : i32
      %dma_wait3A_37 = arith.constant 0 : i32
      %dma_wait3A_38 = tpu.memref_slice %arg4[%add3A, %dma_wait3A, %dma_wait3A_37] : memref<32x80x128xf32, #tpu.memory_space<hbm>> -> memref<1x80x128xf32, #tpu.memory_space<hbm>>
      %dma_wait3A_39 = tpu.memref_squeeze %dma_wait3A_38 : memref<1x80x128xf32, #tpu.memory_space<hbm>> -> memref<80x128xf32, #tpu.memory_space<hbm>>
      %dma_wait3A_40 = arith.constant 0 : i32
      %dma_wait3A_41 = arith.constant 0 : i32
      %dma_wait3A_42 = tpu.memref_slice %arg4[%add3A, %dma_wait3A_40, %dma_wait3A_41] : memref<32x80x128xf32, #tpu.memory_space<hbm>> -> memref<1x80x128xf32, #tpu.memory_space<hbm>>
      %dma_wait3A_43 = tpu.memref_squeeze %dma_wait3A_42 : memref<1x80x128xf32, #tpu.memory_space<hbm>> -> memref<80x128xf32, #tpu.memory_space<hbm>>
      tpu.wait_dma2 semaphore(%run_scoped3A_29 : memref<!tpu.dma_semaphore, #tpu.memory_space<semaphore_mem>>) src(%dma_wait3A_43 : memref<80x128xf32, #tpu.memory_space<hbm>>) dst(%arg9 : memref<80x128xf32, #tpu.memory_space<vmem>>)
      tpu.yield
    }) : () -> ()
    "tpu.region"() ({
      %run_scoped3A_29 = tpu.sem_alloc : memref<!tpu.dma_semaphore, #tpu.memory_space<semaphore_mem>>
      tpu.enqueue_dma source(%arg5 : memref<10000xf32, #tpu.memory_space<hbm>>) target(%arg10 : memref<10000xf32, #tpu.memory_space<vmem>>) target_semaphore(%run_scoped3A_29 : memref<!tpu.dma_semaphore, #tpu.memory_space<semaphore_mem>>)
      tpu.wait_dma2 semaphore(%run_scoped3A_29 : memref<!tpu.dma_semaphore, #tpu.memory_space<semaphore_mem>>) src(%arg5 : memref<10000xf32, #tpu.memory_space<hbm>>) dst(%arg10 : memref<10000xf32, #tpu.memory_space<vmem>>)
      tpu.yield
    }) : () -> ()
    %broadcast_in_dim3A = arith.constant 0.000000e+00 : f32
    %broadcast_in_dim3A_1 = vector.broadcast %broadcast_in_dim3A : f32 to vector<16xf32>
    %scan3A = arith.constant 0 : i32
    %scan3A_2 = arith.constant 0 : i32
    %scan3A_3 = arith.constant 625 : i32
    %scan3A_4 = arith.addi %scan3A_2, %scan3A_3 : i32
    %scan3A_5 = arith.constant 1 : i32
    %scan3A_6 = scf.for %scan3A_29 = %scan3A_2 to %scan3A_4 step %scan3A_5 iter_args(%scan3A_30 = %scan3A) -> (i32)  : i32 {
      %mul3A_31 = arith.constant 16 : i32
      %mul3A_32 = arith.muli %scan3A_29, %mul3A_31 : i32
      %swap3A = arith.index_cast %mul3A_32 : i32 to index
      %swap3A_33 = tpu.vector_load %arg11[%swap3A] {strides = array<i32>} : memref<10000xf32, #tpu.memory_space<vmem>>, vector<16xf32>,
      tpu.vector_store %arg11[%swap3A], %broadcast_in_dim3A_1 {strides = array<i32>} : memref<10000xf32, #tpu.memory_space<vmem>>, vector<16xf32>,
      %scan3A_34 = arith.constant 0 : i32
      scf.yield %scan3A_34 : i32
    }
    %scan3A_7 = arith.constant 625 : i32
    %scan3A_8 = arith.constant 0 : i32
    %scan3A_9 = arith.constant 0 : i32
    %scan3A_10 = arith.constant 78 : i32
    %scan3A_11 = arith.addi %scan3A_9, %scan3A_10 : i32
    %scan3A_12 = arith.constant 1 : i32
    %scan3A_13 = scf.for %scan3A_29 = %scan3A_9 to %scan3A_11 step %scan3A_12 iter_args(%scan3A_30 = %scan3A_8) -> (i32)  : i32 {
      %get3A_31 = arith.index_cast %scan3A_29 : i32 to index
      %get3A_32 = arith.constant 0 : index
      %get3A_33 = tpu.vector_load %arg7[%get3A_31, %get3A_32] {strides = array<i32>} : memref<80x128xi32, #tpu.memory_space<vmem>>, vector<16xi32>,
      %get3A_34 = arith.index_cast %scan3A_29 : i32 to index
      %get3A_35 = arith.constant 0 : index
      %get3A_36 = tpu.vector_load %arg8[%get3A_34, %get3A_35] {strides = array<i32>} : memref<80x128xi32, #tpu.memory_space<vmem>>, vector<16xi32>,
      %get3A_37 = arith.index_cast %scan3A_29 : i32 to index
      %get3A_38 = arith.constant 0 : index
      %get3A_39 = tpu.vector_load %arg9[%get3A_37, %get3A_38] {strides = array<i32>} : memref<80x128xf32, #tpu.memory_space<vmem>>, vector<16xf32>,
      %gather3A_40 = tpu.vector_load_idx %arg10[%get3A_36] : memref<10000xf32, #tpu.memory_space<vmem>>[vector<16xi32>], vector<16xf32>,
      %add3A_41 = arith.constant 1.000000e-16 : f32
      %add3A_42 = vector.broadcast %add3A_41 : f32 to vector<16xf32>
      %add3A_43 = arith.addf %gather3A_40, %add3A_42 : vector<16xf32>
      %div3A_44 = arith.divf %get3A_39, %add3A_43 : vector<16xf32>
      tpu.vector_store_idx %arg11[%get3A_33], %div3A_44 {add = true} : memref<10000xf32, #tpu.memory_space<vmem>>[vector<16xi32>], vector<16xf32>,
      %get3A_45 = arith.index_cast %scan3A_29 : i32 to index
      %get3A_46 = arith.constant 16 : index
      %get3A_47 = tpu.vector_load %arg7[%get3A_45, %get3A_46] {strides = array<i32>} : memref<80x128xi32, #tpu.memory_space<vmem>>, vector<16xi32>,
      %get3A_48 = arith.index_cast %scan3A_29 : i32 to index
      %get3A_49 = arith.constant 16 : index
      %get3A_50 = tpu.vector_load %arg8[%get3A_48, %get3A_49] {strides = array<i32>} : memref<80x128xi32, #tpu.memory_space<vmem>>, vector<16xi32>,
      %get3A_51 = arith.index_cast %scan3A_29 : i32 to index
      %get3A_52 = arith.constant 16 : index
      %get3A_53 = tpu.vector_load %arg9[%get3A_51, %get3A_52] {strides = array<i32>} : memref<80x128xf32, #tpu.memory_space<vmem>>, vector<16xf32>,
      %gather3A_54 = tpu.vector_load_idx %arg10[%get3A_50] : memref<10000xf32, #tpu.memory_space<vmem>>[vector<16xi32>], vector<16xf32>,
      %add3A_55 = arith.constant 1.000000e-16 : f32
      %add3A_56 = vector.broadcast %add3A_55 : f32 to vector<16xf32>
      %add3A_57 = arith.addf %gather3A_54, %add3A_56 : vector<16xf32>
      %div3A_58 = arith.divf %get3A_53, %add3A_57 : vector<16xf32>
      tpu.vector_store_idx %arg11[%get3A_47], %div3A_58 {add = true} : memref<10000xf32, #tpu.memory_space<vmem>>[vector<16xi32>], vector<16xf32>,
      %get3A_59 = arith.index_cast %scan3A_29 : i32 to index
      %get3A_60 = arith.constant 32 : index
      %get3A_61 = tpu.vector_load %arg7[%get3A_59, %get3A_60] {strides = array<i32>} : memref<80x128xi32, #tpu.memory_space<vmem>>, vector<16xi32>,
      %get3A_62 = arith.index_cast %scan3A_29 : i32 to index
      %get3A_63 = arith.constant 32 : index
      %get3A_64 = tpu.vector_load %arg8[%get3A_62, %get3A_63] {strides = array<i32>} : memref<80x128xi32, #tpu.memory_space<vmem>>, vector<16xi32>,
      %get3A_65 = arith.index_cast %scan3A_29 : i32 to index
      %get3A_66 = arith.constant 32 : index
      %get3A_67 = tpu.vector_load %arg9[%get3A_65, %get3A_66] {strides = array<i32>} : memref<80x128xf32, #tpu.memory_space<vmem>>, vector<16xf32>,
      %gather3A_68 = tpu.vector_load_idx %arg10[%get3A_64] : memref<10000xf32, #tpu.memory_space<vmem>>[vector<16xi32>], vector<16xf32>,
      %add3A_69 = arith.constant 1.000000e-16 : f32
      %add3A_70 = vector.broadcast %add3A_69 : f32 to vector<16xf32>
      %add3A_71 = arith.addf %gather3A_68, %add3A_70 : vector<16xf32>
      %div3A_72 = arith.divf %get3A_67, %add3A_71 : vector<16xf32>
      tpu.vector_store_idx %arg11[%get3A_61], %div3A_72 {add = true} : memref<10000xf32, #tpu.memory_space<vmem>>[vector<16xi32>], vector<16xf32>,
      %get3A_73 = arith.index_cast %scan3A_29 : i32 to index
      %get3A_74 = arith.constant 48 : index
      %get3A_75 = tpu.vector_load %arg7[%get3A_73, %get3A_74] {strides = array<i32>} : memref<80x128xi32, #tpu.memory_space<vmem>>, vector<16xi32>,
      %get3A_76 = arith.index_cast %scan3A_29 : i32 to index
      %get3A_77 = arith.constant 48 : index
      %get3A_78 = tpu.vector_load %arg8[%get3A_76, %get3A_77] {strides = array<i32>} : memref<80x128xi32, #tpu.memory_space<vmem>>, vector<16xi32>,
      %get3A_79 = arith.index_cast %scan3A_29 : i32 to index
      %get3A_80 = arith.constant 48 : index
      %get3A_81 = tpu.vector_load %arg9[%get3A_79, %get3A_80] {strides = array<i32>} : memref<80x128xf32, #tpu.memory_space<vmem>>, vector<16xf32>,
      %gather3A_82 = tpu.vector_load_idx %arg10[%get3A_78] : memref<10000xf32, #tpu.memory_space<vmem>>[vector<16xi32>], vector<16xf32>,
      %add3A_83 = arith.constant 1.000000e-16 : f32
      %add3A_84 = vector.broadcast %add3A_83 : f32 to vector<16xf32>
      %add3A_85 = arith.addf %gather3A_82, %add3A_84 : vector<16xf32>
      %div3A_86 = arith.divf %get3A_81, %add3A_85 : vector<16xf32>
      tpu.vector_store_idx %arg11[%get3A_75], %div3A_86 {add = true} : memref<10000xf32, #tpu.memory_space<vmem>>[vector<16xi32>], vector<16xf32>,
      %get3A_87 = arith.index_cast %scan3A_29 : i32 to index
      %get3A_88 = arith.constant 64 : index
      %get3A_89 = tpu.vector_load %arg7[%get3A_87, %get3A_88] {strides = array<i32>} : memref<80x128xi32, #tpu.memory_space<vmem>>, vector<16xi32>,
      %get3A_90 = arith.index_cast %scan3A_29 : i32 to index
      %get3A_91 = arith.constant 64 : index
      %get3A_92 = tpu.vector_load %arg8[%get3A_90, %get3A_91] {strides = array<i32>} : memref<80x128xi32, #tpu.memory_space<vmem>>, vector<16xi32>,
      %get3A_93 = arith.index_cast %scan3A_29 : i32 to index
      %get3A_94 = arith.constant 64 : index
      %get3A_95 = tpu.vector_load %arg9[%get3A_93, %get3A_94] {strides = array<i32>} : memref<80x128xf32, #tpu.memory_space<vmem>>, vector<16xf32>,
      %gather3A_96 = tpu.vector_load_idx %arg10[%get3A_92] : memref<10000xf32, #tpu.memory_space<vmem>>[vector<16xi32>], vector<16xf32>,
      %add3A_97 = arith.constant 1.000000e-16 : f32
      %add3A_98 = vector.broadcast %add3A_97 : f32 to vector<16xf32>
      %add3A_99 = arith.addf %gather3A_96, %add3A_98 : vector<16xf32>
      %div3A_100 = arith.divf %get3A_95, %add3A_99 : vector<16xf32>
      tpu.vector_store_idx %arg11[%get3A_89], %div3A_100 {add = true} : memref<10000xf32, #tpu.memory_space<vmem>>[vector<16xi32>], vector<16xf32>,
      %get3A_101 = arith.index_cast %scan3A_29 : i32 to index
      %get3A_102 = arith.constant 80 : index
      %get3A_103 = tpu.vector_load %arg7[%get3A_101, %get3A_102] {strides = array<i32>} : memref<80x128xi32, #tpu.memory_space<vmem>>, vector<16xi32>,
      %get3A_104 = arith.index_cast %scan3A_29 : i32 to index
      %get3A_105 = arith.constant 80 : index
      %get3A_106 = tpu.vector_load %arg8[%get3A_104, %get3A_105] {strides = array<i32>} : memref<80x128xi32, #tpu.memory_space<vmem>>, vector<16xi32>,
      %get3A_107 = arith.index_cast %scan3A_29 : i32 to index
      %get3A_108 = arith.constant 80 : index
      %get3A_109 = tpu.vector_load %arg9[%get3A_107, %get3A_108] {strides = array<i32>} : memref<80x128xf32, #tpu.memory_space<vmem>>, vector<16xf32>,
      %gather3A_110 = tpu.vector_load_idx %arg10[%get3A_106] : memref<10000xf32, #tpu.memory_space<vmem>>[vector<16xi32>], vector<16xf32>,
      %add3A_111 = arith.constant 1.000000e-16 : f32
      %add3A_112 = vector.broadcast %add3A_111 : f32 to vector<16xf32>
      %add3A_113 = arith.addf %gather3A_110, %add3A_112 : vector<16xf32>
      %div3A_114 = arith.divf %get3A_109, %add3A_113 : vector<16xf32>
      tpu.vector_store_idx %arg11[%get3A_103], %div3A_114 {add = true} : memref<10000xf32, #tpu.memory_space<vmem>>[vector<16xi32>], vector<16xf32>,
      %get3A_115 = arith.index_cast %scan3A_29 : i32 to index
      %get3A_116 = arith.constant 96 : index
      %get3A_117 = tpu.vector_load %arg7[%get3A_115, %get3A_116] {strides = array<i32>} : memref<80x128xi32, #tpu.memory_space<vmem>>, vector<16xi32>,
      %get3A_118 = arith.index_cast %scan3A_29 : i32 to index
      %get3A_119 = arith.constant 96 : index
      %get3A_120 = tpu.vector_load %arg8[%get3A_118, %get3A_119] {strides = array<i32>} : memref<80x128xi32, #tpu.memory_space<vmem>>, vector<16xi32>,
      %get3A_121 = arith.index_cast %scan3A_29 : i32 to index
      %get3A_122 = arith.constant 96 : index
      %get3A_123 = tpu.vector_load %arg9[%get3A_121, %get3A_122] {strides = array<i32>} : memref<80x128xf32, #tpu.memory_space<vmem>>, vector<16xf32>,
      %gather3A_124 = tpu.vector_load_idx %arg10[%get3A_120] : memref<10000xf32, #tpu.memory_space<vmem>>[vector<16xi32>], vector<16xf32>,
      %add3A_125 = arith.constant 1.000000e-16 : f32
      %add3A_126 = vector.broadcast %add3A_125 : f32 to vector<16xf32>
      %add3A_127 = arith.addf %gather3A_124, %add3A_126 : vector<16xf32>
      %div3A_128 = arith.divf %get3A_123, %add3A_127 : vector<16xf32>
      tpu.vector_store_idx %arg11[%get3A_117], %div3A_128 {add = true} : memref<10000xf32, #tpu.memory_space<vmem>>[vector<16xi32>], vector<16xf32>,
      %get3A_129 = arith.index_cast %scan3A_29 : i32 to index
      %get3A_130 = arith.constant 112 : index
      %get3A_131 = tpu.vector_load %arg7[%get3A_129, %get3A_130] {strides = array<i32>} : memref<80x128xi32, #tpu.memory_space<vmem>>, vector<16xi32>,
      %get3A_132 = arith.index_cast %scan3A_29 : i32 to index
      %get3A_133 = arith.constant 112 : index
      %get3A_134 = tpu.vector_load %arg8[%get3A_132, %get3A_133] {strides = array<i32>} : memref<80x128xi32, #tpu.memory_space<vmem>>, vector<16xi32>,
      %get3A_135 = arith.index_cast %scan3A_29 : i32 to index
      %get3A_136 = arith.constant 112 : index
      %get3A_137 = tpu.vector_load %arg9[%get3A_135, %get3A_136] {strides = array<i32>} : memref<80x128xf32, #tpu.memory_space<vmem>>, vector<16xf32>,
      %gather3A_138 = tpu.vector_load_idx %arg10[%get3A_134] : memref<10000xf32, #tpu.memory_space<vmem>>[vector<16xi32>], vector<16xf32>,
      %add3A_139 = arith.constant 1.000000e-16 : f32
      %add3A_140 = vector.broadcast %add3A_139 : f32 to vector<16xf32>
      %add3A_141 = arith.addf %gather3A_138, %add3A_140 : vector<16xf32>
      %div3A_142 = arith.divf %get3A_137, %add3A_141 : vector<16xf32>
      tpu.vector_store_idx %arg11[%get3A_131], %div3A_142 {add = true} : memref<10000xf32, #tpu.memory_space<vmem>>[vector<16xi32>], vector<16xf32>,
      %scan3A_143 = arith.constant 0 : i32
      scf.yield %scan3A_143 : i32
    }
    %scan3A_14 = arith.constant 78 : i32
    %get3A = arith.constant 78 : i32
    %get3A_15 = arith.index_cast %get3A : i32 to index
    %get3A_16 = arith.constant 0 : index
    %get3A_17 = tpu.vector_load %arg7[%get3A_15, %get3A_16] {strides = array<i32>} : memref<80x128xi32, #tpu.memory_space<vmem>>, vector<16xi32>,
    %get3A_18 = arith.constant 78 : i32
    %get3A_19 = arith.index_cast %get3A_18 : i32 to index
    %get3A_20 = arith.constant 0 : index
    %get3A_21 = tpu.vector_load %arg8[%get3A_19, %get3A_20] {strides = array<i32>} : memref<80x128xi32, #tpu.memory_space<vmem>>, vector<16xi32>,
    %get3A_22 = arith.constant 78 : i32
    %get3A_23 = arith.index_cast %get3A_22 : i32 to index
    %get3A_24 = arith.constant 0 : index
    %get3A_25 = tpu.vector_load %arg9[%get3A_23, %get3A_24] {strides = array<i32>} : memref<80x128xf32, #tpu.memory_space<vmem>>, vector<16xf32>,
    %gather3A = tpu.vector_load_idx %arg10[%get3A_21] : memref<10000xf32, #tpu.memory_space<vmem>>[vector<16xi32>], vector<16xf32>,
    %add3A_26 = arith.constant 1.000000e-16 : f32
    %add3A_27 = vector.broadcast %add3A_26 : f32 to vector<16xf32>
    %add3A_28 = arith.addf %gather3A, %add3A_27 : vector<16xf32>
    %div3A = arith.divf %get3A_25, %add3A_28 : vector<16xf32>
    tpu.vector_store_idx %arg11[%get3A_17], %div3A {add = true} : memref<10000xf32, #tpu.memory_space<vmem>>[vector<16xi32>], vector<16xf32>,
    %run_scoped3A = arith.constant 0 : i32
    "tpu.region"() ({
      %run_scoped3A_29 = tpu.sem_alloc : memref<!tpu.dma_semaphore, #tpu.memory_space<semaphore_mem>>
      %dma_start3A = arith.constant 0 : i32
      %dma_start3A_30 = tpu.memref_slice %arg6[%add3A, %run_scoped3A, %dma_start3A] : memref<32x1x10000xf32, #tpu.memory_space<hbm>> -> memref<1x1x10000xf32, #tpu.memory_space<hbm>>
      %dma_start3A_31 = tpu.memref_squeeze %dma_start3A_30 : memref<1x1x10000xf32, #tpu.memory_space<hbm>> -> memref<10000xf32, #tpu.memory_space<hbm>>
      %dma_start3A_32 = arith.constant 0 : i32
      %dma_start3A_33 = tpu.memref_slice %arg6[%add3A, %run_scoped3A, %dma_start3A_32] : memref<32x1x10000xf32, #tpu.memory_space<hbm>> -> memref<1x1x10000xf32, #tpu.memory_space<hbm>>
      %dma_start3A_34 = tpu.memref_squeeze %dma_start3A_33 : memref<1x1x10000xf32, #tpu.memory_space<hbm>> -> memref<10000xf32, #tpu.memory_space<hbm>>
      tpu.enqueue_dma source(%arg11 : memref<10000xf32, #tpu.memory_space<vmem>>) target(%dma_start3A_34 : memref<10000xf32, #tpu.memory_space<hbm>>) target_semaphore(%run_scoped3A_29 : memref<!tpu.dma_semaphore, #tpu.memory_space<semaphore_mem>>)
      %dma_wait3A = arith.constant 0 : i32
      %dma_wait3A_35 = tpu.memref_slice %arg6[%add3A, %run_scoped3A, %dma_wait3A] : memref<32x1x10000xf32, #tpu.memory_space<hbm>> -> memref<1x1x10000xf32, #tpu.memory_space<hbm>>
      %dma_wait3A_36 = tpu.memref_squeeze %dma_wait3A_35 : memref<1x1x10000xf32, #tpu.memory_space<hbm>> -> memref<10000xf32, #tpu.memory_space<hbm>>
      %dma_wait3A_37 = arith.constant 0 : i32
      %dma_wait3A_38 = tpu.memref_slice %arg6[%add3A, %run_scoped3A, %dma_wait3A_37] : memref<32x1x10000xf32, #tpu.memory_space<hbm>> -> memref<1x1x10000xf32, #tpu.memory_space<hbm>>
      %dma_wait3A_39 = tpu.memref_squeeze %dma_wait3A_38 : memref<1x1x10000xf32, #tpu.memory_space<hbm>> -> memref<10000xf32, #tpu.memory_space<hbm>>
      tpu.wait_dma2 semaphore(%run_scoped3A_29 : memref<!tpu.dma_semaphore, #tpu.memory_space<semaphore_mem>>) src(%arg11 : memref<10000xf32, #tpu.memory_space<vmem>>) dst(%dma_wait3A_39 : memref<10000xf32, #tpu.memory_space<hbm>>)
      tpu.yield
    }) : () -> ()
    return
  }
}

#map = affine_map<(d0, d1) -> (0, 0)>
#map1 = affine_map<(d0, d1) -> (0, 0, 0)>
module attributes {stable_mosaic.version = 14 : i64} {
  func.func @_msg_body(%arg0: i32, %arg1: i32, %arg2: memref<10000x128xf32, #tpu.memory_space<hbm>>, %arg3: memref<32x1x10240xi32, #tpu.memory_space<hbm>>, %arg4: memref<32x80x128xi32, #tpu.memory_space<hbm>>, %arg5: memref<32x1x10240xf32, #tpu.memory_space<hbm>>, %arg6: memref<10000x128xf32, #tpu.memory_space<hbm>>, %arg7: memref<2x10000x128xf32, #tpu.memory_space<hbm>>, %arg8: memref<80x128xi32, #tpu.memory_space<vmem>>, %arg9: memref<128xi32, #tpu.memory_space<vmem>>, %arg10: memref<128xi32, #tpu.memory_space<vmem>>, %arg11: memref<128xf32, #tpu.memory_space<vmem>>, %arg12: memref<128xf32, #tpu.memory_space<vmem>>, %arg13: memref<128x128xf32, #tpu.memory_space<vmem>>, %arg14: memref<128x128xf32, #tpu.memory_space<vmem>>, %arg15: memref<!tpu.dma_semaphore, #tpu.memory_space<semaphore_mem>>, %arg16: memref<!tpu.dma_semaphore, #tpu.memory_space<semaphore_mem>>, %arg17: memref<!tpu.dma_semaphore, #tpu.memory_space<semaphore_mem>>, %arg18: memref<!tpu.dma_semaphore, #tpu.memory_space<semaphore_mem>>, %arg19: memref<!tpu.dma_semaphore, #tpu.memory_space<semaphore_mem>>, %arg20: memref<!tpu.dma_semaphore, #tpu.memory_space<semaphore_mem>>, %arg21: memref<10000x128xf32, #tpu.memory_space<vmem_shared>>) attributes {dimension_semantics = [#tpu.dimension_semantics<core_parallel>, #tpu.dimension_semantics<subcore_parallel>], iteration_bounds = array<i64: 2, 16>, scalar_prefetch = 0 : i64, scratch_operands = 14 : i64, tpu.core_type = #tpu.core_type<sc_vector_subcore>, window_params = [{transform_indices = #map}, {transform_indices = #map1}, {transform_indices = #map1}, {transform_indices = #map1}, {transform_indices = #map}, {transform_indices = #map1}]} {
    %mul3A = arith.constant 16 : i32
    %mul3A_0 = arith.muli %arg0, %mul3A : i32
    %add3A = arith.addi %mul3A_0, %arg1 : i32
    "tpu.region"() ({
      %run_scoped3A_56 = tpu.sem_alloc : memref<!tpu.dma_semaphore, #tpu.memory_space<semaphore_mem>>
      %dma_start3A_57 = arith.constant 0 : i32
      %dma_start3A_58 = arith.constant 0 : i32
      %dma_start3A_59 = tpu.memref_slice %arg4[%add3A, %dma_start3A_57, %dma_start3A_58] : memref<32x80x128xi32, #tpu.memory_space<hbm>> -> memref<1x80x128xi32, #tpu.memory_space<hbm>>
      %dma_start3A_60 = tpu.memref_squeeze %dma_start3A_59 : memref<1x80x128xi32, #tpu.memory_space<hbm>> -> memref<80x128xi32, #tpu.memory_space<hbm>>
      %dma_start3A_61 = arith.constant 0 : i32
      %dma_start3A_62 = arith.constant 0 : i32
      %dma_start3A_63 = tpu.memref_slice %arg4[%add3A, %dma_start3A_61, %dma_start3A_62] : memref<32x80x128xi32, #tpu.memory_space<hbm>> -> memref<1x80x128xi32, #tpu.memory_space<hbm>>
      %dma_start3A_64 = tpu.memref_squeeze %dma_start3A_63 : memref<1x80x128xi32, #tpu.memory_space<hbm>> -> memref<80x128xi32, #tpu.memory_space<hbm>>
      tpu.enqueue_dma source(%dma_start3A_64 : memref<80x128xi32, #tpu.memory_space<hbm>>) target(%arg8 : memref<80x128xi32, #tpu.memory_space<vmem>>) target_semaphore(%run_scoped3A_56 : memref<!tpu.dma_semaphore, #tpu.memory_space<semaphore_mem>>)
      %dma_wait3A_65 = arith.constant 0 : i32
      %dma_wait3A_66 = arith.constant 0 : i32
      %dma_wait3A_67 = tpu.memref_slice %arg4[%add3A, %dma_wait3A_65, %dma_wait3A_66] : memref<32x80x128xi32, #tpu.memory_space<hbm>> -> memref<1x80x128xi32, #tpu.memory_space<hbm>>
      %dma_wait3A_68 = tpu.memref_squeeze %dma_wait3A_67 : memref<1x80x128xi32, #tpu.memory_space<hbm>> -> memref<80x128xi32, #tpu.memory_space<hbm>>
      %dma_wait3A_69 = arith.constant 0 : i32
      %dma_wait3A_70 = arith.constant 0 : i32
      %dma_wait3A_71 = tpu.memref_slice %arg4[%add3A, %dma_wait3A_69, %dma_wait3A_70] : memref<32x80x128xi32, #tpu.memory_space<hbm>> -> memref<1x80x128xi32, #tpu.memory_space<hbm>>
      %dma_wait3A_72 = tpu.memref_squeeze %dma_wait3A_71 : memref<1x80x128xi32, #tpu.memory_space<hbm>> -> memref<80x128xi32, #tpu.memory_space<hbm>>
      tpu.wait_dma2 semaphore(%run_scoped3A_56 : memref<!tpu.dma_semaphore, #tpu.memory_space<semaphore_mem>>) src(%dma_wait3A_72 : memref<80x128xi32, #tpu.memory_space<hbm>>) dst(%arg8 : memref<80x128xi32, #tpu.memory_space<vmem>>)
      tpu.yield
    }) : () -> ()
    %mul3A_1 = arith.constant 632 : i32
    %mul3A_2 = arith.muli %arg1, %mul3A_1 : i32
    %multiple_of3A = tpu.assume_multiple %mul3A_2, 8 : i32
    %lt3A = arith.constant 15 : i32
    %lt3A_3 = arith.cmpi slt, %arg1, %lt3A : i32
    %convert_element_type3A = arith.extui %lt3A_3 : i1 to i32
    %cond3A = arith.constant 0 : i32
    %cond3A_4 = arith.cmpi ne, %convert_element_type3A, %cond3A : i32
    scf.if %cond3A_4 {
      "tpu.region"() ({
        %run_scoped3A_56 = tpu.sem_alloc : memref<!tpu.dma_semaphore, #tpu.memory_space<semaphore_mem>>
        %dma_start3A_57 = arith.constant 0 : i32
        %dma_start3A_58 = tpu.memref_slice %arg21[%multiple_of3A, %dma_start3A_57] : memref<10000x128xf32, #tpu.memory_space<vmem_shared>> -> memref<632x128xf32, #tpu.memory_space<vmem_shared>>
        %dma_start3A_59 = arith.constant 0 : i32
        %dma_start3A_60 = tpu.memref_slice %arg6[%multiple_of3A, %dma_start3A_59] : memref<10000x128xf32, #tpu.memory_space<hbm>> -> memref<632x128xf32, #tpu.memory_space<hbm>>
        tpu.enqueue_dma source(%dma_start3A_60 : memref<632x128xf32, #tpu.memory_space<hbm>>) target(%dma_start3A_58 : memref<632x128xf32, #tpu.memory_space<vmem_shared>>) target_semaphore(%run_scoped3A_56 : memref<!tpu.dma_semaphore, #tpu.memory_space<semaphore_mem>>)
        %dma_wait3A_61 = arith.constant 0 : i32
        %dma_wait3A_62 = tpu.memref_slice %arg21[%multiple_of3A, %dma_wait3A_61] : memref<10000x128xf32, #tpu.memory_space<vmem_shared>> -> memref<632x128xf32, #tpu.memory_space<vmem_shared>>
        %dma_wait3A_63 = arith.constant 0 : i32
        %dma_wait3A_64 = tpu.memref_slice %arg6[%multiple_of3A, %dma_wait3A_63] : memref<10000x128xf32, #tpu.memory_space<hbm>> -> memref<632x128xf32, #tpu.memory_space<hbm>>
        tpu.wait_dma2 semaphore(%run_scoped3A_56 : memref<!tpu.dma_semaphore, #tpu.memory_space<semaphore_mem>>) src(%dma_wait3A_64 : memref<632x128xf32, #tpu.memory_space<hbm>>) dst(%dma_wait3A_62 : memref<632x128xf32, #tpu.memory_space<vmem_shared>>)
        tpu.yield
      }) : () -> ()
    } else {
    }
    %eq3A = arith.constant 15 : i32
    %eq3A_5 = arith.cmpi eq, %arg1, %eq3A : i32
    %convert_element_type3A_6 = arith.extui %eq3A_5 : i1 to i32
    %cond3A_7 = arith.constant 0 : i32
    %cond3A_8 = arith.cmpi ne, %convert_element_type3A_6, %cond3A_7 : i32
    scf.if %cond3A_8 {
      "tpu.region"() ({
        %run_scoped3A_56 = tpu.sem_alloc : memref<!tpu.dma_semaphore, #tpu.memory_space<semaphore_mem>>
        %dma_start3A_57 = arith.constant 9480 : i32
        %dma_start3A_58 = arith.constant 0 : i32
        %dma_start3A_59 = tpu.memref_slice %arg21[%dma_start3A_57, %dma_start3A_58] : memref<10000x128xf32, #tpu.memory_space<vmem_shared>> -> memref<520x128xf32, #tpu.memory_space<vmem_shared>>
        %dma_start3A_60 = arith.constant 9480 : i32
        %dma_start3A_61 = arith.constant 0 : i32
        %dma_start3A_62 = tpu.memref_slice %arg6[%dma_start3A_60, %dma_start3A_61] : memref<10000x128xf32, #tpu.memory_space<hbm>> -> memref<520x128xf32, #tpu.memory_space<hbm>>
        tpu.enqueue_dma source(%dma_start3A_62 : memref<520x128xf32, #tpu.memory_space<hbm>>) target(%dma_start3A_59 : memref<520x128xf32, #tpu.memory_space<vmem_shared>>) target_semaphore(%run_scoped3A_56 : memref<!tpu.dma_semaphore, #tpu.memory_space<semaphore_mem>>)
        %dma_wait3A_63 = arith.constant 9480 : i32
        %dma_wait3A_64 = arith.constant 0 : i32
        %dma_wait3A_65 = tpu.memref_slice %arg21[%dma_wait3A_63, %dma_wait3A_64] : memref<10000x128xf32, #tpu.memory_space<vmem_shared>> -> memref<520x128xf32, #tpu.memory_space<vmem_shared>>
        %dma_wait3A_66 = arith.constant 9480 : i32
        %dma_wait3A_67 = arith.constant 0 : i32
        %dma_wait3A_68 = tpu.memref_slice %arg6[%dma_wait3A_66, %dma_wait3A_67] : memref<10000x128xf32, #tpu.memory_space<hbm>> -> memref<520x128xf32, #tpu.memory_space<hbm>>
        tpu.wait_dma2 semaphore(%run_scoped3A_56 : memref<!tpu.dma_semaphore, #tpu.memory_space<semaphore_mem>>) src(%dma_wait3A_68 : memref<520x128xf32, #tpu.memory_space<hbm>>) dst(%dma_wait3A_65 : memref<520x128xf32, #tpu.memory_space<vmem_shared>>)
        tpu.yield
      }) : () -> ()
    } else {
    }
    %barrier3A = arith.constant 0 : index
    tpu.barrier barrier_id(%barrier3A)
    %run_scoped3A = arith.constant 0 : i32
    "tpu.region"() ({
      %run_scoped3A_56 = tpu.sem_alloc : memref<!tpu.dma_semaphore, #tpu.memory_space<semaphore_mem>>
      %dma_start3A_57 = arith.constant 0 : i32
      %dma_start3A_58 = tpu.memref_slice %arg3[%add3A, %run_scoped3A, %dma_start3A_57] : memref<32x1x10240xi32, #tpu.memory_space<hbm>> -> memref<1x1x128xi32, #tpu.memory_space<hbm>>
      %dma_start3A_59 = tpu.memref_squeeze %dma_start3A_58 : memref<1x1x128xi32, #tpu.memory_space<hbm>> -> memref<128xi32, #tpu.memory_space<hbm>>
      %dma_start3A_60 = arith.constant 0 : i32
      %dma_start3A_61 = tpu.memref_slice %arg3[%add3A, %run_scoped3A, %dma_start3A_60] : memref<32x1x10240xi32, #tpu.memory_space<hbm>> -> memref<1x1x128xi32, #tpu.memory_space<hbm>>
      %dma_start3A_62 = tpu.memref_squeeze %dma_start3A_61 : memref<1x1x128xi32, #tpu.memory_space<hbm>> -> memref<128xi32, #tpu.memory_space<hbm>>
      tpu.enqueue_dma source(%dma_start3A_62 : memref<128xi32, #tpu.memory_space<hbm>>) target(%arg9 : memref<128xi32, #tpu.memory_space<vmem>>) target_semaphore(%run_scoped3A_56 : memref<!tpu.dma_semaphore, #tpu.memory_space<semaphore_mem>>)
      %dma_wait3A_63 = arith.constant 0 : i32
      %dma_wait3A_64 = tpu.memref_slice %arg3[%add3A, %run_scoped3A, %dma_wait3A_63] : memref<32x1x10240xi32, #tpu.memory_space<hbm>> -> memref<1x1x128xi32, #tpu.memory_space<hbm>>
      %dma_wait3A_65 = tpu.memref_squeeze %dma_wait3A_64 : memref<1x1x128xi32, #tpu.memory_space<hbm>> -> memref<128xi32, #tpu.memory_space<hbm>>
      %dma_wait3A_66 = arith.constant 0 : i32
      %dma_wait3A_67 = tpu.memref_slice %arg3[%add3A, %run_scoped3A, %dma_wait3A_66] : memref<32x1x10240xi32, #tpu.memory_space<hbm>> -> memref<1x1x128xi32, #tpu.memory_space<hbm>>
      %dma_wait3A_68 = tpu.memref_squeeze %dma_wait3A_67 : memref<1x1x128xi32, #tpu.memory_space<hbm>> -> memref<128xi32, #tpu.memory_space<hbm>>
      tpu.wait_dma2 semaphore(%run_scoped3A_56 : memref<!tpu.dma_semaphore, #tpu.memory_space<semaphore_mem>>) src(%dma_wait3A_68 : memref<128xi32, #tpu.memory_space<hbm>>) dst(%arg9 : memref<128xi32, #tpu.memory_space<vmem>>)
      tpu.yield
    }) : () -> ()
    %run_scoped3A_9 = arith.constant 0 : i32
    "tpu.region"() ({
      %run_scoped3A_56 = tpu.sem_alloc : memref<!tpu.dma_semaphore, #tpu.memory_space<semaphore_mem>>
      %dma_start3A_57 = arith.constant 0 : i32
      %dma_start3A_58 = tpu.memref_slice %arg5[%add3A, %run_scoped3A_9, %dma_start3A_57] : memref<32x1x10240xf32, #tpu.memory_space<hbm>> -> memref<1x1x128xf32, #tpu.memory_space<hbm>>
      %dma_start3A_59 = tpu.memref_squeeze %dma_start3A_58 : memref<1x1x128xf32, #tpu.memory_space<hbm>> -> memref<128xf32, #tpu.memory_space<hbm>>
      %dma_start3A_60 = arith.constant 0 : i32
      %dma_start3A_61 = tpu.memref_slice %arg5[%add3A, %run_scoped3A_9, %dma_start3A_60] : memref<32x1x10240xf32, #tpu.memory_space<hbm>> -> memref<1x1x128xf32, #tpu.memory_space<hbm>>
      %dma_start3A_62 = tpu.memref_squeeze %dma_start3A_61 : memref<1x1x128xf32, #tpu.memory_space<hbm>> -> memref<128xf32, #tpu.memory_space<hbm>>
      tpu.enqueue_dma source(%dma_start3A_62 : memref<128xf32, #tpu.memory_space<hbm>>) target(%arg11 : memref<128xf32, #tpu.memory_space<vmem>>) target_semaphore(%run_scoped3A_56 : memref<!tpu.dma_semaphore, #tpu.memory_space<semaphore_mem>>)
      %dma_wait3A_63 = arith.constant 0 : i32
      %dma_wait3A_64 = tpu.memref_slice %arg5[%add3A, %run_scoped3A_9, %dma_wait3A_63] : memref<32x1x10240xf32, #tpu.memory_space<hbm>> -> memref<1x1x128xf32, #tpu.memory_space<hbm>>
      %dma_wait3A_65 = tpu.memref_squeeze %dma_wait3A_64 : memref<1x1x128xf32, #tpu.memory_space<hbm>> -> memref<128xf32, #tpu.memory_space<hbm>>
      %dma_wait3A_66 = arith.constant 0 : i32
      %dma_wait3A_67 = tpu.memref_slice %arg5[%add3A, %run_scoped3A_9, %dma_wait3A_66] : memref<32x1x10240xf32, #tpu.memory_space<hbm>> -> memref<1x1x128xf32, #tpu.memory_space<hbm>>
      %dma_wait3A_68 = tpu.memref_squeeze %dma_wait3A_67 : memref<1x1x128xf32, #tpu.memory_space<hbm>> -> memref<128xf32, #tpu.memory_space<hbm>>
      tpu.wait_dma2 semaphore(%run_scoped3A_56 : memref<!tpu.dma_semaphore, #tpu.memory_space<semaphore_mem>>) src(%dma_wait3A_68 : memref<128xf32, #tpu.memory_space<hbm>>) dst(%arg11 : memref<128xf32, #tpu.memory_space<vmem>>)
      tpu.yield
    }) : () -> ()
    %dma_start3A = arith.constant 0 : i32
    %dma_start3A_10 = arith.constant 0 : i32
    %dma_start3A_11 = tpu.memref_slice %arg2[%dma_start3A, %dma_start3A_10] : memref<10000x128xf32, #tpu.memory_space<hbm>> -> memref<10000x128xf32, #tpu.memory_space<hbm>>
    tpu.enqueue_indirect_dma source(%dma_start3A_11 : memref<10000x128xf32, #tpu.memory_space<hbm>>) target(%arg13 : memref<128x128xf32, #tpu.memory_space<vmem>>) offsets(%arg9 : memref<128xi32, #tpu.memory_space<vmem>>) semaphore(%arg15 : memref<!tpu.dma_semaphore, #tpu.memory_space<semaphore_mem>>)
    %dma_start3A_12 = arith.constant 0 : i32
    %dma_start3A_13 = arith.constant 128 : i32
    %dma_start3A_14 = tpu.memref_slice %arg3[%add3A, %dma_start3A_12, %dma_start3A_13] : memref<32x1x10240xi32, #tpu.memory_space<hbm>> -> memref<1x1x128xi32, #tpu.memory_space<hbm>>
    %dma_start3A_15 = tpu.memref_squeeze %dma_start3A_14 : memref<1x1x128xi32, #tpu.memory_space<hbm>> -> memref<128xi32, #tpu.memory_space<hbm>>
    %dma_start3A_16 = arith.constant 128 : i32
    %dma_start3A_17 = tpu.memref_slice %arg3[%add3A, %dma_start3A_12, %dma_start3A_16] : memref<32x1x10240xi32, #tpu.memory_space<hbm>> -> memref<1x1x128xi32, #tpu.memory_space<hbm>>
    %dma_start3A_18 = tpu.memref_squeeze %dma_start3A_17 : memref<1x1x128xi32, #tpu.memory_space<hbm>> -> memref<128xi32, #tpu.memory_space<hbm>>
    tpu.enqueue_dma source(%dma_start3A_18 : memref<128xi32, #tpu.memory_space<hbm>>) target(%arg10 : memref<128xi32, #tpu.memory_space<vmem>>) target_semaphore(%arg20 : memref<!tpu.dma_semaphore, #tpu.memory_space<semaphore_mem>>)
    %dma_start3A_19 = arith.constant 0 : i32
    %dma_start3A_20 = arith.constant 128 : i32
    %dma_start3A_21 = tpu.memref_slice %arg5[%add3A, %dma_start3A_19, %dma_start3A_20] : memref<32x1x10240xf32, #tpu.memory_space<hbm>> -> memref<1x1x128xf32, #tpu.memory_space<hbm>>
    %dma_start3A_22 = tpu.memref_squeeze %dma_start3A_21 : memref<1x1x128xf32, #tpu.memory_space<hbm>> -> memref<128xf32, #tpu.memory_space<hbm>>
    %dma_start3A_23 = arith.constant 128 : i32
    %dma_start3A_24 = tpu.memref_slice %arg5[%add3A, %dma_start3A_19, %dma_start3A_23] : memref<32x1x10240xf32, #tpu.memory_space<hbm>> -> memref<1x1x128xf32, #tpu.memory_space<hbm>>
    %dma_start3A_25 = tpu.memref_squeeze %dma_start3A_24 : memref<1x1x128xf32, #tpu.memory_space<hbm>> -> memref<128xf32, #tpu.memory_space<hbm>>
    tpu.enqueue_dma source(%dma_start3A_25 : memref<128xf32, #tpu.memory_space<hbm>>) target(%arg12 : memref<128xf32, #tpu.memory_space<vmem>>) target_semaphore(%arg20 : memref<!tpu.dma_semaphore, #tpu.memory_space<semaphore_mem>>)
    %scan3A = arith.constant 0 : i32
    %scan3A_26 = arith.constant 0 : i32
    %scan3A_27 = arith.constant 79 : i32
    %scan3A_28 = arith.addi %scan3A_26, %scan3A_27 : i32
    %scan3A_29 = arith.constant 1 : i32
    %scan3A_30 = scf.for %scan3A_56 = %scan3A_26 to %scan3A_28 step %scan3A_29 iter_args(%scan3A_57 = %scan3A) -> (i32)  : i32 {
      %rem3A = arith.constant 2 : i32
      %rem3A_58 = arith.remsi %scan3A_56, %rem3A : i32
      %eq3A_59 = arith.constant 0 : i32
      %eq3A_60 = arith.cmpi eq, %rem3A_58, %eq3A_59 : i32
      %convert_element_type3A_61 = arith.extui %eq3A_60 : i1 to i32
      %cond3A_62 = arith.constant 0 : i32
      %cond3A_63 = arith.cmpi ne, %convert_element_type3A_61, %cond3A_62 : i32
      scf.if %cond3A_63 {
        %add3A_70 = arith.constant 1 : i32
        %add3A_71 = arith.addi %scan3A_56, %add3A_70 : i32
        %lt3A_72 = arith.constant 79 : i32
        %lt3A_73 = arith.cmpi slt, %add3A_71, %lt3A_72 : i32
        %convert_element_type3A_74 = arith.extui %lt3A_73 : i1 to i32
        %cond3A_75 = arith.constant 0 : i32
        %cond3A_76 = arith.cmpi ne, %convert_element_type3A_74, %cond3A_75 : i32
        scf.if %cond3A_76 {
          %ge3A = arith.constant 1 : i32
          %ge3A_100 = arith.cmpi sge, %scan3A_56, %ge3A : i32
          %convert_element_type3A_101 = arith.extui %ge3A_100 : i1 to i32
          %cond3A_102 = arith.constant 0 : i32
          %cond3A_103 = arith.cmpi ne, %convert_element_type3A_101, %cond3A_102 : i32
          scf.if %cond3A_103 {
            %dma_wait3A_121 = arith.constant 0 : i32
            %dma_wait3A_122 = tpu.memref_slice %arg8[%scan3A_56, %dma_wait3A_121] : memref<80x128xi32, #tpu.memory_space<vmem>> -> memref<1x128xi32, #tpu.memory_space<vmem>>
            %dma_wait3A_123 = tpu.memref_squeeze %dma_wait3A_122 : memref<1x128xi32, #tpu.memory_space<vmem>> -> memref<128xi32, #tpu.memory_space<vmem>>
            %dma_wait3A_124 = arith.constant 0 : i32
            %dma_wait3A_125 = arith.constant 0 : i32
            %dma_wait3A_126 = tpu.memref_slice %arg21[%dma_wait3A_124, %dma_wait3A_125] : memref<10000x128xf32, #tpu.memory_space<vmem_shared>> -> memref<10000x128xf32, #tpu.memory_space<vmem_shared>>
            tpu.wait_indirect_dma semaphore(%arg18 : memref<!tpu.dma_semaphore, #tpu.memory_space<semaphore_mem>>) src(%arg14 : memref<128x128xf32, #tpu.memory_space<vmem>>) dst(%dma_wait3A_126 : memref<10000x128xf32, #tpu.memory_space<vmem_shared>>)
          } else {
          }
          %mul3A_104 = arith.constant 128 : i32
          %mul3A_105 = arith.muli %scan3A_56, %mul3A_104 : i32
          %dma_wait3A_106 = arith.constant 0 : i32
          %dma_wait3A_107 = tpu.memref_slice %arg3[%add3A, %dma_wait3A_106, %mul3A_105] : memref<32x1x10240xi32, #tpu.memory_space<hbm>> -> memref<1x1x128xi32, #tpu.memory_space<hbm>>
          %dma_wait3A_108 = tpu.memref_squeeze %dma_wait3A_107 : memref<1x1x128xi32, #tpu.memory_space<hbm>> -> memref<128xi32, #tpu.memory_space<hbm>>
          %dma_wait3A_109 = tpu.memref_slice %arg3[%add3A, %dma_wait3A_106, %mul3A_105] : memref<32x1x10240xi32, #tpu.memory_space<hbm>> -> memref<1x1x128xi32, #tpu.memory_space<hbm>>
          %dma_wait3A_110 = tpu.memref_squeeze %dma_wait3A_109 : memref<1x1x128xi32, #tpu.memory_space<hbm>> -> memref<128xi32, #tpu.memory_space<hbm>>
          tpu.wait_dma2 semaphore(%arg20 : memref<!tpu.dma_semaphore, #tpu.memory_space<semaphore_mem>>) src(%dma_wait3A_110 : memref<128xi32, #tpu.memory_space<hbm>>) dst(%arg10 : memref<128xi32, #tpu.memory_space<vmem>>)
          %mul3A_111 = arith.constant 128 : i32
          %mul3A_112 = arith.muli %scan3A_56, %mul3A_111 : i32
          %dma_wait3A_113 = arith.constant 0 : i32
          %dma_wait3A_114 = tpu.memref_slice %arg5[%add3A, %dma_wait3A_113, %mul3A_112] : memref<32x1x10240xf32, #tpu.memory_space<hbm>> -> memref<1x1x128xf32, #tpu.memory_space<hbm>>
          %dma_wait3A_115 = tpu.memref_squeeze %dma_wait3A_114 : memref<1x1x128xf32, #tpu.memory_space<hbm>> -> memref<128xf32, #tpu.memory_space<hbm>>
          %dma_wait3A_116 = tpu.memref_slice %arg5[%add3A, %dma_wait3A_113, %mul3A_112] : memref<32x1x10240xf32, #tpu.memory_space<hbm>> -> memref<1x1x128xf32, #tpu.memory_space<hbm>>
          %dma_wait3A_117 = tpu.memref_squeeze %dma_wait3A_116 : memref<1x1x128xf32, #tpu.memory_space<hbm>> -> memref<128xf32, #tpu.memory_space<hbm>>
          tpu.wait_dma2 semaphore(%arg20 : memref<!tpu.dma_semaphore, #tpu.memory_space<semaphore_mem>>) src(%dma_wait3A_117 : memref<128xf32, #tpu.memory_space<hbm>>) dst(%arg12 : memref<128xf32, #tpu.memory_space<vmem>>)
          %dma_start3A_118 = arith.constant 0 : i32
          %dma_start3A_119 = arith.constant 0 : i32
          %dma_start3A_120 = tpu.memref_slice %arg2[%dma_start3A_118, %dma_start3A_119] : memref<10000x128xf32, #tpu.memory_space<hbm>> -> memref<10000x128xf32, #tpu.memory_space<hbm>>
          tpu.enqueue_indirect_dma source(%dma_start3A_120 : memref<10000x128xf32, #tpu.memory_space<hbm>>) target(%arg14 : memref<128x128xf32, #tpu.memory_space<vmem>>) offsets(%arg10 : memref<128xi32, #tpu.memory_space<vmem>>) semaphore(%arg16 : memref<!tpu.dma_semaphore, #tpu.memory_space<semaphore_mem>>)
        } else {
        }
        %dma_wait3A_77 = arith.constant 0 : i32
        %dma_wait3A_78 = arith.constant 0 : i32
        %dma_wait3A_79 = tpu.memref_slice %arg2[%dma_wait3A_77, %dma_wait3A_78] : memref<10000x128xf32, #tpu.memory_space<hbm>> -> memref<10000x128xf32, #tpu.memory_space<hbm>>
        tpu.wait_indirect_dma semaphore(%arg15 : memref<!tpu.dma_semaphore, #tpu.memory_space<semaphore_mem>>) src(%dma_wait3A_79 : memref<10000x128xf32, #tpu.memory_space<hbm>>) dst(%arg13 : memref<128x128xf32, #tpu.memory_space<vmem>>)
        %scan3A_80 = arith.constant 0 : i32
        %scan3A_81 = arith.constant 0 : i32
        %scan3A_82 = arith.constant 8 : i32
        %scan3A_83 = arith.addi %scan3A_81, %scan3A_82 : i32
        %scan3A_84 = arith.constant 1 : i32
        %scan3A_85 = scf.for %scan3A_100 = %scan3A_81 to %scan3A_83 step %scan3A_84 iter_args(%scan3A_101 = %scan3A_80) -> (i32)  : i32 {
          %mul3A_102 = arith.constant 16 : i32
          %mul3A_103 = arith.muli %scan3A_100, %mul3A_102 : i32
          %get3A = arith.index_cast %mul3A_103 : i32 to index
          %get3A_104 = tpu.vector_load %arg11[%get3A] {strides = array<i32>} : memref<128xf32, #tpu.memory_space<vmem>>, vector<16xf32>,
          %slice3A = vector.extract_strided_slice %get3A_104 {offsets = [0], sizes = [1], strides = [1]} : vector<16xf32> to vector<1xf32>
          %squeeze3A = vector.extract %slice3A[0] : f32 from vector<1xf32>
          %broadcast_in_dim3A = vector.broadcast %squeeze3A : f32 to vector<16xf32>
          %mul3A_105 = arith.constant 16 : i32
          %mul3A_106 = arith.muli %scan3A_100, %mul3A_105 : i32
          %add3A_107 = arith.constant 0 : i32
          %add3A_108 = arith.addi %mul3A_106, %add3A_107 : i32
          %get3A_109 = arith.index_cast %add3A_108 : i32 to index
          %get3A_110 = arith.constant 0 : index
          %get3A_111 = tpu.vector_load %arg13[%get3A_109, %get3A_110] {strides = array<i32>} : memref<128x128xf32, #tpu.memory_space<vmem>>, vector<16xf32>,
          %mul3A_112 = arith.mulf %get3A_111, %broadcast_in_dim3A : vector<16xf32>
          %swap3A = arith.index_cast %add3A_108 : i32 to index
          %swap3A_113 = arith.constant 0 : index
          %swap3A_114 = tpu.vector_load %arg13[%swap3A, %swap3A_113] {strides = array<i32>} : memref<128x128xf32, #tpu.memory_space<vmem>>, vector<16xf32>,
          tpu.vector_store %arg13[%swap3A, %swap3A_113], %mul3A_112 {strides = array<i32>} : memref<128x128xf32, #tpu.memory_space<vmem>>, vector<16xf32>,
          %get3A_115 = arith.index_cast %add3A_108 : i32 to index
          %get3A_116 = arith.constant 16 : index
          %get3A_117 = tpu.vector_load %arg13[%get3A_115, %get3A_116] {strides = array<i32>} : memref<128x128xf32, #tpu.memory_space<vmem>>, vector<16xf32>,
          %mul3A_118 = arith.mulf %get3A_117, %broadcast_in_dim3A : vector<16xf32>
          %swap3A_119 = arith.index_cast %add3A_108 : i32 to index
          %swap3A_120 = arith.constant 16 : index
          %swap3A_121 = tpu.vector_load %arg13[%swap3A_119, %swap3A_120] {strides = array<i32>} : memref<128x128xf32, #tpu.memory_space<vmem>>, vector<16xf32>,
          tpu.vector_store %arg13[%swap3A_119, %swap3A_120], %mul3A_118 {strides = array<i32>} : memref<128x128xf32, #tpu.memory_space<vmem>>, vector<16xf32>,
          %get3A_122 = arith.index_cast %add3A_108 : i32 to index
          %get3A_123 = arith.constant 32 : index
          %get3A_124 = tpu.vector_load %arg13[%get3A_122, %get3A_123] {strides = array<i32>} : memref<128x128xf32, #tpu.memory_space<vmem>>, vector<16xf32>,
          %mul3A_125 = arith.mulf %get3A_124, %broadcast_in_dim3A : vector<16xf32>
          %swap3A_126 = arith.index_cast %add3A_108 : i32 to index
          %swap3A_127 = arith.constant 32 : index
          %swap3A_128 = tpu.vector_load %arg13[%swap3A_126, %swap3A_127] {strides = array<i32>} : memref<128x128xf32, #tpu.memory_space<vmem>>, vector<16xf32>,
          tpu.vector_store %arg13[%swap3A_126, %swap3A_127], %mul3A_125 {strides = array<i32>} : memref<128x128xf32, #tpu.memory_space<vmem>>, vector<16xf32>,
          %get3A_129 = arith.index_cast %add3A_108 : i32 to index
          %get3A_130 = arith.constant 48 : index
          %get3A_131 = tpu.vector_load %arg13[%get3A_129, %get3A_130] {strides = array<i32>} : memref<128x128xf32, #tpu.memory_space<vmem>>, vector<16xf32>,
          %mul3A_132 = arith.mulf %get3A_131, %broadcast_in_dim3A : vector<16xf32>
          %swap3A_133 = arith.index_cast %add3A_108 : i32 to index
          %swap3A_134 = arith.constant 48 : index
          %swap3A_135 = tpu.vector_load %arg13[%swap3A_133, %swap3A_134] {strides = array<i32>} : memref<128x128xf32, #tpu.memory_space<vmem>>, vector<16xf32>,
          tpu.vector_store %arg13[%swap3A_133, %swap3A_134], %mul3A_132 {strides = array<i32>} : memref<128x128xf32, #tpu.memory_space<vmem>>, vector<16xf32>,
          %get3A_136 = arith.index_cast %add3A_108 : i32 to index
          %get3A_137 = arith.constant 64 : index
          %get3A_138 = tpu.vector_load %arg13[%get3A_136, %get3A_137] {strides = array<i32>} : memref<128x128xf32, #tpu.memory_space<vmem>>, vector<16xf32>,
          %mul3A_139 = arith.mulf %get3A_138, %broadcast_in_dim3A : vector<16xf32>
          %swap3A_140 = arith.index_cast %add3A_108 : i32 to index
          %swap3A_141 = arith.constant 64 : index
          %swap3A_142 = tpu.vector_load %arg13[%swap3A_140, %swap3A_141] {strides = array<i32>} : memref<128x128xf32, #tpu.memory_space<vmem>>, vector<16xf32>,
          tpu.vector_store %arg13[%swap3A_140, %swap3A_141], %mul3A_139 {strides = array<i32>} : memref<128x128xf32, #tpu.memory_space<vmem>>, vector<16xf32>,
          %get3A_143 = arith.index_cast %add3A_108 : i32 to index
          %get3A_144 = arith.constant 80 : index
          %get3A_145 = tpu.vector_load %arg13[%get3A_143, %get3A_144] {strides = array<i32>} : memref<128x128xf32, #tpu.memory_space<vmem>>, vector<16xf32>,
          %mul3A_146 = arith.mulf %get3A_145, %broadcast_in_dim3A : vector<16xf32>
          %swap3A_147 = arith.index_cast %add3A_108 : i32 to index
          %swap3A_148 = arith.constant 80 : index
          %swap3A_149 = tpu.vector_load %arg13[%swap3A_147, %swap3A_148] {strides = array<i32>} : memref<128x128xf32, #tpu.memory_space<vmem>>, vector<16xf32>,
          tpu.vector_store %arg13[%swap3A_147, %swap3A_148], %mul3A_146 {strides = array<i32>} : memref<128x128xf32, #tpu.memory_space<vmem>>, vector<16xf32>,
          %get3A_150 = arith.index_cast %add3A_108 : i32 to index
          %get3A_151 = arith.constant 96 : index
          %get3A_152 = tpu.vector_load %arg13[%get3A_150, %get3A_151] {strides = array<i32>} : memref<128x128xf32, #tpu.memory_space<vmem>>, vector<16xf32>,
          %mul3A_153 = arith.mulf %get3A_152, %broadcast_in_dim3A : vector<16xf32>
          %swap3A_154 = arith.index_cast %add3A_108 : i32 to index
          %swap3A_155 = arith.constant 96 : index
          %swap3A_156 = tpu.vector_load %arg13[%swap3A_154, %swap3A_155] {strides = array<i32>} : memref<128x128xf32, #tpu.memory_space<vmem>>, vector<16xf32>,
          tpu.vector_store %arg13[%swap3A_154, %swap3A_155], %mul3A_153 {strides = array<i32>} : memref<128x128xf32, #tpu.memory_space<vmem>>, vector<16xf32>,
          %get3A_157 = arith.index_cast %add3A_108 : i32 to index
          %get3A_158 = arith.constant 112 : index
          %get3A_159 = tpu.vector_load %arg13[%get3A_157, %get3A_158] {strides = array<i32>} : memref<128x128xf32, #tpu.memory_space<vmem>>, vector<16xf32>,
          %mul3A_160 = arith.mulf %get3A_159, %broadcast_in_dim3A : vector<16xf32>
          %swap3A_161 = arith.index_cast %add3A_108 : i32 to index
          %swap3A_162 = arith.constant 112 : index
          %swap3A_163 = tpu.vector_load %arg13[%swap3A_161, %swap3A_162] {strides = array<i32>} : memref<128x128xf32, #tpu.memory_space<vmem>>, vector<16xf32>,
          tpu.vector_store %arg13[%swap3A_161, %swap3A_162], %mul3A_160 {strides = array<i32>} : memref<128x128xf32, #tpu.memory_space<vmem>>, vector<16xf32>,
          %slice3A_164 = vector.extract_strided_slice %get3A_104 {offsets = [1], sizes = [1], strides = [1]} : vector<16xf32> to vector<1xf32>
          %squeeze3A_165 = vector.extract %slice3A_164[0] : f32 from vector<1xf32>
          %broadcast_in_dim3A_166 = vector.broadcast %squeeze3A_165 : f32 to vector<16xf32>
          %mul3A_167 = arith.constant 16 : i32
          %mul3A_168 = arith.muli %scan3A_100, %mul3A_167 : i32
          %add3A_169 = arith.constant 1 : i32
          %add3A_170 = arith.addi %mul3A_168, %add3A_169 : i32
          %get3A_171 = arith.index_cast %add3A_170 : i32 to index
          %get3A_172 = arith.constant 0 : index
          %get3A_173 = tpu.vector_load %arg13[%get3A_171, %get3A_172] {strides = array<i32>} : memref<128x128xf32, #tpu.memory_space<vmem>>, vector<16xf32>,
          %mul3A_174 = arith.mulf %get3A_173, %broadcast_in_dim3A_166 : vector<16xf32>
          %swap3A_175 = arith.index_cast %add3A_170 : i32 to index
          %swap3A_176 = arith.constant 0 : index
          %swap3A_177 = tpu.vector_load %arg13[%swap3A_175, %swap3A_176] {strides = array<i32>} : memref<128x128xf32, #tpu.memory_space<vmem>>, vector<16xf32>,
          tpu.vector_store %arg13[%swap3A_175, %swap3A_176], %mul3A_174 {strides = array<i32>} : memref<128x128xf32, #tpu.memory_space<vmem>>, vector<16xf32>,
          %get3A_178 = arith.index_cast %add3A_170 : i32 to index
          %get3A_179 = arith.constant 16 : index
          %get3A_180 = tpu.vector_load %arg13[%get3A_178, %get3A_179] {strides = array<i32>} : memref<128x128xf32, #tpu.memory_space<vmem>>, vector<16xf32>,
          %mul3A_181 = arith.mulf %get3A_180, %broadcast_in_dim3A_166 : vector<16xf32>
          %swap3A_182 = arith.index_cast %add3A_170 : i32 to index
          %swap3A_183 = arith.constant 16 : index
          %swap3A_184 = tpu.vector_load %arg13[%swap3A_182, %swap3A_183] {strides = array<i32>} : memref<128x128xf32, #tpu.memory_space<vmem>>, vector<16xf32>,
          tpu.vector_store %arg13[%swap3A_182, %swap3A_183], %mul3A_181 {strides = array<i32>} : memref<128x128xf32, #tpu.memory_space<vmem>>, vector<16xf32>,
          %get3A_185 = arith.index_cast %add3A_170 : i32 to index
          %get3A_186 = arith.constant 32 : index
          %get3A_187 = tpu.vector_load %arg13[%get3A_185, %get3A_186] {strides = array<i32>} : memref<128x128xf32, #tpu.memory_space<vmem>>, vector<16xf32>,
          %mul3A_188 = arith.mulf %get3A_187, %broadcast_in_dim3A_166 : vector<16xf32>
          %swap3A_189 = arith.index_cast %add3A_170 : i32 to index
          %swap3A_190 = arith.constant 32 : index
          %swap3A_191 = tpu.vector_load %arg13[%swap3A_189, %swap3A_190] {strides = array<i32>} : memref<128x128xf32, #tpu.memory_space<vmem>>, vector<16xf32>,
          tpu.vector_store %arg13[%swap3A_189, %swap3A_190], %mul3A_188 {strides = array<i32>} : memref<128x128xf32, #tpu.memory_space<vmem>>, vector<16xf32>,
          %get3A_192 = arith.index_cast %add3A_170 : i32 to index
          %get3A_193 = arith.constant 48 : index
          %get3A_194 = tpu.vector_load %arg13[%get3A_192, %get3A_193] {strides = array<i32>} : memref<128x128xf32, #tpu.memory_space<vmem>>, vector<16xf32>,
          %mul3A_195 = arith.mulf %get3A_194, %broadcast_in_dim3A_166 : vector<16xf32>
          %swap3A_196 = arith.index_cast %add3A_170 : i32 to index
          %swap3A_197 = arith.constant 48 : index
          %swap3A_198 = tpu.vector_load %arg13[%swap3A_196, %swap3A_197] {strides = array<i32>} : memref<128x128xf32, #tpu.memory_space<vmem>>, vector<16xf32>,
          tpu.vector_store %arg13[%swap3A_196, %swap3A_197], %mul3A_195 {strides = array<i32>} : memref<128x128xf32, #tpu.memory_space<vmem>>, vector<16xf32>,
          %get3A_199 = arith.index_cast %add3A_170 : i32 to index
          %get3A_200 = arith.constant 64 : index
          %get3A_201 = tpu.vector_load %arg13[%get3A_199, %get3A_200] {strides = array<i32>} : memref<128x128xf32, #tpu.memory_space<vmem>>, vector<16xf32>,
          %mul3A_202 = arith.mulf %get3A_201, %broadcast_in_dim3A_166 : vector<16xf32>
          %swap3A_203 = arith.index_cast %add3A_170 : i32 to index
          %swap3A_204 = arith.constant 64 : index
          %swap3A_205 = tpu.vector_load %arg13[%swap3A_203, %swap3A_204] {strides = array<i32>} : memref<128x128xf32, #tpu.memory_space<vmem>>, vector<16xf32>,
          tpu.vector_store %arg13[%swap3A_203, %swap3A_204], %mul3A_202 {strides = array<i32>} : memref<128x128xf32, #tpu.memory_space<vmem>>, vector<16xf32>,
          %get3A_206 = arith.index_cast %add3A_170 : i32 to index
          %get3A_207 = arith.constant 80 : index
          %get3A_208 = tpu.vector_load %arg13[%get3A_206, %get3A_207] {strides = array<i32>} : memref<128x128xf32, #tpu.memory_space<vmem>>, vector<16xf32>,
          %mul3A_209 = arith.mulf %get3A_208, %broadcast_in_dim3A_166 : vector<16xf32>
          %swap3A_210 = arith.index_cast %add3A_170 : i32 to index
          %swap3A_211 = arith.constant 80 : index
          %swap3A_212 = tpu.vector_load %arg13[%swap3A_210, %swap3A_211] {strides = array<i32>} : memref<128x128xf32, #tpu.memory_space<vmem>>, vector<16xf32>,
          tpu.vector_store %arg13[%swap3A_210, %swap3A_211], %mul3A_209 {strides = array<i32>} : memref<128x128xf32, #tpu.memory_space<vmem>>, vector<16xf32>,
          %get3A_213 = arith.index_cast %add3A_170 : i32 to index
          %get3A_214 = arith.constant 96 : index
          %get3A_215 = tpu.vector_load %arg13[%get3A_213, %get3A_214] {strides = array<i32>} : memref<128x128xf32, #tpu.memory_space<vmem>>, vector<16xf32>,
          %mul3A_216 = arith.mulf %get3A_215, %broadcast_in_dim3A_166 : vector<16xf32>
          %swap3A_217 = arith.index_cast %add3A_170 : i32 to index
          %swap3A_218 = arith.constant 96 : index
          %swap3A_219 = tpu.vector_load %arg13[%swap3A_217, %swap3A_218] {strides = array<i32>} : memref<128x128xf32, #tpu.memory_space<vmem>>, vector<16xf32>,
          tpu.vector_store %arg13[%swap3A_217, %swap3A_218], %mul3A_216 {strides = array<i32>} : memref<128x128xf32, #tpu.memory_space<vmem>>, vector<16xf32>,
          %get3A_220 = arith.index_cast %add3A_170 : i32 to index
          %get3A_221 = arith.constant 112 : index
          %get3A_222 = tpu.vector_load %arg13[%get3A_220, %get3A_221] {strides = array<i32>} : memref<128x128xf32, #tpu.memory_space<vmem>>, vector<16xf32>,
          %mul3A_223 = arith.mulf %get3A_222, %broadcast_in_dim3A_166 : vector<16xf32>
          %swap3A_224 = arith.index_cast %add3A_170 : i32 to index
          %swap3A_225 = arith.constant 112 : index
          %swap3A_226 = tpu.vector_load %arg13[%swap3A_224, %swap3A_225] {strides = array<i32>} : memref<128x128xf32, #tpu.memory_space<vmem>>, vector<16xf32>,
          tpu.vector_store %arg13[%swap3A_224, %swap3A_225], %mul3A_223 {strides = array<i32>} : memref<128x128xf32, #tpu.memory_space<vmem>>, vector<16xf32>,
          %slice3A_227 = vector.extract_strided_slice %get3A_104 {offsets = [2], sizes = [1], strides = [1]} : vector<16xf32> to vector<1xf32>
          %squeeze3A_228 = vector.extract %slice3A_227[0] : f32 from vector<1xf32>
          %broadcast_in_dim3A_229 = vector.broadcast %squeeze3A_228 : f32 to vector<16xf32>
          %mul3A_230 = arith.constant 16 : i32
          %mul3A_231 = arith.muli %scan3A_100, %mul3A_230 : i32
          %add3A_232 = arith.constant 2 : i32
          %add3A_233 = arith.addi %mul3A_231, %add3A_232 : i32
          %get3A_234 = arith.index_cast %add3A_233 : i32 to index
          %get3A_235 = arith.constant 0 : index
          %get3A_236 = tpu.vector_load %arg13[%get3A_234, %get3A_235] {strides = array<i32>} : memref<128x128xf32, #tpu.memory_space<vmem>>, vector<16xf32>,
          %mul3A_237 = arith.mulf %get3A_236, %broadcast_in_dim3A_229 : vector<16xf32>
          %swap3A_238 = arith.index_cast %add3A_233 : i32 to index
          %swap3A_239 = arith.constant 0 : index
          %swap3A_240 = tpu.vector_load %arg13[%swap3A_238, %swap3A_239] {strides = array<i32>} : memref<128x128xf32, #tpu.memory_space<vmem>>, vector<16xf32>,
          tpu.vector_store %arg13[%swap3A_238, %swap3A_239], %mul3A_237 {strides = array<i32>} : memref<128x128xf32, #tpu.memory_space<vmem>>, vector<16xf32>,
          %get3A_241 = arith.index_cast %add3A_233 : i32 to index
          %get3A_242 = arith.constant 16 : index
          %get3A_243 = tpu.vector_load %arg13[%get3A_241, %get3A_242] {strides = array<i32>} : memref<128x128xf32, #tpu.memory_space<vmem>>, vector<16xf32>,
          %mul3A_244 = arith.mulf %get3A_243, %broadcast_in_dim3A_229 : vector<16xf32>
          %swap3A_245 = arith.index_cast %add3A_233 : i32 to index
          %swap3A_246 = arith.constant 16 : index
          %swap3A_247 = tpu.vector_load %arg13[%swap3A_245, %swap3A_246] {strides = array<i32>} : memref<128x128xf32, #tpu.memory_space<vmem>>, vector<16xf32>,
          tpu.vector_store %arg13[%swap3A_245, %swap3A_246], %mul3A_244 {strides = array<i32>} : memref<128x128xf32, #tpu.memory_space<vmem>>, vector<16xf32>,
          %get3A_248 = arith.index_cast %add3A_233 : i32 to index
          %get3A_249 = arith.constant 32 : index
          %get3A_250 = tpu.vector_load %arg13[%get3A_248, %get3A_249] {strides = array<i32>} : memref<128x128xf32, #tpu.memory_space<vmem>>, vector<16xf32>,
          %mul3A_251 = arith.mulf %get3A_250, %broadcast_in_dim3A_229 : vector<16xf32>
          %swap3A_252 = arith.index_cast %add3A_233 : i32 to index
          %swap3A_253 = arith.constant 32 : index
          %swap3A_254 = tpu.vector_load %arg13[%swap3A_252, %swap3A_253] {strides = array<i32>} : memref<128x128xf32, #tpu.memory_space<vmem>>, vector<16xf32>,
          tpu.vector_store %arg13[%swap3A_252, %swap3A_253], %mul3A_251 {strides = array<i32>} : memref<128x128xf32, #tpu.memory_space<vmem>>, vector<16xf32>,
          %get3A_255 = arith.index_cast %add3A_233 : i32 to index
          %get3A_256 = arith.constant 48 : index
          %get3A_257 = tpu.vector_load %arg13[%get3A_255, %get3A_256] {strides = array<i32>} : memref<128x128xf32, #tpu.memory_space<vmem>>, vector<16xf32>,
          %mul3A_258 = arith.mulf %get3A_257, %broadcast_in_dim3A_229 : vector<16xf32>
          %swap3A_259 = arith.index_cast %add3A_233 : i32 to index
          %swap3A_260 = arith.constant 48 : index
          %swap3A_261 = tpu.vector_load %arg13[%swap3A_259, %swap3A_260] {strides = array<i32>} : memref<128x128xf32, #tpu.memory_space<vmem>>, vector<16xf32>,
          tpu.vector_store %arg13[%swap3A_259, %swap3A_260], %mul3A_258 {strides = array<i32>} : memref<128x128xf32, #tpu.memory_space<vmem>>, vector<16xf32>,
          %get3A_262 = arith.index_cast %add3A_233 : i32 to index
          %get3A_263 = arith.constant 64 : index
          %get3A_264 = tpu.vector_load %arg13[%get3A_262, %get3A_263] {strides = array<i32>} : memref<128x128xf32, #tpu.memory_space<vmem>>, vector<16xf32>,
          %mul3A_265 = arith.mulf %get3A_264, %broadcast_in_dim3A_229 : vector<16xf32>
          %swap3A_266 = arith.index_cast %add3A_233 : i32 to index
          %swap3A_267 = arith.constant 64 : index
          %swap3A_268 = tpu.vector_load %arg13[%swap3A_266, %swap3A_267] {strides = array<i32>} : memref<128x128xf32, #tpu.memory_space<vmem>>, vector<16xf32>,
          tpu.vector_store %arg13[%swap3A_266, %swap3A_267], %mul3A_265 {strides = array<i32>} : memref<128x128xf32, #tpu.memory_space<vmem>>, vector<16xf32>,
          %get3A_269 = arith.index_cast %add3A_233 : i32 to index
          %get3A_270 = arith.constant 80 : index
          %get3A_271 = tpu.vector_load %arg13[%get3A_269, %get3A_270] {strides = array<i32>} : memref<128x128xf32, #tpu.memory_space<vmem>>, vector<16xf32>,
          %mul3A_272 = arith.mulf %get3A_271, %broadcast_in_dim3A_229 : vector<16xf32>
          %swap3A_273 = arith.index_cast %add3A_233 : i32 to index
          %swap3A_274 = arith.constant 80 : index
          %swap3A_275 = tpu.vector_load %arg13[%swap3A_273, %swap3A_274] {strides = array<i32>} : memref<128x128xf32, #tpu.memory_space<vmem>>, vector<16xf32>,
          tpu.vector_store %arg13[%swap3A_273, %swap3A_274], %mul3A_272 {strides = array<i32>} : memref<128x128xf32, #tpu.memory_space<vmem>>, vector<16xf32>,
          %get3A_276 = arith.index_cast %add3A_233 : i32 to index
          %get3A_277 = arith.constant 96 : index
          %get3A_278 = tpu.vector_load %arg13[%get3A_276, %get3A_277] {strides = array<i32>} : memref<128x128xf32, #tpu.memory_space<vmem>>, vector<16xf32>,
          %mul3A_279 = arith.mulf %get3A_278, %broadcast_in_dim3A_229 : vector<16xf32>
          %swap3A_280 = arith.index_cast %add3A_233 : i32 to index
          %swap3A_281 = arith.constant 96 : index
          %swap3A_282 = tpu.vector_load %arg13[%swap3A_280, %swap3A_281] {strides = array<i32>} : memref<128x128xf32, #tpu.memory_space<vmem>>, vector<16xf32>,
          tpu.vector_store %arg13[%swap3A_280, %swap3A_281], %mul3A_279 {strides = array<i32>} : memref<128x128xf32, #tpu.memory_space<vmem>>, vector<16xf32>,
          %get3A_283 = arith.index_cast %add3A_233 : i32 to index
          %get3A_284 = arith.constant 112 : index
          %get3A_285 = tpu.vector_load %arg13[%get3A_283, %get3A_284] {strides = array<i32>} : memref<128x128xf32, #tpu.memory_space<vmem>>, vector<16xf32>,
          %mul3A_286 = arith.mulf %get3A_285, %broadcast_in_dim3A_229 : vector<16xf32>
          %swap3A_287 = arith.index_cast %add3A_233 : i32 to index
          %swap3A_288 = arith.constant 112 : index
          %swap3A_289 = tpu.vector_load %arg13[%swap3A_287, %swap3A_288] {strides = array<i32>} : memref<128x128xf32, #tpu.memory_space<vmem>>, vector<16xf32>,
          tpu.vector_store %arg13[%swap3A_287, %swap3A_288], %mul3A_286 {strides = array<i32>} : memref<128x128xf32, #tpu.memory_space<vmem>>, vector<16xf32>,
          %slice3A_290 = vector.extract_strided_slice %get3A_104 {offsets = [3], sizes = [1], strides = [1]} : vector<16xf32> to vector<1xf32>
          %squeeze3A_291 = vector.extract %slice3A_290[0] : f32 from vector<1xf32>
          %broadcast_in_dim3A_292 = vector.broadcast %squeeze3A_291 : f32 to vector<16xf32>
          %mul3A_293 = arith.constant 16 : i32
          %mul3A_294 = arith.muli %scan3A_100, %mul3A_293 : i32
          %add3A_295 = arith.constant 3 : i32
          %add3A_296 = arith.addi %mul3A_294, %add3A_295 : i32
          %get3A_297 = arith.index_cast %add3A_296 : i32 to index
          %get3A_298 = arith.constant 0 : index
          %get3A_299 = tpu.vector_load %arg13[%get3A_297, %get3A_298] {strides = array<i32>} : memref<128x128xf32, #tpu.memory_space<vmem>>, vector<16xf32>,
          %mul3A_300 = arith.mulf %get3A_299, %broadcast_in_dim3A_292 : vector<16xf32>
          %swap3A_301 = arith.index_cast %add3A_296 : i32 to index
          %swap3A_302 = arith.constant 0 : index
          %swap3A_303 = tpu.vector_load %arg13[%swap3A_301, %swap3A_302] {strides = array<i32>} : memref<128x128xf32, #tpu.memory_space<vmem>>, vector<16xf32>,
          tpu.vector_store %arg13[%swap3A_301, %swap3A_302], %mul3A_300 {strides = array<i32>} : memref<128x128xf32, #tpu.memory_space<vmem>>, vector<16xf32>,
          %get3A_304 = arith.index_cast %add3A_296 : i32 to index
          %get3A_305 = arith.constant 16 : index
          %get3A_306 = tpu.vector_load %arg13[%get3A_304, %get3A_305] {strides = array<i32>} : memref<128x128xf32, #tpu.memory_space<vmem>>, vector<16xf32>,
          %mul3A_307 = arith.mulf %get3A_306, %broadcast_in_dim3A_292 : vector<16xf32>
          %swap3A_308 = arith.index_cast %add3A_296 : i32 to index
          %swap3A_309 = arith.constant 16 : index
          %swap3A_310 = tpu.vector_load %arg13[%swap3A_308, %swap3A_309] {strides = array<i32>} : memref<128x128xf32, #tpu.memory_space<vmem>>, vector<16xf32>,
          tpu.vector_store %arg13[%swap3A_308, %swap3A_309], %mul3A_307 {strides = array<i32>} : memref<128x128xf32, #tpu.memory_space<vmem>>, vector<16xf32>,
          %get3A_311 = arith.index_cast %add3A_296 : i32 to index
          %get3A_312 = arith.constant 32 : index
          %get3A_313 = tpu.vector_load %arg13[%get3A_311, %get3A_312] {strides = array<i32>} : memref<128x128xf32, #tpu.memory_space<vmem>>, vector<16xf32>,
          %mul3A_314 = arith.mulf %get3A_313, %broadcast_in_dim3A_292 : vector<16xf32>
          %swap3A_315 = arith.index_cast %add3A_296 : i32 to index
          %swap3A_316 = arith.constant 32 : index
          %swap3A_317 = tpu.vector_load %arg13[%swap3A_315, %swap3A_316] {strides = array<i32>} : memref<128x128xf32, #tpu.memory_space<vmem>>, vector<16xf32>,
          tpu.vector_store %arg13[%swap3A_315, %swap3A_316], %mul3A_314 {strides = array<i32>} : memref<128x128xf32, #tpu.memory_space<vmem>>, vector<16xf32>,
          %get3A_318 = arith.index_cast %add3A_296 : i32 to index
          %get3A_319 = arith.constant 48 : index
          %get3A_320 = tpu.vector_load %arg13[%get3A_318, %get3A_319] {strides = array<i32>} : memref<128x128xf32, #tpu.memory_space<vmem>>, vector<16xf32>,
          %mul3A_321 = arith.mulf %get3A_320, %broadcast_in_dim3A_292 : vector<16xf32>
          %swap3A_322 = arith.index_cast %add3A_296 : i32 to index
          %swap3A_323 = arith.constant 48 : index
          %swap3A_324 = tpu.vector_load %arg13[%swap3A_322, %swap3A_323] {strides = array<i32>} : memref<128x128xf32, #tpu.memory_space<vmem>>, vector<16xf32>,
          tpu.vector_store %arg13[%swap3A_322, %swap3A_323], %mul3A_321 {strides = array<i32>} : memref<128x128xf32, #tpu.memory_space<vmem>>, vector<16xf32>,
          %get3A_325 = arith.index_cast %add3A_296 : i32 to index
          %get3A_326 = arith.constant 64 : index
          %get3A_327 = tpu.vector_load %arg13[%get3A_325, %get3A_326] {strides = array<i32>} : memref<128x128xf32, #tpu.memory_space<vmem>>, vector<16xf32>,
          %mul3A_328 = arith.mulf %get3A_327, %broadcast_in_dim3A_292 : vector<16xf32>
          %swap3A_329 = arith.index_cast %add3A_296 : i32 to index
          %swap3A_330 = arith.constant 64 : index
          %swap3A_331 = tpu.vector_load %arg13[%swap3A_329, %swap3A_330] {strides = array<i32>} : memref<128x128xf32, #tpu.memory_space<vmem>>, vector<16xf32>,
          tpu.vector_store %arg13[%swap3A_329, %swap3A_330], %mul3A_328 {strides = array<i32>} : memref<128x128xf32, #tpu.memory_space<vmem>>, vector<16xf32>,
          %get3A_332 = arith.index_cast %add3A_296 : i32 to index
          %get3A_333 = arith.constant 80 : index
          %get3A_334 = tpu.vector_load %arg13[%get3A_332, %get3A_333] {strides = array<i32>} : memref<128x128xf32, #tpu.memory_space<vmem>>, vector<16xf32>,
          %mul3A_335 = arith.mulf %get3A_334, %broadcast_in_dim3A_292 : vector<16xf32>
          %swap3A_336 = arith.index_cast %add3A_296 : i32 to index
          %swap3A_337 = arith.constant 80 : index
          %swap3A_338 = tpu.vector_load %arg13[%swap3A_336, %swap3A_337] {strides = array<i32>} : memref<128x128xf32, #tpu.memory_space<vmem>>, vector<16xf32>,
          tpu.vector_store %arg13[%swap3A_336, %swap3A_337], %mul3A_335 {strides = array<i32>} : memref<128x128xf32, #tpu.memory_space<vmem>>, vector<16xf32>,
          %get3A_339 = arith.index_cast %add3A_296 : i32 to index
          %get3A_340 = arith.constant 96 : index
          %get3A_341 = tpu.vector_load %arg13[%get3A_339, %get3A_340] {strides = array<i32>} : memref<128x128xf32, #tpu.memory_space<vmem>>, vector<16xf32>,
          %mul3A_342 = arith.mulf %get3A_341, %broadcast_in_dim3A_292 : vector<16xf32>
          %swap3A_343 = arith.index_cast %add3A_296 : i32 to index
          %swap3A_344 = arith.constant 96 : index
          %swap3A_345 = tpu.vector_load %arg13[%swap3A_343, %swap3A_344] {strides = array<i32>} : memref<128x128xf32, #tpu.memory_space<vmem>>, vector<16xf32>,
          tpu.vector_store %arg13[%swap3A_343, %swap3A_344], %mul3A_342 {strides = array<i32>} : memref<128x128xf32, #tpu.memory_space<vmem>>, vector<16xf32>,
          %get3A_346 = arith.index_cast %add3A_296 : i32 to index
          %get3A_347 = arith.constant 112 : index
          %get3A_348 = tpu.vector_load %arg13[%get3A_346, %get3A_347] {strides = array<i32>} : memref<128x128xf32, #tpu.memory_space<vmem>>, vector<16xf32>,
          %mul3A_349 = arith.mulf %get3A_348, %broadcast_in_dim3A_292 : vector<16xf32>
          %swap3A_350 = arith.index_cast %add3A_296 : i32 to index
          %swap3A_351 = arith.constant 112 : index
          %swap3A_352 = tpu.vector_load %arg13[%swap3A_350, %swap3A_351] {strides = array<i32>} : memref<128x128xf32, #tpu.memory_space<vmem>>, vector<16xf32>,
          tpu.vector_store %arg13[%swap3A_350, %swap3A_351], %mul3A_349 {strides = array<i32>} : memref<128x128xf32, #tpu.memory_space<vmem>>, vector<16xf32>,
          %slice3A_353 = vector.extract_strided_slice %get3A_104 {offsets = [4], sizes = [1], strides = [1]} : vector<16xf32> to vector<1xf32>
          %squeeze3A_354 = vector.extract %slice3A_353[0] : f32 from vector<1xf32>
          %broadcast_in_dim3A_355 = vector.broadcast %squeeze3A_354 : f32 to vector<16xf32>
          %mul3A_356 = arith.constant 16 : i32
          %mul3A_357 = arith.muli %scan3A_100, %mul3A_356 : i32
          %add3A_358 = arith.constant 4 : i32
          %add3A_359 = arith.addi %mul3A_357, %add3A_358 : i32
          %get3A_360 = arith.index_cast %add3A_359 : i32 to index
          %get3A_361 = arith.constant 0 : index
          %get3A_362 = tpu.vector_load %arg13[%get3A_360, %get3A_361] {strides = array<i32>} : memref<128x128xf32, #tpu.memory_space<vmem>>, vector<16xf32>,
          %mul3A_363 = arith.mulf %get3A_362, %broadcast_in_dim3A_355 : vector<16xf32>
          %swap3A_364 = arith.index_cast %add3A_359 : i32 to index
          %swap3A_365 = arith.constant 0 : index
          %swap3A_366 = tpu.vector_load %arg13[%swap3A_364, %swap3A_365] {strides = array<i32>} : memref<128x128xf32, #tpu.memory_space<vmem>>, vector<16xf32>,
          tpu.vector_store %arg13[%swap3A_364, %swap3A_365], %mul3A_363 {strides = array<i32>} : memref<128x128xf32, #tpu.memory_space<vmem>>, vector<16xf32>,
          %get3A_367 = arith.index_cast %add3A_359 : i32 to index
          %get3A_368 = arith.constant 16 : index
          %get3A_369 = tpu.vector_load %arg13[%get3A_367, %get3A_368] {strides = array<i32>} : memref<128x128xf32, #tpu.memory_space<vmem>>, vector<16xf32>,
          %mul3A_370 = arith.mulf %get3A_369, %broadcast_in_dim3A_355 : vector<16xf32>
          %swap3A_371 = arith.index_cast %add3A_359 : i32 to index
          %swap3A_372 = arith.constant 16 : index
          %swap3A_373 = tpu.vector_load %arg13[%swap3A_371, %swap3A_372] {strides = array<i32>} : memref<128x128xf32, #tpu.memory_space<vmem>>, vector<16xf32>,
          tpu.vector_store %arg13[%swap3A_371, %swap3A_372], %mul3A_370 {strides = array<i32>} : memref<128x128xf32, #tpu.memory_space<vmem>>, vector<16xf32>,
          %get3A_374 = arith.index_cast %add3A_359 : i32 to index
          %get3A_375 = arith.constant 32 : index
          %get3A_376 = tpu.vector_load %arg13[%get3A_374, %get3A_375] {strides = array<i32>} : memref<128x128xf32, #tpu.memory_space<vmem>>, vector<16xf32>,
          %mul3A_377 = arith.mulf %get3A_376, %broadcast_in_dim3A_355 : vector<16xf32>
          %swap3A_378 = arith.index_cast %add3A_359 : i32 to index
          %swap3A_379 = arith.constant 32 : index
          %swap3A_380 = tpu.vector_load %arg13[%swap3A_378, %swap3A_379] {strides = array<i32>} : memref<128x128xf32, #tpu.memory_space<vmem>>, vector<16xf32>,
          tpu.vector_store %arg13[%swap3A_378, %swap3A_379], %mul3A_377 {strides = array<i32>} : memref<128x128xf32, #tpu.memory_space<vmem>>, vector<16xf32>,
          %get3A_381 = arith.index_cast %add3A_359 : i32 to index
          %get3A_382 = arith.constant 48 : index
          %get3A_383 = tpu.vector_load %arg13[%get3A_381, %get3A_382] {strides = array<i32>} : memref<128x128xf32, #tpu.memory_space<vmem>>, vector<16xf32>,
          %mul3A_384 = arith.mulf %get3A_383, %broadcast_in_dim3A_355 : vector<16xf32>
          %swap3A_385 = arith.index_cast %add3A_359 : i32 to index
          %swap3A_386 = arith.constant 48 : index
          %swap3A_387 = tpu.vector_load %arg13[%swap3A_385, %swap3A_386] {strides = array<i32>} : memref<128x128xf32, #tpu.memory_space<vmem>>, vector<16xf32>,
          tpu.vector_store %arg13[%swap3A_385, %swap3A_386], %mul3A_384 {strides = array<i32>} : memref<128x128xf32, #tpu.memory_space<vmem>>, vector<16xf32>,
          %get3A_388 = arith.index_cast %add3A_359 : i32 to index
          %get3A_389 = arith.constant 64 : index
          %get3A_390 = tpu.vector_load %arg13[%get3A_388, %get3A_389] {strides = array<i32>} : memref<128x128xf32, #tpu.memory_space<vmem>>, vector<16xf32>,
          %mul3A_391 = arith.mulf %get3A_390, %broadcast_in_dim3A_355 : vector<16xf32>
          %swap3A_392 = arith.index_cast %add3A_359 : i32 to index
          %swap3A_393 = arith.constant 64 : index
          %swap3A_394 = tpu.vector_load %arg13[%swap3A_392, %swap3A_393] {strides = array<i32>} : memref<128x128xf32, #tpu.memory_space<vmem>>, vector<16xf32>,
          tpu.vector_store %arg13[%swap3A_392, %swap3A_393], %mul3A_391 {strides = array<i32>} : memref<128x128xf32, #tpu.memory_space<vmem>>, vector<16xf32>,
          %get3A_395 = arith.index_cast %add3A_359 : i32 to index
          %get3A_396 = arith.constant 80 : index
          %get3A_397 = tpu.vector_load %arg13[%get3A_395, %get3A_396] {strides = array<i32>} : memref<128x128xf32, #tpu.memory_space<vmem>>, vector<16xf32>,
          %mul3A_398 = arith.mulf %get3A_397, %broadcast_in_dim3A_355 : vector<16xf32>
          %swap3A_399 = arith.index_cast %add3A_359 : i32 to index
          %swap3A_400 = arith.constant 80 : index
          %swap3A_401 = tpu.vector_load %arg13[%swap3A_399, %swap3A_400] {strides = array<i32>} : memref<128x128xf32, #tpu.memory_space<vmem>>, vector<16xf32>,
          tpu.vector_store %arg13[%swap3A_399, %swap3A_400], %mul3A_398 {strides = array<i32>} : memref<128x128xf32, #tpu.memory_space<vmem>>, vector<16xf32>,
          %get3A_402 = arith.index_cast %add3A_359 : i32 to index
          %get3A_403 = arith.constant 96 : index
          %get3A_404 = tpu.vector_load %arg13[%get3A_402, %get3A_403] {strides = array<i32>} : memref<128x128xf32, #tpu.memory_space<vmem>>, vector<16xf32>,
          %mul3A_405 = arith.mulf %get3A_404, %broadcast_in_dim3A_355 : vector<16xf32>
          %swap3A_406 = arith.index_cast %add3A_359 : i32 to index
          %swap3A_407 = arith.constant 96 : index
          %swap3A_408 = tpu.vector_load %arg13[%swap3A_406, %swap3A_407] {strides = array<i32>} : memref<128x128xf32, #tpu.memory_space<vmem>>, vector<16xf32>,
          tpu.vector_store %arg13[%swap3A_406, %swap3A_407], %mul3A_405 {strides = array<i32>} : memref<128x128xf32, #tpu.memory_space<vmem>>, vector<16xf32>,
          %get3A_409 = arith.index_cast %add3A_359 : i32 to index
          %get3A_410 = arith.constant 112 : index
          %get3A_411 = tpu.vector_load %arg13[%get3A_409, %get3A_410] {strides = array<i32>} : memref<128x128xf32, #tpu.memory_space<vmem>>, vector<16xf32>,
          %mul3A_412 = arith.mulf %get3A_411, %broadcast_in_dim3A_355 : vector<16xf32>
          %swap3A_413 = arith.index_cast %add3A_359 : i32 to index
          %swap3A_414 = arith.constant 112 : index
          %swap3A_415 = tpu.vector_load %arg13[%swap3A_413, %swap3A_414] {strides = array<i32>} : memref<128x128xf32, #tpu.memory_space<vmem>>, vector<16xf32>,
          tpu.vector_store %arg13[%swap3A_413, %swap3A_414], %mul3A_412 {strides = array<i32>} : memref<128x128xf32, #tpu.memory_space<vmem>>, vector<16xf32>,
          %slice3A_416 = vector.extract_strided_slice %get3A_104 {offsets = [5], sizes = [1], strides = [1]} : vector<16xf32> to vector<1xf32>
          %squeeze3A_417 = vector.extract %slice3A_416[0] : f32 from vector<1xf32>
          %broadcast_in_dim3A_418 = vector.broadcast %squeeze3A_417 : f32 to vector<16xf32>
          %mul3A_419 = arith.constant 16 : i32
          %mul3A_420 = arith.muli %scan3A_100, %mul3A_419 : i32
          %add3A_421 = arith.constant 5 : i32
          %add3A_422 = arith.addi %mul3A_420, %add3A_421 : i32
          %get3A_423 = arith.index_cast %add3A_422 : i32 to index
          %get3A_424 = arith.constant 0 : index
          %get3A_425 = tpu.vector_load %arg13[%get3A_423, %get3A_424] {strides = array<i32>} : memref<128x128xf32, #tpu.memory_space<vmem>>, vector<16xf32>,
          %mul3A_426 = arith.mulf %get3A_425, %broadcast_in_dim3A_418 : vector<16xf32>
          %swap3A_427 = arith.index_cast %add3A_422 : i32 to index
          %swap3A_428 = arith.constant 0 : index
          %swap3A_429 = tpu.vector_load %arg13[%swap3A_427, %swap3A_428] {strides = array<i32>} : memref<128x128xf32, #tpu.memory_space<vmem>>, vector<16xf32>,
          tpu.vector_store %arg13[%swap3A_427, %swap3A_428], %mul3A_426 {strides = array<i32>} : memref<128x128xf32, #tpu.memory_space<vmem>>, vector<16xf32>,
          %get3A_430 = arith.index_cast %add3A_422 : i32 to index
          %get3A_431 = arith.constant 16 : index
          %get3A_432 = tpu.vector_load %arg13[%get3A_430, %get3A_431] {strides = array<i32>} : memref<128x128xf32, #tpu.memory_space<vmem>>, vector<16xf32>,
          %mul3A_433 = arith.mulf %get3A_432, %broadcast_in_dim3A_418 : vector<16xf32>
          %swap3A_434 = arith.index_cast %add3A_422 : i32 to index
          %swap3A_435 = arith.constant 16 : index
          %swap3A_436 = tpu.vector_load %arg13[%swap3A_434, %swap3A_435] {strides = array<i32>} : memref<128x128xf32, #tpu.memory_space<vmem>>, vector<16xf32>,
          tpu.vector_store %arg13[%swap3A_434, %swap3A_435], %mul3A_433 {strides = array<i32>} : memref<128x128xf32, #tpu.memory_space<vmem>>, vector<16xf32>,
          %get3A_437 = arith.index_cast %add3A_422 : i32 to index
          %get3A_438 = arith.constant 32 : index
          %get3A_439 = tpu.vector_load %arg13[%get3A_437, %get3A_438] {strides = array<i32>} : memref<128x128xf32, #tpu.memory_space<vmem>>, vector<16xf32>,
          %mul3A_440 = arith.mulf %get3A_439, %broadcast_in_dim3A_418 : vector<16xf32>
          %swap3A_441 = arith.index_cast %add3A_422 : i32 to index
          %swap3A_442 = arith.constant 32 : index
          %swap3A_443 = tpu.vector_load %arg13[%swap3A_441, %swap3A_442] {strides = array<i32>} : memref<128x128xf32, #tpu.memory_space<vmem>>, vector<16xf32>,
          tpu.vector_store %arg13[%swap3A_441, %swap3A_442], %mul3A_440 {strides = array<i32>} : memref<128x128xf32, #tpu.memory_space<vmem>>, vector<16xf32>,
          %get3A_444 = arith.index_cast %add3A_422 : i32 to index
          %get3A_445 = arith.constant 48 : index
          %get3A_446 = tpu.vector_load %arg13[%get3A_444, %get3A_445] {strides = array<i32>} : memref<128x128xf32, #tpu.memory_space<vmem>>, vector<16xf32>,
          %mul3A_447 = arith.mulf %get3A_446, %broadcast_in_dim3A_418 : vector<16xf32>
          %swap3A_448 = arith.index_cast %add3A_422 : i32 to index
          %swap3A_449 = arith.constant 48 : index
          %swap3A_450 = tpu.vector_load %arg13[%swap3A_448, %swap3A_449] {strides = array<i32>} : memref<128x128xf32, #tpu.memory_space<vmem>>, vector<16xf32>,
          tpu.vector_store %arg13[%swap3A_448, %swap3A_449], %mul3A_447 {strides = array<i32>} : memref<128x128xf32, #tpu.memory_space<vmem>>, vector<16xf32>,
          %get3A_451 = arith.index_cast %add3A_422 : i32 to index
          %get3A_452 = arith.constant 64 : index
          %get3A_453 = tpu.vector_load %arg13[%get3A_451, %get3A_452] {strides = array<i32>} : memref<128x128xf32, #tpu.memory_space<vmem>>, vector<16xf32>,
          %mul3A_454 = arith.mulf %get3A_453, %broadcast_in_dim3A_418 : vector<16xf32>
          %swap3A_455 = arith.index_cast %add3A_422 : i32 to index
          %swap3A_456 = arith.constant 64 : index
          %swap3A_457 = tpu.vector_load %arg13[%swap3A_455, %swap3A_456] {strides = array<i32>} : memref<128x128xf32, #tpu.memory_space<vmem>>, vector<16xf32>,
          tpu.vector_store %arg13[%swap3A_455, %swap3A_456], %mul3A_454 {strides = array<i32>} : memref<128x128xf32, #tpu.memory_space<vmem>>, vector<16xf32>,
          %get3A_458 = arith.index_cast %add3A_422 : i32 to index
          %get3A_459 = arith.constant 80 : index
          %get3A_460 = tpu.vector_load %arg13[%get3A_458, %get3A_459] {strides = array<i32>} : memref<128x128xf32, #tpu.memory_space<vmem>>, vector<16xf32>,
          %mul3A_461 = arith.mulf %get3A_460, %broadcast_in_dim3A_418 : vector<16xf32>
          %swap3A_462 = arith.index_cast %add3A_422 : i32 to index
          %swap3A_463 = arith.constant 80 : index
          %swap3A_464 = tpu.vector_load %arg13[%swap3A_462, %swap3A_463] {strides = array<i32>} : memref<128x128xf32, #tpu.memory_space<vmem>>, vector<16xf32>,
          tpu.vector_store %arg13[%swap3A_462, %swap3A_463], %mul3A_461 {strides = array<i32>} : memref<128x128xf32, #tpu.memory_space<vmem>>, vector<16xf32>,
          %get3A_465 = arith.index_cast %add3A_422 : i32 to index
          %get3A_466 = arith.constant 96 : index
          %get3A_467 = tpu.vector_load %arg13[%get3A_465, %get3A_466] {strides = array<i32>} : memref<128x128xf32, #tpu.memory_space<vmem>>, vector<16xf32>,
          %mul3A_468 = arith.mulf %get3A_467, %broadcast_in_dim3A_418 : vector<16xf32>
          %swap3A_469 = arith.index_cast %add3A_422 : i32 to index
          %swap3A_470 = arith.constant 96 : index
          %swap3A_471 = tpu.vector_load %arg13[%swap3A_469, %swap3A_470] {strides = array<i32>} : memref<128x128xf32, #tpu.memory_space<vmem>>, vector<16xf32>,
          tpu.vector_store %arg13[%swap3A_469, %swap3A_470], %mul3A_468 {strides = array<i32>} : memref<128x128xf32, #tpu.memory_space<vmem>>, vector<16xf32>,
          %get3A_472 = arith.index_cast %add3A_422 : i32 to index
          %get3A_473 = arith.constant 112 : index
          %get3A_474 = tpu.vector_load %arg13[%get3A_472, %get3A_473] {strides = array<i32>} : memref<128x128xf32, #tpu.memory_space<vmem>>, vector<16xf32>,
          %mul3A_475 = arith.mulf %get3A_474, %broadcast_in_dim3A_418 : vector<16xf32>
          %swap3A_476 = arith.index_cast %add3A_422 : i32 to index
          %swap3A_477 = arith.constant 112 : index
          %swap3A_478 = tpu.vector_load %arg13[%swap3A_476, %swap3A_477] {strides = array<i32>} : memref<128x128xf32, #tpu.memory_space<vmem>>, vector<16xf32>,
          tpu.vector_store %arg13[%swap3A_476, %swap3A_477], %mul3A_475 {strides = array<i32>} : memref<128x128xf32, #tpu.memory_space<vmem>>, vector<16xf32>,
          %slice3A_479 = vector.extract_strided_slice %get3A_104 {offsets = [6], sizes = [1], strides = [1]} : vector<16xf32> to vector<1xf32>
          %squeeze3A_480 = vector.extract %slice3A_479[0] : f32 from vector<1xf32>
          %broadcast_in_dim3A_481 = vector.broadcast %squeeze3A_480 : f32 to vector<16xf32>
          %mul3A_482 = arith.constant 16 : i32
          %mul3A_483 = arith.muli %scan3A_100, %mul3A_482 : i32
          %add3A_484 = arith.constant 6 : i32
          %add3A_485 = arith.addi %mul3A_483, %add3A_484 : i32
          %get3A_486 = arith.index_cast %add3A_485 : i32 to index
          %get3A_487 = arith.constant 0 : index
          %get3A_488 = tpu.vector_load %arg13[%get3A_486, %get3A_487] {strides = array<i32>} : memref<128x128xf32, #tpu.memory_space<vmem>>, vector<16xf32>,
          %mul3A_489 = arith.mulf %get3A_488, %broadcast_in_dim3A_481 : vector<16xf32>
          %swap3A_490 = arith.index_cast %add3A_485 : i32 to index
          %swap3A_491 = arith.constant 0 : index
          %swap3A_492 = tpu.vector_load %arg13[%swap3A_490, %swap3A_491] {strides = array<i32>} : memref<128x128xf32, #tpu.memory_space<vmem>>, vector<16xf32>,
          tpu.vector_store %arg13[%swap3A_490, %swap3A_491], %mul3A_489 {strides = array<i32>} : memref<128x128xf32, #tpu.memory_space<vmem>>, vector<16xf32>,
          %get3A_493 = arith.index_cast %add3A_485 : i32 to index
          %get3A_494 = arith.constant 16 : index
          %get3A_495 = tpu.vector_load %arg13[%get3A_493, %get3A_494] {strides = array<i32>} : memref<128x128xf32, #tpu.memory_space<vmem>>, vector<16xf32>,
          %mul3A_496 = arith.mulf %get3A_495, %broadcast_in_dim3A_481 : vector<16xf32>
          %swap3A_497 = arith.index_cast %add3A_485 : i32 to index
          %swap3A_498 = arith.constant 16 : index
          %swap3A_499 = tpu.vector_load %arg13[%swap3A_497, %swap3A_498] {strides = array<i32>} : memref<128x128xf32, #tpu.memory_space<vmem>>, vector<16xf32>,
          tpu.vector_store %arg13[%swap3A_497, %swap3A_498], %mul3A_496 {strides = array<i32>} : memref<128x128xf32, #tpu.memory_space<vmem>>, vector<16xf32>,
          %get3A_500 = arith.index_cast %add3A_485 : i32 to index
          %get3A_501 = arith.constant 32 : index
          %get3A_502 = tpu.vector_load %arg13[%get3A_500, %get3A_501] {strides = array<i32>} : memref<128x128xf32, #tpu.memory_space<vmem>>, vector<16xf32>,
          %mul3A_503 = arith.mulf %get3A_502, %broadcast_in_dim3A_481 : vector<16xf32>
          %swap3A_504 = arith.index_cast %add3A_485 : i32 to index
          %swap3A_505 = arith.constant 32 : index
          %swap3A_506 = tpu.vector_load %arg13[%swap3A_504, %swap3A_505] {strides = array<i32>} : memref<128x128xf32, #tpu.memory_space<vmem>>, vector<16xf32>,
          tpu.vector_store %arg13[%swap3A_504, %swap3A_505], %mul3A_503 {strides = array<i32>} : memref<128x128xf32, #tpu.memory_space<vmem>>, vector<16xf32>,
          %get3A_507 = arith.index_cast %add3A_485 : i32 to index
          %get3A_508 = arith.constant 48 : index
          %get3A_509 = tpu.vector_load %arg13[%get3A_507, %get3A_508] {strides = array<i32>} : memref<128x128xf32, #tpu.memory_space<vmem>>, vector<16xf32>,
          %mul3A_510 = arith.mulf %get3A_509, %broadcast_in_dim3A_481 : vector<16xf32>
          %swap3A_511 = arith.index_cast %add3A_485 : i32 to index
          %swap3A_512 = arith.constant 48 : index
          %swap3A_513 = tpu.vector_load %arg13[%swap3A_511, %swap3A_512] {strides = array<i32>} : memref<128x128xf32, #tpu.memory_space<vmem>>, vector<16xf32>,
          tpu.vector_store %arg13[%swap3A_511, %swap3A_512], %mul3A_510 {strides = array<i32>} : memref<128x128xf32, #tpu.memory_space<vmem>>, vector<16xf32>,
          %get3A_514 = arith.index_cast %add3A_485 : i32 to index
          %get3A_515 = arith.constant 64 : index
          %get3A_516 = tpu.vector_load %arg13[%get3A_514, %get3A_515] {strides = array<i32>} : memref<128x128xf32, #tpu.memory_space<vmem>>, vector<16xf32>,
          %mul3A_517 = arith.mulf %get3A_516, %broadcast_in_dim3A_481 : vector<16xf32>
          %swap3A_518 = arith.index_cast %add3A_485 : i32 to index
          %swap3A_519 = arith.constant 64 : index
          %swap3A_520 = tpu.vector_load %arg13[%swap3A_518, %swap3A_519] {strides = array<i32>} : memref<128x128xf32, #tpu.memory_space<vmem>>, vector<16xf32>,
          tpu.vector_store %arg13[%swap3A_518, %swap3A_519], %mul3A_517 {strides = array<i32>} : memref<128x128xf32, #tpu.memory_space<vmem>>, vector<16xf32>,
          %get3A_521 = arith.index_cast %add3A_485 : i32 to index
          %get3A_522 = arith.constant 80 : index
          %get3A_523 = tpu.vector_load %arg13[%get3A_521, %get3A_522] {strides = array<i32>} : memref<128x128xf32, #tpu.memory_space<vmem>>, vector<16xf32>,
          %mul3A_524 = arith.mulf %get3A_523, %broadcast_in_dim3A_481 : vector<16xf32>
          %swap3A_525 = arith.index_cast %add3A_485 : i32 to index
          %swap3A_526 = arith.constant 80 : index
          %swap3A_527 = tpu.vector_load %arg13[%swap3A_525, %swap3A_526] {strides = array<i32>} : memref<128x128xf32, #tpu.memory_space<vmem>>, vector<16xf32>,
          tpu.vector_store %arg13[%swap3A_525, %swap3A_526], %mul3A_524 {strides = array<i32>} : memref<128x128xf32, #tpu.memory_space<vmem>>, vector<16xf32>,
          %get3A_528 = arith.index_cast %add3A_485 : i32 to index
          %get3A_529 = arith.constant 96 : index
          %get3A_530 = tpu.vector_load %arg13[%get3A_528, %get3A_529] {strides = array<i32>} : memref<128x128xf32, #tpu.memory_space<vmem>>, vector<16xf32>,
          %mul3A_531 = arith.mulf %get3A_530, %broadcast_in_dim3A_481 : vector<16xf32>
          %swap3A_532 = arith.index_cast %add3A_485 : i32 to index
          %swap3A_533 = arith.constant 96 : index
          %swap3A_534 = tpu.vector_load %arg13[%swap3A_532, %swap3A_533] {strides = array<i32>} : memref<128x128xf32, #tpu.memory_space<vmem>>, vector<16xf32>,
          tpu.vector_store %arg13[%swap3A_532, %swap3A_533], %mul3A_531 {strides = array<i32>} : memref<128x128xf32, #tpu.memory_space<vmem>>, vector<16xf32>,
          %get3A_535 = arith.index_cast %add3A_485 : i32 to index
          %get3A_536 = arith.constant 112 : index
          %get3A_537 = tpu.vector_load %arg13[%get3A_535, %get3A_536] {strides = array<i32>} : memref<128x128xf32, #tpu.memory_space<vmem>>, vector<16xf32>,
          %mul3A_538 = arith.mulf %get3A_537, %broadcast_in_dim3A_481 : vector<16xf32>
          %swap3A_539 = arith.index_cast %add3A_485 : i32 to index
          %swap3A_540 = arith.constant 112 : index
          %swap3A_541 = tpu.vector_load %arg13[%swap3A_539, %swap3A_540] {strides = array<i32>} : memref<128x128xf32, #tpu.memory_space<vmem>>, vector<16xf32>,
          tpu.vector_store %arg13[%swap3A_539, %swap3A_540], %mul3A_538 {strides = array<i32>} : memref<128x128xf32, #tpu.memory_space<vmem>>, vector<16xf32>,
          %slice3A_542 = vector.extract_strided_slice %get3A_104 {offsets = [7], sizes = [1], strides = [1]} : vector<16xf32> to vector<1xf32>
          %squeeze3A_543 = vector.extract %slice3A_542[0] : f32 from vector<1xf32>
          %broadcast_in_dim3A_544 = vector.broadcast %squeeze3A_543 : f32 to vector<16xf32>
          %mul3A_545 = arith.constant 16 : i32
          %mul3A_546 = arith.muli %scan3A_100, %mul3A_545 : i32
          %add3A_547 = arith.constant 7 : i32
          %add3A_548 = arith.addi %mul3A_546, %add3A_547 : i32
          %get3A_549 = arith.index_cast %add3A_548 : i32 to index
          %get3A_550 = arith.constant 0 : index
          %get3A_551 = tpu.vector_load %arg13[%get3A_549, %get3A_550] {strides = array<i32>} : memref<128x128xf32, #tpu.memory_space<vmem>>, vector<16xf32>,
          %mul3A_552 = arith.mulf %get3A_551, %broadcast_in_dim3A_544 : vector<16xf32>
          %swap3A_553 = arith.index_cast %add3A_548 : i32 to index
          %swap3A_554 = arith.constant 0 : index
          %swap3A_555 = tpu.vector_load %arg13[%swap3A_553, %swap3A_554] {strides = array<i32>} : memref<128x128xf32, #tpu.memory_space<vmem>>, vector<16xf32>,
          tpu.vector_store %arg13[%swap3A_553, %swap3A_554], %mul3A_552 {strides = array<i32>} : memref<128x128xf32, #tpu.memory_space<vmem>>, vector<16xf32>,
          %get3A_556 = arith.index_cast %add3A_548 : i32 to index
          %get3A_557 = arith.constant 16 : index
          %get3A_558 = tpu.vector_load %arg13[%get3A_556, %get3A_557] {strides = array<i32>} : memref<128x128xf32, #tpu.memory_space<vmem>>, vector<16xf32>,
          %mul3A_559 = arith.mulf %get3A_558, %broadcast_in_dim3A_544 : vector<16xf32>
          %swap3A_560 = arith.index_cast %add3A_548 : i32 to index
          %swap3A_561 = arith.constant 16 : index
          %swap3A_562 = tpu.vector_load %arg13[%swap3A_560, %swap3A_561] {strides = array<i32>} : memref<128x128xf32, #tpu.memory_space<vmem>>, vector<16xf32>,
          tpu.vector_store %arg13[%swap3A_560, %swap3A_561], %mul3A_559 {strides = array<i32>} : memref<128x128xf32, #tpu.memory_space<vmem>>, vector<16xf32>,
          %get3A_563 = arith.index_cast %add3A_548 : i32 to index
          %get3A_564 = arith.constant 32 : index
          %get3A_565 = tpu.vector_load %arg13[%get3A_563, %get3A_564] {strides = array<i32>} : memref<128x128xf32, #tpu.memory_space<vmem>>, vector<16xf32>,
          %mul3A_566 = arith.mulf %get3A_565, %broadcast_in_dim3A_544 : vector<16xf32>
          %swap3A_567 = arith.index_cast %add3A_548 : i32 to index
          %swap3A_568 = arith.constant 32 : index
          %swap3A_569 = tpu.vector_load %arg13[%swap3A_567, %swap3A_568] {strides = array<i32>} : memref<128x128xf32, #tpu.memory_space<vmem>>, vector<16xf32>,
          tpu.vector_store %arg13[%swap3A_567, %swap3A_568], %mul3A_566 {strides = array<i32>} : memref<128x128xf32, #tpu.memory_space<vmem>>, vector<16xf32>,
          %get3A_570 = arith.index_cast %add3A_548 : i32 to index
          %get3A_571 = arith.constant 48 : index
          %get3A_572 = tpu.vector_load %arg13[%get3A_570, %get3A_571] {strides = array<i32>} : memref<128x128xf32, #tpu.memory_space<vmem>>, vector<16xf32>,
          %mul3A_573 = arith.mulf %get3A_572, %broadcast_in_dim3A_544 : vector<16xf32>
          %swap3A_574 = arith.index_cast %add3A_548 : i32 to index
          %swap3A_575 = arith.constant 48 : index
          %swap3A_576 = tpu.vector_load %arg13[%swap3A_574, %swap3A_575] {strides = array<i32>} : memref<128x128xf32, #tpu.memory_space<vmem>>, vector<16xf32>,
          tpu.vector_store %arg13[%swap3A_574, %swap3A_575], %mul3A_573 {strides = array<i32>} : memref<128x128xf32, #tpu.memory_space<vmem>>, vector<16xf32>,
          %get3A_577 = arith.index_cast %add3A_548 : i32 to index
          %get3A_578 = arith.constant 64 : index
          %get3A_579 = tpu.vector_load %arg13[%get3A_577, %get3A_578] {strides = array<i32>} : memref<128x128xf32, #tpu.memory_space<vmem>>, vector<16xf32>,
          %mul3A_580 = arith.mulf %get3A_579, %broadcast_in_dim3A_544 : vector<16xf32>
          %swap3A_581 = arith.index_cast %add3A_548 : i32 to index
          %swap3A_582 = arith.constant 64 : index
          %swap3A_583 = tpu.vector_load %arg13[%swap3A_581, %swap3A_582] {strides = array<i32>} : memref<128x128xf32, #tpu.memory_space<vmem>>, vector<16xf32>,
          tpu.vector_store %arg13[%swap3A_581, %swap3A_582], %mul3A_580 {strides = array<i32>} : memref<128x128xf32, #tpu.memory_space<vmem>>, vector<16xf32>,
          %get3A_584 = arith.index_cast %add3A_548 : i32 to index
          %get3A_585 = arith.constant 80 : index
          %get3A_586 = tpu.vector_load %arg13[%get3A_584, %get3A_585] {strides = array<i32>} : memref<128x128xf32, #tpu.memory_space<vmem>>, vector<16xf32>,
          %mul3A_587 = arith.mulf %get3A_586, %broadcast_in_dim3A_544 : vector<16xf32>
          %swap3A_588 = arith.index_cast %add3A_548 : i32 to index
          %swap3A_589 = arith.constant 80 : index
          %swap3A_590 = tpu.vector_load %arg13[%swap3A_588, %swap3A_589] {strides = array<i32>} : memref<128x128xf32, #tpu.memory_space<vmem>>, vector<16xf32>,
          tpu.vector_store %arg13[%swap3A_588, %swap3A_589], %mul3A_587 {strides = array<i32>} : memref<128x128xf32, #tpu.memory_space<vmem>>, vector<16xf32>,
          %get3A_591 = arith.index_cast %add3A_548 : i32 to index
          %get3A_592 = arith.constant 96 : index
          %get3A_593 = tpu.vector_load %arg13[%get3A_591, %get3A_592] {strides = array<i32>} : memref<128x128xf32, #tpu.memory_space<vmem>>, vector<16xf32>,
          %mul3A_594 = arith.mulf %get3A_593, %broadcast_in_dim3A_544 : vector<16xf32>
          %swap3A_595 = arith.index_cast %add3A_548 : i32 to index
          %swap3A_596 = arith.constant 96 : index
          %swap3A_597 = tpu.vector_load %arg13[%swap3A_595, %swap3A_596] {strides = array<i32>} : memref<128x128xf32, #tpu.memory_space<vmem>>, vector<16xf32>,
          tpu.vector_store %arg13[%swap3A_595, %swap3A_596], %mul3A_594 {strides = array<i32>} : memref<128x128xf32, #tpu.memory_space<vmem>>, vector<16xf32>,
          %get3A_598 = arith.index_cast %add3A_548 : i32 to index
          %get3A_599 = arith.constant 112 : index
          %get3A_600 = tpu.vector_load %arg13[%get3A_598, %get3A_599] {strides = array<i32>} : memref<128x128xf32, #tpu.memory_space<vmem>>, vector<16xf32>,
          %mul3A_601 = arith.mulf %get3A_600, %broadcast_in_dim3A_544 : vector<16xf32>
          %swap3A_602 = arith.index_cast %add3A_548 : i32 to index
          %swap3A_603 = arith.constant 112 : index
          %swap3A_604 = tpu.vector_load %arg13[%swap3A_602, %swap3A_603] {strides = array<i32>} : memref<128x128xf32, #tpu.memory_space<vmem>>, vector<16xf32>,
          tpu.vector_store %arg13[%swap3A_602, %swap3A_603], %mul3A_601 {strides = array<i32>} : memref<128x128xf32, #tpu.memory_space<vmem>>, vector<16xf32>,
          %slice3A_605 = vector.extract_strided_slice %get3A_104 {offsets = [8], sizes = [1], strides = [1]} : vector<16xf32> to vector<1xf32>
          %squeeze3A_606 = vector.extract %slice3A_605[0] : f32 from vector<1xf32>
          %broadcast_in_dim3A_607 = vector.broadcast %squeeze3A_606 : f32 to vector<16xf32>
          %mul3A_608 = arith.constant 16 : i32
          %mul3A_609 = arith.muli %scan3A_100, %mul3A_608 : i32
          %add3A_610 = arith.constant 8 : i32
          %add3A_611 = arith.addi %mul3A_609, %add3A_610 : i32
          %get3A_612 = arith.index_cast %add3A_611 : i32 to index
          %get3A_613 = arith.constant 0 : index
          %get3A_614 = tpu.vector_load %arg13[%get3A_612, %get3A_613] {strides = array<i32>} : memref<128x128xf32, #tpu.memory_space<vmem>>, vector<16xf32>,
          %mul3A_615 = arith.mulf %get3A_614, %broadcast_in_dim3A_607 : vector<16xf32>
          %swap3A_616 = arith.index_cast %add3A_611 : i32 to index
          %swap3A_617 = arith.constant 0 : index
          %swap3A_618 = tpu.vector_load %arg13[%swap3A_616, %swap3A_617] {strides = array<i32>} : memref<128x128xf32, #tpu.memory_space<vmem>>, vector<16xf32>,
          tpu.vector_store %arg13[%swap3A_616, %swap3A_617], %mul3A_615 {strides = array<i32>} : memref<128x128xf32, #tpu.memory_space<vmem>>, vector<16xf32>,
          %get3A_619 = arith.index_cast %add3A_611 : i32 to index
          %get3A_620 = arith.constant 16 : index
          %get3A_621 = tpu.vector_load %arg13[%get3A_619, %get3A_620] {strides = array<i32>} : memref<128x128xf32, #tpu.memory_space<vmem>>, vector<16xf32>,
          %mul3A_622 = arith.mulf %get3A_621, %broadcast_in_dim3A_607 : vector<16xf32>
          %swap3A_623 = arith.index_cast %add3A_611 : i32 to index
          %swap3A_624 = arith.constant 16 : index
          %swap3A_625 = tpu.vector_load %arg13[%swap3A_623, %swap3A_624] {strides = array<i32>} : memref<128x128xf32, #tpu.memory_space<vmem>>, vector<16xf32>,
          tpu.vector_store %arg13[%swap3A_623, %swap3A_624], %mul3A_622 {strides = array<i32>} : memref<128x128xf32, #tpu.memory_space<vmem>>, vector<16xf32>,
          %get3A_626 = arith.index_cast %add3A_611 : i32 to index
          %get3A_627 = arith.constant 32 : index
          %get3A_628 = tpu.vector_load %arg13[%get3A_626, %get3A_627] {strides = array<i32>} : memref<128x128xf32, #tpu.memory_space<vmem>>, vector<16xf32>,
          %mul3A_629 = arith.mulf %get3A_628, %broadcast_in_dim3A_607 : vector<16xf32>
          %swap3A_630 = arith.index_cast %add3A_611 : i32 to index
          %swap3A_631 = arith.constant 32 : index
          %swap3A_632 = tpu.vector_load %arg13[%swap3A_630, %swap3A_631] {strides = array<i32>} : memref<128x128xf32, #tpu.memory_space<vmem>>, vector<16xf32>,
          tpu.vector_store %arg13[%swap3A_630, %swap3A_631], %mul3A_629 {strides = array<i32>} : memref<128x128xf32, #tpu.memory_space<vmem>>, vector<16xf32>,
          %get3A_633 = arith.index_cast %add3A_611 : i32 to index
          %get3A_634 = arith.constant 48 : index
          %get3A_635 = tpu.vector_load %arg13[%get3A_633, %get3A_634] {strides = array<i32>} : memref<128x128xf32, #tpu.memory_space<vmem>>, vector<16xf32>,
          %mul3A_636 = arith.mulf %get3A_635, %broadcast_in_dim3A_607 : vector<16xf32>
          %swap3A_637 = arith.index_cast %add3A_611 : i32 to index
          %swap3A_638 = arith.constant 48 : index
          %swap3A_639 = tpu.vector_load %arg13[%swap3A_637, %swap3A_638] {strides = array<i32>} : memref<128x128xf32, #tpu.memory_space<vmem>>, vector<16xf32>,
          tpu.vector_store %arg13[%swap3A_637, %swap3A_638], %mul3A_636 {strides = array<i32>} : memref<128x128xf32, #tpu.memory_space<vmem>>, vector<16xf32>,
          %get3A_640 = arith.index_cast %add3A_611 : i32 to index
          %get3A_641 = arith.constant 64 : index
          %get3A_642 = tpu.vector_load %arg13[%get3A_640, %get3A_641] {strides = array<i32>} : memref<128x128xf32, #tpu.memory_space<vmem>>, vector<16xf32>,
          %mul3A_643 = arith.mulf %get3A_642, %broadcast_in_dim3A_607 : vector<16xf32>
          %swap3A_644 = arith.index_cast %add3A_611 : i32 to index
          %swap3A_645 = arith.constant 64 : index
          %swap3A_646 = tpu.vector_load %arg13[%swap3A_644, %swap3A_645] {strides = array<i32>} : memref<128x128xf32, #tpu.memory_space<vmem>>, vector<16xf32>,
          tpu.vector_store %arg13[%swap3A_644, %swap3A_645], %mul3A_643 {strides = array<i32>} : memref<128x128xf32, #tpu.memory_space<vmem>>, vector<16xf32>,
          %get3A_647 = arith.index_cast %add3A_611 : i32 to index
          %get3A_648 = arith.constant 80 : index
          %get3A_649 = tpu.vector_load %arg13[%get3A_647, %get3A_648] {strides = array<i32>} : memref<128x128xf32, #tpu.memory_space<vmem>>, vector<16xf32>,
          %mul3A_650 = arith.mulf %get3A_649, %broadcast_in_dim3A_607 : vector<16xf32>
          %swap3A_651 = arith.index_cast %add3A_611 : i32 to index
          %swap3A_652 = arith.constant 80 : index
          %swap3A_653 = tpu.vector_load %arg13[%swap3A_651, %swap3A_652] {strides = array<i32>} : memref<128x128xf32, #tpu.memory_space<vmem>>, vector<16xf32>,
          tpu.vector_store %arg13[%swap3A_651, %swap3A_652], %mul3A_650 {strides = array<i32>} : memref<128x128xf32, #tpu.memory_space<vmem>>, vector<16xf32>,
          %get3A_654 = arith.index_cast %add3A_611 : i32 to index
          %get3A_655 = arith.constant 96 : index
          %get3A_656 = tpu.vector_load %arg13[%get3A_654, %get3A_655] {strides = array<i32>} : memref<128x128xf32, #tpu.memory_space<vmem>>, vector<16xf32>,
          %mul3A_657 = arith.mulf %get3A_656, %broadcast_in_dim3A_607 : vector<16xf32>
          %swap3A_658 = arith.index_cast %add3A_611 : i32 to index
          %swap3A_659 = arith.constant 96 : index
          %swap3A_660 = tpu.vector_load %arg13[%swap3A_658, %swap3A_659] {strides = array<i32>} : memref<128x128xf32, #tpu.memory_space<vmem>>, vector<16xf32>,
          tpu.vector_store %arg13[%swap3A_658, %swap3A_659], %mul3A_657 {strides = array<i32>} : memref<128x128xf32, #tpu.memory_space<vmem>>, vector<16xf32>,
          %get3A_661 = arith.index_cast %add3A_611 : i32 to index
          %get3A_662 = arith.constant 112 : index
          %get3A_663 = tpu.vector_load %arg13[%get3A_661, %get3A_662] {strides = array<i32>} : memref<128x128xf32, #tpu.memory_space<vmem>>, vector<16xf32>,
          %mul3A_664 = arith.mulf %get3A_663, %broadcast_in_dim3A_607 : vector<16xf32>
          %swap3A_665 = arith.index_cast %add3A_611 : i32 to index
          %swap3A_666 = arith.constant 112 : index
          %swap3A_667 = tpu.vector_load %arg13[%swap3A_665, %swap3A_666] {strides = array<i32>} : memref<128x128xf32, #tpu.memory_space<vmem>>, vector<16xf32>,
          tpu.vector_store %arg13[%swap3A_665, %swap3A_666], %mul3A_664 {strides = array<i32>} : memref<128x128xf32, #tpu.memory_space<vmem>>, vector<16xf32>,
          %slice3A_668 = vector.extract_strided_slice %get3A_104 {offsets = [9], sizes = [1], strides = [1]} : vector<16xf32> to vector<1xf32>
          %squeeze3A_669 = vector.extract %slice3A_668[0] : f32 from vector<1xf32>
          %broadcast_in_dim3A_670 = vector.broadcast %squeeze3A_669 : f32 to vector<16xf32>
          %mul3A_671 = arith.constant 16 : i32
          %mul3A_672 = arith.muli %scan3A_100, %mul3A_671 : i32
          %add3A_673 = arith.constant 9 : i32
          %add3A_674 = arith.addi %mul3A_672, %add3A_673 : i32
          %get3A_675 = arith.index_cast %add3A_674 : i32 to index
          %get3A_676 = arith.constant 0 : index
          %get3A_677 = tpu.vector_load %arg13[%get3A_675, %get3A_676] {strides = array<i32>} : memref<128x128xf32, #tpu.memory_space<vmem>>, vector<16xf32>,
          %mul3A_678 = arith.mulf %get3A_677, %broadcast_in_dim3A_670 : vector<16xf32>
          %swap3A_679 = arith.index_cast %add3A_674 : i32 to index
          %swap3A_680 = arith.constant 0 : index
          %swap3A_681 = tpu.vector_load %arg13[%swap3A_679, %swap3A_680] {strides = array<i32>} : memref<128x128xf32, #tpu.memory_space<vmem>>, vector<16xf32>,
          tpu.vector_store %arg13[%swap3A_679, %swap3A_680], %mul3A_678 {strides = array<i32>} : memref<128x128xf32, #tpu.memory_space<vmem>>, vector<16xf32>,
          %get3A_682 = arith.index_cast %add3A_674 : i32 to index
          %get3A_683 = arith.constant 16 : index
          %get3A_684 = tpu.vector_load %arg13[%get3A_682, %get3A_683] {strides = array<i32>} : memref<128x128xf32, #tpu.memory_space<vmem>>, vector<16xf32>,
          %mul3A_685 = arith.mulf %get3A_684, %broadcast_in_dim3A_670 : vector<16xf32>
          %swap3A_686 = arith.index_cast %add3A_674 : i32 to index
          %swap3A_687 = arith.constant 16 : index
          %swap3A_688 = tpu.vector_load %arg13[%swap3A_686, %swap3A_687] {strides = array<i32>} : memref<128x128xf32, #tpu.memory_space<vmem>>, vector<16xf32>,
          tpu.vector_store %arg13[%swap3A_686, %swap3A_687], %mul3A_685 {strides = array<i32>} : memref<128x128xf32, #tpu.memory_space<vmem>>, vector<16xf32>,
          %get3A_689 = arith.index_cast %add3A_674 : i32 to index
          %get3A_690 = arith.constant 32 : index
          %get3A_691 = tpu.vector_load %arg13[%get3A_689, %get3A_690] {strides = array<i32>} : memref<128x128xf32, #tpu.memory_space<vmem>>, vector<16xf32>,
          %mul3A_692 = arith.mulf %get3A_691, %broadcast_in_dim3A_670 : vector<16xf32>
          %swap3A_693 = arith.index_cast %add3A_674 : i32 to index
          %swap3A_694 = arith.constant 32 : index
          %swap3A_695 = tpu.vector_load %arg13[%swap3A_693, %swap3A_694] {strides = array<i32>} : memref<128x128xf32, #tpu.memory_space<vmem>>, vector<16xf32>,
          tpu.vector_store %arg13[%swap3A_693, %swap3A_694], %mul3A_692 {strides = array<i32>} : memref<128x128xf32, #tpu.memory_space<vmem>>, vector<16xf32>,
          %get3A_696 = arith.index_cast %add3A_674 : i32 to index
          %get3A_697 = arith.constant 48 : index
          %get3A_698 = tpu.vector_load %arg13[%get3A_696, %get3A_697] {strides = array<i32>} : memref<128x128xf32, #tpu.memory_space<vmem>>, vector<16xf32>,
          %mul3A_699 = arith.mulf %get3A_698, %broadcast_in_dim3A_670 : vector<16xf32>
          %swap3A_700 = arith.index_cast %add3A_674 : i32 to index
          %swap3A_701 = arith.constant 48 : index
          %swap3A_702 = tpu.vector_load %arg13[%swap3A_700, %swap3A_701] {strides = array<i32>} : memref<128x128xf32, #tpu.memory_space<vmem>>, vector<16xf32>,
          tpu.vector_store %arg13[%swap3A_700, %swap3A_701], %mul3A_699 {strides = array<i32>} : memref<128x128xf32, #tpu.memory_space<vmem>>, vector<16xf32>,
          %get3A_703 = arith.index_cast %add3A_674 : i32 to index
          %get3A_704 = arith.constant 64 : index
          %get3A_705 = tpu.vector_load %arg13[%get3A_703, %get3A_704] {strides = array<i32>} : memref<128x128xf32, #tpu.memory_space<vmem>>, vector<16xf32>,
          %mul3A_706 = arith.mulf %get3A_705, %broadcast_in_dim3A_670 : vector<16xf32>
          %swap3A_707 = arith.index_cast %add3A_674 : i32 to index
          %swap3A_708 = arith.constant 64 : index
          %swap3A_709 = tpu.vector_load %arg13[%swap3A_707, %swap3A_708] {strides = array<i32>} : memref<128x128xf32, #tpu.memory_space<vmem>>, vector<16xf32>,
          tpu.vector_store %arg13[%swap3A_707, %swap3A_708], %mul3A_706 {strides = array<i32>} : memref<128x128xf32, #tpu.memory_space<vmem>>, vector<16xf32>,
          %get3A_710 = arith.index_cast %add3A_674 : i32 to index
          %get3A_711 = arith.constant 80 : index
          %get3A_712 = tpu.vector_load %arg13[%get3A_710, %get3A_711] {strides = array<i32>} : memref<128x128xf32, #tpu.memory_space<vmem>>, vector<16xf32>,
          %mul3A_713 = arith.mulf %get3A_712, %broadcast_in_dim3A_670 : vector<16xf32>
          %swap3A_714 = arith.index_cast %add3A_674 : i32 to index
          %swap3A_715 = arith.constant 80 : index
          %swap3A_716 = tpu.vector_load %arg13[%swap3A_714, %swap3A_715] {strides = array<i32>} : memref<128x128xf32, #tpu.memory_space<vmem>>, vector<16xf32>,
          tpu.vector_store %arg13[%swap3A_714, %swap3A_715], %mul3A_713 {strides = array<i32>} : memref<128x128xf32, #tpu.memory_space<vmem>>, vector<16xf32>,
          %get3A_717 = arith.index_cast %add3A_674 : i32 to index
          %get3A_718 = arith.constant 96 : index
          %get3A_719 = tpu.vector_load %arg13[%get3A_717, %get3A_718] {strides = array<i32>} : memref<128x128xf32, #tpu.memory_space<vmem>>, vector<16xf32>,
          %mul3A_720 = arith.mulf %get3A_719, %broadcast_in_dim3A_670 : vector<16xf32>
          %swap3A_721 = arith.index_cast %add3A_674 : i32 to index
          %swap3A_722 = arith.constant 96 : index
          %swap3A_723 = tpu.vector_load %arg13[%swap3A_721, %swap3A_722] {strides = array<i32>} : memref<128x128xf32, #tpu.memory_space<vmem>>, vector<16xf32>,
          tpu.vector_store %arg13[%swap3A_721, %swap3A_722], %mul3A_720 {strides = array<i32>} : memref<128x128xf32, #tpu.memory_space<vmem>>, vector<16xf32>,
          %get3A_724 = arith.index_cast %add3A_674 : i32 to index
          %get3A_725 = arith.constant 112 : index
          %get3A_726 = tpu.vector_load %arg13[%get3A_724, %get3A_725] {strides = array<i32>} : memref<128x128xf32, #tpu.memory_space<vmem>>, vector<16xf32>,
          %mul3A_727 = arith.mulf %get3A_726, %broadcast_in_dim3A_670 : vector<16xf32>
          %swap3A_728 = arith.index_cast %add3A_674 : i32 to index
          %swap3A_729 = arith.constant 112 : index
          %swap3A_730 = tpu.vector_load %arg13[%swap3A_728, %swap3A_729] {strides = array<i32>} : memref<128x128xf32, #tpu.memory_space<vmem>>, vector<16xf32>,
          tpu.vector_store %arg13[%swap3A_728, %swap3A_729], %mul3A_727 {strides = array<i32>} : memref<128x128xf32, #tpu.memory_space<vmem>>, vector<16xf32>,
          %slice3A_731 = vector.extract_strided_slice %get3A_104 {offsets = [10], sizes = [1], strides = [1]} : vector<16xf32> to vector<1xf32>
          %squeeze3A_732 = vector.extract %slice3A_731[0] : f32 from vector<1xf32>
          %broadcast_in_dim3A_733 = vector.broadcast %squeeze3A_732 : f32 to vector<16xf32>
          %mul3A_734 = arith.constant 16 : i32
          %mul3A_735 = arith.muli %scan3A_100, %mul3A_734 : i32
          %add3A_736 = arith.constant 10 : i32
          %add3A_737 = arith.addi %mul3A_735, %add3A_736 : i32
          %get3A_738 = arith.index_cast %add3A_737 : i32 to index
          %get3A_739 = arith.constant 0 : index
          %get3A_740 = tpu.vector_load %arg13[%get3A_738, %get3A_739] {strides = array<i32>} : memref<128x128xf32, #tpu.memory_space<vmem>>, vector<16xf32>,
          %mul3A_741 = arith.mulf %get3A_740, %broadcast_in_dim3A_733 : vector<16xf32>
          %swap3A_742 = arith.index_cast %add3A_737 : i32 to index
          %swap3A_743 = arith.constant 0 : index
          %swap3A_744 = tpu.vector_load %arg13[%swap3A_742, %swap3A_743] {strides = array<i32>} : memref<128x128xf32, #tpu.memory_space<vmem>>, vector<16xf32>,
          tpu.vector_store %arg13[%swap3A_742, %swap3A_743], %mul3A_741 {strides = array<i32>} : memref<128x128xf32, #tpu.memory_space<vmem>>, vector<16xf32>,
          %get3A_745 = arith.index_cast %add3A_737 : i32 to index
          %get3A_746 = arith.constant 16 : index
          %get3A_747 = tpu.vector_load %arg13[%get3A_745, %get3A_746] {strides = array<i32>} : memref<128x128xf32, #tpu.memory_space<vmem>>, vector<16xf32>,
          %mul3A_748 = arith.mulf %get3A_747, %broadcast_in_dim3A_733 : vector<16xf32>
          %swap3A_749 = arith.index_cast %add3A_737 : i32 to index
          %swap3A_750 = arith.constant 16 : index
          %swap3A_751 = tpu.vector_load %arg13[%swap3A_749, %swap3A_750] {strides = array<i32>} : memref<128x128xf32, #tpu.memory_space<vmem>>, vector<16xf32>,
          tpu.vector_store %arg13[%swap3A_749, %swap3A_750], %mul3A_748 {strides = array<i32>} : memref<128x128xf32, #tpu.memory_space<vmem>>, vector<16xf32>,
          %get3A_752 = arith.index_cast %add3A_737 : i32 to index
          %get3A_753 = arith.constant 32 : index
          %get3A_754 = tpu.vector_load %arg13[%get3A_752, %get3A_753] {strides = array<i32>} : memref<128x128xf32, #tpu.memory_space<vmem>>, vector<16xf32>,
          %mul3A_755 = arith.mulf %get3A_754, %broadcast_in_dim3A_733 : vector<16xf32>
          %swap3A_756 = arith.index_cast %add3A_737 : i32 to index
          %swap3A_757 = arith.constant 32 : index
          %swap3A_758 = tpu.vector_load %arg13[%swap3A_756, %swap3A_757] {strides = array<i32>} : memref<128x128xf32, #tpu.memory_space<vmem>>, vector<16xf32>,
          tpu.vector_store %arg13[%swap3A_756, %swap3A_757], %mul3A_755 {strides = array<i32>} : memref<128x128xf32, #tpu.memory_space<vmem>>, vector<16xf32>,
          %get3A_759 = arith.index_cast %add3A_737 : i32 to index
          %get3A_760 = arith.constant 48 : index
          %get3A_761 = tpu.vector_load %arg13[%get3A_759, %get3A_760] {strides = array<i32>} : memref<128x128xf32, #tpu.memory_space<vmem>>, vector<16xf32>,
          %mul3A_762 = arith.mulf %get3A_761, %broadcast_in_dim3A_733 : vector<16xf32>
          %swap3A_763 = arith.index_cast %add3A_737 : i32 to index
          %swap3A_764 = arith.constant 48 : index
          %swap3A_765 = tpu.vector_load %arg13[%swap3A_763, %swap3A_764] {strides = array<i32>} : memref<128x128xf32, #tpu.memory_space<vmem>>, vector<16xf32>,
          tpu.vector_store %arg13[%swap3A_763, %swap3A_764], %mul3A_762 {strides = array<i32>} : memref<128x128xf32, #tpu.memory_space<vmem>>, vector<16xf32>,
          %get3A_766 = arith.index_cast %add3A_737 : i32 to index
          %get3A_767 = arith.constant 64 : index
          %get3A_768 = tpu.vector_load %arg13[%get3A_766, %get3A_767] {strides = array<i32>} : memref<128x128xf32, #tpu.memory_space<vmem>>, vector<16xf32>,
          %mul3A_769 = arith.mulf %get3A_768, %broadcast_in_dim3A_733 : vector<16xf32>
          %swap3A_770 = arith.index_cast %add3A_737 : i32 to index
          %swap3A_771 = arith.constant 64 : index
          %swap3A_772 = tpu.vector_load %arg13[%swap3A_770, %swap3A_771] {strides = array<i32>} : memref<128x128xf32, #tpu.memory_space<vmem>>, vector<16xf32>,
          tpu.vector_store %arg13[%swap3A_770, %swap3A_771], %mul3A_769 {strides = array<i32>} : memref<128x128xf32, #tpu.memory_space<vmem>>, vector<16xf32>,
          %get3A_773 = arith.index_cast %add3A_737 : i32 to index
          %get3A_774 = arith.constant 80 : index
          %get3A_775 = tpu.vector_load %arg13[%get3A_773, %get3A_774] {strides = array<i32>} : memref<128x128xf32, #tpu.memory_space<vmem>>, vector<16xf32>,
          %mul3A_776 = arith.mulf %get3A_775, %broadcast_in_dim3A_733 : vector<16xf32>
          %swap3A_777 = arith.index_cast %add3A_737 : i32 to index
          %swap3A_778 = arith.constant 80 : index
          %swap3A_779 = tpu.vector_load %arg13[%swap3A_777, %swap3A_778] {strides = array<i32>} : memref<128x128xf32, #tpu.memory_space<vmem>>, vector<16xf32>,
          tpu.vector_store %arg13[%swap3A_777, %swap3A_778], %mul3A_776 {strides = array<i32>} : memref<128x128xf32, #tpu.memory_space<vmem>>, vector<16xf32>,
          %get3A_780 = arith.index_cast %add3A_737 : i32 to index
          %get3A_781 = arith.constant 96 : index
          %get3A_782 = tpu.vector_load %arg13[%get3A_780, %get3A_781] {strides = array<i32>} : memref<128x128xf32, #tpu.memory_space<vmem>>, vector<16xf32>,
          %mul3A_783 = arith.mulf %get3A_782, %broadcast_in_dim3A_733 : vector<16xf32>
          %swap3A_784 = arith.index_cast %add3A_737 : i32 to index
          %swap3A_785 = arith.constant 96 : index
          %swap3A_786 = tpu.vector_load %arg13[%swap3A_784, %swap3A_785] {strides = array<i32>} : memref<128x128xf32, #tpu.memory_space<vmem>>, vector<16xf32>,
          tpu.vector_store %arg13[%swap3A_784, %swap3A_785], %mul3A_783 {strides = array<i32>} : memref<128x128xf32, #tpu.memory_space<vmem>>, vector<16xf32>,
          %get3A_787 = arith.index_cast %add3A_737 : i32 to index
          %get3A_788 = arith.constant 112 : index
          %get3A_789 = tpu.vector_load %arg13[%get3A_787, %get3A_788] {strides = array<i32>} : memref<128x128xf32, #tpu.memory_space<vmem>>, vector<16xf32>,
          %mul3A_790 = arith.mulf %get3A_789, %broadcast_in_dim3A_733 : vector<16xf32>
          %swap3A_791 = arith.index_cast %add3A_737 : i32 to index
          %swap3A_792 = arith.constant 112 : index
          %swap3A_793 = tpu.vector_load %arg13[%swap3A_791, %swap3A_792] {strides = array<i32>} : memref<128x128xf32, #tpu.memory_space<vmem>>, vector<16xf32>,
          tpu.vector_store %arg13[%swap3A_791, %swap3A_792], %mul3A_790 {strides = array<i32>} : memref<128x128xf32, #tpu.memory_space<vmem>>, vector<16xf32>,
          %slice3A_794 = vector.extract_strided_slice %get3A_104 {offsets = [11], sizes = [1], strides = [1]} : vector<16xf32> to vector<1xf32>
          %squeeze3A_795 = vector.extract %slice3A_794[0] : f32 from vector<1xf32>
          %broadcast_in_dim3A_796 = vector.broadcast %squeeze3A_795 : f32 to vector<16xf32>
          %mul3A_797 = arith.constant 16 : i32
          %mul3A_798 = arith.muli %scan3A_100, %mul3A_797 : i32
          %add3A_799 = arith.constant 11 : i32
          %add3A_800 = arith.addi %mul3A_798, %add3A_799 : i32
          %get3A_801 = arith.index_cast %add3A_800 : i32 to index
          %get3A_802 = arith.constant 0 : index
          %get3A_803 = tpu.vector_load %arg13[%get3A_801, %get3A_802] {strides = array<i32>} : memref<128x128xf32, #tpu.memory_space<vmem>>, vector<16xf32>,
          %mul3A_804 = arith.mulf %get3A_803, %broadcast_in_dim3A_796 : vector<16xf32>
          %swap3A_805 = arith.index_cast %add3A_800 : i32 to index
          %swap3A_806 = arith.constant 0 : index
          %swap3A_807 = tpu.vector_load %arg13[%swap3A_805, %swap3A_806] {strides = array<i32>} : memref<128x128xf32, #tpu.memory_space<vmem>>, vector<16xf32>,
          tpu.vector_store %arg13[%swap3A_805, %swap3A_806], %mul3A_804 {strides = array<i32>} : memref<128x128xf32, #tpu.memory_space<vmem>>, vector<16xf32>,
          %get3A_808 = arith.index_cast %add3A_800 : i32 to index
          %get3A_809 = arith.constant 16 : index
          %get3A_810 = tpu.vector_load %arg13[%get3A_808, %get3A_809] {strides = array<i32>} : memref<128x128xf32, #tpu.memory_space<vmem>>, vector<16xf32>,
          %mul3A_811 = arith.mulf %get3A_810, %broadcast_in_dim3A_796 : vector<16xf32>
          %swap3A_812 = arith.index_cast %add3A_800 : i32 to index
          %swap3A_813 = arith.constant 16 : index
          %swap3A_814 = tpu.vector_load %arg13[%swap3A_812, %swap3A_813] {strides = array<i32>} : memref<128x128xf32, #tpu.memory_space<vmem>>, vector<16xf32>,
          tpu.vector_store %arg13[%swap3A_812, %swap3A_813], %mul3A_811 {strides = array<i32>} : memref<128x128xf32, #tpu.memory_space<vmem>>, vector<16xf32>,
          %get3A_815 = arith.index_cast %add3A_800 : i32 to index
          %get3A_816 = arith.constant 32 : index
          %get3A_817 = tpu.vector_load %arg13[%get3A_815, %get3A_816] {strides = array<i32>} : memref<128x128xf32, #tpu.memory_space<vmem>>, vector<16xf32>,
          %mul3A_818 = arith.mulf %get3A_817, %broadcast_in_dim3A_796 : vector<16xf32>
          %swap3A_819 = arith.index_cast %add3A_800 : i32 to index
          %swap3A_820 = arith.constant 32 : index
          %swap3A_821 = tpu.vector_load %arg13[%swap3A_819, %swap3A_820] {strides = array<i32>} : memref<128x128xf32, #tpu.memory_space<vmem>>, vector<16xf32>,
          tpu.vector_store %arg13[%swap3A_819, %swap3A_820], %mul3A_818 {strides = array<i32>} : memref<128x128xf32, #tpu.memory_space<vmem>>, vector<16xf32>,
          %get3A_822 = arith.index_cast %add3A_800 : i32 to index
          %get3A_823 = arith.constant 48 : index
          %get3A_824 = tpu.vector_load %arg13[%get3A_822, %get3A_823] {strides = array<i32>} : memref<128x128xf32, #tpu.memory_space<vmem>>, vector<16xf32>,
          %mul3A_825 = arith.mulf %get3A_824, %broadcast_in_dim3A_796 : vector<16xf32>
          %swap3A_826 = arith.index_cast %add3A_800 : i32 to index
          %swap3A_827 = arith.constant 48 : index
          %swap3A_828 = tpu.vector_load %arg13[%swap3A_826, %swap3A_827] {strides = array<i32>} : memref<128x128xf32, #tpu.memory_space<vmem>>, vector<16xf32>,
          tpu.vector_store %arg13[%swap3A_826, %swap3A_827], %mul3A_825 {strides = array<i32>} : memref<128x128xf32, #tpu.memory_space<vmem>>, vector<16xf32>,
          %get3A_829 = arith.index_cast %add3A_800 : i32 to index
          %get3A_830 = arith.constant 64 : index
          %get3A_831 = tpu.vector_load %arg13[%get3A_829, %get3A_830] {strides = array<i32>} : memref<128x128xf32, #tpu.memory_space<vmem>>, vector<16xf32>,
          %mul3A_832 = arith.mulf %get3A_831, %broadcast_in_dim3A_796 : vector<16xf32>
          %swap3A_833 = arith.index_cast %add3A_800 : i32 to index
          %swap3A_834 = arith.constant 64 : index
          %swap3A_835 = tpu.vector_load %arg13[%swap3A_833, %swap3A_834] {strides = array<i32>} : memref<128x128xf32, #tpu.memory_space<vmem>>, vector<16xf32>,
          tpu.vector_store %arg13[%swap3A_833, %swap3A_834], %mul3A_832 {strides = array<i32>} : memref<128x128xf32, #tpu.memory_space<vmem>>, vector<16xf32>,
          %get3A_836 = arith.index_cast %add3A_800 : i32 to index
          %get3A_837 = arith.constant 80 : index
          %get3A_838 = tpu.vector_load %arg13[%get3A_836, %get3A_837] {strides = array<i32>} : memref<128x128xf32, #tpu.memory_space<vmem>>, vector<16xf32>,
          %mul3A_839 = arith.mulf %get3A_838, %broadcast_in_dim3A_796 : vector<16xf32>
          %swap3A_840 = arith.index_cast %add3A_800 : i32 to index
          %swap3A_841 = arith.constant 80 : index
          %swap3A_842 = tpu.vector_load %arg13[%swap3A_840, %swap3A_841] {strides = array<i32>} : memref<128x128xf32, #tpu.memory_space<vmem>>, vector<16xf32>,
          tpu.vector_store %arg13[%swap3A_840, %swap3A_841], %mul3A_839 {strides = array<i32>} : memref<128x128xf32, #tpu.memory_space<vmem>>, vector<16xf32>,
          %get3A_843 = arith.index_cast %add3A_800 : i32 to index
          %get3A_844 = arith.constant 96 : index
          %get3A_845 = tpu.vector_load %arg13[%get3A_843, %get3A_844] {strides = array<i32>} : memref<128x128xf32, #tpu.memory_space<vmem>>, vector<16xf32>,
          %mul3A_846 = arith.mulf %get3A_845, %broadcast_in_dim3A_796 : vector<16xf32>
          %swap3A_847 = arith.index_cast %add3A_800 : i32 to index
          %swap3A_848 = arith.constant 96 : index
          %swap3A_849 = tpu.vector_load %arg13[%swap3A_847, %swap3A_848] {strides = array<i32>} : memref<128x128xf32, #tpu.memory_space<vmem>>, vector<16xf32>,
          tpu.vector_store %arg13[%swap3A_847, %swap3A_848], %mul3A_846 {strides = array<i32>} : memref<128x128xf32, #tpu.memory_space<vmem>>, vector<16xf32>,
          %get3A_850 = arith.index_cast %add3A_800 : i32 to index
          %get3A_851 = arith.constant 112 : index
          %get3A_852 = tpu.vector_load %arg13[%get3A_850, %get3A_851] {strides = array<i32>} : memref<128x128xf32, #tpu.memory_space<vmem>>, vector<16xf32>,
          %mul3A_853 = arith.mulf %get3A_852, %broadcast_in_dim3A_796 : vector<16xf32>
          %swap3A_854 = arith.index_cast %add3A_800 : i32 to index
          %swap3A_855 = arith.constant 112 : index
          %swap3A_856 = tpu.vector_load %arg13[%swap3A_854, %swap3A_855] {strides = array<i32>} : memref<128x128xf32, #tpu.memory_space<vmem>>, vector<16xf32>,
          tpu.vector_store %arg13[%swap3A_854, %swap3A_855], %mul3A_853 {strides = array<i32>} : memref<128x128xf32, #tpu.memory_space<vmem>>, vector<16xf32>,
          %slice3A_857 = vector.extract_strided_slice %get3A_104 {offsets = [12], sizes = [1], strides = [1]} : vector<16xf32> to vector<1xf32>
          %squeeze3A_858 = vector.extract %slice3A_857[0] : f32 from vector<1xf32>
          %broadcast_in_dim3A_859 = vector.broadcast %squeeze3A_858 : f32 to vector<16xf32>
          %mul3A_860 = arith.constant 16 : i32
          %mul3A_861 = arith.muli %scan3A_100, %mul3A_860 : i32
          %add3A_862 = arith.constant 12 : i32
          %add3A_863 = arith.addi %mul3A_861, %add3A_862 : i32
          %get3A_864 = arith.index_cast %add3A_863 : i32 to index
          %get3A_865 = arith.constant 0 : index
          %get3A_866 = tpu.vector_load %arg13[%get3A_864, %get3A_865] {strides = array<i32>} : memref<128x128xf32, #tpu.memory_space<vmem>>, vector<16xf32>,
          %mul3A_867 = arith.mulf %get3A_866, %broadcast_in_dim3A_859 : vector<16xf32>
          %swap3A_868 = arith.index_cast %add3A_863 : i32 to index
          %swap3A_869 = arith.constant 0 : index
          %swap3A_870 = tpu.vector_load %arg13[%swap3A_868, %swap3A_869] {strides = array<i32>} : memref<128x128xf32, #tpu.memory_space<vmem>>, vector<16xf32>,
          tpu.vector_store %arg13[%swap3A_868, %swap3A_869], %mul3A_867 {strides = array<i32>} : memref<128x128xf32, #tpu.memory_space<vmem>>, vector<16xf32>,
          %get3A_871 = arith.index_cast %add3A_863 : i32 to index
          %get3A_872 = arith.constant 16 : index
          %get3A_873 = tpu.vector_load %arg13[%get3A_871, %get3A_872] {strides = array<i32>} : memref<128x128xf32, #tpu.memory_space<vmem>>, vector<16xf32>,
          %mul3A_874 = arith.mulf %get3A_873, %broadcast_in_dim3A_859 : vector<16xf32>
          %swap3A_875 = arith.index_cast %add3A_863 : i32 to index
          %swap3A_876 = arith.constant 16 : index
          %swap3A_877 = tpu.vector_load %arg13[%swap3A_875, %swap3A_876] {strides = array<i32>} : memref<128x128xf32, #tpu.memory_space<vmem>>, vector<16xf32>,
          tpu.vector_store %arg13[%swap3A_875, %swap3A_876], %mul3A_874 {strides = array<i32>} : memref<128x128xf32, #tpu.memory_space<vmem>>, vector<16xf32>,
          %get3A_878 = arith.index_cast %add3A_863 : i32 to index
          %get3A_879 = arith.constant 32 : index
          %get3A_880 = tpu.vector_load %arg13[%get3A_878, %get3A_879] {strides = array<i32>} : memref<128x128xf32, #tpu.memory_space<vmem>>, vector<16xf32>,
          %mul3A_881 = arith.mulf %get3A_880, %broadcast_in_dim3A_859 : vector<16xf32>
          %swap3A_882 = arith.index_cast %add3A_863 : i32 to index
          %swap3A_883 = arith.constant 32 : index
          %swap3A_884 = tpu.vector_load %arg13[%swap3A_882, %swap3A_883] {strides = array<i32>} : memref<128x128xf32, #tpu.memory_space<vmem>>, vector<16xf32>,
          tpu.vector_store %arg13[%swap3A_882, %swap3A_883], %mul3A_881 {strides = array<i32>} : memref<128x128xf32, #tpu.memory_space<vmem>>, vector<16xf32>,
          %get3A_885 = arith.index_cast %add3A_863 : i32 to index
          %get3A_886 = arith.constant 48 : index
          %get3A_887 = tpu.vector_load %arg13[%get3A_885, %get3A_886] {strides = array<i32>} : memref<128x128xf32, #tpu.memory_space<vmem>>, vector<16xf32>,
          %mul3A_888 = arith.mulf %get3A_887, %broadcast_in_dim3A_859 : vector<16xf32>
          %swap3A_889 = arith.index_cast %add3A_863 : i32 to index
          %swap3A_890 = arith.constant 48 : index
          %swap3A_891 = tpu.vector_load %arg13[%swap3A_889, %swap3A_890] {strides = array<i32>} : memref<128x128xf32, #tpu.memory_space<vmem>>, vector<16xf32>,
          tpu.vector_store %arg13[%swap3A_889, %swap3A_890], %mul3A_888 {strides = array<i32>} : memref<128x128xf32, #tpu.memory_space<vmem>>, vector<16xf32>,
          %get3A_892 = arith.index_cast %add3A_863 : i32 to index
          %get3A_893 = arith.constant 64 : index
          %get3A_894 = tpu.vector_load %arg13[%get3A_892, %get3A_893] {strides = array<i32>} : memref<128x128xf32, #tpu.memory_space<vmem>>, vector<16xf32>,
          %mul3A_895 = arith.mulf %get3A_894, %broadcast_in_dim3A_859 : vector<16xf32>
          %swap3A_896 = arith.index_cast %add3A_863 : i32 to index
          %swap3A_897 = arith.constant 64 : index
          %swap3A_898 = tpu.vector_load %arg13[%swap3A_896, %swap3A_897] {strides = array<i32>} : memref<128x128xf32, #tpu.memory_space<vmem>>, vector<16xf32>,
          tpu.vector_store %arg13[%swap3A_896, %swap3A_897], %mul3A_895 {strides = array<i32>} : memref<128x128xf32, #tpu.memory_space<vmem>>, vector<16xf32>,
          %get3A_899 = arith.index_cast %add3A_863 : i32 to index
          %get3A_900 = arith.constant 80 : index
          %get3A_901 = tpu.vector_load %arg13[%get3A_899, %get3A_900] {strides = array<i32>} : memref<128x128xf32, #tpu.memory_space<vmem>>, vector<16xf32>,
          %mul3A_902 = arith.mulf %get3A_901, %broadcast_in_dim3A_859 : vector<16xf32>
          %swap3A_903 = arith.index_cast %add3A_863 : i32 to index
          %swap3A_904 = arith.constant 80 : index
          %swap3A_905 = tpu.vector_load %arg13[%swap3A_903, %swap3A_904] {strides = array<i32>} : memref<128x128xf32, #tpu.memory_space<vmem>>, vector<16xf32>,
          tpu.vector_store %arg13[%swap3A_903, %swap3A_904], %mul3A_902 {strides = array<i32>} : memref<128x128xf32, #tpu.memory_space<vmem>>, vector<16xf32>,
          %get3A_906 = arith.index_cast %add3A_863 : i32 to index
          %get3A_907 = arith.constant 96 : index
          %get3A_908 = tpu.vector_load %arg13[%get3A_906, %get3A_907] {strides = array<i32>} : memref<128x128xf32, #tpu.memory_space<vmem>>, vector<16xf32>,
          %mul3A_909 = arith.mulf %get3A_908, %broadcast_in_dim3A_859 : vector<16xf32>
          %swap3A_910 = arith.index_cast %add3A_863 : i32 to index
          %swap3A_911 = arith.constant 96 : index
          %swap3A_912 = tpu.vector_load %arg13[%swap3A_910, %swap3A_911] {strides = array<i32>} : memref<128x128xf32, #tpu.memory_space<vmem>>, vector<16xf32>,
          tpu.vector_store %arg13[%swap3A_910, %swap3A_911], %mul3A_909 {strides = array<i32>} : memref<128x128xf32, #tpu.memory_space<vmem>>, vector<16xf32>,
          %get3A_913 = arith.index_cast %add3A_863 : i32 to index
          %get3A_914 = arith.constant 112 : index
          %get3A_915 = tpu.vector_load %arg13[%get3A_913, %get3A_914] {strides = array<i32>} : memref<128x128xf32, #tpu.memory_space<vmem>>, vector<16xf32>,
          %mul3A_916 = arith.mulf %get3A_915, %broadcast_in_dim3A_859 : vector<16xf32>
          %swap3A_917 = arith.index_cast %add3A_863 : i32 to index
          %swap3A_918 = arith.constant 112 : index
          %swap3A_919 = tpu.vector_load %arg13[%swap3A_917, %swap3A_918] {strides = array<i32>} : memref<128x128xf32, #tpu.memory_space<vmem>>, vector<16xf32>,
          tpu.vector_store %arg13[%swap3A_917, %swap3A_918], %mul3A_916 {strides = array<i32>} : memref<128x128xf32, #tpu.memory_space<vmem>>, vector<16xf32>,
          %slice3A_920 = vector.extract_strided_slice %get3A_104 {offsets = [13], sizes = [1], strides = [1]} : vector<16xf32> to vector<1xf32>
          %squeeze3A_921 = vector.extract %slice3A_920[0] : f32 from vector<1xf32>
          %broadcast_in_dim3A_922 = vector.broadcast %squeeze3A_921 : f32 to vector<16xf32>
          %mul3A_923 = arith.constant 16 : i32
          %mul3A_924 = arith.muli %scan3A_100, %mul3A_923 : i32
          %add3A_925 = arith.constant 13 : i32
          %add3A_926 = arith.addi %mul3A_924, %add3A_925 : i32
          %get3A_927 = arith.index_cast %add3A_926 : i32 to index
          %get3A_928 = arith.constant 0 : index
          %get3A_929 = tpu.vector_load %arg13[%get3A_927, %get3A_928] {strides = array<i32>} : memref<128x128xf32, #tpu.memory_space<vmem>>, vector<16xf32>,
          %mul3A_930 = arith.mulf %get3A_929, %broadcast_in_dim3A_922 : vector<16xf32>
          %swap3A_931 = arith.index_cast %add3A_926 : i32 to index
          %swap3A_932 = arith.constant 0 : index
          %swap3A_933 = tpu.vector_load %arg13[%swap3A_931, %swap3A_932] {strides = array<i32>} : memref<128x128xf32, #tpu.memory_space<vmem>>, vector<16xf32>,
          tpu.vector_store %arg13[%swap3A_931, %swap3A_932], %mul3A_930 {strides = array<i32>} : memref<128x128xf32, #tpu.memory_space<vmem>>, vector<16xf32>,
          %get3A_934 = arith.index_cast %add3A_926 : i32 to index
          %get3A_935 = arith.constant 16 : index
          %get3A_936 = tpu.vector_load %arg13[%get3A_934, %get3A_935] {strides = array<i32>} : memref<128x128xf32, #tpu.memory_space<vmem>>, vector<16xf32>,
          %mul3A_937 = arith.mulf %get3A_936, %broadcast_in_dim3A_922 : vector<16xf32>
          %swap3A_938 = arith.index_cast %add3A_926 : i32 to index
          %swap3A_939 = arith.constant 16 : index
          %swap3A_940 = tpu.vector_load %arg13[%swap3A_938, %swap3A_939] {strides = array<i32>} : memref<128x128xf32, #tpu.memory_space<vmem>>, vector<16xf32>,
          tpu.vector_store %arg13[%swap3A_938, %swap3A_939], %mul3A_937 {strides = array<i32>} : memref<128x128xf32, #tpu.memory_space<vmem>>, vector<16xf32>,
          %get3A_941 = arith.index_cast %add3A_926 : i32 to index
          %get3A_942 = arith.constant 32 : index
          %get3A_943 = tpu.vector_load %arg13[%get3A_941, %get3A_942] {strides = array<i32>} : memref<128x128xf32, #tpu.memory_space<vmem>>, vector<16xf32>,
          %mul3A_944 = arith.mulf %get3A_943, %broadcast_in_dim3A_922 : vector<16xf32>
          %swap3A_945 = arith.index_cast %add3A_926 : i32 to index
          %swap3A_946 = arith.constant 32 : index
          %swap3A_947 = tpu.vector_load %arg13[%swap3A_945, %swap3A_946] {strides = array<i32>} : memref<128x128xf32, #tpu.memory_space<vmem>>, vector<16xf32>,
          tpu.vector_store %arg13[%swap3A_945, %swap3A_946], %mul3A_944 {strides = array<i32>} : memref<128x128xf32, #tpu.memory_space<vmem>>, vector<16xf32>,
          %get3A_948 = arith.index_cast %add3A_926 : i32 to index
          %get3A_949 = arith.constant 48 : index
          %get3A_950 = tpu.vector_load %arg13[%get3A_948, %get3A_949] {strides = array<i32>} : memref<128x128xf32, #tpu.memory_space<vmem>>, vector<16xf32>,
          %mul3A_951 = arith.mulf %get3A_950, %broadcast_in_dim3A_922 : vector<16xf32>
          %swap3A_952 = arith.index_cast %add3A_926 : i32 to index
          %swap3A_953 = arith.constant 48 : index
          %swap3A_954 = tpu.vector_load %arg13[%swap3A_952, %swap3A_953] {strides = array<i32>} : memref<128x128xf32, #tpu.memory_space<vmem>>, vector<16xf32>,
          tpu.vector_store %arg13[%swap3A_952, %swap3A_953], %mul3A_951 {strides = array<i32>} : memref<128x128xf32, #tpu.memory_space<vmem>>, vector<16xf32>,
          %get3A_955 = arith.index_cast %add3A_926 : i32 to index
          %get3A_956 = arith.constant 64 : index
          %get3A_957 = tpu.vector_load %arg13[%get3A_955, %get3A_956] {strides = array<i32>} : memref<128x128xf32, #tpu.memory_space<vmem>>, vector<16xf32>,
          %mul3A_958 = arith.mulf %get3A_957, %broadcast_in_dim3A_922 : vector<16xf32>
          %swap3A_959 = arith.index_cast %add3A_926 : i32 to index
          %swap3A_960 = arith.constant 64 : index
          %swap3A_961 = tpu.vector_load %arg13[%swap3A_959, %swap3A_960] {strides = array<i32>} : memref<128x128xf32, #tpu.memory_space<vmem>>, vector<16xf32>,
          tpu.vector_store %arg13[%swap3A_959, %swap3A_960], %mul3A_958 {strides = array<i32>} : memref<128x128xf32, #tpu.memory_space<vmem>>, vector<16xf32>,
          %get3A_962 = arith.index_cast %add3A_926 : i32 to index
          %get3A_963 = arith.constant 80 : index
          %get3A_964 = tpu.vector_load %arg13[%get3A_962, %get3A_963] {strides = array<i32>} : memref<128x128xf32, #tpu.memory_space<vmem>>, vector<16xf32>,
          %mul3A_965 = arith.mulf %get3A_964, %broadcast_in_dim3A_922 : vector<16xf32>
          %swap3A_966 = arith.index_cast %add3A_926 : i32 to index
          %swap3A_967 = arith.constant 80 : index
          %swap3A_968 = tpu.vector_load %arg13[%swap3A_966, %swap3A_967] {strides = array<i32>} : memref<128x128xf32, #tpu.memory_space<vmem>>, vector<16xf32>,
          tpu.vector_store %arg13[%swap3A_966, %swap3A_967], %mul3A_965 {strides = array<i32>} : memref<128x128xf32, #tpu.memory_space<vmem>>, vector<16xf32>,
          %get3A_969 = arith.index_cast %add3A_926 : i32 to index
          %get3A_970 = arith.constant 96 : index
          %get3A_971 = tpu.vector_load %arg13[%get3A_969, %get3A_970] {strides = array<i32>} : memref<128x128xf32, #tpu.memory_space<vmem>>, vector<16xf32>,
          %mul3A_972 = arith.mulf %get3A_971, %broadcast_in_dim3A_922 : vector<16xf32>
          %swap3A_973 = arith.index_cast %add3A_926 : i32 to index
          %swap3A_974 = arith.constant 96 : index
          %swap3A_975 = tpu.vector_load %arg13[%swap3A_973, %swap3A_974] {strides = array<i32>} : memref<128x128xf32, #tpu.memory_space<vmem>>, vector<16xf32>,
          tpu.vector_store %arg13[%swap3A_973, %swap3A_974], %mul3A_972 {strides = array<i32>} : memref<128x128xf32, #tpu.memory_space<vmem>>, vector<16xf32>,
          %get3A_976 = arith.index_cast %add3A_926 : i32 to index
          %get3A_977 = arith.constant 112 : index
          %get3A_978 = tpu.vector_load %arg13[%get3A_976, %get3A_977] {strides = array<i32>} : memref<128x128xf32, #tpu.memory_space<vmem>>, vector<16xf32>,
          %mul3A_979 = arith.mulf %get3A_978, %broadcast_in_dim3A_922 : vector<16xf32>
          %swap3A_980 = arith.index_cast %add3A_926 : i32 to index
          %swap3A_981 = arith.constant 112 : index
          %swap3A_982 = tpu.vector_load %arg13[%swap3A_980, %swap3A_981] {strides = array<i32>} : memref<128x128xf32, #tpu.memory_space<vmem>>, vector<16xf32>,
          tpu.vector_store %arg13[%swap3A_980, %swap3A_981], %mul3A_979 {strides = array<i32>} : memref<128x128xf32, #tpu.memory_space<vmem>>, vector<16xf32>,
          %slice3A_983 = vector.extract_strided_slice %get3A_104 {offsets = [14], sizes = [1], strides = [1]} : vector<16xf32> to vector<1xf32>
          %squeeze3A_984 = vector.extract %slice3A_983[0] : f32 from vector<1xf32>
          %broadcast_in_dim3A_985 = vector.broadcast %squeeze3A_984 : f32 to vector<16xf32>
          %mul3A_986 = arith.constant 16 : i32
          %mul3A_987 = arith.muli %scan3A_100, %mul3A_986 : i32
          %add3A_988 = arith.constant 14 : i32
          %add3A_989 = arith.addi %mul3A_987, %add3A_988 : i32
          %get3A_990 = arith.index_cast %add3A_989 : i32 to index
          %get3A_991 = arith.constant 0 : index
          %get3A_992 = tpu.vector_load %arg13[%get3A_990, %get3A_991] {strides = array<i32>} : memref<128x128xf32, #tpu.memory_space<vmem>>, vector<16xf32>,
          %mul3A_993 = arith.mulf %get3A_992, %broadcast_in_dim3A_985 : vector<16xf32>
          %swap3A_994 = arith.index_cast %add3A_989 : i32 to index
          %swap3A_995 = arith.constant 0 : index
          %swap3A_996 = tpu.vector_load %arg13[%swap3A_994, %swap3A_995] {strides = array<i32>} : memref<128x128xf32, #tpu.memory_space<vmem>>, vector<16xf32>,
          tpu.vector_store %arg13[%swap3A_994, %swap3A_995], %mul3A_993 {strides = array<i32>} : memref<128x128xf32, #tpu.memory_space<vmem>>, vector<16xf32>,
          %get3A_997 = arith.index_cast %add3A_989 : i32 to index
          %get3A_998 = arith.constant 16 : index
          %get3A_999 = tpu.vector_load %arg13[%get3A_997, %get3A_998] {strides = array<i32>} : memref<128x128xf32, #tpu.memory_space<vmem>>, vector<16xf32>,
          %mul3A_1000 = arith.mulf %get3A_999, %broadcast_in_dim3A_985 : vector<16xf32>
          %swap3A_1001 = arith.index_cast %add3A_989 : i32 to index
          %swap3A_1002 = arith.constant 16 : index
          %swap3A_1003 = tpu.vector_load %arg13[%swap3A_1001, %swap3A_1002] {strides = array<i32>} : memref<128x128xf32, #tpu.memory_space<vmem>>, vector<16xf32>,
          tpu.vector_store %arg13[%swap3A_1001, %swap3A_1002], %mul3A_1000 {strides = array<i32>} : memref<128x128xf32, #tpu.memory_space<vmem>>, vector<16xf32>,
          %get3A_1004 = arith.index_cast %add3A_989 : i32 to index
          %get3A_1005 = arith.constant 32 : index
          %get3A_1006 = tpu.vector_load %arg13[%get3A_1004, %get3A_1005] {strides = array<i32>} : memref<128x128xf32, #tpu.memory_space<vmem>>, vector<16xf32>,
          %mul3A_1007 = arith.mulf %get3A_1006, %broadcast_in_dim3A_985 : vector<16xf32>
          %swap3A_1008 = arith.index_cast %add3A_989 : i32 to index
          %swap3A_1009 = arith.constant 32 : index
          %swap3A_1010 = tpu.vector_load %arg13[%swap3A_1008, %swap3A_1009] {strides = array<i32>} : memref<128x128xf32, #tpu.memory_space<vmem>>, vector<16xf32>,
          tpu.vector_store %arg13[%swap3A_1008, %swap3A_1009], %mul3A_1007 {strides = array<i32>} : memref<128x128xf32, #tpu.memory_space<vmem>>, vector<16xf32>,
          %get3A_1011 = arith.index_cast %add3A_989 : i32 to index
          %get3A_1012 = arith.constant 48 : index
          %get3A_1013 = tpu.vector_load %arg13[%get3A_1011, %get3A_1012] {strides = array<i32>} : memref<128x128xf32, #tpu.memory_space<vmem>>, vector<16xf32>,
          %mul3A_1014 = arith.mulf %get3A_1013, %broadcast_in_dim3A_985 : vector<16xf32>
          %swap3A_1015 = arith.index_cast %add3A_989 : i32 to index
          %swap3A_1016 = arith.constant 48 : index
          %swap3A_1017 = tpu.vector_load %arg13[%swap3A_1015, %swap3A_1016] {strides = array<i32>} : memref<128x128xf32, #tpu.memory_space<vmem>>, vector<16xf32>,
          tpu.vector_store %arg13[%swap3A_1015, %swap3A_1016], %mul3A_1014 {strides = array<i32>} : memref<128x128xf32, #tpu.memory_space<vmem>>, vector<16xf32>,
          %get3A_1018 = arith.index_cast %add3A_989 : i32 to index
          %get3A_1019 = arith.constant 64 : index
          %get3A_1020 = tpu.vector_load %arg13[%get3A_1018, %get3A_1019] {strides = array<i32>} : memref<128x128xf32, #tpu.memory_space<vmem>>, vector<16xf32>,
          %mul3A_1021 = arith.mulf %get3A_1020, %broadcast_in_dim3A_985 : vector<16xf32>
          %swap3A_1022 = arith.index_cast %add3A_989 : i32 to index
          %swap3A_1023 = arith.constant 64 : index
          %swap3A_1024 = tpu.vector_load %arg13[%swap3A_1022, %swap3A_1023] {strides = array<i32>} : memref<128x128xf32, #tpu.memory_space<vmem>>, vector<16xf32>,
          tpu.vector_store %arg13[%swap3A_1022, %swap3A_1023], %mul3A_1021 {strides = array<i32>} : memref<128x128xf32, #tpu.memory_space<vmem>>, vector<16xf32>,
          %get3A_1025 = arith.index_cast %add3A_989 : i32 to index
          %get3A_1026 = arith.constant 80 : index
          %get3A_1027 = tpu.vector_load %arg13[%get3A_1025, %get3A_1026] {strides = array<i32>} : memref<128x128xf32, #tpu.memory_space<vmem>>, vector<16xf32>,
          %mul3A_1028 = arith.mulf %get3A_1027, %broadcast_in_dim3A_985 : vector<16xf32>
          %swap3A_1029 = arith.index_cast %add3A_989 : i32 to index
          %swap3A_1030 = arith.constant 80 : index
          %swap3A_1031 = tpu.vector_load %arg13[%swap3A_1029, %swap3A_1030] {strides = array<i32>} : memref<128x128xf32, #tpu.memory_space<vmem>>, vector<16xf32>,
          tpu.vector_store %arg13[%swap3A_1029, %swap3A_1030], %mul3A_1028 {strides = array<i32>} : memref<128x128xf32, #tpu.memory_space<vmem>>, vector<16xf32>,
          %get3A_1032 = arith.index_cast %add3A_989 : i32 to index
          %get3A_1033 = arith.constant 96 : index
          %get3A_1034 = tpu.vector_load %arg13[%get3A_1032, %get3A_1033] {strides = array<i32>} : memref<128x128xf32, #tpu.memory_space<vmem>>, vector<16xf32>,
          %mul3A_1035 = arith.mulf %get3A_1034, %broadcast_in_dim3A_985 : vector<16xf32>
          %swap3A_1036 = arith.index_cast %add3A_989 : i32 to index
          %swap3A_1037 = arith.constant 96 : index
          %swap3A_1038 = tpu.vector_load %arg13[%swap3A_1036, %swap3A_1037] {strides = array<i32>} : memref<128x128xf32, #tpu.memory_space<vmem>>, vector<16xf32>,
          tpu.vector_store %arg13[%swap3A_1036, %swap3A_1037], %mul3A_1035 {strides = array<i32>} : memref<128x128xf32, #tpu.memory_space<vmem>>, vector<16xf32>,
          %get3A_1039 = arith.index_cast %add3A_989 : i32 to index
          %get3A_1040 = arith.constant 112 : index
          %get3A_1041 = tpu.vector_load %arg13[%get3A_1039, %get3A_1040] {strides = array<i32>} : memref<128x128xf32, #tpu.memory_space<vmem>>, vector<16xf32>,
          %mul3A_1042 = arith.mulf %get3A_1041, %broadcast_in_dim3A_985 : vector<16xf32>
          %swap3A_1043 = arith.index_cast %add3A_989 : i32 to index
          %swap3A_1044 = arith.constant 112 : index
          %swap3A_1045 = tpu.vector_load %arg13[%swap3A_1043, %swap3A_1044] {strides = array<i32>} : memref<128x128xf32, #tpu.memory_space<vmem>>, vector<16xf32>,
          tpu.vector_store %arg13[%swap3A_1043, %swap3A_1044], %mul3A_1042 {strides = array<i32>} : memref<128x128xf32, #tpu.memory_space<vmem>>, vector<16xf32>,
          %slice3A_1046 = vector.extract_strided_slice %get3A_104 {offsets = [15], sizes = [1], strides = [1]} : vector<16xf32> to vector<1xf32>
          %squeeze3A_1047 = vector.extract %slice3A_1046[0] : f32 from vector<1xf32>
          %broadcast_in_dim3A_1048 = vector.broadcast %squeeze3A_1047 : f32 to vector<16xf32>
          %mul3A_1049 = arith.constant 16 : i32
          %mul3A_1050 = arith.muli %scan3A_100, %mul3A_1049 : i32
          %add3A_1051 = arith.constant 15 : i32
          %add3A_1052 = arith.addi %mul3A_1050, %add3A_1051 : i32
          %get3A_1053 = arith.index_cast %add3A_1052 : i32 to index
          %get3A_1054 = arith.constant 0 : index
          %get3A_1055 = tpu.vector_load %arg13[%get3A_1053, %get3A_1054] {strides = array<i32>} : memref<128x128xf32, #tpu.memory_space<vmem>>, vector<16xf32>,
          %mul3A_1056 = arith.mulf %get3A_1055, %broadcast_in_dim3A_1048 : vector<16xf32>
          %swap3A_1057 = arith.index_cast %add3A_1052 : i32 to index
          %swap3A_1058 = arith.constant 0 : index
          %swap3A_1059 = tpu.vector_load %arg13[%swap3A_1057, %swap3A_1058] {strides = array<i32>} : memref<128x128xf32, #tpu.memory_space<vmem>>, vector<16xf32>,
          tpu.vector_store %arg13[%swap3A_1057, %swap3A_1058], %mul3A_1056 {strides = array<i32>} : memref<128x128xf32, #tpu.memory_space<vmem>>, vector<16xf32>,
          %get3A_1060 = arith.index_cast %add3A_1052 : i32 to index
          %get3A_1061 = arith.constant 16 : index
          %get3A_1062 = tpu.vector_load %arg13[%get3A_1060, %get3A_1061] {strides = array<i32>} : memref<128x128xf32, #tpu.memory_space<vmem>>, vector<16xf32>,
          %mul3A_1063 = arith.mulf %get3A_1062, %broadcast_in_dim3A_1048 : vector<16xf32>
          %swap3A_1064 = arith.index_cast %add3A_1052 : i32 to index
          %swap3A_1065 = arith.constant 16 : index
          %swap3A_1066 = tpu.vector_load %arg13[%swap3A_1064, %swap3A_1065] {strides = array<i32>} : memref<128x128xf32, #tpu.memory_space<vmem>>, vector<16xf32>,
          tpu.vector_store %arg13[%swap3A_1064, %swap3A_1065], %mul3A_1063 {strides = array<i32>} : memref<128x128xf32, #tpu.memory_space<vmem>>, vector<16xf32>,
          %get3A_1067 = arith.index_cast %add3A_1052 : i32 to index
          %get3A_1068 = arith.constant 32 : index
          %get3A_1069 = tpu.vector_load %arg13[%get3A_1067, %get3A_1068] {strides = array<i32>} : memref<128x128xf32, #tpu.memory_space<vmem>>, vector<16xf32>,
          %mul3A_1070 = arith.mulf %get3A_1069, %broadcast_in_dim3A_1048 : vector<16xf32>
          %swap3A_1071 = arith.index_cast %add3A_1052 : i32 to index
          %swap3A_1072 = arith.constant 32 : index
          %swap3A_1073 = tpu.vector_load %arg13[%swap3A_1071, %swap3A_1072] {strides = array<i32>} : memref<128x128xf32, #tpu.memory_space<vmem>>, vector<16xf32>,
          tpu.vector_store %arg13[%swap3A_1071, %swap3A_1072], %mul3A_1070 {strides = array<i32>} : memref<128x128xf32, #tpu.memory_space<vmem>>, vector<16xf32>,
          %get3A_1074 = arith.index_cast %add3A_1052 : i32 to index
          %get3A_1075 = arith.constant 48 : index
          %get3A_1076 = tpu.vector_load %arg13[%get3A_1074, %get3A_1075] {strides = array<i32>} : memref<128x128xf32, #tpu.memory_space<vmem>>, vector<16xf32>,
          %mul3A_1077 = arith.mulf %get3A_1076, %broadcast_in_dim3A_1048 : vector<16xf32>
          %swap3A_1078 = arith.index_cast %add3A_1052 : i32 to index
          %swap3A_1079 = arith.constant 48 : index
          %swap3A_1080 = tpu.vector_load %arg13[%swap3A_1078, %swap3A_1079] {strides = array<i32>} : memref<128x128xf32, #tpu.memory_space<vmem>>, vector<16xf32>,
          tpu.vector_store %arg13[%swap3A_1078, %swap3A_1079], %mul3A_1077 {strides = array<i32>} : memref<128x128xf32, #tpu.memory_space<vmem>>, vector<16xf32>,
          %get3A_1081 = arith.index_cast %add3A_1052 : i32 to index
          %get3A_1082 = arith.constant 64 : index
          %get3A_1083 = tpu.vector_load %arg13[%get3A_1081, %get3A_1082] {strides = array<i32>} : memref<128x128xf32, #tpu.memory_space<vmem>>, vector<16xf32>,
          %mul3A_1084 = arith.mulf %get3A_1083, %broadcast_in_dim3A_1048 : vector<16xf32>
          %swap3A_1085 = arith.index_cast %add3A_1052 : i32 to index
          %swap3A_1086 = arith.constant 64 : index
          %swap3A_1087 = tpu.vector_load %arg13[%swap3A_1085, %swap3A_1086] {strides = array<i32>} : memref<128x128xf32, #tpu.memory_space<vmem>>, vector<16xf32>,
          tpu.vector_store %arg13[%swap3A_1085, %swap3A_1086], %mul3A_1084 {strides = array<i32>} : memref<128x128xf32, #tpu.memory_space<vmem>>, vector<16xf32>,
          %get3A_1088 = arith.index_cast %add3A_1052 : i32 to index
          %get3A_1089 = arith.constant 80 : index
          %get3A_1090 = tpu.vector_load %arg13[%get3A_1088, %get3A_1089] {strides = array<i32>} : memref<128x128xf32, #tpu.memory_space<vmem>>, vector<16xf32>,
          %mul3A_1091 = arith.mulf %get3A_1090, %broadcast_in_dim3A_1048 : vector<16xf32>
          %swap3A_1092 = arith.index_cast %add3A_1052 : i32 to index
          %swap3A_1093 = arith.constant 80 : index
          %swap3A_1094 = tpu.vector_load %arg13[%swap3A_1092, %swap3A_1093] {strides = array<i32>} : memref<128x128xf32, #tpu.memory_space<vmem>>, vector<16xf32>,
          tpu.vector_store %arg13[%swap3A_1092, %swap3A_1093], %mul3A_1091 {strides = array<i32>} : memref<128x128xf32, #tpu.memory_space<vmem>>, vector<16xf32>,
          %get3A_1095 = arith.index_cast %add3A_1052 : i32 to index
          %get3A_1096 = arith.constant 96 : index
          %get3A_1097 = tpu.vector_load %arg13[%get3A_1095, %get3A_1096] {strides = array<i32>} : memref<128x128xf32, #tpu.memory_space<vmem>>, vector<16xf32>,
          %mul3A_1098 = arith.mulf %get3A_1097, %broadcast_in_dim3A_1048 : vector<16xf32>
          %swap3A_1099 = arith.index_cast %add3A_1052 : i32 to index
          %swap3A_1100 = arith.constant 96 : index
          %swap3A_1101 = tpu.vector_load %arg13[%swap3A_1099, %swap3A_1100] {strides = array<i32>} : memref<128x128xf32, #tpu.memory_space<vmem>>, vector<16xf32>,
          tpu.vector_store %arg13[%swap3A_1099, %swap3A_1100], %mul3A_1098 {strides = array<i32>} : memref<128x128xf32, #tpu.memory_space<vmem>>, vector<16xf32>,
          %get3A_1102 = arith.index_cast %add3A_1052 : i32 to index
          %get3A_1103 = arith.constant 112 : index
          %get3A_1104 = tpu.vector_load %arg13[%get3A_1102, %get3A_1103] {strides = array<i32>} : memref<128x128xf32, #tpu.memory_space<vmem>>, vector<16xf32>,
          %mul3A_1105 = arith.mulf %get3A_1104, %broadcast_in_dim3A_1048 : vector<16xf32>
          %swap3A_1106 = arith.index_cast %add3A_1052 : i32 to index
          %swap3A_1107 = arith.constant 112 : index
          %swap3A_1108 = tpu.vector_load %arg13[%swap3A_1106, %swap3A_1107] {strides = array<i32>} : memref<128x128xf32, #tpu.memory_space<vmem>>, vector<16xf32>,
          tpu.vector_store %arg13[%swap3A_1106, %swap3A_1107], %mul3A_1105 {strides = array<i32>} : memref<128x128xf32, #tpu.memory_space<vmem>>, vector<16xf32>,
          %scan3A_1109 = arith.constant 0 : i32
          scf.yield %scan3A_1109 : i32
        }
        %scan3A_86 = arith.constant 8 : i32
        %dma_start3A_87 = arith.constant 0 : i32
        %dma_start3A_88 = tpu.memref_slice %arg8[%scan3A_56, %dma_start3A_87] : memref<80x128xi32, #tpu.memory_space<vmem>> -> memref<1x128xi32, #tpu.memory_space<vmem>>
        %dma_start3A_89 = tpu.memref_squeeze %dma_start3A_88 : memref<1x128xi32, #tpu.memory_space<vmem>> -> memref<128xi32, #tpu.memory_space<vmem>>
        %dma_start3A_90 = arith.constant 0 : i32
        %dma_start3A_91 = arith.constant 0 : i32
        %dma_start3A_92 = tpu.memref_slice %arg21[%dma_start3A_90, %dma_start3A_91] : memref<10000x128xf32, #tpu.memory_space<vmem_shared>> -> memref<10000x128xf32, #tpu.memory_space<vmem_shared>>
        tpu.enqueue_indirect_dma source(%arg13 : memref<128x128xf32, #tpu.memory_space<vmem>>) target(%dma_start3A_92 : memref<10000x128xf32, #tpu.memory_space<vmem_shared>>) offsets(%dma_start3A_89 : memref<128xi32, #tpu.memory_space<vmem>>) semaphore(%arg17 : memref<!tpu.dma_semaphore, #tpu.memory_space<semaphore_mem>>) {add = true}
        %add3A_93 = arith.constant 2 : i32
        %add3A_94 = arith.addi %scan3A_56, %add3A_93 : i32
        %lt3A_95 = arith.constant 79 : i32
        %lt3A_96 = arith.cmpi slt, %add3A_94, %lt3A_95 : i32
        %convert_element_type3A_97 = arith.extui %lt3A_96 : i1 to i32
        %cond3A_98 = arith.constant 0 : i32
        %cond3A_99 = arith.cmpi ne, %convert_element_type3A_97, %cond3A_98 : i32
        scf.if %cond3A_99 {
          %add3A_100 = arith.constant 2 : i32
          %add3A_101 = arith.addi %scan3A_56, %add3A_100 : i32
          %mul3A_102 = arith.constant 128 : i32
          %mul3A_103 = arith.muli %add3A_101, %mul3A_102 : i32
          %dma_start3A_104 = arith.constant 0 : i32
          %dma_start3A_105 = tpu.memref_slice %arg3[%add3A, %dma_start3A_104, %mul3A_103] : memref<32x1x10240xi32, #tpu.memory_space<hbm>> -> memref<1x1x128xi32, #tpu.memory_space<hbm>>
          %dma_start3A_106 = tpu.memref_squeeze %dma_start3A_105 : memref<1x1x128xi32, #tpu.memory_space<hbm>> -> memref<128xi32, #tpu.memory_space<hbm>>
          %dma_start3A_107 = tpu.memref_slice %arg3[%add3A, %dma_start3A_104, %mul3A_103] : memref<32x1x10240xi32, #tpu.memory_space<hbm>> -> memref<1x1x128xi32, #tpu.memory_space<hbm>>
          %dma_start3A_108 = tpu.memref_squeeze %dma_start3A_107 : memref<1x1x128xi32, #tpu.memory_space<hbm>> -> memref<128xi32, #tpu.memory_space<hbm>>
          tpu.enqueue_dma source(%dma_start3A_108 : memref<128xi32, #tpu.memory_space<hbm>>) target(%arg9 : memref<128xi32, #tpu.memory_space<vmem>>) target_semaphore(%arg19 : memref<!tpu.dma_semaphore, #tpu.memory_space<semaphore_mem>>)
          %add3A_109 = arith.constant 2 : i32
          %add3A_110 = arith.addi %scan3A_56, %add3A_109 : i32
          %mul3A_111 = arith.constant 128 : i32
          %mul3A_112 = arith.muli %add3A_110, %mul3A_111 : i32
          %dma_start3A_113 = arith.constant 0 : i32
          %dma_start3A_114 = tpu.memref_slice %arg5[%add3A, %dma_start3A_113, %mul3A_112] : memref<32x1x10240xf32, #tpu.memory_space<hbm>> -> memref<1x1x128xf32, #tpu.memory_space<hbm>>
          %dma_start3A_115 = tpu.memref_squeeze %dma_start3A_114 : memref<1x1x128xf32, #tpu.memory_space<hbm>> -> memref<128xf32, #tpu.memory_space<hbm>>
          %dma_start3A_116 = tpu.memref_slice %arg5[%add3A, %dma_start3A_113, %mul3A_112] : memref<32x1x10240xf32, #tpu.memory_space<hbm>> -> memref<1x1x128xf32, #tpu.memory_space<hbm>>
          %dma_start3A_117 = tpu.memref_squeeze %dma_start3A_116 : memref<1x1x128xf32, #tpu.memory_space<hbm>> -> memref<128xf32, #tpu.memory_space<hbm>>
          tpu.enqueue_dma source(%dma_start3A_117 : memref<128xf32, #tpu.memory_space<hbm>>) target(%arg11 : memref<128xf32, #tpu.memory_space<vmem>>) target_semaphore(%arg19 : memref<!tpu.dma_semaphore, #tpu.memory_space<semaphore_mem>>)
        } else {
        }
      } else {
      }
      %eq3A_64 = arith.constant 1 : i32
      %eq3A_65 = arith.cmpi eq, %rem3A_58, %eq3A_64 : i32
      %convert_element_type3A_66 = arith.extui %eq3A_65 : i1 to i32
      %cond3A_67 = arith.constant 0 : i32
      %cond3A_68 = arith.cmpi ne, %convert_element_type3A_66, %cond3A_67 : i32
      scf.if %cond3A_68 {
        %add3A_70 = arith.constant 1 : i32
        %add3A_71 = arith.addi %scan3A_56, %add3A_70 : i32
        %lt3A_72 = arith.constant 79 : i32
        %lt3A_73 = arith.cmpi slt, %add3A_71, %lt3A_72 : i32
        %convert_element_type3A_74 = arith.extui %lt3A_73 : i1 to i32
        %cond3A_75 = arith.constant 0 : i32
        %cond3A_76 = arith.cmpi ne, %convert_element_type3A_74, %cond3A_75 : i32
        scf.if %cond3A_76 {
          %ge3A = arith.constant 1 : i32
          %ge3A_100 = arith.cmpi sge, %scan3A_56, %ge3A : i32
          %convert_element_type3A_101 = arith.extui %ge3A_100 : i1 to i32
          %cond3A_102 = arith.constant 0 : i32
          %cond3A_103 = arith.cmpi ne, %convert_element_type3A_101, %cond3A_102 : i32
          scf.if %cond3A_103 {
            %dma_wait3A_121 = arith.constant 0 : i32
            %dma_wait3A_122 = tpu.memref_slice %arg8[%scan3A_56, %dma_wait3A_121] : memref<80x128xi32, #tpu.memory_space<vmem>> -> memref<1x128xi32, #tpu.memory_space<vmem>>
            %dma_wait3A_123 = tpu.memref_squeeze %dma_wait3A_122 : memref<1x128xi32, #tpu.memory_space<vmem>> -> memref<128xi32, #tpu.memory_space<vmem>>
            %dma_wait3A_124 = arith.constant 0 : i32
            %dma_wait3A_125 = arith.constant 0 : i32
            %dma_wait3A_126 = tpu.memref_slice %arg21[%dma_wait3A_124, %dma_wait3A_125] : memref<10000x128xf32, #tpu.memory_space<vmem_shared>> -> memref<10000x128xf32, #tpu.memory_space<vmem_shared>>
            tpu.wait_indirect_dma semaphore(%arg17 : memref<!tpu.dma_semaphore, #tpu.memory_space<semaphore_mem>>) src(%arg13 : memref<128x128xf32, #tpu.memory_space<vmem>>) dst(%dma_wait3A_126 : memref<10000x128xf32, #tpu.memory_space<vmem_shared>>)
          } else {
          }
          %mul3A_104 = arith.constant 128 : i32
          %mul3A_105 = arith.muli %scan3A_56, %mul3A_104 : i32
          %dma_wait3A_106 = arith.constant 0 : i32
          %dma_wait3A_107 = tpu.memref_slice %arg3[%add3A, %dma_wait3A_106, %mul3A_105] : memref<32x1x10240xi32, #tpu.memory_space<hbm>> -> memref<1x1x128xi32, #tpu.memory_space<hbm>>
          %dma_wait3A_108 = tpu.memref_squeeze %dma_wait3A_107 : memref<1x1x128xi32, #tpu.memory_space<hbm>> -> memref<128xi32, #tpu.memory_space<hbm>>
          %dma_wait3A_109 = tpu.memref_slice %arg3[%add3A, %dma_wait3A_106, %mul3A_105] : memref<32x1x10240xi32, #tpu.memory_space<hbm>> -> memref<1x1x128xi32, #tpu.memory_space<hbm>>
          %dma_wait3A_110 = tpu.memref_squeeze %dma_wait3A_109 : memref<1x1x128xi32, #tpu.memory_space<hbm>> -> memref<128xi32, #tpu.memory_space<hbm>>
          tpu.wait_dma2 semaphore(%arg19 : memref<!tpu.dma_semaphore, #tpu.memory_space<semaphore_mem>>) src(%dma_wait3A_110 : memref<128xi32, #tpu.memory_space<hbm>>) dst(%arg9 : memref<128xi32, #tpu.memory_space<vmem>>)
          %mul3A_111 = arith.constant 128 : i32
          %mul3A_112 = arith.muli %scan3A_56, %mul3A_111 : i32
          %dma_wait3A_113 = arith.constant 0 : i32
          %dma_wait3A_114 = tpu.memref_slice %arg5[%add3A, %dma_wait3A_113, %mul3A_112] : memref<32x1x10240xf32, #tpu.memory_space<hbm>> -> memref<1x1x128xf32, #tpu.memory_space<hbm>>
          %dma_wait3A_115 = tpu.memref_squeeze %dma_wait3A_114 : memref<1x1x128xf32, #tpu.memory_space<hbm>> -> memref<128xf32, #tpu.memory_space<hbm>>
          %dma_wait3A_116 = tpu.memref_slice %arg5[%add3A, %dma_wait3A_113, %mul3A_112] : memref<32x1x10240xf32, #tpu.memory_space<hbm>> -> memref<1x1x128xf32, #tpu.memory_space<hbm>>
          %dma_wait3A_117 = tpu.memref_squeeze %dma_wait3A_116 : memref<1x1x128xf32, #tpu.memory_space<hbm>> -> memref<128xf32, #tpu.memory_space<hbm>>
          tpu.wait_dma2 semaphore(%arg19 : memref<!tpu.dma_semaphore, #tpu.memory_space<semaphore_mem>>) src(%dma_wait3A_117 : memref<128xf32, #tpu.memory_space<hbm>>) dst(%arg11 : memref<128xf32, #tpu.memory_space<vmem>>)
          %dma_start3A_118 = arith.constant 0 : i32
          %dma_start3A_119 = arith.constant 0 : i32
          %dma_start3A_120 = tpu.memref_slice %arg2[%dma_start3A_118, %dma_start3A_119] : memref<10000x128xf32, #tpu.memory_space<hbm>> -> memref<10000x128xf32, #tpu.memory_space<hbm>>
          tpu.enqueue_indirect_dma source(%dma_start3A_120 : memref<10000x128xf32, #tpu.memory_space<hbm>>) target(%arg13 : memref<128x128xf32, #tpu.memory_space<vmem>>) offsets(%arg9 : memref<128xi32, #tpu.memory_space<vmem>>) semaphore(%arg15 : memref<!tpu.dma_semaphore, #tpu.memory_space<semaphore_mem>>)
        } else {
        }
        %dma_wait3A_77 = arith.constant 0 : i32
        %dma_wait3A_78 = arith.constant 0 : i32
        %dma_wait3A_79 = tpu.memref_slice %arg2[%dma_wait3A_77, %dma_wait3A_78] : memref<10000x128xf32, #tpu.memory_space<hbm>> -> memref<10000x128xf32, #tpu.memory_space<hbm>>
        tpu.wait_indirect_dma semaphore(%arg16 : memref<!tpu.dma_semaphore, #tpu.memory_space<semaphore_mem>>) src(%dma_wait3A_79 : memref<10000x128xf32, #tpu.memory_space<hbm>>) dst(%arg14 : memref<128x128xf32, #tpu.memory_space<vmem>>)
        %scan3A_80 = arith.constant 0 : i32
        %scan3A_81 = arith.constant 0 : i32
        %scan3A_82 = arith.constant 8 : i32
        %scan3A_83 = arith.addi %scan3A_81, %scan3A_82 : i32
        %scan3A_84 = arith.constant 1 : i32
        %scan3A_85 = scf.for %scan3A_100 = %scan3A_81 to %scan3A_83 step %scan3A_84 iter_args(%scan3A_101 = %scan3A_80) -> (i32)  : i32 {
          %mul3A_102 = arith.constant 16 : i32
          %mul3A_103 = arith.muli %scan3A_100, %mul3A_102 : i32
          %get3A = arith.index_cast %mul3A_103 : i32 to index
          %get3A_104 = tpu.vector_load %arg12[%get3A] {strides = array<i32>} : memref<128xf32, #tpu.memory_space<vmem>>, vector<16xf32>,
          %slice3A = vector.extract_strided_slice %get3A_104 {offsets = [0], sizes = [1], strides = [1]} : vector<16xf32> to vector<1xf32>
          %squeeze3A = vector.extract %slice3A[0] : f32 from vector<1xf32>
          %broadcast_in_dim3A = vector.broadcast %squeeze3A : f32 to vector<16xf32>
          %mul3A_105 = arith.constant 16 : i32
          %mul3A_106 = arith.muli %scan3A_100, %mul3A_105 : i32
          %add3A_107 = arith.constant 0 : i32
          %add3A_108 = arith.addi %mul3A_106, %add3A_107 : i32
          %get3A_109 = arith.index_cast %add3A_108 : i32 to index
          %get3A_110 = arith.constant 0 : index
          %get3A_111 = tpu.vector_load %arg14[%get3A_109, %get3A_110] {strides = array<i32>} : memref<128x128xf32, #tpu.memory_space<vmem>>, vector<16xf32>,
          %mul3A_112 = arith.mulf %get3A_111, %broadcast_in_dim3A : vector<16xf32>
          %swap3A = arith.index_cast %add3A_108 : i32 to index
          %swap3A_113 = arith.constant 0 : index
          %swap3A_114 = tpu.vector_load %arg14[%swap3A, %swap3A_113] {strides = array<i32>} : memref<128x128xf32, #tpu.memory_space<vmem>>, vector<16xf32>,
          tpu.vector_store %arg14[%swap3A, %swap3A_113], %mul3A_112 {strides = array<i32>} : memref<128x128xf32, #tpu.memory_space<vmem>>, vector<16xf32>,
          %get3A_115 = arith.index_cast %add3A_108 : i32 to index
          %get3A_116 = arith.constant 16 : index
          %get3A_117 = tpu.vector_load %arg14[%get3A_115, %get3A_116] {strides = array<i32>} : memref<128x128xf32, #tpu.memory_space<vmem>>, vector<16xf32>,
          %mul3A_118 = arith.mulf %get3A_117, %broadcast_in_dim3A : vector<16xf32>
          %swap3A_119 = arith.index_cast %add3A_108 : i32 to index
          %swap3A_120 = arith.constant 16 : index
          %swap3A_121 = tpu.vector_load %arg14[%swap3A_119, %swap3A_120] {strides = array<i32>} : memref<128x128xf32, #tpu.memory_space<vmem>>, vector<16xf32>,
          tpu.vector_store %arg14[%swap3A_119, %swap3A_120], %mul3A_118 {strides = array<i32>} : memref<128x128xf32, #tpu.memory_space<vmem>>, vector<16xf32>,
          %get3A_122 = arith.index_cast %add3A_108 : i32 to index
          %get3A_123 = arith.constant 32 : index
          %get3A_124 = tpu.vector_load %arg14[%get3A_122, %get3A_123] {strides = array<i32>} : memref<128x128xf32, #tpu.memory_space<vmem>>, vector<16xf32>,
          %mul3A_125 = arith.mulf %get3A_124, %broadcast_in_dim3A : vector<16xf32>
          %swap3A_126 = arith.index_cast %add3A_108 : i32 to index
          %swap3A_127 = arith.constant 32 : index
          %swap3A_128 = tpu.vector_load %arg14[%swap3A_126, %swap3A_127] {strides = array<i32>} : memref<128x128xf32, #tpu.memory_space<vmem>>, vector<16xf32>,
          tpu.vector_store %arg14[%swap3A_126, %swap3A_127], %mul3A_125 {strides = array<i32>} : memref<128x128xf32, #tpu.memory_space<vmem>>, vector<16xf32>,
          %get3A_129 = arith.index_cast %add3A_108 : i32 to index
          %get3A_130 = arith.constant 48 : index
          %get3A_131 = tpu.vector_load %arg14[%get3A_129, %get3A_130] {strides = array<i32>} : memref<128x128xf32, #tpu.memory_space<vmem>>, vector<16xf32>,
          %mul3A_132 = arith.mulf %get3A_131, %broadcast_in_dim3A : vector<16xf32>
          %swap3A_133 = arith.index_cast %add3A_108 : i32 to index
          %swap3A_134 = arith.constant 48 : index
          %swap3A_135 = tpu.vector_load %arg14[%swap3A_133, %swap3A_134] {strides = array<i32>} : memref<128x128xf32, #tpu.memory_space<vmem>>, vector<16xf32>,
          tpu.vector_store %arg14[%swap3A_133, %swap3A_134], %mul3A_132 {strides = array<i32>} : memref<128x128xf32, #tpu.memory_space<vmem>>, vector<16xf32>,
          %get3A_136 = arith.index_cast %add3A_108 : i32 to index
          %get3A_137 = arith.constant 64 : index
          %get3A_138 = tpu.vector_load %arg14[%get3A_136, %get3A_137] {strides = array<i32>} : memref<128x128xf32, #tpu.memory_space<vmem>>, vector<16xf32>,
          %mul3A_139 = arith.mulf %get3A_138, %broadcast_in_dim3A : vector<16xf32>
          %swap3A_140 = arith.index_cast %add3A_108 : i32 to index
          %swap3A_141 = arith.constant 64 : index
          %swap3A_142 = tpu.vector_load %arg14[%swap3A_140, %swap3A_141] {strides = array<i32>} : memref<128x128xf32, #tpu.memory_space<vmem>>, vector<16xf32>,
          tpu.vector_store %arg14[%swap3A_140, %swap3A_141], %mul3A_139 {strides = array<i32>} : memref<128x128xf32, #tpu.memory_space<vmem>>, vector<16xf32>,
          %get3A_143 = arith.index_cast %add3A_108 : i32 to index
          %get3A_144 = arith.constant 80 : index
          %get3A_145 = tpu.vector_load %arg14[%get3A_143, %get3A_144] {strides = array<i32>} : memref<128x128xf32, #tpu.memory_space<vmem>>, vector<16xf32>,
          %mul3A_146 = arith.mulf %get3A_145, %broadcast_in_dim3A : vector<16xf32>
          %swap3A_147 = arith.index_cast %add3A_108 : i32 to index
          %swap3A_148 = arith.constant 80 : index
          %swap3A_149 = tpu.vector_load %arg14[%swap3A_147, %swap3A_148] {strides = array<i32>} : memref<128x128xf32, #tpu.memory_space<vmem>>, vector<16xf32>,
          tpu.vector_store %arg14[%swap3A_147, %swap3A_148], %mul3A_146 {strides = array<i32>} : memref<128x128xf32, #tpu.memory_space<vmem>>, vector<16xf32>,
          %get3A_150 = arith.index_cast %add3A_108 : i32 to index
          %get3A_151 = arith.constant 96 : index
          %get3A_152 = tpu.vector_load %arg14[%get3A_150, %get3A_151] {strides = array<i32>} : memref<128x128xf32, #tpu.memory_space<vmem>>, vector<16xf32>,
          %mul3A_153 = arith.mulf %get3A_152, %broadcast_in_dim3A : vector<16xf32>
          %swap3A_154 = arith.index_cast %add3A_108 : i32 to index
          %swap3A_155 = arith.constant 96 : index
          %swap3A_156 = tpu.vector_load %arg14[%swap3A_154, %swap3A_155] {strides = array<i32>} : memref<128x128xf32, #tpu.memory_space<vmem>>, vector<16xf32>,
          tpu.vector_store %arg14[%swap3A_154, %swap3A_155], %mul3A_153 {strides = array<i32>} : memref<128x128xf32, #tpu.memory_space<vmem>>, vector<16xf32>,
          %get3A_157 = arith.index_cast %add3A_108 : i32 to index
          %get3A_158 = arith.constant 112 : index
          %get3A_159 = tpu.vector_load %arg14[%get3A_157, %get3A_158] {strides = array<i32>} : memref<128x128xf32, #tpu.memory_space<vmem>>, vector<16xf32>,
          %mul3A_160 = arith.mulf %get3A_159, %broadcast_in_dim3A : vector<16xf32>
          %swap3A_161 = arith.index_cast %add3A_108 : i32 to index
          %swap3A_162 = arith.constant 112 : index
          %swap3A_163 = tpu.vector_load %arg14[%swap3A_161, %swap3A_162] {strides = array<i32>} : memref<128x128xf32, #tpu.memory_space<vmem>>, vector<16xf32>,
          tpu.vector_store %arg14[%swap3A_161, %swap3A_162], %mul3A_160 {strides = array<i32>} : memref<128x128xf32, #tpu.memory_space<vmem>>, vector<16xf32>,
          %slice3A_164 = vector.extract_strided_slice %get3A_104 {offsets = [1], sizes = [1], strides = [1]} : vector<16xf32> to vector<1xf32>
          %squeeze3A_165 = vector.extract %slice3A_164[0] : f32 from vector<1xf32>
          %broadcast_in_dim3A_166 = vector.broadcast %squeeze3A_165 : f32 to vector<16xf32>
          %mul3A_167 = arith.constant 16 : i32
          %mul3A_168 = arith.muli %scan3A_100, %mul3A_167 : i32
          %add3A_169 = arith.constant 1 : i32
          %add3A_170 = arith.addi %mul3A_168, %add3A_169 : i32
          %get3A_171 = arith.index_cast %add3A_170 : i32 to index
          %get3A_172 = arith.constant 0 : index
          %get3A_173 = tpu.vector_load %arg14[%get3A_171, %get3A_172] {strides = array<i32>} : memref<128x128xf32, #tpu.memory_space<vmem>>, vector<16xf32>,
          %mul3A_174 = arith.mulf %get3A_173, %broadcast_in_dim3A_166 : vector<16xf32>
          %swap3A_175 = arith.index_cast %add3A_170 : i32 to index
          %swap3A_176 = arith.constant 0 : index
          %swap3A_177 = tpu.vector_load %arg14[%swap3A_175, %swap3A_176] {strides = array<i32>} : memref<128x128xf32, #tpu.memory_space<vmem>>, vector<16xf32>,
          tpu.vector_store %arg14[%swap3A_175, %swap3A_176], %mul3A_174 {strides = array<i32>} : memref<128x128xf32, #tpu.memory_space<vmem>>, vector<16xf32>,
          %get3A_178 = arith.index_cast %add3A_170 : i32 to index
          %get3A_179 = arith.constant 16 : index
          %get3A_180 = tpu.vector_load %arg14[%get3A_178, %get3A_179] {strides = array<i32>} : memref<128x128xf32, #tpu.memory_space<vmem>>, vector<16xf32>,
          %mul3A_181 = arith.mulf %get3A_180, %broadcast_in_dim3A_166 : vector<16xf32>
          %swap3A_182 = arith.index_cast %add3A_170 : i32 to index
          %swap3A_183 = arith.constant 16 : index
          %swap3A_184 = tpu.vector_load %arg14[%swap3A_182, %swap3A_183] {strides = array<i32>} : memref<128x128xf32, #tpu.memory_space<vmem>>, vector<16xf32>,
          tpu.vector_store %arg14[%swap3A_182, %swap3A_183], %mul3A_181 {strides = array<i32>} : memref<128x128xf32, #tpu.memory_space<vmem>>, vector<16xf32>,
          %get3A_185 = arith.index_cast %add3A_170 : i32 to index
          %get3A_186 = arith.constant 32 : index
          %get3A_187 = tpu.vector_load %arg14[%get3A_185, %get3A_186] {strides = array<i32>} : memref<128x128xf32, #tpu.memory_space<vmem>>, vector<16xf32>,
          %mul3A_188 = arith.mulf %get3A_187, %broadcast_in_dim3A_166 : vector<16xf32>
          %swap3A_189 = arith.index_cast %add3A_170 : i32 to index
          %swap3A_190 = arith.constant 32 : index
          %swap3A_191 = tpu.vector_load %arg14[%swap3A_189, %swap3A_190] {strides = array<i32>} : memref<128x128xf32, #tpu.memory_space<vmem>>, vector<16xf32>,
          tpu.vector_store %arg14[%swap3A_189, %swap3A_190], %mul3A_188 {strides = array<i32>} : memref<128x128xf32, #tpu.memory_space<vmem>>, vector<16xf32>,
          %get3A_192 = arith.index_cast %add3A_170 : i32 to index
          %get3A_193 = arith.constant 48 : index
          %get3A_194 = tpu.vector_load %arg14[%get3A_192, %get3A_193] {strides = array<i32>} : memref<128x128xf32, #tpu.memory_space<vmem>>, vector<16xf32>,
          %mul3A_195 = arith.mulf %get3A_194, %broadcast_in_dim3A_166 : vector<16xf32>
          %swap3A_196 = arith.index_cast %add3A_170 : i32 to index
          %swap3A_197 = arith.constant 48 : index
          %swap3A_198 = tpu.vector_load %arg14[%swap3A_196, %swap3A_197] {strides = array<i32>} : memref<128x128xf32, #tpu.memory_space<vmem>>, vector<16xf32>,
          tpu.vector_store %arg14[%swap3A_196, %swap3A_197], %mul3A_195 {strides = array<i32>} : memref<128x128xf32, #tpu.memory_space<vmem>>, vector<16xf32>,
          %get3A_199 = arith.index_cast %add3A_170 : i32 to index
          %get3A_200 = arith.constant 64 : index
          %get3A_201 = tpu.vector_load %arg14[%get3A_199, %get3A_200] {strides = array<i32>} : memref<128x128xf32, #tpu.memory_space<vmem>>, vector<16xf32>,
          %mul3A_202 = arith.mulf %get3A_201, %broadcast_in_dim3A_166 : vector<16xf32>
          %swap3A_203 = arith.index_cast %add3A_170 : i32 to index
          %swap3A_204 = arith.constant 64 : index
          %swap3A_205 = tpu.vector_load %arg14[%swap3A_203, %swap3A_204] {strides = array<i32>} : memref<128x128xf32, #tpu.memory_space<vmem>>, vector<16xf32>,
          tpu.vector_store %arg14[%swap3A_203, %swap3A_204], %mul3A_202 {strides = array<i32>} : memref<128x128xf32, #tpu.memory_space<vmem>>, vector<16xf32>,
          %get3A_206 = arith.index_cast %add3A_170 : i32 to index
          %get3A_207 = arith.constant 80 : index
          %get3A_208 = tpu.vector_load %arg14[%get3A_206, %get3A_207] {strides = array<i32>} : memref<128x128xf32, #tpu.memory_space<vmem>>, vector<16xf32>,
          %mul3A_209 = arith.mulf %get3A_208, %broadcast_in_dim3A_166 : vector<16xf32>
          %swap3A_210 = arith.index_cast %add3A_170 : i32 to index
          %swap3A_211 = arith.constant 80 : index
          %swap3A_212 = tpu.vector_load %arg14[%swap3A_210, %swap3A_211] {strides = array<i32>} : memref<128x128xf32, #tpu.memory_space<vmem>>, vector<16xf32>,
          tpu.vector_store %arg14[%swap3A_210, %swap3A_211], %mul3A_209 {strides = array<i32>} : memref<128x128xf32, #tpu.memory_space<vmem>>, vector<16xf32>,
          %get3A_213 = arith.index_cast %add3A_170 : i32 to index
          %get3A_214 = arith.constant 96 : index
          %get3A_215 = tpu.vector_load %arg14[%get3A_213, %get3A_214] {strides = array<i32>} : memref<128x128xf32, #tpu.memory_space<vmem>>, vector<16xf32>,
          %mul3A_216 = arith.mulf %get3A_215, %broadcast_in_dim3A_166 : vector<16xf32>
          %swap3A_217 = arith.index_cast %add3A_170 : i32 to index
          %swap3A_218 = arith.constant 96 : index
          %swap3A_219 = tpu.vector_load %arg14[%swap3A_217, %swap3A_218] {strides = array<i32>} : memref<128x128xf32, #tpu.memory_space<vmem>>, vector<16xf32>,
          tpu.vector_store %arg14[%swap3A_217, %swap3A_218], %mul3A_216 {strides = array<i32>} : memref<128x128xf32, #tpu.memory_space<vmem>>, vector<16xf32>,
          %get3A_220 = arith.index_cast %add3A_170 : i32 to index
          %get3A_221 = arith.constant 112 : index
          %get3A_222 = tpu.vector_load %arg14[%get3A_220, %get3A_221] {strides = array<i32>} : memref<128x128xf32, #tpu.memory_space<vmem>>, vector<16xf32>,
          %mul3A_223 = arith.mulf %get3A_222, %broadcast_in_dim3A_166 : vector<16xf32>
          %swap3A_224 = arith.index_cast %add3A_170 : i32 to index
          %swap3A_225 = arith.constant 112 : index
          %swap3A_226 = tpu.vector_load %arg14[%swap3A_224, %swap3A_225] {strides = array<i32>} : memref<128x128xf32, #tpu.memory_space<vmem>>, vector<16xf32>,
          tpu.vector_store %arg14[%swap3A_224, %swap3A_225], %mul3A_223 {strides = array<i32>} : memref<128x128xf32, #tpu.memory_space<vmem>>, vector<16xf32>,
          %slice3A_227 = vector.extract_strided_slice %get3A_104 {offsets = [2], sizes = [1], strides = [1]} : vector<16xf32> to vector<1xf32>
          %squeeze3A_228 = vector.extract %slice3A_227[0] : f32 from vector<1xf32>
          %broadcast_in_dim3A_229 = vector.broadcast %squeeze3A_228 : f32 to vector<16xf32>
          %mul3A_230 = arith.constant 16 : i32
          %mul3A_231 = arith.muli %scan3A_100, %mul3A_230 : i32
          %add3A_232 = arith.constant 2 : i32
          %add3A_233 = arith.addi %mul3A_231, %add3A_232 : i32
          %get3A_234 = arith.index_cast %add3A_233 : i32 to index
          %get3A_235 = arith.constant 0 : index
          %get3A_236 = tpu.vector_load %arg14[%get3A_234, %get3A_235] {strides = array<i32>} : memref<128x128xf32, #tpu.memory_space<vmem>>, vector<16xf32>,
          %mul3A_237 = arith.mulf %get3A_236, %broadcast_in_dim3A_229 : vector<16xf32>
          %swap3A_238 = arith.index_cast %add3A_233 : i32 to index
          %swap3A_239 = arith.constant 0 : index
          %swap3A_240 = tpu.vector_load %arg14[%swap3A_238, %swap3A_239] {strides = array<i32>} : memref<128x128xf32, #tpu.memory_space<vmem>>, vector<16xf32>,
          tpu.vector_store %arg14[%swap3A_238, %swap3A_239], %mul3A_237 {strides = array<i32>} : memref<128x128xf32, #tpu.memory_space<vmem>>, vector<16xf32>,
          %get3A_241 = arith.index_cast %add3A_233 : i32 to index
          %get3A_242 = arith.constant 16 : index
          %get3A_243 = tpu.vector_load %arg14[%get3A_241, %get3A_242] {strides = array<i32>} : memref<128x128xf32, #tpu.memory_space<vmem>>, vector<16xf32>,
          %mul3A_244 = arith.mulf %get3A_243, %broadcast_in_dim3A_229 : vector<16xf32>
          %swap3A_245 = arith.index_cast %add3A_233 : i32 to index
          %swap3A_246 = arith.constant 16 : index
          %swap3A_247 = tpu.vector_load %arg14[%swap3A_245, %swap3A_246] {strides = array<i32>} : memref<128x128xf32, #tpu.memory_space<vmem>>, vector<16xf32>,
          tpu.vector_store %arg14[%swap3A_245, %swap3A_246], %mul3A_244 {strides = array<i32>} : memref<128x128xf32, #tpu.memory_space<vmem>>, vector<16xf32>,
          %get3A_248 = arith.index_cast %add3A_233 : i32 to index
          %get3A_249 = arith.constant 32 : index
          %get3A_250 = tpu.vector_load %arg14[%get3A_248, %get3A_249] {strides = array<i32>} : memref<128x128xf32, #tpu.memory_space<vmem>>, vector<16xf32>,
          %mul3A_251 = arith.mulf %get3A_250, %broadcast_in_dim3A_229 : vector<16xf32>
          %swap3A_252 = arith.index_cast %add3A_233 : i32 to index
          %swap3A_253 = arith.constant 32 : index
          %swap3A_254 = tpu.vector_load %arg14[%swap3A_252, %swap3A_253] {strides = array<i32>} : memref<128x128xf32, #tpu.memory_space<vmem>>, vector<16xf32>,
          tpu.vector_store %arg14[%swap3A_252, %swap3A_253], %mul3A_251 {strides = array<i32>} : memref<128x128xf32, #tpu.memory_space<vmem>>, vector<16xf32>,
          %get3A_255 = arith.index_cast %add3A_233 : i32 to index
          %get3A_256 = arith.constant 48 : index
          %get3A_257 = tpu.vector_load %arg14[%get3A_255, %get3A_256] {strides = array<i32>} : memref<128x128xf32, #tpu.memory_space<vmem>>, vector<16xf32>,
          %mul3A_258 = arith.mulf %get3A_257, %broadcast_in_dim3A_229 : vector<16xf32>
          %swap3A_259 = arith.index_cast %add3A_233 : i32 to index
          %swap3A_260 = arith.constant 48 : index
          %swap3A_261 = tpu.vector_load %arg14[%swap3A_259, %swap3A_260] {strides = array<i32>} : memref<128x128xf32, #tpu.memory_space<vmem>>, vector<16xf32>,
          tpu.vector_store %arg14[%swap3A_259, %swap3A_260], %mul3A_258 {strides = array<i32>} : memref<128x128xf32, #tpu.memory_space<vmem>>, vector<16xf32>,
          %get3A_262 = arith.index_cast %add3A_233 : i32 to index
          %get3A_263 = arith.constant 64 : index
          %get3A_264 = tpu.vector_load %arg14[%get3A_262, %get3A_263] {strides = array<i32>} : memref<128x128xf32, #tpu.memory_space<vmem>>, vector<16xf32>,
          %mul3A_265 = arith.mulf %get3A_264, %broadcast_in_dim3A_229 : vector<16xf32>
          %swap3A_266 = arith.index_cast %add3A_233 : i32 to index
          %swap3A_267 = arith.constant 64 : index
          %swap3A_268 = tpu.vector_load %arg14[%swap3A_266, %swap3A_267] {strides = array<i32>} : memref<128x128xf32, #tpu.memory_space<vmem>>, vector<16xf32>,
          tpu.vector_store %arg14[%swap3A_266, %swap3A_267], %mul3A_265 {strides = array<i32>} : memref<128x128xf32, #tpu.memory_space<vmem>>, vector<16xf32>,
          %get3A_269 = arith.index_cast %add3A_233 : i32 to index
          %get3A_270 = arith.constant 80 : index
          %get3A_271 = tpu.vector_load %arg14[%get3A_269, %get3A_270] {strides = array<i32>} : memref<128x128xf32, #tpu.memory_space<vmem>>, vector<16xf32>,
          %mul3A_272 = arith.mulf %get3A_271, %broadcast_in_dim3A_229 : vector<16xf32>
          %swap3A_273 = arith.index_cast %add3A_233 : i32 to index
          %swap3A_274 = arith.constant 80 : index
          %swap3A_275 = tpu.vector_load %arg14[%swap3A_273, %swap3A_274] {strides = array<i32>} : memref<128x128xf32, #tpu.memory_space<vmem>>, vector<16xf32>,
          tpu.vector_store %arg14[%swap3A_273, %swap3A_274], %mul3A_272 {strides = array<i32>} : memref<128x128xf32, #tpu.memory_space<vmem>>, vector<16xf32>,
          %get3A_276 = arith.index_cast %add3A_233 : i32 to index
          %get3A_277 = arith.constant 96 : index
          %get3A_278 = tpu.vector_load %arg14[%get3A_276, %get3A_277] {strides = array<i32>} : memref<128x128xf32, #tpu.memory_space<vmem>>, vector<16xf32>,
          %mul3A_279 = arith.mulf %get3A_278, %broadcast_in_dim3A_229 : vector<16xf32>
          %swap3A_280 = arith.index_cast %add3A_233 : i32 to index
          %swap3A_281 = arith.constant 96 : index
          %swap3A_282 = tpu.vector_load %arg14[%swap3A_280, %swap3A_281] {strides = array<i32>} : memref<128x128xf32, #tpu.memory_space<vmem>>, vector<16xf32>,
          tpu.vector_store %arg14[%swap3A_280, %swap3A_281], %mul3A_279 {strides = array<i32>} : memref<128x128xf32, #tpu.memory_space<vmem>>, vector<16xf32>,
          %get3A_283 = arith.index_cast %add3A_233 : i32 to index
          %get3A_284 = arith.constant 112 : index
          %get3A_285 = tpu.vector_load %arg14[%get3A_283, %get3A_284] {strides = array<i32>} : memref<128x128xf32, #tpu.memory_space<vmem>>, vector<16xf32>,
          %mul3A_286 = arith.mulf %get3A_285, %broadcast_in_dim3A_229 : vector<16xf32>
          %swap3A_287 = arith.index_cast %add3A_233 : i32 to index
          %swap3A_288 = arith.constant 112 : index
          %swap3A_289 = tpu.vector_load %arg14[%swap3A_287, %swap3A_288] {strides = array<i32>} : memref<128x128xf32, #tpu.memory_space<vmem>>, vector<16xf32>,
          tpu.vector_store %arg14[%swap3A_287, %swap3A_288], %mul3A_286 {strides = array<i32>} : memref<128x128xf32, #tpu.memory_space<vmem>>, vector<16xf32>,
          %slice3A_290 = vector.extract_strided_slice %get3A_104 {offsets = [3], sizes = [1], strides = [1]} : vector<16xf32> to vector<1xf32>
          %squeeze3A_291 = vector.extract %slice3A_290[0] : f32 from vector<1xf32>
          %broadcast_in_dim3A_292 = vector.broadcast %squeeze3A_291 : f32 to vector<16xf32>
          %mul3A_293 = arith.constant 16 : i32
          %mul3A_294 = arith.muli %scan3A_100, %mul3A_293 : i32
          %add3A_295 = arith.constant 3 : i32
          %add3A_296 = arith.addi %mul3A_294, %add3A_295 : i32
          %get3A_297 = arith.index_cast %add3A_296 : i32 to index
          %get3A_298 = arith.constant 0 : index
          %get3A_299 = tpu.vector_load %arg14[%get3A_297, %get3A_298] {strides = array<i32>} : memref<128x128xf32, #tpu.memory_space<vmem>>, vector<16xf32>,
          %mul3A_300 = arith.mulf %get3A_299, %broadcast_in_dim3A_292 : vector<16xf32>
          %swap3A_301 = arith.index_cast %add3A_296 : i32 to index
          %swap3A_302 = arith.constant 0 : index
          %swap3A_303 = tpu.vector_load %arg14[%swap3A_301, %swap3A_302] {strides = array<i32>} : memref<128x128xf32, #tpu.memory_space<vmem>>, vector<16xf32>,
          tpu.vector_store %arg14[%swap3A_301, %swap3A_302], %mul3A_300 {strides = array<i32>} : memref<128x128xf32, #tpu.memory_space<vmem>>, vector<16xf32>,
          %get3A_304 = arith.index_cast %add3A_296 : i32 to index
          %get3A_305 = arith.constant 16 : index
          %get3A_306 = tpu.vector_load %arg14[%get3A_304, %get3A_305] {strides = array<i32>} : memref<128x128xf32, #tpu.memory_space<vmem>>, vector<16xf32>,
          %mul3A_307 = arith.mulf %get3A_306, %broadcast_in_dim3A_292 : vector<16xf32>
          %swap3A_308 = arith.index_cast %add3A_296 : i32 to index
          %swap3A_309 = arith.constant 16 : index
          %swap3A_310 = tpu.vector_load %arg14[%swap3A_308, %swap3A_309] {strides = array<i32>} : memref<128x128xf32, #tpu.memory_space<vmem>>, vector<16xf32>,
          tpu.vector_store %arg14[%swap3A_308, %swap3A_309], %mul3A_307 {strides = array<i32>} : memref<128x128xf32, #tpu.memory_space<vmem>>, vector<16xf32>,
          %get3A_311 = arith.index_cast %add3A_296 : i32 to index
          %get3A_312 = arith.constant 32 : index
          %get3A_313 = tpu.vector_load %arg14[%get3A_311, %get3A_312] {strides = array<i32>} : memref<128x128xf32, #tpu.memory_space<vmem>>, vector<16xf32>,
          %mul3A_314 = arith.mulf %get3A_313, %broadcast_in_dim3A_292 : vector<16xf32>
          %swap3A_315 = arith.index_cast %add3A_296 : i32 to index
          %swap3A_316 = arith.constant 32 : index
          %swap3A_317 = tpu.vector_load %arg14[%swap3A_315, %swap3A_316] {strides = array<i32>} : memref<128x128xf32, #tpu.memory_space<vmem>>, vector<16xf32>,
          tpu.vector_store %arg14[%swap3A_315, %swap3A_316], %mul3A_314 {strides = array<i32>} : memref<128x128xf32, #tpu.memory_space<vmem>>, vector<16xf32>,
          %get3A_318 = arith.index_cast %add3A_296 : i32 to index
          %get3A_319 = arith.constant 48 : index
          %get3A_320 = tpu.vector_load %arg14[%get3A_318, %get3A_319] {strides = array<i32>} : memref<128x128xf32, #tpu.memory_space<vmem>>, vector<16xf32>,
          %mul3A_321 = arith.mulf %get3A_320, %broadcast_in_dim3A_292 : vector<16xf32>
          %swap3A_322 = arith.index_cast %add3A_296 : i32 to index
          %swap3A_323 = arith.constant 48 : index
          %swap3A_324 = tpu.vector_load %arg14[%swap3A_322, %swap3A_323] {strides = array<i32>} : memref<128x128xf32, #tpu.memory_space<vmem>>, vector<16xf32>,
          tpu.vector_store %arg14[%swap3A_322, %swap3A_323], %mul3A_321 {strides = array<i32>} : memref<128x128xf32, #tpu.memory_space<vmem>>, vector<16xf32>,
          %get3A_325 = arith.index_cast %add3A_296 : i32 to index
          %get3A_326 = arith.constant 64 : index
          %get3A_327 = tpu.vector_load %arg14[%get3A_325, %get3A_326] {strides = array<i32>} : memref<128x128xf32, #tpu.memory_space<vmem>>, vector<16xf32>,
          %mul3A_328 = arith.mulf %get3A_327, %broadcast_in_dim3A_292 : vector<16xf32>
          %swap3A_329 = arith.index_cast %add3A_296 : i32 to index
          %swap3A_330 = arith.constant 64 : index
          %swap3A_331 = tpu.vector_load %arg14[%swap3A_329, %swap3A_330] {strides = array<i32>} : memref<128x128xf32, #tpu.memory_space<vmem>>, vector<16xf32>,
          tpu.vector_store %arg14[%swap3A_329, %swap3A_330], %mul3A_328 {strides = array<i32>} : memref<128x128xf32, #tpu.memory_space<vmem>>, vector<16xf32>,
          %get3A_332 = arith.index_cast %add3A_296 : i32 to index
          %get3A_333 = arith.constant 80 : index
          %get3A_334 = tpu.vector_load %arg14[%get3A_332, %get3A_333] {strides = array<i32>} : memref<128x128xf32, #tpu.memory_space<vmem>>, vector<16xf32>,
          %mul3A_335 = arith.mulf %get3A_334, %broadcast_in_dim3A_292 : vector<16xf32>
          %swap3A_336 = arith.index_cast %add3A_296 : i32 to index
          %swap3A_337 = arith.constant 80 : index
          %swap3A_338 = tpu.vector_load %arg14[%swap3A_336, %swap3A_337] {strides = array<i32>} : memref<128x128xf32, #tpu.memory_space<vmem>>, vector<16xf32>,
          tpu.vector_store %arg14[%swap3A_336, %swap3A_337], %mul3A_335 {strides = array<i32>} : memref<128x128xf32, #tpu.memory_space<vmem>>, vector<16xf32>,
          %get3A_339 = arith.index_cast %add3A_296 : i32 to index
          %get3A_340 = arith.constant 96 : index
          %get3A_341 = tpu.vector_load %arg14[%get3A_339, %get3A_340] {strides = array<i32>} : memref<128x128xf32, #tpu.memory_space<vmem>>, vector<16xf32>,
          %mul3A_342 = arith.mulf %get3A_341, %broadcast_in_dim3A_292 : vector<16xf32>
          %swap3A_343 = arith.index_cast %add3A_296 : i32 to index
          %swap3A_344 = arith.constant 96 : index
          %swap3A_345 = tpu.vector_load %arg14[%swap3A_343, %swap3A_344] {strides = array<i32>} : memref<128x128xf32, #tpu.memory_space<vmem>>, vector<16xf32>,
          tpu.vector_store %arg14[%swap3A_343, %swap3A_344], %mul3A_342 {strides = array<i32>} : memref<128x128xf32, #tpu.memory_space<vmem>>, vector<16xf32>,
          %get3A_346 = arith.index_cast %add3A_296 : i32 to index
          %get3A_347 = arith.constant 112 : index
          %get3A_348 = tpu.vector_load %arg14[%get3A_346, %get3A_347] {strides = array<i32>} : memref<128x128xf32, #tpu.memory_space<vmem>>, vector<16xf32>,
          %mul3A_349 = arith.mulf %get3A_348, %broadcast_in_dim3A_292 : vector<16xf32>
          %swap3A_350 = arith.index_cast %add3A_296 : i32 to index
          %swap3A_351 = arith.constant 112 : index
          %swap3A_352 = tpu.vector_load %arg14[%swap3A_350, %swap3A_351] {strides = array<i32>} : memref<128x128xf32, #tpu.memory_space<vmem>>, vector<16xf32>,
          tpu.vector_store %arg14[%swap3A_350, %swap3A_351], %mul3A_349 {strides = array<i32>} : memref<128x128xf32, #tpu.memory_space<vmem>>, vector<16xf32>,
          %slice3A_353 = vector.extract_strided_slice %get3A_104 {offsets = [4], sizes = [1], strides = [1]} : vector<16xf32> to vector<1xf32>
          %squeeze3A_354 = vector.extract %slice3A_353[0] : f32 from vector<1xf32>
          %broadcast_in_dim3A_355 = vector.broadcast %squeeze3A_354 : f32 to vector<16xf32>
          %mul3A_356 = arith.constant 16 : i32
          %mul3A_357 = arith.muli %scan3A_100, %mul3A_356 : i32
          %add3A_358 = arith.constant 4 : i32
          %add3A_359 = arith.addi %mul3A_357, %add3A_358 : i32
          %get3A_360 = arith.index_cast %add3A_359 : i32 to index
          %get3A_361 = arith.constant 0 : index
          %get3A_362 = tpu.vector_load %arg14[%get3A_360, %get3A_361] {strides = array<i32>} : memref<128x128xf32, #tpu.memory_space<vmem>>, vector<16xf32>,
          %mul3A_363 = arith.mulf %get3A_362, %broadcast_in_dim3A_355 : vector<16xf32>
          %swap3A_364 = arith.index_cast %add3A_359 : i32 to index
          %swap3A_365 = arith.constant 0 : index
          %swap3A_366 = tpu.vector_load %arg14[%swap3A_364, %swap3A_365] {strides = array<i32>} : memref<128x128xf32, #tpu.memory_space<vmem>>, vector<16xf32>,
          tpu.vector_store %arg14[%swap3A_364, %swap3A_365], %mul3A_363 {strides = array<i32>} : memref<128x128xf32, #tpu.memory_space<vmem>>, vector<16xf32>,
          %get3A_367 = arith.index_cast %add3A_359 : i32 to index
          %get3A_368 = arith.constant 16 : index
          %get3A_369 = tpu.vector_load %arg14[%get3A_367, %get3A_368] {strides = array<i32>} : memref<128x128xf32, #tpu.memory_space<vmem>>, vector<16xf32>,
          %mul3A_370 = arith.mulf %get3A_369, %broadcast_in_dim3A_355 : vector<16xf32>
          %swap3A_371 = arith.index_cast %add3A_359 : i32 to index
          %swap3A_372 = arith.constant 16 : index
          %swap3A_373 = tpu.vector_load %arg14[%swap3A_371, %swap3A_372] {strides = array<i32>} : memref<128x128xf32, #tpu.memory_space<vmem>>, vector<16xf32>,
          tpu.vector_store %arg14[%swap3A_371, %swap3A_372], %mul3A_370 {strides = array<i32>} : memref<128x128xf32, #tpu.memory_space<vmem>>, vector<16xf32>,
          %get3A_374 = arith.index_cast %add3A_359 : i32 to index
          %get3A_375 = arith.constant 32 : index
          %get3A_376 = tpu.vector_load %arg14[%get3A_374, %get3A_375] {strides = array<i32>} : memref<128x128xf32, #tpu.memory_space<vmem>>, vector<16xf32>,
          %mul3A_377 = arith.mulf %get3A_376, %broadcast_in_dim3A_355 : vector<16xf32>
          %swap3A_378 = arith.index_cast %add3A_359 : i32 to index
          %swap3A_379 = arith.constant 32 : index
          %swap3A_380 = tpu.vector_load %arg14[%swap3A_378, %swap3A_379] {strides = array<i32>} : memref<128x128xf32, #tpu.memory_space<vmem>>, vector<16xf32>,
          tpu.vector_store %arg14[%swap3A_378, %swap3A_379], %mul3A_377 {strides = array<i32>} : memref<128x128xf32, #tpu.memory_space<vmem>>, vector<16xf32>,
          %get3A_381 = arith.index_cast %add3A_359 : i32 to index
          %get3A_382 = arith.constant 48 : index
          %get3A_383 = tpu.vector_load %arg14[%get3A_381, %get3A_382] {strides = array<i32>} : memref<128x128xf32, #tpu.memory_space<vmem>>, vector<16xf32>,
          %mul3A_384 = arith.mulf %get3A_383, %broadcast_in_dim3A_355 : vector<16xf32>
          %swap3A_385 = arith.index_cast %add3A_359 : i32 to index
          %swap3A_386 = arith.constant 48 : index
          %swap3A_387 = tpu.vector_load %arg14[%swap3A_385, %swap3A_386] {strides = array<i32>} : memref<128x128xf32, #tpu.memory_space<vmem>>, vector<16xf32>,
          tpu.vector_store %arg14[%swap3A_385, %swap3A_386], %mul3A_384 {strides = array<i32>} : memref<128x128xf32, #tpu.memory_space<vmem>>, vector<16xf32>,
          %get3A_388 = arith.index_cast %add3A_359 : i32 to index
          %get3A_389 = arith.constant 64 : index
          %get3A_390 = tpu.vector_load %arg14[%get3A_388, %get3A_389] {strides = array<i32>} : memref<128x128xf32, #tpu.memory_space<vmem>>, vector<16xf32>,
          %mul3A_391 = arith.mulf %get3A_390, %broadcast_in_dim3A_355 : vector<16xf32>
          %swap3A_392 = arith.index_cast %add3A_359 : i32 to index
          %swap3A_393 = arith.constant 64 : index
          %swap3A_394 = tpu.vector_load %arg14[%swap3A_392, %swap3A_393] {strides = array<i32>} : memref<128x128xf32, #tpu.memory_space<vmem>>, vector<16xf32>,
          tpu.vector_store %arg14[%swap3A_392, %swap3A_393], %mul3A_391 {strides = array<i32>} : memref<128x128xf32, #tpu.memory_space<vmem>>, vector<16xf32>,
          %get3A_395 = arith.index_cast %add3A_359 : i32 to index
          %get3A_396 = arith.constant 80 : index
          %get3A_397 = tpu.vector_load %arg14[%get3A_395, %get3A_396] {strides = array<i32>} : memref<128x128xf32, #tpu.memory_space<vmem>>, vector<16xf32>,
          %mul3A_398 = arith.mulf %get3A_397, %broadcast_in_dim3A_355 : vector<16xf32>
          %swap3A_399 = arith.index_cast %add3A_359 : i32 to index
          %swap3A_400 = arith.constant 80 : index
          %swap3A_401 = tpu.vector_load %arg14[%swap3A_399, %swap3A_400] {strides = array<i32>} : memref<128x128xf32, #tpu.memory_space<vmem>>, vector<16xf32>,
          tpu.vector_store %arg14[%swap3A_399, %swap3A_400], %mul3A_398 {strides = array<i32>} : memref<128x128xf32, #tpu.memory_space<vmem>>, vector<16xf32>,
          %get3A_402 = arith.index_cast %add3A_359 : i32 to index
          %get3A_403 = arith.constant 96 : index
          %get3A_404 = tpu.vector_load %arg14[%get3A_402, %get3A_403] {strides = array<i32>} : memref<128x128xf32, #tpu.memory_space<vmem>>, vector<16xf32>,
          %mul3A_405 = arith.mulf %get3A_404, %broadcast_in_dim3A_355 : vector<16xf32>
          %swap3A_406 = arith.index_cast %add3A_359 : i32 to index
          %swap3A_407 = arith.constant 96 : index
          %swap3A_408 = tpu.vector_load %arg14[%swap3A_406, %swap3A_407] {strides = array<i32>} : memref<128x128xf32, #tpu.memory_space<vmem>>, vector<16xf32>,
          tpu.vector_store %arg14[%swap3A_406, %swap3A_407], %mul3A_405 {strides = array<i32>} : memref<128x128xf32, #tpu.memory_space<vmem>>, vector<16xf32>,
          %get3A_409 = arith.index_cast %add3A_359 : i32 to index
          %get3A_410 = arith.constant 112 : index
          %get3A_411 = tpu.vector_load %arg14[%get3A_409, %get3A_410] {strides = array<i32>} : memref<128x128xf32, #tpu.memory_space<vmem>>, vector<16xf32>,
          %mul3A_412 = arith.mulf %get3A_411, %broadcast_in_dim3A_355 : vector<16xf32>
          %swap3A_413 = arith.index_cast %add3A_359 : i32 to index
          %swap3A_414 = arith.constant 112 : index
          %swap3A_415 = tpu.vector_load %arg14[%swap3A_413, %swap3A_414] {strides = array<i32>} : memref<128x128xf32, #tpu.memory_space<vmem>>, vector<16xf32>,
          tpu.vector_store %arg14[%swap3A_413, %swap3A_414], %mul3A_412 {strides = array<i32>} : memref<128x128xf32, #tpu.memory_space<vmem>>, vector<16xf32>,
          %slice3A_416 = vector.extract_strided_slice %get3A_104 {offsets = [5], sizes = [1], strides = [1]} : vector<16xf32> to vector<1xf32>
          %squeeze3A_417 = vector.extract %slice3A_416[0] : f32 from vector<1xf32>
          %broadcast_in_dim3A_418 = vector.broadcast %squeeze3A_417 : f32 to vector<16xf32>
          %mul3A_419 = arith.constant 16 : i32
          %mul3A_420 = arith.muli %scan3A_100, %mul3A_419 : i32
          %add3A_421 = arith.constant 5 : i32
          %add3A_422 = arith.addi %mul3A_420, %add3A_421 : i32
          %get3A_423 = arith.index_cast %add3A_422 : i32 to index
          %get3A_424 = arith.constant 0 : index
          %get3A_425 = tpu.vector_load %arg14[%get3A_423, %get3A_424] {strides = array<i32>} : memref<128x128xf32, #tpu.memory_space<vmem>>, vector<16xf32>,
          %mul3A_426 = arith.mulf %get3A_425, %broadcast_in_dim3A_418 : vector<16xf32>
          %swap3A_427 = arith.index_cast %add3A_422 : i32 to index
          %swap3A_428 = arith.constant 0 : index
          %swap3A_429 = tpu.vector_load %arg14[%swap3A_427, %swap3A_428] {strides = array<i32>} : memref<128x128xf32, #tpu.memory_space<vmem>>, vector<16xf32>,
          tpu.vector_store %arg14[%swap3A_427, %swap3A_428], %mul3A_426 {strides = array<i32>} : memref<128x128xf32, #tpu.memory_space<vmem>>, vector<16xf32>,
          %get3A_430 = arith.index_cast %add3A_422 : i32 to index
          %get3A_431 = arith.constant 16 : index
          %get3A_432 = tpu.vector_load %arg14[%get3A_430, %get3A_431] {strides = array<i32>} : memref<128x128xf32, #tpu.memory_space<vmem>>, vector<16xf32>,
          %mul3A_433 = arith.mulf %get3A_432, %broadcast_in_dim3A_418 : vector<16xf32>
          %swap3A_434 = arith.index_cast %add3A_422 : i32 to index
          %swap3A_435 = arith.constant 16 : index
          %swap3A_436 = tpu.vector_load %arg14[%swap3A_434, %swap3A_435] {strides = array<i32>} : memref<128x128xf32, #tpu.memory_space<vmem>>, vector<16xf32>,
          tpu.vector_store %arg14[%swap3A_434, %swap3A_435], %mul3A_433 {strides = array<i32>} : memref<128x128xf32, #tpu.memory_space<vmem>>, vector<16xf32>,
          %get3A_437 = arith.index_cast %add3A_422 : i32 to index
          %get3A_438 = arith.constant 32 : index
          %get3A_439 = tpu.vector_load %arg14[%get3A_437, %get3A_438] {strides = array<i32>} : memref<128x128xf32, #tpu.memory_space<vmem>>, vector<16xf32>,
          %mul3A_440 = arith.mulf %get3A_439, %broadcast_in_dim3A_418 : vector<16xf32>
          %swap3A_441 = arith.index_cast %add3A_422 : i32 to index
          %swap3A_442 = arith.constant 32 : index
          %swap3A_443 = tpu.vector_load %arg14[%swap3A_441, %swap3A_442] {strides = array<i32>} : memref<128x128xf32, #tpu.memory_space<vmem>>, vector<16xf32>,
          tpu.vector_store %arg14[%swap3A_441, %swap3A_442], %mul3A_440 {strides = array<i32>} : memref<128x128xf32, #tpu.memory_space<vmem>>, vector<16xf32>,
          %get3A_444 = arith.index_cast %add3A_422 : i32 to index
          %get3A_445 = arith.constant 48 : index
          %get3A_446 = tpu.vector_load %arg14[%get3A_444, %get3A_445] {strides = array<i32>} : memref<128x128xf32, #tpu.memory_space<vmem>>, vector<16xf32>,
          %mul3A_447 = arith.mulf %get3A_446, %broadcast_in_dim3A_418 : vector<16xf32>
          %swap3A_448 = arith.index_cast %add3A_422 : i32 to index
          %swap3A_449 = arith.constant 48 : index
          %swap3A_450 = tpu.vector_load %arg14[%swap3A_448, %swap3A_449] {strides = array<i32>} : memref<128x128xf32, #tpu.memory_space<vmem>>, vector<16xf32>,
          tpu.vector_store %arg14[%swap3A_448, %swap3A_449], %mul3A_447 {strides = array<i32>} : memref<128x128xf32, #tpu.memory_space<vmem>>, vector<16xf32>,
          %get3A_451 = arith.index_cast %add3A_422 : i32 to index
          %get3A_452 = arith.constant 64 : index
          %get3A_453 = tpu.vector_load %arg14[%get3A_451, %get3A_452] {strides = array<i32>} : memref<128x128xf32, #tpu.memory_space<vmem>>, vector<16xf32>,
          %mul3A_454 = arith.mulf %get3A_453, %broadcast_in_dim3A_418 : vector<16xf32>
          %swap3A_455 = arith.index_cast %add3A_422 : i32 to index
          %swap3A_456 = arith.constant 64 : index
          %swap3A_457 = tpu.vector_load %arg14[%swap3A_455, %swap3A_456] {strides = array<i32>} : memref<128x128xf32, #tpu.memory_space<vmem>>, vector<16xf32>,
          tpu.vector_store %arg14[%swap3A_455, %swap3A_456], %mul3A_454 {strides = array<i32>} : memref<128x128xf32, #tpu.memory_space<vmem>>, vector<16xf32>,
          %get3A_458 = arith.index_cast %add3A_422 : i32 to index
          %get3A_459 = arith.constant 80 : index
          %get3A_460 = tpu.vector_load %arg14[%get3A_458, %get3A_459] {strides = array<i32>} : memref<128x128xf32, #tpu.memory_space<vmem>>, vector<16xf32>,
          %mul3A_461 = arith.mulf %get3A_460, %broadcast_in_dim3A_418 : vector<16xf32>
          %swap3A_462 = arith.index_cast %add3A_422 : i32 to index
          %swap3A_463 = arith.constant 80 : index
          %swap3A_464 = tpu.vector_load %arg14[%swap3A_462, %swap3A_463] {strides = array<i32>} : memref<128x128xf32, #tpu.memory_space<vmem>>, vector<16xf32>,
          tpu.vector_store %arg14[%swap3A_462, %swap3A_463], %mul3A_461 {strides = array<i32>} : memref<128x128xf32, #tpu.memory_space<vmem>>, vector<16xf32>,
          %get3A_465 = arith.index_cast %add3A_422 : i32 to index
          %get3A_466 = arith.constant 96 : index
          %get3A_467 = tpu.vector_load %arg14[%get3A_465, %get3A_466] {strides = array<i32>} : memref<128x128xf32, #tpu.memory_space<vmem>>, vector<16xf32>,
          %mul3A_468 = arith.mulf %get3A_467, %broadcast_in_dim3A_418 : vector<16xf32>
          %swap3A_469 = arith.index_cast %add3A_422 : i32 to index
          %swap3A_470 = arith.constant 96 : index
          %swap3A_471 = tpu.vector_load %arg14[%swap3A_469, %swap3A_470] {strides = array<i32>} : memref<128x128xf32, #tpu.memory_space<vmem>>, vector<16xf32>,
          tpu.vector_store %arg14[%swap3A_469, %swap3A_470], %mul3A_468 {strides = array<i32>} : memref<128x128xf32, #tpu.memory_space<vmem>>, vector<16xf32>,
          %get3A_472 = arith.index_cast %add3A_422 : i32 to index
          %get3A_473 = arith.constant 112 : index
          %get3A_474 = tpu.vector_load %arg14[%get3A_472, %get3A_473] {strides = array<i32>} : memref<128x128xf32, #tpu.memory_space<vmem>>, vector<16xf32>,
          %mul3A_475 = arith.mulf %get3A_474, %broadcast_in_dim3A_418 : vector<16xf32>
          %swap3A_476 = arith.index_cast %add3A_422 : i32 to index
          %swap3A_477 = arith.constant 112 : index
          %swap3A_478 = tpu.vector_load %arg14[%swap3A_476, %swap3A_477] {strides = array<i32>} : memref<128x128xf32, #tpu.memory_space<vmem>>, vector<16xf32>,
          tpu.vector_store %arg14[%swap3A_476, %swap3A_477], %mul3A_475 {strides = array<i32>} : memref<128x128xf32, #tpu.memory_space<vmem>>, vector<16xf32>,
          %slice3A_479 = vector.extract_strided_slice %get3A_104 {offsets = [6], sizes = [1], strides = [1]} : vector<16xf32> to vector<1xf32>
          %squeeze3A_480 = vector.extract %slice3A_479[0] : f32 from vector<1xf32>
          %broadcast_in_dim3A_481 = vector.broadcast %squeeze3A_480 : f32 to vector<16xf32>
          %mul3A_482 = arith.constant 16 : i32
          %mul3A_483 = arith.muli %scan3A_100, %mul3A_482 : i32
          %add3A_484 = arith.constant 6 : i32
          %add3A_485 = arith.addi %mul3A_483, %add3A_484 : i32
          %get3A_486 = arith.index_cast %add3A_485 : i32 to index
          %get3A_487 = arith.constant 0 : index
          %get3A_488 = tpu.vector_load %arg14[%get3A_486, %get3A_487] {strides = array<i32>} : memref<128x128xf32, #tpu.memory_space<vmem>>, vector<16xf32>,
          %mul3A_489 = arith.mulf %get3A_488, %broadcast_in_dim3A_481 : vector<16xf32>
          %swap3A_490 = arith.index_cast %add3A_485 : i32 to index
          %swap3A_491 = arith.constant 0 : index
          %swap3A_492 = tpu.vector_load %arg14[%swap3A_490, %swap3A_491] {strides = array<i32>} : memref<128x128xf32, #tpu.memory_space<vmem>>, vector<16xf32>,
          tpu.vector_store %arg14[%swap3A_490, %swap3A_491], %mul3A_489 {strides = array<i32>} : memref<128x128xf32, #tpu.memory_space<vmem>>, vector<16xf32>,
          %get3A_493 = arith.index_cast %add3A_485 : i32 to index
          %get3A_494 = arith.constant 16 : index
          %get3A_495 = tpu.vector_load %arg14[%get3A_493, %get3A_494] {strides = array<i32>} : memref<128x128xf32, #tpu.memory_space<vmem>>, vector<16xf32>,
          %mul3A_496 = arith.mulf %get3A_495, %broadcast_in_dim3A_481 : vector<16xf32>
          %swap3A_497 = arith.index_cast %add3A_485 : i32 to index
          %swap3A_498 = arith.constant 16 : index
          %swap3A_499 = tpu.vector_load %arg14[%swap3A_497, %swap3A_498] {strides = array<i32>} : memref<128x128xf32, #tpu.memory_space<vmem>>, vector<16xf32>,
          tpu.vector_store %arg14[%swap3A_497, %swap3A_498], %mul3A_496 {strides = array<i32>} : memref<128x128xf32, #tpu.memory_space<vmem>>, vector<16xf32>,
          %get3A_500 = arith.index_cast %add3A_485 : i32 to index
          %get3A_501 = arith.constant 32 : index
          %get3A_502 = tpu.vector_load %arg14[%get3A_500, %get3A_501] {strides = array<i32>} : memref<128x128xf32, #tpu.memory_space<vmem>>, vector<16xf32>,
          %mul3A_503 = arith.mulf %get3A_502, %broadcast_in_dim3A_481 : vector<16xf32>
          %swap3A_504 = arith.index_cast %add3A_485 : i32 to index
          %swap3A_505 = arith.constant 32 : index
          %swap3A_506 = tpu.vector_load %arg14[%swap3A_504, %swap3A_505] {strides = array<i32>} : memref<128x128xf32, #tpu.memory_space<vmem>>, vector<16xf32>,
          tpu.vector_store %arg14[%swap3A_504, %swap3A_505], %mul3A_503 {strides = array<i32>} : memref<128x128xf32, #tpu.memory_space<vmem>>, vector<16xf32>,
          %get3A_507 = arith.index_cast %add3A_485 : i32 to index
          %get3A_508 = arith.constant 48 : index
          %get3A_509 = tpu.vector_load %arg14[%get3A_507, %get3A_508] {strides = array<i32>} : memref<128x128xf32, #tpu.memory_space<vmem>>, vector<16xf32>,
          %mul3A_510 = arith.mulf %get3A_509, %broadcast_in_dim3A_481 : vector<16xf32>
          %swap3A_511 = arith.index_cast %add3A_485 : i32 to index
          %swap3A_512 = arith.constant 48 : index
          %swap3A_513 = tpu.vector_load %arg14[%swap3A_511, %swap3A_512] {strides = array<i32>} : memref<128x128xf32, #tpu.memory_space<vmem>>, vector<16xf32>,
          tpu.vector_store %arg14[%swap3A_511, %swap3A_512], %mul3A_510 {strides = array<i32>} : memref<128x128xf32, #tpu.memory_space<vmem>>, vector<16xf32>,
          %get3A_514 = arith.index_cast %add3A_485 : i32 to index
          %get3A_515 = arith.constant 64 : index
          %get3A_516 = tpu.vector_load %arg14[%get3A_514, %get3A_515] {strides = array<i32>} : memref<128x128xf32, #tpu.memory_space<vmem>>, vector<16xf32>,
          %mul3A_517 = arith.mulf %get3A_516, %broadcast_in_dim3A_481 : vector<16xf32>
          %swap3A_518 = arith.index_cast %add3A_485 : i32 to index
          %swap3A_519 = arith.constant 64 : index
          %swap3A_520 = tpu.vector_load %arg14[%swap3A_518, %swap3A_519] {strides = array<i32>} : memref<128x128xf32, #tpu.memory_space<vmem>>, vector<16xf32>,
          tpu.vector_store %arg14[%swap3A_518, %swap3A_519], %mul3A_517 {strides = array<i32>} : memref<128x128xf32, #tpu.memory_space<vmem>>, vector<16xf32>,
          %get3A_521 = arith.index_cast %add3A_485 : i32 to index
          %get3A_522 = arith.constant 80 : index
          %get3A_523 = tpu.vector_load %arg14[%get3A_521, %get3A_522] {strides = array<i32>} : memref<128x128xf32, #tpu.memory_space<vmem>>, vector<16xf32>,
          %mul3A_524 = arith.mulf %get3A_523, %broadcast_in_dim3A_481 : vector<16xf32>
          %swap3A_525 = arith.index_cast %add3A_485 : i32 to index
          %swap3A_526 = arith.constant 80 : index
          %swap3A_527 = tpu.vector_load %arg14[%swap3A_525, %swap3A_526] {strides = array<i32>} : memref<128x128xf32, #tpu.memory_space<vmem>>, vector<16xf32>,
          tpu.vector_store %arg14[%swap3A_525, %swap3A_526], %mul3A_524 {strides = array<i32>} : memref<128x128xf32, #tpu.memory_space<vmem>>, vector<16xf32>,
          %get3A_528 = arith.index_cast %add3A_485 : i32 to index
          %get3A_529 = arith.constant 96 : index
          %get3A_530 = tpu.vector_load %arg14[%get3A_528, %get3A_529] {strides = array<i32>} : memref<128x128xf32, #tpu.memory_space<vmem>>, vector<16xf32>,
          %mul3A_531 = arith.mulf %get3A_530, %broadcast_in_dim3A_481 : vector<16xf32>
          %swap3A_532 = arith.index_cast %add3A_485 : i32 to index
          %swap3A_533 = arith.constant 96 : index
          %swap3A_534 = tpu.vector_load %arg14[%swap3A_532, %swap3A_533] {strides = array<i32>} : memref<128x128xf32, #tpu.memory_space<vmem>>, vector<16xf32>,
          tpu.vector_store %arg14[%swap3A_532, %swap3A_533], %mul3A_531 {strides = array<i32>} : memref<128x128xf32, #tpu.memory_space<vmem>>, vector<16xf32>,
          %get3A_535 = arith.index_cast %add3A_485 : i32 to index
          %get3A_536 = arith.constant 112 : index
          %get3A_537 = tpu.vector_load %arg14[%get3A_535, %get3A_536] {strides = array<i32>} : memref<128x128xf32, #tpu.memory_space<vmem>>, vector<16xf32>,
          %mul3A_538 = arith.mulf %get3A_537, %broadcast_in_dim3A_481 : vector<16xf32>
          %swap3A_539 = arith.index_cast %add3A_485 : i32 to index
          %swap3A_540 = arith.constant 112 : index
          %swap3A_541 = tpu.vector_load %arg14[%swap3A_539, %swap3A_540] {strides = array<i32>} : memref<128x128xf32, #tpu.memory_space<vmem>>, vector<16xf32>,
          tpu.vector_store %arg14[%swap3A_539, %swap3A_540], %mul3A_538 {strides = array<i32>} : memref<128x128xf32, #tpu.memory_space<vmem>>, vector<16xf32>,
          %slice3A_542 = vector.extract_strided_slice %get3A_104 {offsets = [7], sizes = [1], strides = [1]} : vector<16xf32> to vector<1xf32>
          %squeeze3A_543 = vector.extract %slice3A_542[0] : f32 from vector<1xf32>
          %broadcast_in_dim3A_544 = vector.broadcast %squeeze3A_543 : f32 to vector<16xf32>
          %mul3A_545 = arith.constant 16 : i32
          %mul3A_546 = arith.muli %scan3A_100, %mul3A_545 : i32
          %add3A_547 = arith.constant 7 : i32
          %add3A_548 = arith.addi %mul3A_546, %add3A_547 : i32
          %get3A_549 = arith.index_cast %add3A_548 : i32 to index
          %get3A_550 = arith.constant 0 : index
          %get3A_551 = tpu.vector_load %arg14[%get3A_549, %get3A_550] {strides = array<i32>} : memref<128x128xf32, #tpu.memory_space<vmem>>, vector<16xf32>,
          %mul3A_552 = arith.mulf %get3A_551, %broadcast_in_dim3A_544 : vector<16xf32>
          %swap3A_553 = arith.index_cast %add3A_548 : i32 to index
          %swap3A_554 = arith.constant 0 : index
          %swap3A_555 = tpu.vector_load %arg14[%swap3A_553, %swap3A_554] {strides = array<i32>} : memref<128x128xf32, #tpu.memory_space<vmem>>, vector<16xf32>,
          tpu.vector_store %arg14[%swap3A_553, %swap3A_554], %mul3A_552 {strides = array<i32>} : memref<128x128xf32, #tpu.memory_space<vmem>>, vector<16xf32>,
          %get3A_556 = arith.index_cast %add3A_548 : i32 to index
          %get3A_557 = arith.constant 16 : index
          %get3A_558 = tpu.vector_load %arg14[%get3A_556, %get3A_557] {strides = array<i32>} : memref<128x128xf32, #tpu.memory_space<vmem>>, vector<16xf32>,
          %mul3A_559 = arith.mulf %get3A_558, %broadcast_in_dim3A_544 : vector<16xf32>
          %swap3A_560 = arith.index_cast %add3A_548 : i32 to index
          %swap3A_561 = arith.constant 16 : index
          %swap3A_562 = tpu.vector_load %arg14[%swap3A_560, %swap3A_561] {strides = array<i32>} : memref<128x128xf32, #tpu.memory_space<vmem>>, vector<16xf32>,
          tpu.vector_store %arg14[%swap3A_560, %swap3A_561], %mul3A_559 {strides = array<i32>} : memref<128x128xf32, #tpu.memory_space<vmem>>, vector<16xf32>,
          %get3A_563 = arith.index_cast %add3A_548 : i32 to index
          %get3A_564 = arith.constant 32 : index
          %get3A_565 = tpu.vector_load %arg14[%get3A_563, %get3A_564] {strides = array<i32>} : memref<128x128xf32, #tpu.memory_space<vmem>>, vector<16xf32>,
          %mul3A_566 = arith.mulf %get3A_565, %broadcast_in_dim3A_544 : vector<16xf32>
          %swap3A_567 = arith.index_cast %add3A_548 : i32 to index
          %swap3A_568 = arith.constant 32 : index
          %swap3A_569 = tpu.vector_load %arg14[%swap3A_567, %swap3A_568] {strides = array<i32>} : memref<128x128xf32, #tpu.memory_space<vmem>>, vector<16xf32>,
          tpu.vector_store %arg14[%swap3A_567, %swap3A_568], %mul3A_566 {strides = array<i32>} : memref<128x128xf32, #tpu.memory_space<vmem>>, vector<16xf32>,
          %get3A_570 = arith.index_cast %add3A_548 : i32 to index
          %get3A_571 = arith.constant 48 : index
          %get3A_572 = tpu.vector_load %arg14[%get3A_570, %get3A_571] {strides = array<i32>} : memref<128x128xf32, #tpu.memory_space<vmem>>, vector<16xf32>,
          %mul3A_573 = arith.mulf %get3A_572, %broadcast_in_dim3A_544 : vector<16xf32>
          %swap3A_574 = arith.index_cast %add3A_548 : i32 to index
          %swap3A_575 = arith.constant 48 : index
          %swap3A_576 = tpu.vector_load %arg14[%swap3A_574, %swap3A_575] {strides = array<i32>} : memref<128x128xf32, #tpu.memory_space<vmem>>, vector<16xf32>,
          tpu.vector_store %arg14[%swap3A_574, %swap3A_575], %mul3A_573 {strides = array<i32>} : memref<128x128xf32, #tpu.memory_space<vmem>>, vector<16xf32>,
          %get3A_577 = arith.index_cast %add3A_548 : i32 to index
          %get3A_578 = arith.constant 64 : index
          %get3A_579 = tpu.vector_load %arg14[%get3A_577, %get3A_578] {strides = array<i32>} : memref<128x128xf32, #tpu.memory_space<vmem>>, vector<16xf32>,
          %mul3A_580 = arith.mulf %get3A_579, %broadcast_in_dim3A_544 : vector<16xf32>
          %swap3A_581 = arith.index_cast %add3A_548 : i32 to index
          %swap3A_582 = arith.constant 64 : index
          %swap3A_583 = tpu.vector_load %arg14[%swap3A_581, %swap3A_582] {strides = array<i32>} : memref<128x128xf32, #tpu.memory_space<vmem>>, vector<16xf32>,
          tpu.vector_store %arg14[%swap3A_581, %swap3A_582], %mul3A_580 {strides = array<i32>} : memref<128x128xf32, #tpu.memory_space<vmem>>, vector<16xf32>,
          %get3A_584 = arith.index_cast %add3A_548 : i32 to index
          %get3A_585 = arith.constant 80 : index
          %get3A_586 = tpu.vector_load %arg14[%get3A_584, %get3A_585] {strides = array<i32>} : memref<128x128xf32, #tpu.memory_space<vmem>>, vector<16xf32>,
          %mul3A_587 = arith.mulf %get3A_586, %broadcast_in_dim3A_544 : vector<16xf32>
          %swap3A_588 = arith.index_cast %add3A_548 : i32 to index
          %swap3A_589 = arith.constant 80 : index
          %swap3A_590 = tpu.vector_load %arg14[%swap3A_588, %swap3A_589] {strides = array<i32>} : memref<128x128xf32, #tpu.memory_space<vmem>>, vector<16xf32>,
          tpu.vector_store %arg14[%swap3A_588, %swap3A_589], %mul3A_587 {strides = array<i32>} : memref<128x128xf32, #tpu.memory_space<vmem>>, vector<16xf32>,
          %get3A_591 = arith.index_cast %add3A_548 : i32 to index
          %get3A_592 = arith.constant 96 : index
          %get3A_593 = tpu.vector_load %arg14[%get3A_591, %get3A_592] {strides = array<i32>} : memref<128x128xf32, #tpu.memory_space<vmem>>, vector<16xf32>,
          %mul3A_594 = arith.mulf %get3A_593, %broadcast_in_dim3A_544 : vector<16xf32>
          %swap3A_595 = arith.index_cast %add3A_548 : i32 to index
          %swap3A_596 = arith.constant 96 : index
          %swap3A_597 = tpu.vector_load %arg14[%swap3A_595, %swap3A_596] {strides = array<i32>} : memref<128x128xf32, #tpu.memory_space<vmem>>, vector<16xf32>,
          tpu.vector_store %arg14[%swap3A_595, %swap3A_596], %mul3A_594 {strides = array<i32>} : memref<128x128xf32, #tpu.memory_space<vmem>>, vector<16xf32>,
          %get3A_598 = arith.index_cast %add3A_548 : i32 to index
          %get3A_599 = arith.constant 112 : index
          %get3A_600 = tpu.vector_load %arg14[%get3A_598, %get3A_599] {strides = array<i32>} : memref<128x128xf32, #tpu.memory_space<vmem>>, vector<16xf32>,
          %mul3A_601 = arith.mulf %get3A_600, %broadcast_in_dim3A_544 : vector<16xf32>
          %swap3A_602 = arith.index_cast %add3A_548 : i32 to index
          %swap3A_603 = arith.constant 112 : index
          %swap3A_604 = tpu.vector_load %arg14[%swap3A_602, %swap3A_603] {strides = array<i32>} : memref<128x128xf32, #tpu.memory_space<vmem>>, vector<16xf32>,
          tpu.vector_store %arg14[%swap3A_602, %swap3A_603], %mul3A_601 {strides = array<i32>} : memref<128x128xf32, #tpu.memory_space<vmem>>, vector<16xf32>,
          %slice3A_605 = vector.extract_strided_slice %get3A_104 {offsets = [8], sizes = [1], strides = [1]} : vector<16xf32> to vector<1xf32>
          %squeeze3A_606 = vector.extract %slice3A_605[0] : f32 from vector<1xf32>
          %broadcast_in_dim3A_607 = vector.broadcast %squeeze3A_606 : f32 to vector<16xf32>
          %mul3A_608 = arith.constant 16 : i32
          %mul3A_609 = arith.muli %scan3A_100, %mul3A_608 : i32
          %add3A_610 = arith.constant 8 : i32
          %add3A_611 = arith.addi %mul3A_609, %add3A_610 : i32
          %get3A_612 = arith.index_cast %add3A_611 : i32 to index
          %get3A_613 = arith.constant 0 : index
          %get3A_614 = tpu.vector_load %arg14[%get3A_612, %get3A_613] {strides = array<i32>} : memref<128x128xf32, #tpu.memory_space<vmem>>, vector<16xf32>,
          %mul3A_615 = arith.mulf %get3A_614, %broadcast_in_dim3A_607 : vector<16xf32>
          %swap3A_616 = arith.index_cast %add3A_611 : i32 to index
          %swap3A_617 = arith.constant 0 : index
          %swap3A_618 = tpu.vector_load %arg14[%swap3A_616, %swap3A_617] {strides = array<i32>} : memref<128x128xf32, #tpu.memory_space<vmem>>, vector<16xf32>,
          tpu.vector_store %arg14[%swap3A_616, %swap3A_617], %mul3A_615 {strides = array<i32>} : memref<128x128xf32, #tpu.memory_space<vmem>>, vector<16xf32>,
          %get3A_619 = arith.index_cast %add3A_611 : i32 to index
          %get3A_620 = arith.constant 16 : index
          %get3A_621 = tpu.vector_load %arg14[%get3A_619, %get3A_620] {strides = array<i32>} : memref<128x128xf32, #tpu.memory_space<vmem>>, vector<16xf32>,
          %mul3A_622 = arith.mulf %get3A_621, %broadcast_in_dim3A_607 : vector<16xf32>
          %swap3A_623 = arith.index_cast %add3A_611 : i32 to index
          %swap3A_624 = arith.constant 16 : index
          %swap3A_625 = tpu.vector_load %arg14[%swap3A_623, %swap3A_624] {strides = array<i32>} : memref<128x128xf32, #tpu.memory_space<vmem>>, vector<16xf32>,
          tpu.vector_store %arg14[%swap3A_623, %swap3A_624], %mul3A_622 {strides = array<i32>} : memref<128x128xf32, #tpu.memory_space<vmem>>, vector<16xf32>,
          %get3A_626 = arith.index_cast %add3A_611 : i32 to index
          %get3A_627 = arith.constant 32 : index
          %get3A_628 = tpu.vector_load %arg14[%get3A_626, %get3A_627] {strides = array<i32>} : memref<128x128xf32, #tpu.memory_space<vmem>>, vector<16xf32>,
          %mul3A_629 = arith.mulf %get3A_628, %broadcast_in_dim3A_607 : vector<16xf32>
          %swap3A_630 = arith.index_cast %add3A_611 : i32 to index
          %swap3A_631 = arith.constant 32 : index
          %swap3A_632 = tpu.vector_load %arg14[%swap3A_630, %swap3A_631] {strides = array<i32>} : memref<128x128xf32, #tpu.memory_space<vmem>>, vector<16xf32>,
          tpu.vector_store %arg14[%swap3A_630, %swap3A_631], %mul3A_629 {strides = array<i32>} : memref<128x128xf32, #tpu.memory_space<vmem>>, vector<16xf32>,
          %get3A_633 = arith.index_cast %add3A_611 : i32 to index
          %get3A_634 = arith.constant 48 : index
          %get3A_635 = tpu.vector_load %arg14[%get3A_633, %get3A_634] {strides = array<i32>} : memref<128x128xf32, #tpu.memory_space<vmem>>, vector<16xf32>,
          %mul3A_636 = arith.mulf %get3A_635, %broadcast_in_dim3A_607 : vector<16xf32>
          %swap3A_637 = arith.index_cast %add3A_611 : i32 to index
          %swap3A_638 = arith.constant 48 : index
          %swap3A_639 = tpu.vector_load %arg14[%swap3A_637, %swap3A_638] {strides = array<i32>} : memref<128x128xf32, #tpu.memory_space<vmem>>, vector<16xf32>,
          tpu.vector_store %arg14[%swap3A_637, %swap3A_638], %mul3A_636 {strides = array<i32>} : memref<128x128xf32, #tpu.memory_space<vmem>>, vector<16xf32>,
          %get3A_640 = arith.index_cast %add3A_611 : i32 to index
          %get3A_641 = arith.constant 64 : index
          %get3A_642 = tpu.vector_load %arg14[%get3A_640, %get3A_641] {strides = array<i32>} : memref<128x128xf32, #tpu.memory_space<vmem>>, vector<16xf32>,
          %mul3A_643 = arith.mulf %get3A_642, %broadcast_in_dim3A_607 : vector<16xf32>
          %swap3A_644 = arith.index_cast %add3A_611 : i32 to index
          %swap3A_645 = arith.constant 64 : index
          %swap3A_646 = tpu.vector_load %arg14[%swap3A_644, %swap3A_645] {strides = array<i32>} : memref<128x128xf32, #tpu.memory_space<vmem>>, vector<16xf32>,
          tpu.vector_store %arg14[%swap3A_644, %swap3A_645], %mul3A_643 {strides = array<i32>} : memref<128x128xf32, #tpu.memory_space<vmem>>, vector<16xf32>,
          %get3A_647 = arith.index_cast %add3A_611 : i32 to index
          %get3A_648 = arith.constant 80 : index
          %get3A_649 = tpu.vector_load %arg14[%get3A_647, %get3A_648] {strides = array<i32>} : memref<128x128xf32, #tpu.memory_space<vmem>>, vector<16xf32>,
          %mul3A_650 = arith.mulf %get3A_649, %broadcast_in_dim3A_607 : vector<16xf32>
          %swap3A_651 = arith.index_cast %add3A_611 : i32 to index
          %swap3A_652 = arith.constant 80 : index
          %swap3A_653 = tpu.vector_load %arg14[%swap3A_651, %swap3A_652] {strides = array<i32>} : memref<128x128xf32, #tpu.memory_space<vmem>>, vector<16xf32>,
          tpu.vector_store %arg14[%swap3A_651, %swap3A_652], %mul3A_650 {strides = array<i32>} : memref<128x128xf32, #tpu.memory_space<vmem>>, vector<16xf32>,
          %get3A_654 = arith.index_cast %add3A_611 : i32 to index
          %get3A_655 = arith.constant 96 : index
          %get3A_656 = tpu.vector_load %arg14[%get3A_654, %get3A_655] {strides = array<i32>} : memref<128x128xf32, #tpu.memory_space<vmem>>, vector<16xf32>,
          %mul3A_657 = arith.mulf %get3A_656, %broadcast_in_dim3A_607 : vector<16xf32>
          %swap3A_658 = arith.index_cast %add3A_611 : i32 to index
          %swap3A_659 = arith.constant 96 : index
          %swap3A_660 = tpu.vector_load %arg14[%swap3A_658, %swap3A_659] {strides = array<i32>} : memref<128x128xf32, #tpu.memory_space<vmem>>, vector<16xf32>,
          tpu.vector_store %arg14[%swap3A_658, %swap3A_659], %mul3A_657 {strides = array<i32>} : memref<128x128xf32, #tpu.memory_space<vmem>>, vector<16xf32>,
          %get3A_661 = arith.index_cast %add3A_611 : i32 to index
          %get3A_662 = arith.constant 112 : index
          %get3A_663 = tpu.vector_load %arg14[%get3A_661, %get3A_662] {strides = array<i32>} : memref<128x128xf32, #tpu.memory_space<vmem>>, vector<16xf32>,
          %mul3A_664 = arith.mulf %get3A_663, %broadcast_in_dim3A_607 : vector<16xf32>
          %swap3A_665 = arith.index_cast %add3A_611 : i32 to index
          %swap3A_666 = arith.constant 112 : index
          %swap3A_667 = tpu.vector_load %arg14[%swap3A_665, %swap3A_666] {strides = array<i32>} : memref<128x128xf32, #tpu.memory_space<vmem>>, vector<16xf32>,
          tpu.vector_store %arg14[%swap3A_665, %swap3A_666], %mul3A_664 {strides = array<i32>} : memref<128x128xf32, #tpu.memory_space<vmem>>, vector<16xf32>,
          %slice3A_668 = vector.extract_strided_slice %get3A_104 {offsets = [9], sizes = [1], strides = [1]} : vector<16xf32> to vector<1xf32>
          %squeeze3A_669 = vector.extract %slice3A_668[0] : f32 from vector<1xf32>
          %broadcast_in_dim3A_670 = vector.broadcast %squeeze3A_669 : f32 to vector<16xf32>
          %mul3A_671 = arith.constant 16 : i32
          %mul3A_672 = arith.muli %scan3A_100, %mul3A_671 : i32
          %add3A_673 = arith.constant 9 : i32
          %add3A_674 = arith.addi %mul3A_672, %add3A_673 : i32
          %get3A_675 = arith.index_cast %add3A_674 : i32 to index
          %get3A_676 = arith.constant 0 : index
          %get3A_677 = tpu.vector_load %arg14[%get3A_675, %get3A_676] {strides = array<i32>} : memref<128x128xf32, #tpu.memory_space<vmem>>, vector<16xf32>,
          %mul3A_678 = arith.mulf %get3A_677, %broadcast_in_dim3A_670 : vector<16xf32>
          %swap3A_679 = arith.index_cast %add3A_674 : i32 to index
          %swap3A_680 = arith.constant 0 : index
          %swap3A_681 = tpu.vector_load %arg14[%swap3A_679, %swap3A_680] {strides = array<i32>} : memref<128x128xf32, #tpu.memory_space<vmem>>, vector<16xf32>,
          tpu.vector_store %arg14[%swap3A_679, %swap3A_680], %mul3A_678 {strides = array<i32>} : memref<128x128xf32, #tpu.memory_space<vmem>>, vector<16xf32>,
          %get3A_682 = arith.index_cast %add3A_674 : i32 to index
          %get3A_683 = arith.constant 16 : index
          %get3A_684 = tpu.vector_load %arg14[%get3A_682, %get3A_683] {strides = array<i32>} : memref<128x128xf32, #tpu.memory_space<vmem>>, vector<16xf32>,
          %mul3A_685 = arith.mulf %get3A_684, %broadcast_in_dim3A_670 : vector<16xf32>
          %swap3A_686 = arith.index_cast %add3A_674 : i32 to index
          %swap3A_687 = arith.constant 16 : index
          %swap3A_688 = tpu.vector_load %arg14[%swap3A_686, %swap3A_687] {strides = array<i32>} : memref<128x128xf32, #tpu.memory_space<vmem>>, vector<16xf32>,
          tpu.vector_store %arg14[%swap3A_686, %swap3A_687], %mul3A_685 {strides = array<i32>} : memref<128x128xf32, #tpu.memory_space<vmem>>, vector<16xf32>,
          %get3A_689 = arith.index_cast %add3A_674 : i32 to index
          %get3A_690 = arith.constant 32 : index
          %get3A_691 = tpu.vector_load %arg14[%get3A_689, %get3A_690] {strides = array<i32>} : memref<128x128xf32, #tpu.memory_space<vmem>>, vector<16xf32>,
          %mul3A_692 = arith.mulf %get3A_691, %broadcast_in_dim3A_670 : vector<16xf32>
          %swap3A_693 = arith.index_cast %add3A_674 : i32 to index
          %swap3A_694 = arith.constant 32 : index
          %swap3A_695 = tpu.vector_load %arg14[%swap3A_693, %swap3A_694] {strides = array<i32>} : memref<128x128xf32, #tpu.memory_space<vmem>>, vector<16xf32>,
          tpu.vector_store %arg14[%swap3A_693, %swap3A_694], %mul3A_692 {strides = array<i32>} : memref<128x128xf32, #tpu.memory_space<vmem>>, vector<16xf32>,
          %get3A_696 = arith.index_cast %add3A_674 : i32 to index
          %get3A_697 = arith.constant 48 : index
          %get3A_698 = tpu.vector_load %arg14[%get3A_696, %get3A_697] {strides = array<i32>} : memref<128x128xf32, #tpu.memory_space<vmem>>, vector<16xf32>,
          %mul3A_699 = arith.mulf %get3A_698, %broadcast_in_dim3A_670 : vector<16xf32>
          %swap3A_700 = arith.index_cast %add3A_674 : i32 to index
          %swap3A_701 = arith.constant 48 : index
          %swap3A_702 = tpu.vector_load %arg14[%swap3A_700, %swap3A_701] {strides = array<i32>} : memref<128x128xf32, #tpu.memory_space<vmem>>, vector<16xf32>,
          tpu.vector_store %arg14[%swap3A_700, %swap3A_701], %mul3A_699 {strides = array<i32>} : memref<128x128xf32, #tpu.memory_space<vmem>>, vector<16xf32>,
          %get3A_703 = arith.index_cast %add3A_674 : i32 to index
          %get3A_704 = arith.constant 64 : index
          %get3A_705 = tpu.vector_load %arg14[%get3A_703, %get3A_704] {strides = array<i32>} : memref<128x128xf32, #tpu.memory_space<vmem>>, vector<16xf32>,
          %mul3A_706 = arith.mulf %get3A_705, %broadcast_in_dim3A_670 : vector<16xf32>
          %swap3A_707 = arith.index_cast %add3A_674 : i32 to index
          %swap3A_708 = arith.constant 64 : index
          %swap3A_709 = tpu.vector_load %arg14[%swap3A_707, %swap3A_708] {strides = array<i32>} : memref<128x128xf32, #tpu.memory_space<vmem>>, vector<16xf32>,
          tpu.vector_store %arg14[%swap3A_707, %swap3A_708], %mul3A_706 {strides = array<i32>} : memref<128x128xf32, #tpu.memory_space<vmem>>, vector<16xf32>,
          %get3A_710 = arith.index_cast %add3A_674 : i32 to index
          %get3A_711 = arith.constant 80 : index
          %get3A_712 = tpu.vector_load %arg14[%get3A_710, %get3A_711] {strides = array<i32>} : memref<128x128xf32, #tpu.memory_space<vmem>>, vector<16xf32>,
          %mul3A_713 = arith.mulf %get3A_712, %broadcast_in_dim3A_670 : vector<16xf32>
          %swap3A_714 = arith.index_cast %add3A_674 : i32 to index
          %swap3A_715 = arith.constant 80 : index
          %swap3A_716 = tpu.vector_load %arg14[%swap3A_714, %swap3A_715] {strides = array<i32>} : memref<128x128xf32, #tpu.memory_space<vmem>>, vector<16xf32>,
          tpu.vector_store %arg14[%swap3A_714, %swap3A_715], %mul3A_713 {strides = array<i32>} : memref<128x128xf32, #tpu.memory_space<vmem>>, vector<16xf32>,
          %get3A_717 = arith.index_cast %add3A_674 : i32 to index
          %get3A_718 = arith.constant 96 : index
          %get3A_719 = tpu.vector_load %arg14[%get3A_717, %get3A_718] {strides = array<i32>} : memref<128x128xf32, #tpu.memory_space<vmem>>, vector<16xf32>,
          %mul3A_720 = arith.mulf %get3A_719, %broadcast_in_dim3A_670 : vector<16xf32>
          %swap3A_721 = arith.index_cast %add3A_674 : i32 to index
          %swap3A_722 = arith.constant 96 : index
          %swap3A_723 = tpu.vector_load %arg14[%swap3A_721, %swap3A_722] {strides = array<i32>} : memref<128x128xf32, #tpu.memory_space<vmem>>, vector<16xf32>,
          tpu.vector_store %arg14[%swap3A_721, %swap3A_722], %mul3A_720 {strides = array<i32>} : memref<128x128xf32, #tpu.memory_space<vmem>>, vector<16xf32>,
          %get3A_724 = arith.index_cast %add3A_674 : i32 to index
          %get3A_725 = arith.constant 112 : index
          %get3A_726 = tpu.vector_load %arg14[%get3A_724, %get3A_725] {strides = array<i32>} : memref<128x128xf32, #tpu.memory_space<vmem>>, vector<16xf32>,
          %mul3A_727 = arith.mulf %get3A_726, %broadcast_in_dim3A_670 : vector<16xf32>
          %swap3A_728 = arith.index_cast %add3A_674 : i32 to index
          %swap3A_729 = arith.constant 112 : index
          %swap3A_730 = tpu.vector_load %arg14[%swap3A_728, %swap3A_729] {strides = array<i32>} : memref<128x128xf32, #tpu.memory_space<vmem>>, vector<16xf32>,
          tpu.vector_store %arg14[%swap3A_728, %swap3A_729], %mul3A_727 {strides = array<i32>} : memref<128x128xf32, #tpu.memory_space<vmem>>, vector<16xf32>,
          %slice3A_731 = vector.extract_strided_slice %get3A_104 {offsets = [10], sizes = [1], strides = [1]} : vector<16xf32> to vector<1xf32>
          %squeeze3A_732 = vector.extract %slice3A_731[0] : f32 from vector<1xf32>
          %broadcast_in_dim3A_733 = vector.broadcast %squeeze3A_732 : f32 to vector<16xf32>
          %mul3A_734 = arith.constant 16 : i32
          %mul3A_735 = arith.muli %scan3A_100, %mul3A_734 : i32
          %add3A_736 = arith.constant 10 : i32
          %add3A_737 = arith.addi %mul3A_735, %add3A_736 : i32
          %get3A_738 = arith.index_cast %add3A_737 : i32 to index
          %get3A_739 = arith.constant 0 : index
          %get3A_740 = tpu.vector_load %arg14[%get3A_738, %get3A_739] {strides = array<i32>} : memref<128x128xf32, #tpu.memory_space<vmem>>, vector<16xf32>,
          %mul3A_741 = arith.mulf %get3A_740, %broadcast_in_dim3A_733 : vector<16xf32>
          %swap3A_742 = arith.index_cast %add3A_737 : i32 to index
          %swap3A_743 = arith.constant 0 : index
          %swap3A_744 = tpu.vector_load %arg14[%swap3A_742, %swap3A_743] {strides = array<i32>} : memref<128x128xf32, #tpu.memory_space<vmem>>, vector<16xf32>,
          tpu.vector_store %arg14[%swap3A_742, %swap3A_743], %mul3A_741 {strides = array<i32>} : memref<128x128xf32, #tpu.memory_space<vmem>>, vector<16xf32>,
          %get3A_745 = arith.index_cast %add3A_737 : i32 to index
          %get3A_746 = arith.constant 16 : index
          %get3A_747 = tpu.vector_load %arg14[%get3A_745, %get3A_746] {strides = array<i32>} : memref<128x128xf32, #tpu.memory_space<vmem>>, vector<16xf32>,
          %mul3A_748 = arith.mulf %get3A_747, %broadcast_in_dim3A_733 : vector<16xf32>
          %swap3A_749 = arith.index_cast %add3A_737 : i32 to index
          %swap3A_750 = arith.constant 16 : index
          %swap3A_751 = tpu.vector_load %arg14[%swap3A_749, %swap3A_750] {strides = array<i32>} : memref<128x128xf32, #tpu.memory_space<vmem>>, vector<16xf32>,
          tpu.vector_store %arg14[%swap3A_749, %swap3A_750], %mul3A_748 {strides = array<i32>} : memref<128x128xf32, #tpu.memory_space<vmem>>, vector<16xf32>,
          %get3A_752 = arith.index_cast %add3A_737 : i32 to index
          %get3A_753 = arith.constant 32 : index
          %get3A_754 = tpu.vector_load %arg14[%get3A_752, %get3A_753] {strides = array<i32>} : memref<128x128xf32, #tpu.memory_space<vmem>>, vector<16xf32>,
          %mul3A_755 = arith.mulf %get3A_754, %broadcast_in_dim3A_733 : vector<16xf32>
          %swap3A_756 = arith.index_cast %add3A_737 : i32 to index
          %swap3A_757 = arith.constant 32 : index
          %swap3A_758 = tpu.vector_load %arg14[%swap3A_756, %swap3A_757] {strides = array<i32>} : memref<128x128xf32, #tpu.memory_space<vmem>>, vector<16xf32>,
          tpu.vector_store %arg14[%swap3A_756, %swap3A_757], %mul3A_755 {strides = array<i32>} : memref<128x128xf32, #tpu.memory_space<vmem>>, vector<16xf32>,
          %get3A_759 = arith.index_cast %add3A_737 : i32 to index
          %get3A_760 = arith.constant 48 : index
          %get3A_761 = tpu.vector_load %arg14[%get3A_759, %get3A_760] {strides = array<i32>} : memref<128x128xf32, #tpu.memory_space<vmem>>, vector<16xf32>,
          %mul3A_762 = arith.mulf %get3A_761, %broadcast_in_dim3A_733 : vector<16xf32>
          %swap3A_763 = arith.index_cast %add3A_737 : i32 to index
          %swap3A_764 = arith.constant 48 : index
          %swap3A_765 = tpu.vector_load %arg14[%swap3A_763, %swap3A_764] {strides = array<i32>} : memref<128x128xf32, #tpu.memory_space<vmem>>, vector<16xf32>,
          tpu.vector_store %arg14[%swap3A_763, %swap3A_764], %mul3A_762 {strides = array<i32>} : memref<128x128xf32, #tpu.memory_space<vmem>>, vector<16xf32>,
          %get3A_766 = arith.index_cast %add3A_737 : i32 to index
          %get3A_767 = arith.constant 64 : index
          %get3A_768 = tpu.vector_load %arg14[%get3A_766, %get3A_767] {strides = array<i32>} : memref<128x128xf32, #tpu.memory_space<vmem>>, vector<16xf32>,
          %mul3A_769 = arith.mulf %get3A_768, %broadcast_in_dim3A_733 : vector<16xf32>
          %swap3A_770 = arith.index_cast %add3A_737 : i32 to index
          %swap3A_771 = arith.constant 64 : index
          %swap3A_772 = tpu.vector_load %arg14[%swap3A_770, %swap3A_771] {strides = array<i32>} : memref<128x128xf32, #tpu.memory_space<vmem>>, vector<16xf32>,
          tpu.vector_store %arg14[%swap3A_770, %swap3A_771], %mul3A_769 {strides = array<i32>} : memref<128x128xf32, #tpu.memory_space<vmem>>, vector<16xf32>,
          %get3A_773 = arith.index_cast %add3A_737 : i32 to index
          %get3A_774 = arith.constant 80 : index
          %get3A_775 = tpu.vector_load %arg14[%get3A_773, %get3A_774] {strides = array<i32>} : memref<128x128xf32, #tpu.memory_space<vmem>>, vector<16xf32>,
          %mul3A_776 = arith.mulf %get3A_775, %broadcast_in_dim3A_733 : vector<16xf32>
          %swap3A_777 = arith.index_cast %add3A_737 : i32 to index
          %swap3A_778 = arith.constant 80 : index
          %swap3A_779 = tpu.vector_load %arg14[%swap3A_777, %swap3A_778] {strides = array<i32>} : memref<128x128xf32, #tpu.memory_space<vmem>>, vector<16xf32>,
          tpu.vector_store %arg14[%swap3A_777, %swap3A_778], %mul3A_776 {strides = array<i32>} : memref<128x128xf32, #tpu.memory_space<vmem>>, vector<16xf32>,
          %get3A_780 = arith.index_cast %add3A_737 : i32 to index
          %get3A_781 = arith.constant 96 : index
          %get3A_782 = tpu.vector_load %arg14[%get3A_780, %get3A_781] {strides = array<i32>} : memref<128x128xf32, #tpu.memory_space<vmem>>, vector<16xf32>,
          %mul3A_783 = arith.mulf %get3A_782, %broadcast_in_dim3A_733 : vector<16xf32>
          %swap3A_784 = arith.index_cast %add3A_737 : i32 to index
          %swap3A_785 = arith.constant 96 : index
          %swap3A_786 = tpu.vector_load %arg14[%swap3A_784, %swap3A_785] {strides = array<i32>} : memref<128x128xf32, #tpu.memory_space<vmem>>, vector<16xf32>,
          tpu.vector_store %arg14[%swap3A_784, %swap3A_785], %mul3A_783 {strides = array<i32>} : memref<128x128xf32, #tpu.memory_space<vmem>>, vector<16xf32>,
          %get3A_787 = arith.index_cast %add3A_737 : i32 to index
          %get3A_788 = arith.constant 112 : index
          %get3A_789 = tpu.vector_load %arg14[%get3A_787, %get3A_788] {strides = array<i32>} : memref<128x128xf32, #tpu.memory_space<vmem>>, vector<16xf32>,
          %mul3A_790 = arith.mulf %get3A_789, %broadcast_in_dim3A_733 : vector<16xf32>
          %swap3A_791 = arith.index_cast %add3A_737 : i32 to index
          %swap3A_792 = arith.constant 112 : index
          %swap3A_793 = tpu.vector_load %arg14[%swap3A_791, %swap3A_792] {strides = array<i32>} : memref<128x128xf32, #tpu.memory_space<vmem>>, vector<16xf32>,
          tpu.vector_store %arg14[%swap3A_791, %swap3A_792], %mul3A_790 {strides = array<i32>} : memref<128x128xf32, #tpu.memory_space<vmem>>, vector<16xf32>,
          %slice3A_794 = vector.extract_strided_slice %get3A_104 {offsets = [11], sizes = [1], strides = [1]} : vector<16xf32> to vector<1xf32>
          %squeeze3A_795 = vector.extract %slice3A_794[0] : f32 from vector<1xf32>
          %broadcast_in_dim3A_796 = vector.broadcast %squeeze3A_795 : f32 to vector<16xf32>
          %mul3A_797 = arith.constant 16 : i32
          %mul3A_798 = arith.muli %scan3A_100, %mul3A_797 : i32
          %add3A_799 = arith.constant 11 : i32
          %add3A_800 = arith.addi %mul3A_798, %add3A_799 : i32
          %get3A_801 = arith.index_cast %add3A_800 : i32 to index
          %get3A_802 = arith.constant 0 : index
          %get3A_803 = tpu.vector_load %arg14[%get3A_801, %get3A_802] {strides = array<i32>} : memref<128x128xf32, #tpu.memory_space<vmem>>, vector<16xf32>,
          %mul3A_804 = arith.mulf %get3A_803, %broadcast_in_dim3A_796 : vector<16xf32>
          %swap3A_805 = arith.index_cast %add3A_800 : i32 to index
          %swap3A_806 = arith.constant 0 : index
          %swap3A_807 = tpu.vector_load %arg14[%swap3A_805, %swap3A_806] {strides = array<i32>} : memref<128x128xf32, #tpu.memory_space<vmem>>, vector<16xf32>,
          tpu.vector_store %arg14[%swap3A_805, %swap3A_806], %mul3A_804 {strides = array<i32>} : memref<128x128xf32, #tpu.memory_space<vmem>>, vector<16xf32>,
          %get3A_808 = arith.index_cast %add3A_800 : i32 to index
          %get3A_809 = arith.constant 16 : index
          %get3A_810 = tpu.vector_load %arg14[%get3A_808, %get3A_809] {strides = array<i32>} : memref<128x128xf32, #tpu.memory_space<vmem>>, vector<16xf32>,
          %mul3A_811 = arith.mulf %get3A_810, %broadcast_in_dim3A_796 : vector<16xf32>
          %swap3A_812 = arith.index_cast %add3A_800 : i32 to index
          %swap3A_813 = arith.constant 16 : index
          %swap3A_814 = tpu.vector_load %arg14[%swap3A_812, %swap3A_813] {strides = array<i32>} : memref<128x128xf32, #tpu.memory_space<vmem>>, vector<16xf32>,
          tpu.vector_store %arg14[%swap3A_812, %swap3A_813], %mul3A_811 {strides = array<i32>} : memref<128x128xf32, #tpu.memory_space<vmem>>, vector<16xf32>,
          %get3A_815 = arith.index_cast %add3A_800 : i32 to index
          %get3A_816 = arith.constant 32 : index
          %get3A_817 = tpu.vector_load %arg14[%get3A_815, %get3A_816] {strides = array<i32>} : memref<128x128xf32, #tpu.memory_space<vmem>>, vector<16xf32>,
          %mul3A_818 = arith.mulf %get3A_817, %broadcast_in_dim3A_796 : vector<16xf32>
          %swap3A_819 = arith.index_cast %add3A_800 : i32 to index
          %swap3A_820 = arith.constant 32 : index
          %swap3A_821 = tpu.vector_load %arg14[%swap3A_819, %swap3A_820] {strides = array<i32>} : memref<128x128xf32, #tpu.memory_space<vmem>>, vector<16xf32>,
          tpu.vector_store %arg14[%swap3A_819, %swap3A_820], %mul3A_818 {strides = array<i32>} : memref<128x128xf32, #tpu.memory_space<vmem>>, vector<16xf32>,
          %get3A_822 = arith.index_cast %add3A_800 : i32 to index
          %get3A_823 = arith.constant 48 : index
          %get3A_824 = tpu.vector_load %arg14[%get3A_822, %get3A_823] {strides = array<i32>} : memref<128x128xf32, #tpu.memory_space<vmem>>, vector<16xf32>,
          %mul3A_825 = arith.mulf %get3A_824, %broadcast_in_dim3A_796 : vector<16xf32>
          %swap3A_826 = arith.index_cast %add3A_800 : i32 to index
          %swap3A_827 = arith.constant 48 : index
          %swap3A_828 = tpu.vector_load %arg14[%swap3A_826, %swap3A_827] {strides = array<i32>} : memref<128x128xf32, #tpu.memory_space<vmem>>, vector<16xf32>,
          tpu.vector_store %arg14[%swap3A_826, %swap3A_827], %mul3A_825 {strides = array<i32>} : memref<128x128xf32, #tpu.memory_space<vmem>>, vector<16xf32>,
          %get3A_829 = arith.index_cast %add3A_800 : i32 to index
          %get3A_830 = arith.constant 64 : index
          %get3A_831 = tpu.vector_load %arg14[%get3A_829, %get3A_830] {strides = array<i32>} : memref<128x128xf32, #tpu.memory_space<vmem>>, vector<16xf32>,
          %mul3A_832 = arith.mulf %get3A_831, %broadcast_in_dim3A_796 : vector<16xf32>
          %swap3A_833 = arith.index_cast %add3A_800 : i32 to index
          %swap3A_834 = arith.constant 64 : index
          %swap3A_835 = tpu.vector_load %arg14[%swap3A_833, %swap3A_834] {strides = array<i32>} : memref<128x128xf32, #tpu.memory_space<vmem>>, vector<16xf32>,
          tpu.vector_store %arg14[%swap3A_833, %swap3A_834], %mul3A_832 {strides = array<i32>} : memref<128x128xf32, #tpu.memory_space<vmem>>, vector<16xf32>,
          %get3A_836 = arith.index_cast %add3A_800 : i32 to index
          %get3A_837 = arith.constant 80 : index
          %get3A_838 = tpu.vector_load %arg14[%get3A_836, %get3A_837] {strides = array<i32>} : memref<128x128xf32, #tpu.memory_space<vmem>>, vector<16xf32>,
          %mul3A_839 = arith.mulf %get3A_838, %broadcast_in_dim3A_796 : vector<16xf32>
          %swap3A_840 = arith.index_cast %add3A_800 : i32 to index
          %swap3A_841 = arith.constant 80 : index
          %swap3A_842 = tpu.vector_load %arg14[%swap3A_840, %swap3A_841] {strides = array<i32>} : memref<128x128xf32, #tpu.memory_space<vmem>>, vector<16xf32>,
          tpu.vector_store %arg14[%swap3A_840, %swap3A_841], %mul3A_839 {strides = array<i32>} : memref<128x128xf32, #tpu.memory_space<vmem>>, vector<16xf32>,
          %get3A_843 = arith.index_cast %add3A_800 : i32 to index
          %get3A_844 = arith.constant 96 : index
          %get3A_845 = tpu.vector_load %arg14[%get3A_843, %get3A_844] {strides = array<i32>} : memref<128x128xf32, #tpu.memory_space<vmem>>, vector<16xf32>,
          %mul3A_846 = arith.mulf %get3A_845, %broadcast_in_dim3A_796 : vector<16xf32>
          %swap3A_847 = arith.index_cast %add3A_800 : i32 to index
          %swap3A_848 = arith.constant 96 : index
          %swap3A_849 = tpu.vector_load %arg14[%swap3A_847, %swap3A_848] {strides = array<i32>} : memref<128x128xf32, #tpu.memory_space<vmem>>, vector<16xf32>,
          tpu.vector_store %arg14[%swap3A_847, %swap3A_848], %mul3A_846 {strides = array<i32>} : memref<128x128xf32, #tpu.memory_space<vmem>>, vector<16xf32>,
          %get3A_850 = arith.index_cast %add3A_800 : i32 to index
          %get3A_851 = arith.constant 112 : index
          %get3A_852 = tpu.vector_load %arg14[%get3A_850, %get3A_851] {strides = array<i32>} : memref<128x128xf32, #tpu.memory_space<vmem>>, vector<16xf32>,
          %mul3A_853 = arith.mulf %get3A_852, %broadcast_in_dim3A_796 : vector<16xf32>
          %swap3A_854 = arith.index_cast %add3A_800 : i32 to index
          %swap3A_855 = arith.constant 112 : index
          %swap3A_856 = tpu.vector_load %arg14[%swap3A_854, %swap3A_855] {strides = array<i32>} : memref<128x128xf32, #tpu.memory_space<vmem>>, vector<16xf32>,
          tpu.vector_store %arg14[%swap3A_854, %swap3A_855], %mul3A_853 {strides = array<i32>} : memref<128x128xf32, #tpu.memory_space<vmem>>, vector<16xf32>,
          %slice3A_857 = vector.extract_strided_slice %get3A_104 {offsets = [12], sizes = [1], strides = [1]} : vector<16xf32> to vector<1xf32>
          %squeeze3A_858 = vector.extract %slice3A_857[0] : f32 from vector<1xf32>
          %broadcast_in_dim3A_859 = vector.broadcast %squeeze3A_858 : f32 to vector<16xf32>
          %mul3A_860 = arith.constant 16 : i32
          %mul3A_861 = arith.muli %scan3A_100, %mul3A_860 : i32
          %add3A_862 = arith.constant 12 : i32
          %add3A_863 = arith.addi %mul3A_861, %add3A_862 : i32
          %get3A_864 = arith.index_cast %add3A_863 : i32 to index
          %get3A_865 = arith.constant 0 : index
          %get3A_866 = tpu.vector_load %arg14[%get3A_864, %get3A_865] {strides = array<i32>} : memref<128x128xf32, #tpu.memory_space<vmem>>, vector<16xf32>,
          %mul3A_867 = arith.mulf %get3A_866, %broadcast_in_dim3A_859 : vector<16xf32>
          %swap3A_868 = arith.index_cast %add3A_863 : i32 to index
          %swap3A_869 = arith.constant 0 : index
          %swap3A_870 = tpu.vector_load %arg14[%swap3A_868, %swap3A_869] {strides = array<i32>} : memref<128x128xf32, #tpu.memory_space<vmem>>, vector<16xf32>,
          tpu.vector_store %arg14[%swap3A_868, %swap3A_869], %mul3A_867 {strides = array<i32>} : memref<128x128xf32, #tpu.memory_space<vmem>>, vector<16xf32>,
          %get3A_871 = arith.index_cast %add3A_863 : i32 to index
          %get3A_872 = arith.constant 16 : index
          %get3A_873 = tpu.vector_load %arg14[%get3A_871, %get3A_872] {strides = array<i32>} : memref<128x128xf32, #tpu.memory_space<vmem>>, vector<16xf32>,
          %mul3A_874 = arith.mulf %get3A_873, %broadcast_in_dim3A_859 : vector<16xf32>
          %swap3A_875 = arith.index_cast %add3A_863 : i32 to index
          %swap3A_876 = arith.constant 16 : index
          %swap3A_877 = tpu.vector_load %arg14[%swap3A_875, %swap3A_876] {strides = array<i32>} : memref<128x128xf32, #tpu.memory_space<vmem>>, vector<16xf32>,
          tpu.vector_store %arg14[%swap3A_875, %swap3A_876], %mul3A_874 {strides = array<i32>} : memref<128x128xf32, #tpu.memory_space<vmem>>, vector<16xf32>,
          %get3A_878 = arith.index_cast %add3A_863 : i32 to index
          %get3A_879 = arith.constant 32 : index
          %get3A_880 = tpu.vector_load %arg14[%get3A_878, %get3A_879] {strides = array<i32>} : memref<128x128xf32, #tpu.memory_space<vmem>>, vector<16xf32>,
          %mul3A_881 = arith.mulf %get3A_880, %broadcast_in_dim3A_859 : vector<16xf32>
          %swap3A_882 = arith.index_cast %add3A_863 : i32 to index
          %swap3A_883 = arith.constant 32 : index
          %swap3A_884 = tpu.vector_load %arg14[%swap3A_882, %swap3A_883] {strides = array<i32>} : memref<128x128xf32, #tpu.memory_space<vmem>>, vector<16xf32>,
          tpu.vector_store %arg14[%swap3A_882, %swap3A_883], %mul3A_881 {strides = array<i32>} : memref<128x128xf32, #tpu.memory_space<vmem>>, vector<16xf32>,
          %get3A_885 = arith.index_cast %add3A_863 : i32 to index
          %get3A_886 = arith.constant 48 : index
          %get3A_887 = tpu.vector_load %arg14[%get3A_885, %get3A_886] {strides = array<i32>} : memref<128x128xf32, #tpu.memory_space<vmem>>, vector<16xf32>,
          %mul3A_888 = arith.mulf %get3A_887, %broadcast_in_dim3A_859 : vector<16xf32>
          %swap3A_889 = arith.index_cast %add3A_863 : i32 to index
          %swap3A_890 = arith.constant 48 : index
          %swap3A_891 = tpu.vector_load %arg14[%swap3A_889, %swap3A_890] {strides = array<i32>} : memref<128x128xf32, #tpu.memory_space<vmem>>, vector<16xf32>,
          tpu.vector_store %arg14[%swap3A_889, %swap3A_890], %mul3A_888 {strides = array<i32>} : memref<128x128xf32, #tpu.memory_space<vmem>>, vector<16xf32>,
          %get3A_892 = arith.index_cast %add3A_863 : i32 to index
          %get3A_893 = arith.constant 64 : index
          %get3A_894 = tpu.vector_load %arg14[%get3A_892, %get3A_893] {strides = array<i32>} : memref<128x128xf32, #tpu.memory_space<vmem>>, vector<16xf32>,
          %mul3A_895 = arith.mulf %get3A_894, %broadcast_in_dim3A_859 : vector<16xf32>
          %swap3A_896 = arith.index_cast %add3A_863 : i32 to index
          %swap3A_897 = arith.constant 64 : index
          %swap3A_898 = tpu.vector_load %arg14[%swap3A_896, %swap3A_897] {strides = array<i32>} : memref<128x128xf32, #tpu.memory_space<vmem>>, vector<16xf32>,
          tpu.vector_store %arg14[%swap3A_896, %swap3A_897], %mul3A_895 {strides = array<i32>} : memref<128x128xf32, #tpu.memory_space<vmem>>, vector<16xf32>,
          %get3A_899 = arith.index_cast %add3A_863 : i32 to index
          %get3A_900 = arith.constant 80 : index
          %get3A_901 = tpu.vector_load %arg14[%get3A_899, %get3A_900] {strides = array<i32>} : memref<128x128xf32, #tpu.memory_space<vmem>>, vector<16xf32>,
          %mul3A_902 = arith.mulf %get3A_901, %broadcast_in_dim3A_859 : vector<16xf32>
          %swap3A_903 = arith.index_cast %add3A_863 : i32 to index
          %swap3A_904 = arith.constant 80 : index
          %swap3A_905 = tpu.vector_load %arg14[%swap3A_903, %swap3A_904] {strides = array<i32>} : memref<128x128xf32, #tpu.memory_space<vmem>>, vector<16xf32>,
          tpu.vector_store %arg14[%swap3A_903, %swap3A_904], %mul3A_902 {strides = array<i32>} : memref<128x128xf32, #tpu.memory_space<vmem>>, vector<16xf32>,
          %get3A_906 = arith.index_cast %add3A_863 : i32 to index
          %get3A_907 = arith.constant 96 : index
          %get3A_908 = tpu.vector_load %arg14[%get3A_906, %get3A_907] {strides = array<i32>} : memref<128x128xf32, #tpu.memory_space<vmem>>, vector<16xf32>,
          %mul3A_909 = arith.mulf %get3A_908, %broadcast_in_dim3A_859 : vector<16xf32>
          %swap3A_910 = arith.index_cast %add3A_863 : i32 to index
          %swap3A_911 = arith.constant 96 : index
          %swap3A_912 = tpu.vector_load %arg14[%swap3A_910, %swap3A_911] {strides = array<i32>} : memref<128x128xf32, #tpu.memory_space<vmem>>, vector<16xf32>,
          tpu.vector_store %arg14[%swap3A_910, %swap3A_911], %mul3A_909 {strides = array<i32>} : memref<128x128xf32, #tpu.memory_space<vmem>>, vector<16xf32>,
          %get3A_913 = arith.index_cast %add3A_863 : i32 to index
          %get3A_914 = arith.constant 112 : index
          %get3A_915 = tpu.vector_load %arg14[%get3A_913, %get3A_914] {strides = array<i32>} : memref<128x128xf32, #tpu.memory_space<vmem>>, vector<16xf32>,
          %mul3A_916 = arith.mulf %get3A_915, %broadcast_in_dim3A_859 : vector<16xf32>
          %swap3A_917 = arith.index_cast %add3A_863 : i32 to index
          %swap3A_918 = arith.constant 112 : index
          %swap3A_919 = tpu.vector_load %arg14[%swap3A_917, %swap3A_918] {strides = array<i32>} : memref<128x128xf32, #tpu.memory_space<vmem>>, vector<16xf32>,
          tpu.vector_store %arg14[%swap3A_917, %swap3A_918], %mul3A_916 {strides = array<i32>} : memref<128x128xf32, #tpu.memory_space<vmem>>, vector<16xf32>,
          %slice3A_920 = vector.extract_strided_slice %get3A_104 {offsets = [13], sizes = [1], strides = [1]} : vector<16xf32> to vector<1xf32>
          %squeeze3A_921 = vector.extract %slice3A_920[0] : f32 from vector<1xf32>
          %broadcast_in_dim3A_922 = vector.broadcast %squeeze3A_921 : f32 to vector<16xf32>
          %mul3A_923 = arith.constant 16 : i32
          %mul3A_924 = arith.muli %scan3A_100, %mul3A_923 : i32
          %add3A_925 = arith.constant 13 : i32
          %add3A_926 = arith.addi %mul3A_924, %add3A_925 : i32
          %get3A_927 = arith.index_cast %add3A_926 : i32 to index
          %get3A_928 = arith.constant 0 : index
          %get3A_929 = tpu.vector_load %arg14[%get3A_927, %get3A_928] {strides = array<i32>} : memref<128x128xf32, #tpu.memory_space<vmem>>, vector<16xf32>,
          %mul3A_930 = arith.mulf %get3A_929, %broadcast_in_dim3A_922 : vector<16xf32>
          %swap3A_931 = arith.index_cast %add3A_926 : i32 to index
          %swap3A_932 = arith.constant 0 : index
          %swap3A_933 = tpu.vector_load %arg14[%swap3A_931, %swap3A_932] {strides = array<i32>} : memref<128x128xf32, #tpu.memory_space<vmem>>, vector<16xf32>,
          tpu.vector_store %arg14[%swap3A_931, %swap3A_932], %mul3A_930 {strides = array<i32>} : memref<128x128xf32, #tpu.memory_space<vmem>>, vector<16xf32>,
          %get3A_934 = arith.index_cast %add3A_926 : i32 to index
          %get3A_935 = arith.constant 16 : index
          %get3A_936 = tpu.vector_load %arg14[%get3A_934, %get3A_935] {strides = array<i32>} : memref<128x128xf32, #tpu.memory_space<vmem>>, vector<16xf32>,
          %mul3A_937 = arith.mulf %get3A_936, %broadcast_in_dim3A_922 : vector<16xf32>
          %swap3A_938 = arith.index_cast %add3A_926 : i32 to index
          %swap3A_939 = arith.constant 16 : index
          %swap3A_940 = tpu.vector_load %arg14[%swap3A_938, %swap3A_939] {strides = array<i32>} : memref<128x128xf32, #tpu.memory_space<vmem>>, vector<16xf32>,
          tpu.vector_store %arg14[%swap3A_938, %swap3A_939], %mul3A_937 {strides = array<i32>} : memref<128x128xf32, #tpu.memory_space<vmem>>, vector<16xf32>,
          %get3A_941 = arith.index_cast %add3A_926 : i32 to index
          %get3A_942 = arith.constant 32 : index
          %get3A_943 = tpu.vector_load %arg14[%get3A_941, %get3A_942] {strides = array<i32>} : memref<128x128xf32, #tpu.memory_space<vmem>>, vector<16xf32>,
          %mul3A_944 = arith.mulf %get3A_943, %broadcast_in_dim3A_922 : vector<16xf32>
          %swap3A_945 = arith.index_cast %add3A_926 : i32 to index
          %swap3A_946 = arith.constant 32 : index
          %swap3A_947 = tpu.vector_load %arg14[%swap3A_945, %swap3A_946] {strides = array<i32>} : memref<128x128xf32, #tpu.memory_space<vmem>>, vector<16xf32>,
          tpu.vector_store %arg14[%swap3A_945, %swap3A_946], %mul3A_944 {strides = array<i32>} : memref<128x128xf32, #tpu.memory_space<vmem>>, vector<16xf32>,
          %get3A_948 = arith.index_cast %add3A_926 : i32 to index
          %get3A_949 = arith.constant 48 : index
          %get3A_950 = tpu.vector_load %arg14[%get3A_948, %get3A_949] {strides = array<i32>} : memref<128x128xf32, #tpu.memory_space<vmem>>, vector<16xf32>,
          %mul3A_951 = arith.mulf %get3A_950, %broadcast_in_dim3A_922 : vector<16xf32>
          %swap3A_952 = arith.index_cast %add3A_926 : i32 to index
          %swap3A_953 = arith.constant 48 : index
          %swap3A_954 = tpu.vector_load %arg14[%swap3A_952, %swap3A_953] {strides = array<i32>} : memref<128x128xf32, #tpu.memory_space<vmem>>, vector<16xf32>,
          tpu.vector_store %arg14[%swap3A_952, %swap3A_953], %mul3A_951 {strides = array<i32>} : memref<128x128xf32, #tpu.memory_space<vmem>>, vector<16xf32>,
          %get3A_955 = arith.index_cast %add3A_926 : i32 to index
          %get3A_956 = arith.constant 64 : index
          %get3A_957 = tpu.vector_load %arg14[%get3A_955, %get3A_956] {strides = array<i32>} : memref<128x128xf32, #tpu.memory_space<vmem>>, vector<16xf32>,
          %mul3A_958 = arith.mulf %get3A_957, %broadcast_in_dim3A_922 : vector<16xf32>
          %swap3A_959 = arith.index_cast %add3A_926 : i32 to index
          %swap3A_960 = arith.constant 64 : index
          %swap3A_961 = tpu.vector_load %arg14[%swap3A_959, %swap3A_960] {strides = array<i32>} : memref<128x128xf32, #tpu.memory_space<vmem>>, vector<16xf32>,
          tpu.vector_store %arg14[%swap3A_959, %swap3A_960], %mul3A_958 {strides = array<i32>} : memref<128x128xf32, #tpu.memory_space<vmem>>, vector<16xf32>,
          %get3A_962 = arith.index_cast %add3A_926 : i32 to index
          %get3A_963 = arith.constant 80 : index
          %get3A_964 = tpu.vector_load %arg14[%get3A_962, %get3A_963] {strides = array<i32>} : memref<128x128xf32, #tpu.memory_space<vmem>>, vector<16xf32>,
          %mul3A_965 = arith.mulf %get3A_964, %broadcast_in_dim3A_922 : vector<16xf32>
          %swap3A_966 = arith.index_cast %add3A_926 : i32 to index
          %swap3A_967 = arith.constant 80 : index
          %swap3A_968 = tpu.vector_load %arg14[%swap3A_966, %swap3A_967] {strides = array<i32>} : memref<128x128xf32, #tpu.memory_space<vmem>>, vector<16xf32>,
          tpu.vector_store %arg14[%swap3A_966, %swap3A_967], %mul3A_965 {strides = array<i32>} : memref<128x128xf32, #tpu.memory_space<vmem>>, vector<16xf32>,
          %get3A_969 = arith.index_cast %add3A_926 : i32 to index
          %get3A_970 = arith.constant 96 : index
          %get3A_971 = tpu.vector_load %arg14[%get3A_969, %get3A_970] {strides = array<i32>} : memref<128x128xf32, #tpu.memory_space<vmem>>, vector<16xf32>,
          %mul3A_972 = arith.mulf %get3A_971, %broadcast_in_dim3A_922 : vector<16xf32>
          %swap3A_973 = arith.index_cast %add3A_926 : i32 to index
          %swap3A_974 = arith.constant 96 : index
          %swap3A_975 = tpu.vector_load %arg14[%swap3A_973, %swap3A_974] {strides = array<i32>} : memref<128x128xf32, #tpu.memory_space<vmem>>, vector<16xf32>,
          tpu.vector_store %arg14[%swap3A_973, %swap3A_974], %mul3A_972 {strides = array<i32>} : memref<128x128xf32, #tpu.memory_space<vmem>>, vector<16xf32>,
          %get3A_976 = arith.index_cast %add3A_926 : i32 to index
          %get3A_977 = arith.constant 112 : index
          %get3A_978 = tpu.vector_load %arg14[%get3A_976, %get3A_977] {strides = array<i32>} : memref<128x128xf32, #tpu.memory_space<vmem>>, vector<16xf32>,
          %mul3A_979 = arith.mulf %get3A_978, %broadcast_in_dim3A_922 : vector<16xf32>
          %swap3A_980 = arith.index_cast %add3A_926 : i32 to index
          %swap3A_981 = arith.constant 112 : index
          %swap3A_982 = tpu.vector_load %arg14[%swap3A_980, %swap3A_981] {strides = array<i32>} : memref<128x128xf32, #tpu.memory_space<vmem>>, vector<16xf32>,
          tpu.vector_store %arg14[%swap3A_980, %swap3A_981], %mul3A_979 {strides = array<i32>} : memref<128x128xf32, #tpu.memory_space<vmem>>, vector<16xf32>,
          %slice3A_983 = vector.extract_strided_slice %get3A_104 {offsets = [14], sizes = [1], strides = [1]} : vector<16xf32> to vector<1xf32>
          %squeeze3A_984 = vector.extract %slice3A_983[0] : f32 from vector<1xf32>
          %broadcast_in_dim3A_985 = vector.broadcast %squeeze3A_984 : f32 to vector<16xf32>
          %mul3A_986 = arith.constant 16 : i32
          %mul3A_987 = arith.muli %scan3A_100, %mul3A_986 : i32
          %add3A_988 = arith.constant 14 : i32
          %add3A_989 = arith.addi %mul3A_987, %add3A_988 : i32
          %get3A_990 = arith.index_cast %add3A_989 : i32 to index
          %get3A_991 = arith.constant 0 : index
          %get3A_992 = tpu.vector_load %arg14[%get3A_990, %get3A_991] {strides = array<i32>} : memref<128x128xf32, #tpu.memory_space<vmem>>, vector<16xf32>,
          %mul3A_993 = arith.mulf %get3A_992, %broadcast_in_dim3A_985 : vector<16xf32>
          %swap3A_994 = arith.index_cast %add3A_989 : i32 to index
          %swap3A_995 = arith.constant 0 : index
          %swap3A_996 = tpu.vector_load %arg14[%swap3A_994, %swap3A_995] {strides = array<i32>} : memref<128x128xf32, #tpu.memory_space<vmem>>, vector<16xf32>,
          tpu.vector_store %arg14[%swap3A_994, %swap3A_995], %mul3A_993 {strides = array<i32>} : memref<128x128xf32, #tpu.memory_space<vmem>>, vector<16xf32>,
          %get3A_997 = arith.index_cast %add3A_989 : i32 to index
          %get3A_998 = arith.constant 16 : index
          %get3A_999 = tpu.vector_load %arg14[%get3A_997, %get3A_998] {strides = array<i32>} : memref<128x128xf32, #tpu.memory_space<vmem>>, vector<16xf32>,
          %mul3A_1000 = arith.mulf %get3A_999, %broadcast_in_dim3A_985 : vector<16xf32>
          %swap3A_1001 = arith.index_cast %add3A_989 : i32 to index
          %swap3A_1002 = arith.constant 16 : index
          %swap3A_1003 = tpu.vector_load %arg14[%swap3A_1001, %swap3A_1002] {strides = array<i32>} : memref<128x128xf32, #tpu.memory_space<vmem>>, vector<16xf32>,
          tpu.vector_store %arg14[%swap3A_1001, %swap3A_1002], %mul3A_1000 {strides = array<i32>} : memref<128x128xf32, #tpu.memory_space<vmem>>, vector<16xf32>,
          %get3A_1004 = arith.index_cast %add3A_989 : i32 to index
          %get3A_1005 = arith.constant 32 : index
          %get3A_1006 = tpu.vector_load %arg14[%get3A_1004, %get3A_1005] {strides = array<i32>} : memref<128x128xf32, #tpu.memory_space<vmem>>, vector<16xf32>,
          %mul3A_1007 = arith.mulf %get3A_1006, %broadcast_in_dim3A_985 : vector<16xf32>
          %swap3A_1008 = arith.index_cast %add3A_989 : i32 to index
          %swap3A_1009 = arith.constant 32 : index
          %swap3A_1010 = tpu.vector_load %arg14[%swap3A_1008, %swap3A_1009] {strides = array<i32>} : memref<128x128xf32, #tpu.memory_space<vmem>>, vector<16xf32>,
          tpu.vector_store %arg14[%swap3A_1008, %swap3A_1009], %mul3A_1007 {strides = array<i32>} : memref<128x128xf32, #tpu.memory_space<vmem>>, vector<16xf32>,
          %get3A_1011 = arith.index_cast %add3A_989 : i32 to index
          %get3A_1012 = arith.constant 48 : index
          %get3A_1013 = tpu.vector_load %arg14[%get3A_1011, %get3A_1012] {strides = array<i32>} : memref<128x128xf32, #tpu.memory_space<vmem>>, vector<16xf32>,
          %mul3A_1014 = arith.mulf %get3A_1013, %broadcast_in_dim3A_985 : vector<16xf32>
          %swap3A_1015 = arith.index_cast %add3A_989 : i32 to index
          %swap3A_1016 = arith.constant 48 : index
          %swap3A_1017 = tpu.vector_load %arg14[%swap3A_1015, %swap3A_1016] {strides = array<i32>} : memref<128x128xf32, #tpu.memory_space<vmem>>, vector<16xf32>,
          tpu.vector_store %arg14[%swap3A_1015, %swap3A_1016], %mul3A_1014 {strides = array<i32>} : memref<128x128xf32, #tpu.memory_space<vmem>>, vector<16xf32>,
          %get3A_1018 = arith.index_cast %add3A_989 : i32 to index
          %get3A_1019 = arith.constant 64 : index
          %get3A_1020 = tpu.vector_load %arg14[%get3A_1018, %get3A_1019] {strides = array<i32>} : memref<128x128xf32, #tpu.memory_space<vmem>>, vector<16xf32>,
          %mul3A_1021 = arith.mulf %get3A_1020, %broadcast_in_dim3A_985 : vector<16xf32>
          %swap3A_1022 = arith.index_cast %add3A_989 : i32 to index
          %swap3A_1023 = arith.constant 64 : index
          %swap3A_1024 = tpu.vector_load %arg14[%swap3A_1022, %swap3A_1023] {strides = array<i32>} : memref<128x128xf32, #tpu.memory_space<vmem>>, vector<16xf32>,
          tpu.vector_store %arg14[%swap3A_1022, %swap3A_1023], %mul3A_1021 {strides = array<i32>} : memref<128x128xf32, #tpu.memory_space<vmem>>, vector<16xf32>,
          %get3A_1025 = arith.index_cast %add3A_989 : i32 to index
          %get3A_1026 = arith.constant 80 : index
          %get3A_1027 = tpu.vector_load %arg14[%get3A_1025, %get3A_1026] {strides = array<i32>} : memref<128x128xf32, #tpu.memory_space<vmem>>, vector<16xf32>,
          %mul3A_1028 = arith.mulf %get3A_1027, %broadcast_in_dim3A_985 : vector<16xf32>
          %swap3A_1029 = arith.index_cast %add3A_989 : i32 to index
          %swap3A_1030 = arith.constant 80 : index
          %swap3A_1031 = tpu.vector_load %arg14[%swap3A_1029, %swap3A_1030] {strides = array<i32>} : memref<128x128xf32, #tpu.memory_space<vmem>>, vector<16xf32>,
          tpu.vector_store %arg14[%swap3A_1029, %swap3A_1030], %mul3A_1028 {strides = array<i32>} : memref<128x128xf32, #tpu.memory_space<vmem>>, vector<16xf32>,
          %get3A_1032 = arith.index_cast %add3A_989 : i32 to index
          %get3A_1033 = arith.constant 96 : index
          %get3A_1034 = tpu.vector_load %arg14[%get3A_1032, %get3A_1033] {strides = array<i32>} : memref<128x128xf32, #tpu.memory_space<vmem>>, vector<16xf32>,
          %mul3A_1035 = arith.mulf %get3A_1034, %broadcast_in_dim3A_985 : vector<16xf32>
          %swap3A_1036 = arith.index_cast %add3A_989 : i32 to index
          %swap3A_1037 = arith.constant 96 : index
          %swap3A_1038 = tpu.vector_load %arg14[%swap3A_1036, %swap3A_1037] {strides = array<i32>} : memref<128x128xf32, #tpu.memory_space<vmem>>, vector<16xf32>,
          tpu.vector_store %arg14[%swap3A_1036, %swap3A_1037], %mul3A_1035 {strides = array<i32>} : memref<128x128xf32, #tpu.memory_space<vmem>>, vector<16xf32>,
          %get3A_1039 = arith.index_cast %add3A_989 : i32 to index
          %get3A_1040 = arith.constant 112 : index
          %get3A_1041 = tpu.vector_load %arg14[%get3A_1039, %get3A_1040] {strides = array<i32>} : memref<128x128xf32, #tpu.memory_space<vmem>>, vector<16xf32>,
          %mul3A_1042 = arith.mulf %get3A_1041, %broadcast_in_dim3A_985 : vector<16xf32>
          %swap3A_1043 = arith.index_cast %add3A_989 : i32 to index
          %swap3A_1044 = arith.constant 112 : index
          %swap3A_1045 = tpu.vector_load %arg14[%swap3A_1043, %swap3A_1044] {strides = array<i32>} : memref<128x128xf32, #tpu.memory_space<vmem>>, vector<16xf32>,
          tpu.vector_store %arg14[%swap3A_1043, %swap3A_1044], %mul3A_1042 {strides = array<i32>} : memref<128x128xf32, #tpu.memory_space<vmem>>, vector<16xf32>,
          %slice3A_1046 = vector.extract_strided_slice %get3A_104 {offsets = [15], sizes = [1], strides = [1]} : vector<16xf32> to vector<1xf32>
          %squeeze3A_1047 = vector.extract %slice3A_1046[0] : f32 from vector<1xf32>
          %broadcast_in_dim3A_1048 = vector.broadcast %squeeze3A_1047 : f32 to vector<16xf32>
          %mul3A_1049 = arith.constant 16 : i32
          %mul3A_1050 = arith.muli %scan3A_100, %mul3A_1049 : i32
          %add3A_1051 = arith.constant 15 : i32
          %add3A_1052 = arith.addi %mul3A_1050, %add3A_1051 : i32
          %get3A_1053 = arith.index_cast %add3A_1052 : i32 to index
          %get3A_1054 = arith.constant 0 : index
          %get3A_1055 = tpu.vector_load %arg14[%get3A_1053, %get3A_1054] {strides = array<i32>} : memref<128x128xf32, #tpu.memory_space<vmem>>, vector<16xf32>,
          %mul3A_1056 = arith.mulf %get3A_1055, %broadcast_in_dim3A_1048 : vector<16xf32>
          %swap3A_1057 = arith.index_cast %add3A_1052 : i32 to index
          %swap3A_1058 = arith.constant 0 : index
          %swap3A_1059 = tpu.vector_load %arg14[%swap3A_1057, %swap3A_1058] {strides = array<i32>} : memref<128x128xf32, #tpu.memory_space<vmem>>, vector<16xf32>,
          tpu.vector_store %arg14[%swap3A_1057, %swap3A_1058], %mul3A_1056 {strides = array<i32>} : memref<128x128xf32, #tpu.memory_space<vmem>>, vector<16xf32>,
          %get3A_1060 = arith.index_cast %add3A_1052 : i32 to index
          %get3A_1061 = arith.constant 16 : index
          %get3A_1062 = tpu.vector_load %arg14[%get3A_1060, %get3A_1061] {strides = array<i32>} : memref<128x128xf32, #tpu.memory_space<vmem>>, vector<16xf32>,
          %mul3A_1063 = arith.mulf %get3A_1062, %broadcast_in_dim3A_1048 : vector<16xf32>
          %swap3A_1064 = arith.index_cast %add3A_1052 : i32 to index
          %swap3A_1065 = arith.constant 16 : index
          %swap3A_1066 = tpu.vector_load %arg14[%swap3A_1064, %swap3A_1065] {strides = array<i32>} : memref<128x128xf32, #tpu.memory_space<vmem>>, vector<16xf32>,
          tpu.vector_store %arg14[%swap3A_1064, %swap3A_1065], %mul3A_1063 {strides = array<i32>} : memref<128x128xf32, #tpu.memory_space<vmem>>, vector<16xf32>,
          %get3A_1067 = arith.index_cast %add3A_1052 : i32 to index
          %get3A_1068 = arith.constant 32 : index
          %get3A_1069 = tpu.vector_load %arg14[%get3A_1067, %get3A_1068] {strides = array<i32>} : memref<128x128xf32, #tpu.memory_space<vmem>>, vector<16xf32>,
          %mul3A_1070 = arith.mulf %get3A_1069, %broadcast_in_dim3A_1048 : vector<16xf32>
          %swap3A_1071 = arith.index_cast %add3A_1052 : i32 to index
          %swap3A_1072 = arith.constant 32 : index
          %swap3A_1073 = tpu.vector_load %arg14[%swap3A_1071, %swap3A_1072] {strides = array<i32>} : memref<128x128xf32, #tpu.memory_space<vmem>>, vector<16xf32>,
          tpu.vector_store %arg14[%swap3A_1071, %swap3A_1072], %mul3A_1070 {strides = array<i32>} : memref<128x128xf32, #tpu.memory_space<vmem>>, vector<16xf32>,
          %get3A_1074 = arith.index_cast %add3A_1052 : i32 to index
          %get3A_1075 = arith.constant 48 : index
          %get3A_1076 = tpu.vector_load %arg14[%get3A_1074, %get3A_1075] {strides = array<i32>} : memref<128x128xf32, #tpu.memory_space<vmem>>, vector<16xf32>,
          %mul3A_1077 = arith.mulf %get3A_1076, %broadcast_in_dim3A_1048 : vector<16xf32>
          %swap3A_1078 = arith.index_cast %add3A_1052 : i32 to index
          %swap3A_1079 = arith.constant 48 : index
          %swap3A_1080 = tpu.vector_load %arg14[%swap3A_1078, %swap3A_1079] {strides = array<i32>} : memref<128x128xf32, #tpu.memory_space<vmem>>, vector<16xf32>,
          tpu.vector_store %arg14[%swap3A_1078, %swap3A_1079], %mul3A_1077 {strides = array<i32>} : memref<128x128xf32, #tpu.memory_space<vmem>>, vector<16xf32>,
          %get3A_1081 = arith.index_cast %add3A_1052 : i32 to index
          %get3A_1082 = arith.constant 64 : index
          %get3A_1083 = tpu.vector_load %arg14[%get3A_1081, %get3A_1082] {strides = array<i32>} : memref<128x128xf32, #tpu.memory_space<vmem>>, vector<16xf32>,
          %mul3A_1084 = arith.mulf %get3A_1083, %broadcast_in_dim3A_1048 : vector<16xf32>
          %swap3A_1085 = arith.index_cast %add3A_1052 : i32 to index
          %swap3A_1086 = arith.constant 64 : index
          %swap3A_1087 = tpu.vector_load %arg14[%swap3A_1085, %swap3A_1086] {strides = array<i32>} : memref<128x128xf32, #tpu.memory_space<vmem>>, vector<16xf32>,
          tpu.vector_store %arg14[%swap3A_1085, %swap3A_1086], %mul3A_1084 {strides = array<i32>} : memref<128x128xf32, #tpu.memory_space<vmem>>, vector<16xf32>,
          %get3A_1088 = arith.index_cast %add3A_1052 : i32 to index
          %get3A_1089 = arith.constant 80 : index
          %get3A_1090 = tpu.vector_load %arg14[%get3A_1088, %get3A_1089] {strides = array<i32>} : memref<128x128xf32, #tpu.memory_space<vmem>>, vector<16xf32>,
          %mul3A_1091 = arith.mulf %get3A_1090, %broadcast_in_dim3A_1048 : vector<16xf32>
          %swap3A_1092 = arith.index_cast %add3A_1052 : i32 to index
          %swap3A_1093 = arith.constant 80 : index
          %swap3A_1094 = tpu.vector_load %arg14[%swap3A_1092, %swap3A_1093] {strides = array<i32>} : memref<128x128xf32, #tpu.memory_space<vmem>>, vector<16xf32>,
          tpu.vector_store %arg14[%swap3A_1092, %swap3A_1093], %mul3A_1091 {strides = array<i32>} : memref<128x128xf32, #tpu.memory_space<vmem>>, vector<16xf32>,
          %get3A_1095 = arith.index_cast %add3A_1052 : i32 to index
          %get3A_1096 = arith.constant 96 : index
          %get3A_1097 = tpu.vector_load %arg14[%get3A_1095, %get3A_1096] {strides = array<i32>} : memref<128x128xf32, #tpu.memory_space<vmem>>, vector<16xf32>,
          %mul3A_1098 = arith.mulf %get3A_1097, %broadcast_in_dim3A_1048 : vector<16xf32>
          %swap3A_1099 = arith.index_cast %add3A_1052 : i32 to index
          %swap3A_1100 = arith.constant 96 : index
          %swap3A_1101 = tpu.vector_load %arg14[%swap3A_1099, %swap3A_1100] {strides = array<i32>} : memref<128x128xf32, #tpu.memory_space<vmem>>, vector<16xf32>,
          tpu.vector_store %arg14[%swap3A_1099, %swap3A_1100], %mul3A_1098 {strides = array<i32>} : memref<128x128xf32, #tpu.memory_space<vmem>>, vector<16xf32>,
          %get3A_1102 = arith.index_cast %add3A_1052 : i32 to index
          %get3A_1103 = arith.constant 112 : index
          %get3A_1104 = tpu.vector_load %arg14[%get3A_1102, %get3A_1103] {strides = array<i32>} : memref<128x128xf32, #tpu.memory_space<vmem>>, vector<16xf32>,
          %mul3A_1105 = arith.mulf %get3A_1104, %broadcast_in_dim3A_1048 : vector<16xf32>
          %swap3A_1106 = arith.index_cast %add3A_1052 : i32 to index
          %swap3A_1107 = arith.constant 112 : index
          %swap3A_1108 = tpu.vector_load %arg14[%swap3A_1106, %swap3A_1107] {strides = array<i32>} : memref<128x128xf32, #tpu.memory_space<vmem>>, vector<16xf32>,
          tpu.vector_store %arg14[%swap3A_1106, %swap3A_1107], %mul3A_1105 {strides = array<i32>} : memref<128x128xf32, #tpu.memory_space<vmem>>, vector<16xf32>,
          %scan3A_1109 = arith.constant 0 : i32
          scf.yield %scan3A_1109 : i32
        }
        %scan3A_86 = arith.constant 8 : i32
        %dma_start3A_87 = arith.constant 0 : i32
        %dma_start3A_88 = tpu.memref_slice %arg8[%scan3A_56, %dma_start3A_87] : memref<80x128xi32, #tpu.memory_space<vmem>> -> memref<1x128xi32, #tpu.memory_space<vmem>>
        %dma_start3A_89 = tpu.memref_squeeze %dma_start3A_88 : memref<1x128xi32, #tpu.memory_space<vmem>> -> memref<128xi32, #tpu.memory_space<vmem>>
        %dma_start3A_90 = arith.constant 0 : i32
        %dma_start3A_91 = arith.constant 0 : i32
        %dma_start3A_92 = tpu.memref_slice %arg21[%dma_start3A_90, %dma_start3A_91] : memref<10000x128xf32, #tpu.memory_space<vmem_shared>> -> memref<10000x128xf32, #tpu.memory_space<vmem_shared>>
        tpu.enqueue_indirect_dma source(%arg14 : memref<128x128xf32, #tpu.memory_space<vmem>>) target(%dma_start3A_92 : memref<10000x128xf32, #tpu.memory_space<vmem_shared>>) offsets(%dma_start3A_89 : memref<128xi32, #tpu.memory_space<vmem>>) semaphore(%arg18 : memref<!tpu.dma_semaphore, #tpu.memory_space<semaphore_mem>>) {add = true}
        %add3A_93 = arith.constant 2 : i32
        %add3A_94 = arith.addi %scan3A_56, %add3A_93 : i32
        %lt3A_95 = arith.constant 79 : i32
        %lt3A_96 = arith.cmpi slt, %add3A_94, %lt3A_95 : i32
        %convert_element_type3A_97 = arith.extui %lt3A_96 : i1 to i32
        %cond3A_98 = arith.constant 0 : i32
        %cond3A_99 = arith.cmpi ne, %convert_element_type3A_97, %cond3A_98 : i32
        scf.if %cond3A_99 {
          %add3A_100 = arith.constant 2 : i32
          %add3A_101 = arith.addi %scan3A_56, %add3A_100 : i32
          %mul3A_102 = arith.constant 128 : i32
          %mul3A_103 = arith.muli %add3A_101, %mul3A_102 : i32
          %dma_start3A_104 = arith.constant 0 : i32
          %dma_start3A_105 = tpu.memref_slice %arg3[%add3A, %dma_start3A_104, %mul3A_103] : memref<32x1x10240xi32, #tpu.memory_space<hbm>> -> memref<1x1x128xi32, #tpu.memory_space<hbm>>
          %dma_start3A_106 = tpu.memref_squeeze %dma_start3A_105 : memref<1x1x128xi32, #tpu.memory_space<hbm>> -> memref<128xi32, #tpu.memory_space<hbm>>
          %dma_start3A_107 = tpu.memref_slice %arg3[%add3A, %dma_start3A_104, %mul3A_103] : memref<32x1x10240xi32, #tpu.memory_space<hbm>> -> memref<1x1x128xi32, #tpu.memory_space<hbm>>
          %dma_start3A_108 = tpu.memref_squeeze %dma_start3A_107 : memref<1x1x128xi32, #tpu.memory_space<hbm>> -> memref<128xi32, #tpu.memory_space<hbm>>
          tpu.enqueue_dma source(%dma_start3A_108 : memref<128xi32, #tpu.memory_space<hbm>>) target(%arg10 : memref<128xi32, #tpu.memory_space<vmem>>) target_semaphore(%arg20 : memref<!tpu.dma_semaphore, #tpu.memory_space<semaphore_mem>>)
          %add3A_109 = arith.constant 2 : i32
          %add3A_110 = arith.addi %scan3A_56, %add3A_109 : i32
          %mul3A_111 = arith.constant 128 : i32
          %mul3A_112 = arith.muli %add3A_110, %mul3A_111 : i32
          %dma_start3A_113 = arith.constant 0 : i32
          %dma_start3A_114 = tpu.memref_slice %arg5[%add3A, %dma_start3A_113, %mul3A_112] : memref<32x1x10240xf32, #tpu.memory_space<hbm>> -> memref<1x1x128xf32, #tpu.memory_space<hbm>>
          %dma_start3A_115 = tpu.memref_squeeze %dma_start3A_114 : memref<1x1x128xf32, #tpu.memory_space<hbm>> -> memref<128xf32, #tpu.memory_space<hbm>>
          %dma_start3A_116 = tpu.memref_slice %arg5[%add3A, %dma_start3A_113, %mul3A_112] : memref<32x1x10240xf32, #tpu.memory_space<hbm>> -> memref<1x1x128xf32, #tpu.memory_space<hbm>>
          %dma_start3A_117 = tpu.memref_squeeze %dma_start3A_116 : memref<1x1x128xf32, #tpu.memory_space<hbm>> -> memref<128xf32, #tpu.memory_space<hbm>>
          tpu.enqueue_dma source(%dma_start3A_117 : memref<128xf32, #tpu.memory_space<hbm>>) target(%arg12 : memref<128xf32, #tpu.memory_space<vmem>>) target_semaphore(%arg20 : memref<!tpu.dma_semaphore, #tpu.memory_space<semaphore_mem>>)
        } else {
        }
      } else {
      }
      %scan3A_69 = arith.constant 0 : i32
      scf.yield %scan3A_69 : i32
    }
    %scan3A_31 = arith.constant 79 : i32
    %dma_wait3A = arith.constant 77 : i32
    %dma_wait3A_32 = arith.constant 0 : i32
    %dma_wait3A_33 = tpu.memref_slice %arg8[%dma_wait3A, %dma_wait3A_32] : memref<80x128xi32, #tpu.memory_space<vmem>> -> memref<1x128xi32, #tpu.memory_space<vmem>>
    %dma_wait3A_34 = tpu.memref_squeeze %dma_wait3A_33 : memref<1x128xi32, #tpu.memory_space<vmem>> -> memref<128xi32, #tpu.memory_space<vmem>>
    %dma_wait3A_35 = arith.constant 0 : i32
    %dma_wait3A_36 = arith.constant 0 : i32
    %dma_wait3A_37 = tpu.memref_slice %arg21[%dma_wait3A_35, %dma_wait3A_36] : memref<10000x128xf32, #tpu.memory_space<vmem_shared>> -> memref<10000x128xf32, #tpu.memory_space<vmem_shared>>
    tpu.wait_indirect_dma semaphore(%arg18 : memref<!tpu.dma_semaphore, #tpu.memory_space<semaphore_mem>>) src(%arg14 : memref<128x128xf32, #tpu.memory_space<vmem>>) dst(%dma_wait3A_37 : memref<10000x128xf32, #tpu.memory_space<vmem_shared>>)
    %dma_wait3A_38 = arith.constant 78 : i32
    %dma_wait3A_39 = arith.constant 0 : i32
    %dma_wait3A_40 = tpu.memref_slice %arg8[%dma_wait3A_38, %dma_wait3A_39] : memref<80x128xi32, #tpu.memory_space<vmem>> -> memref<1x128xi32, #tpu.memory_space<vmem>>
    %dma_wait3A_41 = tpu.memref_squeeze %dma_wait3A_40 : memref<1x128xi32, #tpu.memory_space<vmem>> -> memref<128xi32, #tpu.memory_space<vmem>>
    %dma_wait3A_42 = arith.constant 0 : i32
    %dma_wait3A_43 = arith.constant 0 : i32
    %dma_wait3A_44 = tpu.memref_slice %arg21[%dma_wait3A_42, %dma_wait3A_43] : memref<10000x128xf32, #tpu.memory_space<vmem_shared>> -> memref<10000x128xf32, #tpu.memory_space<vmem_shared>>
    tpu.wait_indirect_dma semaphore(%arg17 : memref<!tpu.dma_semaphore, #tpu.memory_space<semaphore_mem>>) src(%arg13 : memref<128x128xf32, #tpu.memory_space<vmem>>) dst(%dma_wait3A_44 : memref<10000x128xf32, #tpu.memory_space<vmem_shared>>)
    %barrier3A_45 = arith.constant 0 : index
    tpu.barrier barrier_id(%barrier3A_45)
    %lt3A_46 = arith.constant 15 : i32
    %lt3A_47 = arith.cmpi slt, %arg1, %lt3A_46 : i32
    %convert_element_type3A_48 = arith.extui %lt3A_47 : i1 to i32
    %cond3A_49 = arith.constant 0 : i32
    %cond3A_50 = arith.cmpi ne, %convert_element_type3A_48, %cond3A_49 : i32
    scf.if %cond3A_50 {
      "tpu.region"() ({
        %run_scoped3A_56 = tpu.sem_alloc : memref<!tpu.dma_semaphore, #tpu.memory_space<semaphore_mem>>
        %dma_start3A_57 = arith.constant 0 : i32
        %dma_start3A_58 = tpu.memref_slice %arg7[%arg0, %multiple_of3A, %dma_start3A_57] : memref<2x10000x128xf32, #tpu.memory_space<hbm>> -> memref<1x632x128xf32, #tpu.memory_space<hbm>>
        %dma_start3A_59 = tpu.memref_squeeze %dma_start3A_58 : memref<1x632x128xf32, #tpu.memory_space<hbm>> -> memref<632x128xf32, #tpu.memory_space<hbm>>
        %dma_start3A_60 = arith.constant 0 : i32
        %dma_start3A_61 = tpu.memref_slice %arg21[%multiple_of3A, %dma_start3A_60] : memref<10000x128xf32, #tpu.memory_space<vmem_shared>> -> memref<632x128xf32, #tpu.memory_space<vmem_shared>>
        tpu.enqueue_dma source(%dma_start3A_61 : memref<632x128xf32, #tpu.memory_space<vmem_shared>>) target(%dma_start3A_59 : memref<632x128xf32, #tpu.memory_space<hbm>>) target_semaphore(%run_scoped3A_56 : memref<!tpu.dma_semaphore, #tpu.memory_space<semaphore_mem>>)
        %dma_wait3A_62 = arith.constant 0 : i32
        %dma_wait3A_63 = tpu.memref_slice %arg7[%arg0, %multiple_of3A, %dma_wait3A_62] : memref<2x10000x128xf32, #tpu.memory_space<hbm>> -> memref<1x632x128xf32, #tpu.memory_space<hbm>>
        %dma_wait3A_64 = tpu.memref_squeeze %dma_wait3A_63 : memref<1x632x128xf32, #tpu.memory_space<hbm>> -> memref<632x128xf32, #tpu.memory_space<hbm>>
        %dma_wait3A_65 = arith.constant 0 : i32
        %dma_wait3A_66 = tpu.memref_slice %arg21[%multiple_of3A, %dma_wait3A_65] : memref<10000x128xf32, #tpu.memory_space<vmem_shared>> -> memref<632x128xf32, #tpu.memory_space<vmem_shared>>
        tpu.wait_dma2 semaphore(%run_scoped3A_56 : memref<!tpu.dma_semaphore, #tpu.memory_space<semaphore_mem>>) src(%dma_wait3A_66 : memref<632x128xf32, #tpu.memory_space<vmem_shared>>) dst(%dma_wait3A_64 : memref<632x128xf32, #tpu.memory_space<hbm>>)
        tpu.yield
      }) : () -> ()
    } else {
    }
    %eq3A_51 = arith.constant 15 : i32
    %eq3A_52 = arith.cmpi eq, %arg1, %eq3A_51 : i32
    %convert_element_type3A_53 = arith.extui %eq3A_52 : i1 to i32
    %cond3A_54 = arith.constant 0 : i32
    %cond3A_55 = arith.cmpi ne, %convert_element_type3A_53, %cond3A_54 : i32
    scf.if %cond3A_55 {
      "tpu.region"() ({
        %run_scoped3A_56 = tpu.sem_alloc : memref<!tpu.dma_semaphore, #tpu.memory_space<semaphore_mem>>
        %dma_start3A_57 = arith.constant 9480 : i32
        %dma_start3A_58 = arith.constant 0 : i32
        %dma_start3A_59 = tpu.memref_slice %arg7[%arg0, %dma_start3A_57, %dma_start3A_58] : memref<2x10000x128xf32, #tpu.memory_space<hbm>> -> memref<1x520x128xf32, #tpu.memory_space<hbm>>
        %dma_start3A_60 = tpu.memref_squeeze %dma_start3A_59 : memref<1x520x128xf32, #tpu.memory_space<hbm>> -> memref<520x128xf32, #tpu.memory_space<hbm>>
        %dma_start3A_61 = arith.constant 9480 : i32
        %dma_start3A_62 = arith.constant 0 : i32
        %dma_start3A_63 = tpu.memref_slice %arg21[%dma_start3A_61, %dma_start3A_62] : memref<10000x128xf32, #tpu.memory_space<vmem_shared>> -> memref<520x128xf32, #tpu.memory_space<vmem_shared>>
        tpu.enqueue_dma source(%dma_start3A_63 : memref<520x128xf32, #tpu.memory_space<vmem_shared>>) target(%dma_start3A_60 : memref<520x128xf32, #tpu.memory_space<hbm>>) target_semaphore(%run_scoped3A_56 : memref<!tpu.dma_semaphore, #tpu.memory_space<semaphore_mem>>)
        %dma_wait3A_64 = arith.constant 9480 : i32
        %dma_wait3A_65 = arith.constant 0 : i32
        %dma_wait3A_66 = tpu.memref_slice %arg7[%arg0, %dma_wait3A_64, %dma_wait3A_65] : memref<2x10000x128xf32, #tpu.memory_space<hbm>> -> memref<1x520x128xf32, #tpu.memory_space<hbm>>
        %dma_wait3A_67 = tpu.memref_squeeze %dma_wait3A_66 : memref<1x520x128xf32, #tpu.memory_space<hbm>> -> memref<520x128xf32, #tpu.memory_space<hbm>>
        %dma_wait3A_68 = arith.constant 9480 : i32
        %dma_wait3A_69 = arith.constant 0 : i32
        %dma_wait3A_70 = tpu.memref_slice %arg21[%dma_wait3A_68, %dma_wait3A_69] : memref<10000x128xf32, #tpu.memory_space<vmem_shared>> -> memref<520x128xf32, #tpu.memory_space<vmem_shared>>
        tpu.wait_dma2 semaphore(%run_scoped3A_56 : memref<!tpu.dma_semaphore, #tpu.memory_space<semaphore_mem>>) src(%dma_wait3A_70 : memref<520x128xf32, #tpu.memory_space<vmem_shared>>) dst(%dma_wait3A_67 : memref<520x128xf32, #tpu.memory_space<hbm>>)
        tpu.yield
      }) : () -> ()
    } else {
    }
    return
  }
}

#map = affine_map<(d0, d1) -> (0, 0, 0)>
#map1 = affine_map<(d0, d1) -> (0)>
module attributes {stable_mosaic.version = 14 : i64} {
  func.func @_edges_body(%arg0: i32, %arg1: i32, %arg2: memref<32x80x128xi32, #tpu.memory_space<hbm>>, %arg3: memref<32x80x128xi32, #tpu.memory_space<hbm>>, %arg4: memref<10000xf32, #tpu.memory_space<hbm>>, %arg5: memref<10000xf32, #tpu.memory_space<hbm>>, %arg6: memref<16xf32, #tpu.memory_space<hbm>>, %arg7: memref<32x1x10240xf32, #tpu.memory_space<hbm>>, %arg8: memref<32x1x10000xf32, #tpu.memory_space<hbm>>, %arg9: memref<80x128xi32, #tpu.memory_space<vmem>>, %arg10: memref<80x128xi32, #tpu.memory_space<vmem>>, %arg11: memref<10000xf32, #tpu.memory_space<vmem>>, %arg12: memref<10000xf32, #tpu.memory_space<vmem>>, %arg13: memref<10000xf32, #tpu.memory_space<vmem>>, %arg14: memref<10240xf32, #tpu.memory_space<vmem>>, %arg15: memref<16xf32, #tpu.memory_space<vmem>>) attributes {dimension_semantics = [#tpu.dimension_semantics<core_parallel>, #tpu.dimension_semantics<subcore_parallel>], iteration_bounds = array<i64: 2, 16>, scalar_prefetch = 0 : i64, scratch_operands = 7 : i64, tpu.core_type = #tpu.core_type<sc_vector_subcore>, window_params = [{transform_indices = #map}, {transform_indices = #map}, {transform_indices = #map1}, {transform_indices = #map1}, {transform_indices = #map1}, {transform_indices = #map}, {transform_indices = #map}]} {
    %mul3A = arith.constant 16 : i32
    %mul3A_0 = arith.muli %arg0, %mul3A : i32
    %add3A = arith.addi %mul3A_0, %arg1 : i32
    "tpu.region"() ({
      %run_scoped3A_61 = tpu.sem_alloc : memref<!tpu.dma_semaphore, #tpu.memory_space<semaphore_mem>>
      %dma_start3A = arith.constant 0 : i32
      %dma_start3A_62 = arith.constant 0 : i32
      %dma_start3A_63 = tpu.memref_slice %arg2[%add3A, %dma_start3A, %dma_start3A_62] : memref<32x80x128xi32, #tpu.memory_space<hbm>> -> memref<1x80x128xi32, #tpu.memory_space<hbm>>
      %dma_start3A_64 = tpu.memref_squeeze %dma_start3A_63 : memref<1x80x128xi32, #tpu.memory_space<hbm>> -> memref<80x128xi32, #tpu.memory_space<hbm>>
      %dma_start3A_65 = arith.constant 0 : i32
      %dma_start3A_66 = arith.constant 0 : i32
      %dma_start3A_67 = tpu.memref_slice %arg2[%add3A, %dma_start3A_65, %dma_start3A_66] : memref<32x80x128xi32, #tpu.memory_space<hbm>> -> memref<1x80x128xi32, #tpu.memory_space<hbm>>
      %dma_start3A_68 = tpu.memref_squeeze %dma_start3A_67 : memref<1x80x128xi32, #tpu.memory_space<hbm>> -> memref<80x128xi32, #tpu.memory_space<hbm>>
      tpu.enqueue_dma source(%dma_start3A_68 : memref<80x128xi32, #tpu.memory_space<hbm>>) target(%arg9 : memref<80x128xi32, #tpu.memory_space<vmem>>) target_semaphore(%run_scoped3A_61 : memref<!tpu.dma_semaphore, #tpu.memory_space<semaphore_mem>>)
      %dma_wait3A = arith.constant 0 : i32
      %dma_wait3A_69 = arith.constant 0 : i32
      %dma_wait3A_70 = tpu.memref_slice %arg2[%add3A, %dma_wait3A, %dma_wait3A_69] : memref<32x80x128xi32, #tpu.memory_space<hbm>> -> memref<1x80x128xi32, #tpu.memory_space<hbm>>
      %dma_wait3A_71 = tpu.memref_squeeze %dma_wait3A_70 : memref<1x80x128xi32, #tpu.memory_space<hbm>> -> memref<80x128xi32, #tpu.memory_space<hbm>>
      %dma_wait3A_72 = arith.constant 0 : i32
      %dma_wait3A_73 = arith.constant 0 : i32
      %dma_wait3A_74 = tpu.memref_slice %arg2[%add3A, %dma_wait3A_72, %dma_wait3A_73] : memref<32x80x128xi32, #tpu.memory_space<hbm>> -> memref<1x80x128xi32, #tpu.memory_space<hbm>>
      %dma_wait3A_75 = tpu.memref_squeeze %dma_wait3A_74 : memref<1x80x128xi32, #tpu.memory_space<hbm>> -> memref<80x128xi32, #tpu.memory_space<hbm>>
      tpu.wait_dma2 semaphore(%run_scoped3A_61 : memref<!tpu.dma_semaphore, #tpu.memory_space<semaphore_mem>>) src(%dma_wait3A_75 : memref<80x128xi32, #tpu.memory_space<hbm>>) dst(%arg9 : memref<80x128xi32, #tpu.memory_space<vmem>>)
      tpu.yield
    }) : () -> ()
    "tpu.region"() ({
      %run_scoped3A_61 = tpu.sem_alloc : memref<!tpu.dma_semaphore, #tpu.memory_space<semaphore_mem>>
      %dma_start3A = arith.constant 0 : i32
      %dma_start3A_62 = arith.constant 0 : i32
      %dma_start3A_63 = tpu.memref_slice %arg3[%add3A, %dma_start3A, %dma_start3A_62] : memref<32x80x128xi32, #tpu.memory_space<hbm>> -> memref<1x80x128xi32, #tpu.memory_space<hbm>>
      %dma_start3A_64 = tpu.memref_squeeze %dma_start3A_63 : memref<1x80x128xi32, #tpu.memory_space<hbm>> -> memref<80x128xi32, #tpu.memory_space<hbm>>
      %dma_start3A_65 = arith.constant 0 : i32
      %dma_start3A_66 = arith.constant 0 : i32
      %dma_start3A_67 = tpu.memref_slice %arg3[%add3A, %dma_start3A_65, %dma_start3A_66] : memref<32x80x128xi32, #tpu.memory_space<hbm>> -> memref<1x80x128xi32, #tpu.memory_space<hbm>>
      %dma_start3A_68 = tpu.memref_squeeze %dma_start3A_67 : memref<1x80x128xi32, #tpu.memory_space<hbm>> -> memref<80x128xi32, #tpu.memory_space<hbm>>
      tpu.enqueue_dma source(%dma_start3A_68 : memref<80x128xi32, #tpu.memory_space<hbm>>) target(%arg10 : memref<80x128xi32, #tpu.memory_space<vmem>>) target_semaphore(%run_scoped3A_61 : memref<!tpu.dma_semaphore, #tpu.memory_space<semaphore_mem>>)
      %dma_wait3A = arith.constant 0 : i32
      %dma_wait3A_69 = arith.constant 0 : i32
      %dma_wait3A_70 = tpu.memref_slice %arg3[%add3A, %dma_wait3A, %dma_wait3A_69] : memref<32x80x128xi32, #tpu.memory_space<hbm>> -> memref<1x80x128xi32, #tpu.memory_space<hbm>>
      %dma_wait3A_71 = tpu.memref_squeeze %dma_wait3A_70 : memref<1x80x128xi32, #tpu.memory_space<hbm>> -> memref<80x128xi32, #tpu.memory_space<hbm>>
      %dma_wait3A_72 = arith.constant 0 : i32
      %dma_wait3A_73 = arith.constant 0 : i32
      %dma_wait3A_74 = tpu.memref_slice %arg3[%add3A, %dma_wait3A_72, %dma_wait3A_73] : memref<32x80x128xi32, #tpu.memory_space<hbm>> -> memref<1x80x128xi32, #tpu.memory_space<hbm>>
      %dma_wait3A_75 = tpu.memref_squeeze %dma_wait3A_74 : memref<1x80x128xi32, #tpu.memory_space<hbm>> -> memref<80x128xi32, #tpu.memory_space<hbm>>
      tpu.wait_dma2 semaphore(%run_scoped3A_61 : memref<!tpu.dma_semaphore, #tpu.memory_space<semaphore_mem>>) src(%dma_wait3A_75 : memref<80x128xi32, #tpu.memory_space<hbm>>) dst(%arg10 : memref<80x128xi32, #tpu.memory_space<vmem>>)
      tpu.yield
    }) : () -> ()
    "tpu.region"() ({
      %run_scoped3A_61 = tpu.sem_alloc : memref<!tpu.dma_semaphore, #tpu.memory_space<semaphore_mem>>
      tpu.enqueue_dma source(%arg4 : memref<10000xf32, #tpu.memory_space<hbm>>) target(%arg11 : memref<10000xf32, #tpu.memory_space<vmem>>) target_semaphore(%run_scoped3A_61 : memref<!tpu.dma_semaphore, #tpu.memory_space<semaphore_mem>>)
      tpu.wait_dma2 semaphore(%run_scoped3A_61 : memref<!tpu.dma_semaphore, #tpu.memory_space<semaphore_mem>>) src(%arg4 : memref<10000xf32, #tpu.memory_space<hbm>>) dst(%arg11 : memref<10000xf32, #tpu.memory_space<vmem>>)
      tpu.yield
    }) : () -> ()
    "tpu.region"() ({
      %run_scoped3A_61 = tpu.sem_alloc : memref<!tpu.dma_semaphore, #tpu.memory_space<semaphore_mem>>
      tpu.enqueue_dma source(%arg5 : memref<10000xf32, #tpu.memory_space<hbm>>) target(%arg12 : memref<10000xf32, #tpu.memory_space<vmem>>) target_semaphore(%run_scoped3A_61 : memref<!tpu.dma_semaphore, #tpu.memory_space<semaphore_mem>>)
      tpu.wait_dma2 semaphore(%run_scoped3A_61 : memref<!tpu.dma_semaphore, #tpu.memory_space<semaphore_mem>>) src(%arg5 : memref<10000xf32, #tpu.memory_space<hbm>>) dst(%arg12 : memref<10000xf32, #tpu.memory_space<vmem>>)
      tpu.yield
    }) : () -> ()
    "tpu.region"() ({
      %run_scoped3A_61 = tpu.sem_alloc : memref<!tpu.dma_semaphore, #tpu.memory_space<semaphore_mem>>
      tpu.enqueue_dma source(%arg6 : memref<16xf32, #tpu.memory_space<hbm>>) target(%arg15 : memref<16xf32, #tpu.memory_space<vmem>>) target_semaphore(%run_scoped3A_61 : memref<!tpu.dma_semaphore, #tpu.memory_space<semaphore_mem>>)
      tpu.wait_dma2 semaphore(%run_scoped3A_61 : memref<!tpu.dma_semaphore, #tpu.memory_space<semaphore_mem>>) src(%arg6 : memref<16xf32, #tpu.memory_space<hbm>>) dst(%arg15 : memref<16xf32, #tpu.memory_space<vmem>>)
      tpu.yield
    }) : () -> ()
    %get3A = arith.constant 0 : index
    %get3A_1 = tpu.vector_load %arg15[%get3A] {strides = array<i32>} : memref<16xf32, #tpu.memory_space<vmem>>, vector<16xf32>,
    %broadcast_in_dim3A = arith.constant 0.000000e+00 : f32
    %broadcast_in_dim3A_2 = vector.broadcast %broadcast_in_dim3A : f32 to vector<16xf32>
    %scan3A = arith.constant 0 : i32
    %scan3A_3 = arith.constant 0 : i32
    %scan3A_4 = arith.constant 625 : i32
    %scan3A_5 = arith.addi %scan3A_3, %scan3A_4 : i32
    %scan3A_6 = arith.constant 1 : i32
    %scan3A_7 = scf.for %scan3A_61 = %scan3A_3 to %scan3A_5 step %scan3A_6 iter_args(%scan3A_62 = %scan3A) -> (i32)  : i32 {
      %mul3A_63 = arith.constant 16 : i32
      %mul3A_64 = arith.muli %scan3A_61, %mul3A_63 : i32
      %swap3A_65 = arith.index_cast %mul3A_64 : i32 to index
      %swap3A_66 = tpu.vector_load %arg13[%swap3A_65] {strides = array<i32>} : memref<10000xf32, #tpu.memory_space<vmem>>, vector<16xf32>,
      tpu.vector_store %arg13[%swap3A_65], %broadcast_in_dim3A_2 {strides = array<i32>} : memref<10000xf32, #tpu.memory_space<vmem>>, vector<16xf32>,
      %scan3A_67 = arith.constant 0 : i32
      scf.yield %scan3A_67 : i32
    }
    %scan3A_8 = arith.constant 625 : i32
    %swap3A = arith.constant 10000 : index
    %swap3A_9 = tpu.vector_load %arg14[%swap3A] {strides = array<i32>} : memref<10240xf32, #tpu.memory_space<vmem>>, vector<16xf32>,
    tpu.vector_store %arg14[%swap3A], %broadcast_in_dim3A_2 {strides = array<i32>} : memref<10240xf32, #tpu.memory_space<vmem>>, vector<16xf32>,
    %swap3A_10 = arith.constant 10016 : index
    %swap3A_11 = tpu.vector_load %arg14[%swap3A_10] {strides = array<i32>} : memref<10240xf32, #tpu.memory_space<vmem>>, vector<16xf32>,
    tpu.vector_store %arg14[%swap3A_10], %broadcast_in_dim3A_2 {strides = array<i32>} : memref<10240xf32, #tpu.memory_space<vmem>>, vector<16xf32>,
    %swap3A_12 = arith.constant 10032 : index
    %swap3A_13 = tpu.vector_load %arg14[%swap3A_12] {strides = array<i32>} : memref<10240xf32, #tpu.memory_space<vmem>>, vector<16xf32>,
    tpu.vector_store %arg14[%swap3A_12], %broadcast_in_dim3A_2 {strides = array<i32>} : memref<10240xf32, #tpu.memory_space<vmem>>, vector<16xf32>,
    %swap3A_14 = arith.constant 10048 : index
    %swap3A_15 = tpu.vector_load %arg14[%swap3A_14] {strides = array<i32>} : memref<10240xf32, #tpu.memory_space<vmem>>, vector<16xf32>,
    tpu.vector_store %arg14[%swap3A_14], %broadcast_in_dim3A_2 {strides = array<i32>} : memref<10240xf32, #tpu.memory_space<vmem>>, vector<16xf32>,
    %swap3A_16 = arith.constant 10064 : index
    %swap3A_17 = tpu.vector_load %arg14[%swap3A_16] {strides = array<i32>} : memref<10240xf32, #tpu.memory_space<vmem>>, vector<16xf32>,
    tpu.vector_store %arg14[%swap3A_16], %broadcast_in_dim3A_2 {strides = array<i32>} : memref<10240xf32, #tpu.memory_space<vmem>>, vector<16xf32>,
    %swap3A_18 = arith.constant 10080 : index
    %swap3A_19 = tpu.vector_load %arg14[%swap3A_18] {strides = array<i32>} : memref<10240xf32, #tpu.memory_space<vmem>>, vector<16xf32>,
    tpu.vector_store %arg14[%swap3A_18], %broadcast_in_dim3A_2 {strides = array<i32>} : memref<10240xf32, #tpu.memory_space<vmem>>, vector<16xf32>,
    %swap3A_20 = arith.constant 10096 : index
    %swap3A_21 = tpu.vector_load %arg14[%swap3A_20] {strides = array<i32>} : memref<10240xf32, #tpu.memory_space<vmem>>, vector<16xf32>,
    tpu.vector_store %arg14[%swap3A_20], %broadcast_in_dim3A_2 {strides = array<i32>} : memref<10240xf32, #tpu.memory_space<vmem>>, vector<16xf32>,
    %swap3A_22 = arith.constant 10112 : index
    %swap3A_23 = tpu.vector_load %arg14[%swap3A_22] {strides = array<i32>} : memref<10240xf32, #tpu.memory_space<vmem>>, vector<16xf32>,
    tpu.vector_store %arg14[%swap3A_22], %broadcast_in_dim3A_2 {strides = array<i32>} : memref<10240xf32, #tpu.memory_space<vmem>>, vector<16xf32>,
    %swap3A_24 = arith.constant 10128 : index
    %swap3A_25 = tpu.vector_load %arg14[%swap3A_24] {strides = array<i32>} : memref<10240xf32, #tpu.memory_space<vmem>>, vector<16xf32>,
    tpu.vector_store %arg14[%swap3A_24], %broadcast_in_dim3A_2 {strides = array<i32>} : memref<10240xf32, #tpu.memory_space<vmem>>, vector<16xf32>,
    %swap3A_26 = arith.constant 10144 : index
    %swap3A_27 = tpu.vector_load %arg14[%swap3A_26] {strides = array<i32>} : memref<10240xf32, #tpu.memory_space<vmem>>, vector<16xf32>,
    tpu.vector_store %arg14[%swap3A_26], %broadcast_in_dim3A_2 {strides = array<i32>} : memref<10240xf32, #tpu.memory_space<vmem>>, vector<16xf32>,
    %swap3A_28 = arith.constant 10160 : index
    %swap3A_29 = tpu.vector_load %arg14[%swap3A_28] {strides = array<i32>} : memref<10240xf32, #tpu.memory_space<vmem>>, vector<16xf32>,
    tpu.vector_store %arg14[%swap3A_28], %broadcast_in_dim3A_2 {strides = array<i32>} : memref<10240xf32, #tpu.memory_space<vmem>>, vector<16xf32>,
    %swap3A_30 = arith.constant 10176 : index
    %swap3A_31 = tpu.vector_load %arg14[%swap3A_30] {strides = array<i32>} : memref<10240xf32, #tpu.memory_space<vmem>>, vector<16xf32>,
    tpu.vector_store %arg14[%swap3A_30], %broadcast_in_dim3A_2 {strides = array<i32>} : memref<10240xf32, #tpu.memory_space<vmem>>, vector<16xf32>,
    %swap3A_32 = arith.constant 10192 : index
    %swap3A_33 = tpu.vector_load %arg14[%swap3A_32] {strides = array<i32>} : memref<10240xf32, #tpu.memory_space<vmem>>, vector<16xf32>,
    tpu.vector_store %arg14[%swap3A_32], %broadcast_in_dim3A_2 {strides = array<i32>} : memref<10240xf32, #tpu.memory_space<vmem>>, vector<16xf32>,
    %swap3A_34 = arith.constant 10208 : index
    %swap3A_35 = tpu.vector_load %arg14[%swap3A_34] {strides = array<i32>} : memref<10240xf32, #tpu.memory_space<vmem>>, vector<16xf32>,
    tpu.vector_store %arg14[%swap3A_34], %broadcast_in_dim3A_2 {strides = array<i32>} : memref<10240xf32, #tpu.memory_space<vmem>>, vector<16xf32>,
    %swap3A_36 = arith.constant 10224 : index
    %swap3A_37 = tpu.vector_load %arg14[%swap3A_36] {strides = array<i32>} : memref<10240xf32, #tpu.memory_space<vmem>>, vector<16xf32>,
    tpu.vector_store %arg14[%swap3A_36], %broadcast_in_dim3A_2 {strides = array<i32>} : memref<10240xf32, #tpu.memory_space<vmem>>, vector<16xf32>,
    %scan3A_38 = arith.constant 0 : i32
    %scan3A_39 = arith.constant 0 : i32
    %scan3A_40 = arith.constant 78 : i32
    %scan3A_41 = arith.addi %scan3A_39, %scan3A_40 : i32
    %scan3A_42 = arith.constant 1 : i32
    %scan3A_43 = scf.for %scan3A_61 = %scan3A_39 to %scan3A_41 step %scan3A_42 iter_args(%scan3A_62 = %scan3A_38) -> (i32)  : i32 {
      %get3A_63 = arith.index_cast %scan3A_61 : i32 to index
      %get3A_64 = arith.constant 0 : index
      %get3A_65 = tpu.vector_load %arg9[%get3A_63, %get3A_64] {strides = array<i32>} : memref<80x128xi32, #tpu.memory_space<vmem>>, vector<16xi32>,
      %get3A_66 = arith.index_cast %scan3A_61 : i32 to index
      %get3A_67 = arith.constant 0 : index
      %get3A_68 = tpu.vector_load %arg10[%get3A_66, %get3A_67] {strides = array<i32>} : memref<80x128xi32, #tpu.memory_space<vmem>>, vector<16xi32>,
      %gather3A_69 = tpu.vector_load_idx %arg11[%get3A_65] : memref<10000xf32, #tpu.memory_space<vmem>>[vector<16xi32>], vector<16xf32>,
      %gather3A_70 = tpu.vector_load_idx %arg12[%get3A_68] : memref<10000xf32, #tpu.memory_space<vmem>>[vector<16xi32>], vector<16xf32>,
      %add3A_71 = arith.addf %gather3A_69, %gather3A_70 : vector<16xf32>
      %mul3A_72 = arith.constant 2.000000e-01 : f32
      %mul3A_73 = vector.broadcast %mul3A_72 : f32 to vector<16xf32>
      %mul3A_74 = arith.mulf %mul3A_73, %add3A_71 : vector<16xf32>
      %max3A_75 = arith.maximumf %add3A_71, %mul3A_74 : vector<16xf32>
      %sub3A_76 = arith.subf %max3A_75, %get3A_1 : vector<16xf32>
      %exp3A_77 = math.exp %sub3A_76 : vector<16xf32>
      %mul3A_78 = arith.constant 128 : i32
      %mul3A_79 = arith.muli %scan3A_61, %mul3A_78 : i32
      %add3A_80 = arith.constant 0 : i32
      %add3A_81 = arith.addi %mul3A_79, %add3A_80 : i32
      %swap3A_82 = arith.index_cast %add3A_81 : i32 to index
      %swap3A_83 = tpu.vector_load %arg14[%swap3A_82] {strides = array<i32>} : memref<10240xf32, #tpu.memory_space<vmem>>, vector<16xf32>,
      tpu.vector_store %arg14[%swap3A_82], %exp3A_77 {strides = array<i32>} : memref<10240xf32, #tpu.memory_space<vmem>>, vector<16xf32>,
      tpu.vector_store_idx %arg13[%get3A_68], %exp3A_77 {add = true} : memref<10000xf32, #tpu.memory_space<vmem>>[vector<16xi32>], vector<16xf32>,
      %get3A_84 = arith.index_cast %scan3A_61 : i32 to index
      %get3A_85 = arith.constant 16 : index
      %get3A_86 = tpu.vector_load %arg9[%get3A_84, %get3A_85] {strides = array<i32>} : memref<80x128xi32, #tpu.memory_space<vmem>>, vector<16xi32>,
      %get3A_87 = arith.index_cast %scan3A_61 : i32 to index
      %get3A_88 = arith.constant 16 : index
      %get3A_89 = tpu.vector_load %arg10[%get3A_87, %get3A_88] {strides = array<i32>} : memref<80x128xi32, #tpu.memory_space<vmem>>, vector<16xi32>,
      %gather3A_90 = tpu.vector_load_idx %arg11[%get3A_86] : memref<10000xf32, #tpu.memory_space<vmem>>[vector<16xi32>], vector<16xf32>,
      %gather3A_91 = tpu.vector_load_idx %arg12[%get3A_89] : memref<10000xf32, #tpu.memory_space<vmem>>[vector<16xi32>], vector<16xf32>,
      %add3A_92 = arith.addf %gather3A_90, %gather3A_91 : vector<16xf32>
      %mul3A_93 = arith.constant 2.000000e-01 : f32
      %mul3A_94 = vector.broadcast %mul3A_93 : f32 to vector<16xf32>
      %mul3A_95 = arith.mulf %mul3A_94, %add3A_92 : vector<16xf32>
      %max3A_96 = arith.maximumf %add3A_92, %mul3A_95 : vector<16xf32>
      %sub3A_97 = arith.subf %max3A_96, %get3A_1 : vector<16xf32>
      %exp3A_98 = math.exp %sub3A_97 : vector<16xf32>
      %mul3A_99 = arith.constant 128 : i32
      %mul3A_100 = arith.muli %scan3A_61, %mul3A_99 : i32
      %add3A_101 = arith.constant 16 : i32
      %add3A_102 = arith.addi %mul3A_100, %add3A_101 : i32
      %swap3A_103 = arith.index_cast %add3A_102 : i32 to index
      %swap3A_104 = tpu.vector_load %arg14[%swap3A_103] {strides = array<i32>} : memref<10240xf32, #tpu.memory_space<vmem>>, vector<16xf32>,
      tpu.vector_store %arg14[%swap3A_103], %exp3A_98 {strides = array<i32>} : memref<10240xf32, #tpu.memory_space<vmem>>, vector<16xf32>,
      tpu.vector_store_idx %arg13[%get3A_89], %exp3A_98 {add = true} : memref<10000xf32, #tpu.memory_space<vmem>>[vector<16xi32>], vector<16xf32>,
      %get3A_105 = arith.index_cast %scan3A_61 : i32 to index
      %get3A_106 = arith.constant 32 : index
      %get3A_107 = tpu.vector_load %arg9[%get3A_105, %get3A_106] {strides = array<i32>} : memref<80x128xi32, #tpu.memory_space<vmem>>, vector<16xi32>,
      %get3A_108 = arith.index_cast %scan3A_61 : i32 to index
      %get3A_109 = arith.constant 32 : index
      %get3A_110 = tpu.vector_load %arg10[%get3A_108, %get3A_109] {strides = array<i32>} : memref<80x128xi32, #tpu.memory_space<vmem>>, vector<16xi32>,
      %gather3A_111 = tpu.vector_load_idx %arg11[%get3A_107] : memref<10000xf32, #tpu.memory_space<vmem>>[vector<16xi32>], vector<16xf32>,
      %gather3A_112 = tpu.vector_load_idx %arg12[%get3A_110] : memref<10000xf32, #tpu.memory_space<vmem>>[vector<16xi32>], vector<16xf32>,
      %add3A_113 = arith.addf %gather3A_111, %gather3A_112 : vector<16xf32>
      %mul3A_114 = arith.constant 2.000000e-01 : f32
      %mul3A_115 = vector.broadcast %mul3A_114 : f32 to vector<16xf32>
      %mul3A_116 = arith.mulf %mul3A_115, %add3A_113 : vector<16xf32>
      %max3A_117 = arith.maximumf %add3A_113, %mul3A_116 : vector<16xf32>
      %sub3A_118 = arith.subf %max3A_117, %get3A_1 : vector<16xf32>
      %exp3A_119 = math.exp %sub3A_118 : vector<16xf32>
      %mul3A_120 = arith.constant 128 : i32
      %mul3A_121 = arith.muli %scan3A_61, %mul3A_120 : i32
      %add3A_122 = arith.constant 32 : i32
      %add3A_123 = arith.addi %mul3A_121, %add3A_122 : i32
      %swap3A_124 = arith.index_cast %add3A_123 : i32 to index
      %swap3A_125 = tpu.vector_load %arg14[%swap3A_124] {strides = array<i32>} : memref<10240xf32, #tpu.memory_space<vmem>>, vector<16xf32>,
      tpu.vector_store %arg14[%swap3A_124], %exp3A_119 {strides = array<i32>} : memref<10240xf32, #tpu.memory_space<vmem>>, vector<16xf32>,
      tpu.vector_store_idx %arg13[%get3A_110], %exp3A_119 {add = true} : memref<10000xf32, #tpu.memory_space<vmem>>[vector<16xi32>], vector<16xf32>,
      %get3A_126 = arith.index_cast %scan3A_61 : i32 to index
      %get3A_127 = arith.constant 48 : index
      %get3A_128 = tpu.vector_load %arg9[%get3A_126, %get3A_127] {strides = array<i32>} : memref<80x128xi32, #tpu.memory_space<vmem>>, vector<16xi32>,
      %get3A_129 = arith.index_cast %scan3A_61 : i32 to index
      %get3A_130 = arith.constant 48 : index
      %get3A_131 = tpu.vector_load %arg10[%get3A_129, %get3A_130] {strides = array<i32>} : memref<80x128xi32, #tpu.memory_space<vmem>>, vector<16xi32>,
      %gather3A_132 = tpu.vector_load_idx %arg11[%get3A_128] : memref<10000xf32, #tpu.memory_space<vmem>>[vector<16xi32>], vector<16xf32>,
      %gather3A_133 = tpu.vector_load_idx %arg12[%get3A_131] : memref<10000xf32, #tpu.memory_space<vmem>>[vector<16xi32>], vector<16xf32>,
      %add3A_134 = arith.addf %gather3A_132, %gather3A_133 : vector<16xf32>
      %mul3A_135 = arith.constant 2.000000e-01 : f32
      %mul3A_136 = vector.broadcast %mul3A_135 : f32 to vector<16xf32>
      %mul3A_137 = arith.mulf %mul3A_136, %add3A_134 : vector<16xf32>
      %max3A_138 = arith.maximumf %add3A_134, %mul3A_137 : vector<16xf32>
      %sub3A_139 = arith.subf %max3A_138, %get3A_1 : vector<16xf32>
      %exp3A_140 = math.exp %sub3A_139 : vector<16xf32>
      %mul3A_141 = arith.constant 128 : i32
      %mul3A_142 = arith.muli %scan3A_61, %mul3A_141 : i32
      %add3A_143 = arith.constant 48 : i32
      %add3A_144 = arith.addi %mul3A_142, %add3A_143 : i32
      %swap3A_145 = arith.index_cast %add3A_144 : i32 to index
      %swap3A_146 = tpu.vector_load %arg14[%swap3A_145] {strides = array<i32>} : memref<10240xf32, #tpu.memory_space<vmem>>, vector<16xf32>,
      tpu.vector_store %arg14[%swap3A_145], %exp3A_140 {strides = array<i32>} : memref<10240xf32, #tpu.memory_space<vmem>>, vector<16xf32>,
      tpu.vector_store_idx %arg13[%get3A_131], %exp3A_140 {add = true} : memref<10000xf32, #tpu.memory_space<vmem>>[vector<16xi32>], vector<16xf32>,
      %get3A_147 = arith.index_cast %scan3A_61 : i32 to index
      %get3A_148 = arith.constant 64 : index
      %get3A_149 = tpu.vector_load %arg9[%get3A_147, %get3A_148] {strides = array<i32>} : memref<80x128xi32, #tpu.memory_space<vmem>>, vector<16xi32>,
      %get3A_150 = arith.index_cast %scan3A_61 : i32 to index
      %get3A_151 = arith.constant 64 : index
      %get3A_152 = tpu.vector_load %arg10[%get3A_150, %get3A_151] {strides = array<i32>} : memref<80x128xi32, #tpu.memory_space<vmem>>, vector<16xi32>,
      %gather3A_153 = tpu.vector_load_idx %arg11[%get3A_149] : memref<10000xf32, #tpu.memory_space<vmem>>[vector<16xi32>], vector<16xf32>,
      %gather3A_154 = tpu.vector_load_idx %arg12[%get3A_152] : memref<10000xf32, #tpu.memory_space<vmem>>[vector<16xi32>], vector<16xf32>,
      %add3A_155 = arith.addf %gather3A_153, %gather3A_154 : vector<16xf32>
      %mul3A_156 = arith.constant 2.000000e-01 : f32
      %mul3A_157 = vector.broadcast %mul3A_156 : f32 to vector<16xf32>
      %mul3A_158 = arith.mulf %mul3A_157, %add3A_155 : vector<16xf32>
      %max3A_159 = arith.maximumf %add3A_155, %mul3A_158 : vector<16xf32>
      %sub3A_160 = arith.subf %max3A_159, %get3A_1 : vector<16xf32>
      %exp3A_161 = math.exp %sub3A_160 : vector<16xf32>
      %mul3A_162 = arith.constant 128 : i32
      %mul3A_163 = arith.muli %scan3A_61, %mul3A_162 : i32
      %add3A_164 = arith.constant 64 : i32
      %add3A_165 = arith.addi %mul3A_163, %add3A_164 : i32
      %swap3A_166 = arith.index_cast %add3A_165 : i32 to index
      %swap3A_167 = tpu.vector_load %arg14[%swap3A_166] {strides = array<i32>} : memref<10240xf32, #tpu.memory_space<vmem>>, vector<16xf32>,
      tpu.vector_store %arg14[%swap3A_166], %exp3A_161 {strides = array<i32>} : memref<10240xf32, #tpu.memory_space<vmem>>, vector<16xf32>,
      tpu.vector_store_idx %arg13[%get3A_152], %exp3A_161 {add = true} : memref<10000xf32, #tpu.memory_space<vmem>>[vector<16xi32>], vector<16xf32>,
      %get3A_168 = arith.index_cast %scan3A_61 : i32 to index
      %get3A_169 = arith.constant 80 : index
      %get3A_170 = tpu.vector_load %arg9[%get3A_168, %get3A_169] {strides = array<i32>} : memref<80x128xi32, #tpu.memory_space<vmem>>, vector<16xi32>,
      %get3A_171 = arith.index_cast %scan3A_61 : i32 to index
      %get3A_172 = arith.constant 80 : index
      %get3A_173 = tpu.vector_load %arg10[%get3A_171, %get3A_172] {strides = array<i32>} : memref<80x128xi32, #tpu.memory_space<vmem>>, vector<16xi32>,
      %gather3A_174 = tpu.vector_load_idx %arg11[%get3A_170] : memref<10000xf32, #tpu.memory_space<vmem>>[vector<16xi32>], vector<16xf32>,
      %gather3A_175 = tpu.vector_load_idx %arg12[%get3A_173] : memref<10000xf32, #tpu.memory_space<vmem>>[vector<16xi32>], vector<16xf32>,
      %add3A_176 = arith.addf %gather3A_174, %gather3A_175 : vector<16xf32>
      %mul3A_177 = arith.constant 2.000000e-01 : f32
      %mul3A_178 = vector.broadcast %mul3A_177 : f32 to vector<16xf32>
      %mul3A_179 = arith.mulf %mul3A_178, %add3A_176 : vector<16xf32>
      %max3A_180 = arith.maximumf %add3A_176, %mul3A_179 : vector<16xf32>
      %sub3A_181 = arith.subf %max3A_180, %get3A_1 : vector<16xf32>
      %exp3A_182 = math.exp %sub3A_181 : vector<16xf32>
      %mul3A_183 = arith.constant 128 : i32
      %mul3A_184 = arith.muli %scan3A_61, %mul3A_183 : i32
      %add3A_185 = arith.constant 80 : i32
      %add3A_186 = arith.addi %mul3A_184, %add3A_185 : i32
      %swap3A_187 = arith.index_cast %add3A_186 : i32 to index
      %swap3A_188 = tpu.vector_load %arg14[%swap3A_187] {strides = array<i32>} : memref<10240xf32, #tpu.memory_space<vmem>>, vector<16xf32>,
      tpu.vector_store %arg14[%swap3A_187], %exp3A_182 {strides = array<i32>} : memref<10240xf32, #tpu.memory_space<vmem>>, vector<16xf32>,
      tpu.vector_store_idx %arg13[%get3A_173], %exp3A_182 {add = true} : memref<10000xf32, #tpu.memory_space<vmem>>[vector<16xi32>], vector<16xf32>,
      %get3A_189 = arith.index_cast %scan3A_61 : i32 to index
      %get3A_190 = arith.constant 96 : index
      %get3A_191 = tpu.vector_load %arg9[%get3A_189, %get3A_190] {strides = array<i32>} : memref<80x128xi32, #tpu.memory_space<vmem>>, vector<16xi32>,
      %get3A_192 = arith.index_cast %scan3A_61 : i32 to index
      %get3A_193 = arith.constant 96 : index
      %get3A_194 = tpu.vector_load %arg10[%get3A_192, %get3A_193] {strides = array<i32>} : memref<80x128xi32, #tpu.memory_space<vmem>>, vector<16xi32>,
      %gather3A_195 = tpu.vector_load_idx %arg11[%get3A_191] : memref<10000xf32, #tpu.memory_space<vmem>>[vector<16xi32>], vector<16xf32>,
      %gather3A_196 = tpu.vector_load_idx %arg12[%get3A_194] : memref<10000xf32, #tpu.memory_space<vmem>>[vector<16xi32>], vector<16xf32>,
      %add3A_197 = arith.addf %gather3A_195, %gather3A_196 : vector<16xf32>
      %mul3A_198 = arith.constant 2.000000e-01 : f32
      %mul3A_199 = vector.broadcast %mul3A_198 : f32 to vector<16xf32>
      %mul3A_200 = arith.mulf %mul3A_199, %add3A_197 : vector<16xf32>
      %max3A_201 = arith.maximumf %add3A_197, %mul3A_200 : vector<16xf32>
      %sub3A_202 = arith.subf %max3A_201, %get3A_1 : vector<16xf32>
      %exp3A_203 = math.exp %sub3A_202 : vector<16xf32>
      %mul3A_204 = arith.constant 128 : i32
      %mul3A_205 = arith.muli %scan3A_61, %mul3A_204 : i32
      %add3A_206 = arith.constant 96 : i32
      %add3A_207 = arith.addi %mul3A_205, %add3A_206 : i32
      %swap3A_208 = arith.index_cast %add3A_207 : i32 to index
      %swap3A_209 = tpu.vector_load %arg14[%swap3A_208] {strides = array<i32>} : memref<10240xf32, #tpu.memory_space<vmem>>, vector<16xf32>,
      tpu.vector_store %arg14[%swap3A_208], %exp3A_203 {strides = array<i32>} : memref<10240xf32, #tpu.memory_space<vmem>>, vector<16xf32>,
      tpu.vector_store_idx %arg13[%get3A_194], %exp3A_203 {add = true} : memref<10000xf32, #tpu.memory_space<vmem>>[vector<16xi32>], vector<16xf32>,
      %get3A_210 = arith.index_cast %scan3A_61 : i32 to index
      %get3A_211 = arith.constant 112 : index
      %get3A_212 = tpu.vector_load %arg9[%get3A_210, %get3A_211] {strides = array<i32>} : memref<80x128xi32, #tpu.memory_space<vmem>>, vector<16xi32>,
      %get3A_213 = arith.index_cast %scan3A_61 : i32 to index
      %get3A_214 = arith.constant 112 : index
      %get3A_215 = tpu.vector_load %arg10[%get3A_213, %get3A_214] {strides = array<i32>} : memref<80x128xi32, #tpu.memory_space<vmem>>, vector<16xi32>,
      %gather3A_216 = tpu.vector_load_idx %arg11[%get3A_212] : memref<10000xf32, #tpu.memory_space<vmem>>[vector<16xi32>], vector<16xf32>,
      %gather3A_217 = tpu.vector_load_idx %arg12[%get3A_215] : memref<10000xf32, #tpu.memory_space<vmem>>[vector<16xi32>], vector<16xf32>,
      %add3A_218 = arith.addf %gather3A_216, %gather3A_217 : vector<16xf32>
      %mul3A_219 = arith.constant 2.000000e-01 : f32
      %mul3A_220 = vector.broadcast %mul3A_219 : f32 to vector<16xf32>
      %mul3A_221 = arith.mulf %mul3A_220, %add3A_218 : vector<16xf32>
      %max3A_222 = arith.maximumf %add3A_218, %mul3A_221 : vector<16xf32>
      %sub3A_223 = arith.subf %max3A_222, %get3A_1 : vector<16xf32>
      %exp3A_224 = math.exp %sub3A_223 : vector<16xf32>
      %mul3A_225 = arith.constant 128 : i32
      %mul3A_226 = arith.muli %scan3A_61, %mul3A_225 : i32
      %add3A_227 = arith.constant 112 : i32
      %add3A_228 = arith.addi %mul3A_226, %add3A_227 : i32
      %swap3A_229 = arith.index_cast %add3A_228 : i32 to index
      %swap3A_230 = tpu.vector_load %arg14[%swap3A_229] {strides = array<i32>} : memref<10240xf32, #tpu.memory_space<vmem>>, vector<16xf32>,
      tpu.vector_store %arg14[%swap3A_229], %exp3A_224 {strides = array<i32>} : memref<10240xf32, #tpu.memory_space<vmem>>, vector<16xf32>,
      tpu.vector_store_idx %arg13[%get3A_215], %exp3A_224 {add = true} : memref<10000xf32, #tpu.memory_space<vmem>>[vector<16xi32>], vector<16xf32>,
      %scan3A_231 = arith.constant 0 : i32
      scf.yield %scan3A_231 : i32
    }
    %scan3A_44 = arith.constant 78 : i32
    %get3A_45 = arith.constant 78 : i32
    %get3A_46 = arith.index_cast %get3A_45 : i32 to index
    %get3A_47 = arith.constant 0 : index
    %get3A_48 = tpu.vector_load %arg9[%get3A_46, %get3A_47] {strides = array<i32>} : memref<80x128xi32, #tpu.memory_space<vmem>>, vector<16xi32>,
    %get3A_49 = arith.constant 78 : i32
    %get3A_50 = arith.index_cast %get3A_49 : i32 to index
    %get3A_51 = arith.constant 0 : index
    %get3A_52 = tpu.vector_load %arg10[%get3A_50, %get3A_51] {strides = array<i32>} : memref<80x128xi32, #tpu.memory_space<vmem>>, vector<16xi32>,
    %gather3A = tpu.vector_load_idx %arg11[%get3A_48] : memref<10000xf32, #tpu.memory_space<vmem>>[vector<16xi32>], vector<16xf32>,
    %gather3A_53 = tpu.vector_load_idx %arg12[%get3A_52] : memref<10000xf32, #tpu.memory_space<vmem>>[vector<16xi32>], vector<16xf32>,
    %add3A_54 = arith.addf %gather3A, %gather3A_53 : vector<16xf32>
    %mul3A_55 = arith.constant 2.000000e-01 : f32
    %mul3A_56 = vector.broadcast %mul3A_55 : f32 to vector<16xf32>
    %mul3A_57 = arith.mulf %mul3A_56, %add3A_54 : vector<16xf32>
    %max3A = arith.maximumf %add3A_54, %mul3A_57 : vector<16xf32>
    %sub3A = arith.subf %max3A, %get3A_1 : vector<16xf32>
    %exp3A = math.exp %sub3A : vector<16xf32>
    %swap3A_58 = arith.constant 9984 : index
    %swap3A_59 = tpu.vector_load %arg14[%swap3A_58] {strides = array<i32>} : memref<10240xf32, #tpu.memory_space<vmem>>, vector<16xf32>,
    tpu.vector_store %arg14[%swap3A_58], %exp3A {strides = array<i32>} : memref<10240xf32, #tpu.memory_space<vmem>>, vector<16xf32>,
    tpu.vector_store_idx %arg13[%get3A_52], %exp3A {add = true} : memref<10000xf32, #tpu.memory_space<vmem>>[vector<16xi32>], vector<16xf32>,
    %run_scoped3A = arith.constant 0 : i32
    "tpu.region"() ({
      %run_scoped3A_61 = tpu.sem_alloc : memref<!tpu.dma_semaphore, #tpu.memory_space<semaphore_mem>>
      %dma_start3A = arith.constant 0 : i32
      %dma_start3A_62 = tpu.memref_slice %arg7[%add3A, %run_scoped3A, %dma_start3A] : memref<32x1x10240xf32, #tpu.memory_space<hbm>> -> memref<1x1x10240xf32, #tpu.memory_space<hbm>>
      %dma_start3A_63 = tpu.memref_squeeze %dma_start3A_62 : memref<1x1x10240xf32, #tpu.memory_space<hbm>> -> memref<10240xf32, #tpu.memory_space<hbm>>
      %dma_start3A_64 = arith.constant 0 : i32
      %dma_start3A_65 = tpu.memref_slice %arg7[%add3A, %run_scoped3A, %dma_start3A_64] : memref<32x1x10240xf32, #tpu.memory_space<hbm>> -> memref<1x1x10240xf32, #tpu.memory_space<hbm>>
      %dma_start3A_66 = tpu.memref_squeeze %dma_start3A_65 : memref<1x1x10240xf32, #tpu.memory_space<hbm>> -> memref<10240xf32, #tpu.memory_space<hbm>>
      tpu.enqueue_dma source(%arg14 : memref<10240xf32, #tpu.memory_space<vmem>>) target(%dma_start3A_66 : memref<10240xf32, #tpu.memory_space<hbm>>) target_semaphore(%run_scoped3A_61 : memref<!tpu.dma_semaphore, #tpu.memory_space<semaphore_mem>>)
      %dma_wait3A = arith.constant 0 : i32
      %dma_wait3A_67 = tpu.memref_slice %arg7[%add3A, %run_scoped3A, %dma_wait3A] : memref<32x1x10240xf32, #tpu.memory_space<hbm>> -> memref<1x1x10240xf32, #tpu.memory_space<hbm>>
      %dma_wait3A_68 = tpu.memref_squeeze %dma_wait3A_67 : memref<1x1x10240xf32, #tpu.memory_space<hbm>> -> memref<10240xf32, #tpu.memory_space<hbm>>
      %dma_wait3A_69 = arith.constant 0 : i32
      %dma_wait3A_70 = tpu.memref_slice %arg7[%add3A, %run_scoped3A, %dma_wait3A_69] : memref<32x1x10240xf32, #tpu.memory_space<hbm>> -> memref<1x1x10240xf32, #tpu.memory_space<hbm>>
      %dma_wait3A_71 = tpu.memref_squeeze %dma_wait3A_70 : memref<1x1x10240xf32, #tpu.memory_space<hbm>> -> memref<10240xf32, #tpu.memory_space<hbm>>
      tpu.wait_dma2 semaphore(%run_scoped3A_61 : memref<!tpu.dma_semaphore, #tpu.memory_space<semaphore_mem>>) src(%arg14 : memref<10240xf32, #tpu.memory_space<vmem>>) dst(%dma_wait3A_71 : memref<10240xf32, #tpu.memory_space<hbm>>)
      tpu.yield
    }) : () -> ()
    %run_scoped3A_60 = arith.constant 0 : i32
    "tpu.region"() ({
      %run_scoped3A_61 = tpu.sem_alloc : memref<!tpu.dma_semaphore, #tpu.memory_space<semaphore_mem>>
      %dma_start3A = arith.constant 0 : i32
      %dma_start3A_62 = tpu.memref_slice %arg8[%add3A, %run_scoped3A_60, %dma_start3A] : memref<32x1x10000xf32, #tpu.memory_space<hbm>> -> memref<1x1x10000xf32, #tpu.memory_space<hbm>>
      %dma_start3A_63 = tpu.memref_squeeze %dma_start3A_62 : memref<1x1x10000xf32, #tpu.memory_space<hbm>> -> memref<10000xf32, #tpu.memory_space<hbm>>
      %dma_start3A_64 = arith.constant 0 : i32
      %dma_start3A_65 = tpu.memref_slice %arg8[%add3A, %run_scoped3A_60, %dma_start3A_64] : memref<32x1x10000xf32, #tpu.memory_space<hbm>> -> memref<1x1x10000xf32, #tpu.memory_space<hbm>>
      %dma_start3A_66 = tpu.memref_squeeze %dma_start3A_65 : memref<1x1x10000xf32, #tpu.memory_space<hbm>> -> memref<10000xf32, #tpu.memory_space<hbm>>
      tpu.enqueue_dma source(%arg13 : memref<10000xf32, #tpu.memory_space<vmem>>) target(%dma_start3A_66 : memref<10000xf32, #tpu.memory_space<hbm>>) target_semaphore(%run_scoped3A_61 : memref<!tpu.dma_semaphore, #tpu.memory_space<semaphore_mem>>)
      %dma_wait3A = arith.constant 0 : i32
      %dma_wait3A_67 = tpu.memref_slice %arg8[%add3A, %run_scoped3A_60, %dma_wait3A] : memref<32x1x10000xf32, #tpu.memory_space<hbm>> -> memref<1x1x10000xf32, #tpu.memory_space<hbm>>
      %dma_wait3A_68 = tpu.memref_squeeze %dma_wait3A_67 : memref<1x1x10000xf32, #tpu.memory_space<hbm>> -> memref<10000xf32, #tpu.memory_space<hbm>>
      %dma_wait3A_69 = arith.constant 0 : i32
      %dma_wait3A_70 = tpu.memref_slice %arg8[%add3A, %run_scoped3A_60, %dma_wait3A_69] : memref<32x1x10000xf32, #tpu.memory_space<hbm>> -> memref<1x1x10000xf32, #tpu.memory_space<hbm>>
      %dma_wait3A_71 = tpu.memref_squeeze %dma_wait3A_70 : memref<1x1x10000xf32, #tpu.memory_space<hbm>> -> memref<10000xf32, #tpu.memory_space<hbm>>
      tpu.wait_dma2 semaphore(%run_scoped3A_61 : memref<!tpu.dma_semaphore, #tpu.memory_space<semaphore_mem>>) src(%arg13 : memref<10000xf32, #tpu.memory_space<vmem>>) dst(%dma_wait3A_71 : memref<10000xf32, #tpu.memory_space<hbm>>)
      tpu.yield
    }) : () -> ()
    return
  }
}

module attributes {stable_mosaic.version = 14 : i64} {
  func.func @_dense_body(%arg0: memref<10000x128xf32, #tpu.memory_space<vmem>>, %arg1: memref<128x128xf32, #tpu.memory_space<vmem>>, %arg2: memref<128xf32, #tpu.memory_space<vmem>>, %arg3: memref<128xf32, #tpu.memory_space<vmem>>, %arg4: memref<10000x128xf32, #tpu.memory_space<vmem>>, %arg5: memref<10000xf32, #tpu.memory_space<vmem>>, %arg6: memref<10000xf32, #tpu.memory_space<vmem>>, %arg7: memref<16xf32, #tpu.memory_space<vmem>>) attributes {dimension_semantics = [], scalar_prefetch = 0 : i64, scratch_operands = 0 : i64, tpu.core_type = #tpu.core_type<tc>} {
    %get3A = arith.constant 0 : index
    %get3A_0 = arith.constant 0 : index
    %get3A_1 = vector.load %arg0[%get3A, %get3A_0] : memref<10000x128xf32, #tpu.memory_space<vmem>>, vector<10000x128xf32>
    %get3A_2 = arith.constant 0 : index
    %get3A_3 = arith.constant 0 : index
    %get3A_4 = vector.load %arg1[%get3A_2, %get3A_3] : memref<128x128xf32, #tpu.memory_space<vmem>>, vector<128x128xf32>
    %dot_general3A = arith.constant dense<0.000000e+00> : vector<10000x128xf32>
    %dot_general3A_5 = tpu.matmul %get3A_1, %get3A_4, %dot_general3A {dimension_numbers = #tpu.dot_dimension_numbers<[1], [0], [0], [1], [0, 0, 1, 1], [], []>, transpose_lhs_hint = false} : vector<10000x128xf32>, vector<128x128xf32>, vector<10000x128xf32> -> vector<10000x128xf32>
    %swap3A = arith.constant 0 : index
    %swap3A_6 = arith.constant 0 : index
    %swap3A_7 = vector.load %arg4[%swap3A, %swap3A_6] : memref<10000x128xf32, #tpu.memory_space<vmem>>, vector<10000x128xf32>
    tpu.vector_store %arg4[%swap3A, %swap3A_6], %dot_general3A_5 {strides = array<i32>} : memref<10000x128xf32, #tpu.memory_space<vmem>>, vector<10000x128xf32>,
    %get3A_8 = arith.constant 0 : index
    %get3A_9 = vector.load %arg2[%get3A_8] : memref<128xf32, #tpu.memory_space<vmem>>, vector<128xf32>
    %dot_general3A_10 = arith.constant dense<0.000000e+00> : vector<10000xf32>
    %dot_general3A_11 = tpu.matmul %dot_general3A_5, %get3A_9, %dot_general3A_10 {dimension_numbers = #tpu.dot_dimension_numbers<[1], [0], [0], [], [0, 0], [], []>, transpose_lhs_hint = false} : vector<10000x128xf32>, vector<128xf32>, vector<10000xf32> -> vector<10000xf32>
    %get3A_12 = arith.constant 0 : index
    %get3A_13 = vector.load %arg3[%get3A_12] : memref<128xf32, #tpu.memory_space<vmem>>, vector<128xf32>
    %dot_general3A_14 = arith.constant dense<0.000000e+00> : vector<10000xf32>
    %dot_general3A_15 = tpu.matmul %dot_general3A_5, %get3A_13, %dot_general3A_14 {dimension_numbers = #tpu.dot_dimension_numbers<[1], [0], [0], [], [0, 0], [], []>, transpose_lhs_hint = false} : vector<10000x128xf32>, vector<128xf32>, vector<10000xf32> -> vector<10000xf32>
    %swap3A_16 = arith.constant 0 : index
    %swap3A_17 = vector.load %arg5[%swap3A_16] : memref<10000xf32, #tpu.memory_space<vmem>>, vector<10000xf32>
    tpu.vector_store %arg5[%swap3A_16], %dot_general3A_11 {strides = array<i32>} : memref<10000xf32, #tpu.memory_space<vmem>>, vector<10000xf32>,
    %swap3A_18 = arith.constant 0 : index
    %swap3A_19 = vector.load %arg6[%swap3A_18] : memref<10000xf32, #tpu.memory_space<vmem>>, vector<10000xf32>
    tpu.vector_store %arg6[%swap3A_18], %dot_general3A_15 {strides = array<i32>} : memref<10000xf32, #tpu.memory_space<vmem>>, vector<10000xf32>,
    %reduce_max3A = vector.shape_cast %dot_general3A_11 : vector<10000xf32> to vector<1x10000xf32>
    %reduce_max3A_20 = arith.constant dense<0xFF800000> : vector<1xf32>
    %reduce_max3A_21 = vector.multi_reduction <maximumf>, %reduce_max3A, %reduce_max3A_20 [1] : vector<1x10000xf32> to vector<1xf32>
    %reduce_max3A_22 = vector.shape_cast %reduce_max3A_21 : vector<1xf32> to vector<1x1xf32>
    %reduce_max3A_23 = vector.extract %reduce_max3A_22[0, 0] : f32 from vector<1x1xf32>
    %reduce_max3A_24 = vector.shape_cast %dot_general3A_15 : vector<10000xf32> to vector<1x10000xf32>
    %reduce_max3A_25 = arith.constant dense<0xFF800000> : vector<1xf32>
    %reduce_max3A_26 = vector.multi_reduction <maximumf>, %reduce_max3A_24, %reduce_max3A_25 [1] : vector<1x10000xf32> to vector<1xf32>
    %reduce_max3A_27 = vector.shape_cast %reduce_max3A_26 : vector<1xf32> to vector<1x1xf32>
    %reduce_max3A_28 = vector.extract %reduce_max3A_27[0, 0] : f32 from vector<1x1xf32>
    %add3A = arith.addf %reduce_max3A_23, %reduce_max3A_28 : f32
    %max3A = arith.constant 0.000000e+00 : f32
    %max3A_29 = arith.maximumf %add3A, %max3A : f32
    %broadcast_in_dim3A = vector.broadcast %max3A_29 : f32 to vector<16xf32>
    %swap3A_30 = arith.constant 0 : index
    %swap3A_31 = vector.load %arg7[%swap3A_30] : memref<16xf32, #tpu.memory_space<vmem>>, vector<16xf32>
    tpu.vector_store %arg7[%swap3A_30], %broadcast_in_dim3A {strides = array<i32>} : memref<16xf32, #tpu.memory_space<vmem>>, vector<16xf32>,
    return
  }
}

module attributes {stable_mosaic.version = 14 : i64} {
  func.func @_mid_body(%arg0: memref<2x10000x128xf32, #tpu.memory_space<vmem>>, %arg1: memref<32x10000xf32, #tpu.memory_space<vmem>>, %arg2: memref<128xf32, #tpu.memory_space<vmem>>, %arg3: memref<128x128xf32, #tpu.memory_space<vmem>>, %arg4: memref<128xf32, #tpu.memory_space<vmem>>, %arg5: memref<128xf32, #tpu.memory_space<vmem>>, %arg6: memref<10000x128xf32, #tpu.memory_space<vmem>>, %arg7: memref<10000xf32, #tpu.memory_space<vmem>>, %arg8: memref<10000xf32, #tpu.memory_space<vmem>>, %arg9: memref<16xf32, #tpu.memory_space<vmem>>) attributes {dimension_semantics = [], scalar_prefetch = 0 : i64, scratch_operands = 0 : i64, tpu.core_type = #tpu.core_type<tc>} {
    %get3A = arith.constant 0 : index
    %get3A_0 = arith.constant 0 : index
    %get3A_1 = arith.constant 0 : index
    %get3A_2 = vector.load %arg0[%get3A, %get3A_0, %get3A_1] : memref<2x10000x128xf32, #tpu.memory_space<vmem>>, vector<1x10000x128xf32>
    %get3A_3 = vector.shape_cast %get3A_2 : vector<1x10000x128xf32> to vector<10000x128xf32>
    %get3A_4 = arith.constant 1 : index
    %get3A_5 = arith.constant 0 : index
    %get3A_6 = arith.constant 0 : index
    %get3A_7 = vector.load %arg0[%get3A_4, %get3A_5, %get3A_6] : memref<2x10000x128xf32, #tpu.memory_space<vmem>>, vector<1x10000x128xf32>
    %get3A_8 = vector.shape_cast %get3A_7 : vector<1x10000x128xf32> to vector<10000x128xf32>
    %add3A = arith.addf %get3A_3, %get3A_8 : vector<10000x128xf32>
    %get3A_9 = arith.constant 0 : index
    %get3A_10 = arith.constant 0 : index
    %get3A_11 = vector.load %arg1[%get3A_9, %get3A_10] : memref<32x10000xf32, #tpu.memory_space<vmem>>, vector<32x10000xf32>
    %reduce_sum3A = arith.constant dense<0.000000e+00> : vector<10000xf32>
    %reduce_sum3A_12 = vector.multi_reduction <add>, %get3A_11, %reduce_sum3A [0] : vector<32x10000xf32> to vector<10000xf32>
    %broadcast_in_dim3A = vector.shape_cast %reduce_sum3A_12 : vector<10000xf32> to vector<10000x1xf32>
    %add3A_13 = arith.constant 1.000000e-16 : f32
    %add3A_14 = vector.broadcast %add3A_13 : f32 to vector<10000x1xf32>
    %add3A_15 = arith.addf %broadcast_in_dim3A, %add3A_14 : vector<10000x1xf32>
    %div3A = vector.broadcast %add3A_15 : vector<10000x1xf32> to vector<10000x128xf32>
    %div3A_16 = arith.divf %add3A, %div3A : vector<10000x128xf32>
    %get3A_17 = arith.constant 0 : index
    %get3A_18 = vector.load %arg2[%get3A_17] : memref<128xf32, #tpu.memory_space<vmem>>, vector<128xf32>
    %broadcast_in_dim3A_19 = vector.shape_cast %get3A_18 : vector<128xf32> to vector<1x128xf32>
    %add3A_20 = vector.broadcast %broadcast_in_dim3A_19 : vector<1x128xf32> to vector<10000x128xf32>
    %add3A_21 = arith.addf %div3A_16, %add3A_20 : vector<10000x128xf32>
    %max3A = arith.constant 0.000000e+00 : f32
    %max3A_22 = vector.broadcast %max3A : f32 to vector<10000x128xf32>
    %max3A_23 = arith.maximumf %add3A_21, %max3A_22 : vector<10000x128xf32>
    %get3A_24 = arith.constant 0 : index
    %get3A_25 = arith.constant 0 : index
    %get3A_26 = vector.load %arg3[%get3A_24, %get3A_25] : memref<128x128xf32, #tpu.memory_space<vmem>>, vector<128x128xf32>
    %dot_general3A = arith.constant dense<0.000000e+00> : vector<10000x128xf32>
    %dot_general3A_27 = tpu.matmul %max3A_23, %get3A_26, %dot_general3A {dimension_numbers = #tpu.dot_dimension_numbers<[1], [0], [0], [1], [0, 0, 1, 1], [], []>, transpose_lhs_hint = false} : vector<10000x128xf32>, vector<128x128xf32>, vector<10000x128xf32> -> vector<10000x128xf32>
    %swap3A = arith.constant 0 : index
    %swap3A_28 = arith.constant 0 : index
    %swap3A_29 = vector.load %arg6[%swap3A, %swap3A_28] : memref<10000x128xf32, #tpu.memory_space<vmem>>, vector<10000x128xf32>
    tpu.vector_store %arg6[%swap3A, %swap3A_28], %dot_general3A_27 {strides = array<i32>} : memref<10000x128xf32, #tpu.memory_space<vmem>>, vector<10000x128xf32>,
    %get3A_30 = arith.constant 0 : index
    %get3A_31 = vector.load %arg4[%get3A_30] : memref<128xf32, #tpu.memory_space<vmem>>, vector<128xf32>
    %dot_general3A_32 = arith.constant dense<0.000000e+00> : vector<10000xf32>
    %dot_general3A_33 = tpu.matmul %dot_general3A_27, %get3A_31, %dot_general3A_32 {dimension_numbers = #tpu.dot_dimension_numbers<[1], [0], [0], [], [0, 0], [], []>, transpose_lhs_hint = false} : vector<10000x128xf32>, vector<128xf32>, vector<10000xf32> -> vector<10000xf32>
    %get3A_34 = arith.constant 0 : index
    %get3A_35 = vector.load %arg5[%get3A_34] : memref<128xf32, #tpu.memory_space<vmem>>, vector<128xf32>
    %dot_general3A_36 = arith.constant dense<0.000000e+00> : vector<10000xf32>
    %dot_general3A_37 = tpu.matmul %dot_general3A_27, %get3A_35, %dot_general3A_36 {dimension_numbers = #tpu.dot_dimension_numbers<[1], [0], [0], [], [0, 0], [], []>, transpose_lhs_hint = false} : vector<10000x128xf32>, vector<128xf32>, vector<10000xf32> -> vector<10000xf32>
    %swap3A_38 = arith.constant 0 : index
    %swap3A_39 = vector.load %arg7[%swap3A_38] : memref<10000xf32, #tpu.memory_space<vmem>>, vector<10000xf32>
    tpu.vector_store %arg7[%swap3A_38], %dot_general3A_33 {strides = array<i32>} : memref<10000xf32, #tpu.memory_space<vmem>>, vector<10000xf32>,
    %swap3A_40 = arith.constant 0 : index
    %swap3A_41 = vector.load %arg8[%swap3A_40] : memref<10000xf32, #tpu.memory_space<vmem>>, vector<10000xf32>
    tpu.vector_store %arg8[%swap3A_40], %dot_general3A_37 {strides = array<i32>} : memref<10000xf32, #tpu.memory_space<vmem>>, vector<10000xf32>,
    %reduce_max3A = vector.shape_cast %dot_general3A_33 : vector<10000xf32> to vector<1x10000xf32>
    %reduce_max3A_42 = arith.constant dense<0xFF800000> : vector<1xf32>
    %reduce_max3A_43 = vector.multi_reduction <maximumf>, %reduce_max3A, %reduce_max3A_42 [1] : vector<1x10000xf32> to vector<1xf32>
    %reduce_max3A_44 = vector.shape_cast %reduce_max3A_43 : vector<1xf32> to vector<1x1xf32>
    %reduce_max3A_45 = vector.extract %reduce_max3A_44[0, 0] : f32 from vector<1x1xf32>
    %reduce_max3A_46 = vector.shape_cast %dot_general3A_37 : vector<10000xf32> to vector<1x10000xf32>
    %reduce_max3A_47 = arith.constant dense<0xFF800000> : vector<1xf32>
    %reduce_max3A_48 = vector.multi_reduction <maximumf>, %reduce_max3A_46, %reduce_max3A_47 [1] : vector<1x10000xf32> to vector<1xf32>
    %reduce_max3A_49 = vector.shape_cast %reduce_max3A_48 : vector<1xf32> to vector<1x1xf32>
    %reduce_max3A_50 = vector.extract %reduce_max3A_49[0, 0] : f32 from vector<1x1xf32>
    %add3A_51 = arith.addf %reduce_max3A_45, %reduce_max3A_50 : f32
    %max3A_52 = arith.constant 0.000000e+00 : f32
    %max3A_53 = arith.maximumf %add3A_51, %max3A_52 : f32
    %broadcast_in_dim3A_54 = vector.broadcast %max3A_53 : f32 to vector<16xf32>
    %swap3A_55 = arith.constant 0 : index
    %swap3A_56 = vector.load %arg9[%swap3A_55] : memref<16xf32, #tpu.memory_space<vmem>>, vector<16xf32>
    tpu.vector_store %arg9[%swap3A_55], %broadcast_in_dim3A_54 {strides = array<i32>} : memref<16xf32, #tpu.memory_space<vmem>>, vector<16xf32>,
    return
  }
}

module attributes {stable_mosaic.version = 14 : i64} {
  func.func @_colsum_body(%arg0: memref<32x10000xf32, #tpu.memory_space<vmem>>, %arg1: memref<10000xf32, #tpu.memory_space<vmem>>) attributes {dimension_semantics = [], scalar_prefetch = 0 : i64, scratch_operands = 0 : i64, tpu.core_type = #tpu.core_type<tc>} {
    %get3A = arith.constant 0 : index
    %get3A_0 = arith.constant 0 : index
    %get3A_1 = vector.load %arg0[%get3A, %get3A_0] : memref<32x10000xf32, #tpu.memory_space<vmem>>, vector<32x10000xf32>
    %reduce_sum3A = arith.constant dense<0.000000e+00> : vector<10000xf32>
    %reduce_sum3A_2 = vector.multi_reduction <add>, %get3A_1, %reduce_sum3A [0] : vector<32x10000xf32> to vector<10000xf32>
    %swap3A = arith.constant 0 : index
    %swap3A_3 = vector.load %arg1[%swap3A] : memref<10000xf32, #tpu.memory_space<vmem>>, vector<10000xf32>
    tpu.vector_store %arg1[%swap3A], %reduce_sum3A_2 {strides = array<i32>} : memref<10000xf32, #tpu.memory_space<vmem>>, vector<10000xf32>,
    return
  }
}

module attributes {stable_mosaic.version = 14 : i64} {
  func.func @_final_body(%arg0: memref<32x10000xf32, #tpu.memory_space<vmem>>, %arg1: memref<10000x128xf32, #tpu.memory_space<vmem>>, %arg2: memref<128xf32, #tpu.memory_space<vmem>>, %arg3: memref<128xf32, #tpu.memory_space<vmem>>) attributes {dimension_semantics = [], scalar_prefetch = 0 : i64, scratch_operands = 0 : i64, tpu.core_type = #tpu.core_type<tc>} {
    %get3A = arith.constant 0 : index
    %get3A_0 = arith.constant 0 : index
    %get3A_1 = vector.load %arg0[%get3A, %get3A_0] : memref<32x10000xf32, #tpu.memory_space<vmem>>, vector<32x10000xf32>
    %reduce_sum3A = arith.constant dense<0.000000e+00> : vector<10000xf32>
    %reduce_sum3A_2 = vector.multi_reduction <add>, %get3A_1, %reduce_sum3A [0] : vector<32x10000xf32> to vector<10000xf32>
    %get3A_3 = arith.constant 0 : index
    %get3A_4 = arith.constant 0 : index
    %get3A_5 = vector.load %arg1[%get3A_3, %get3A_4] : memref<10000x128xf32, #tpu.memory_space<vmem>>, vector<10000x128xf32>
    %dot_general3A = arith.constant dense<0.000000e+00> : vector<128xf32>
    %dot_general3A_6 = tpu.matmul %reduce_sum3A_2, %get3A_5, %dot_general3A {dimension_numbers = #tpu.dot_dimension_numbers<[0], [0], [], [1], [1, 1], [], []>, transpose_lhs_hint = false} : vector<10000xf32>, vector<10000x128xf32>, vector<128xf32> -> vector<128xf32>
    %mul3A = arith.constant 9.99999974E-5 : f32
    %mul3A_7 = vector.broadcast %mul3A : f32 to vector<128xf32>
    %mul3A_8 = arith.mulf %dot_general3A_6, %mul3A_7 : vector<128xf32>
    %get3A_9 = arith.constant 0 : index
    %get3A_10 = vector.load %arg2[%get3A_9] : memref<128xf32, #tpu.memory_space<vmem>>, vector<128xf32>
    %add3A = arith.addf %mul3A_8, %get3A_10 : vector<128xf32>
    %swap3A = arith.constant 0 : index
    %swap3A_11 = vector.load %arg3[%swap3A] : memref<128xf32, #tpu.memory_space<vmem>>, vector<128xf32>
    tpu.vector_store %arg3[%swap3A], %add3A {strides = array<i32>} : memref<128xf32, #tpu.memory_space<vmem>>, vector<128xf32>,
    return
  }
}

</mosaic_0001>

<sc_bundles>
// kernel: kernel.10.cloned.1.call-start
scs
__scs_entry_jumppad:
0x0: {  	(pc) =	sbr.rel $0x88, $3  }
0x1: {  	(tag) =	ssettag $0x0;
	lr =	simm.s32 $0x1  }
0x2: {  	[smem:$0x3F97] =	sst lr;
	_ =	strace $0xD0000000  }
0x3: {  	_ = 	snop  }
0x4: {  	_ = 	snop  }
0x5: {  	_ = 	snop  }
0x6: {  	_ = 	snop  }
0x7: {  	_ = 	snop  }
__scs_overlays_trampoline_lowered:
0x8: {  	[smem:$0x3FA6] =	sst s0  }
0x9: {  	[smem:$0x3FA7] =	sst s1  }
0xa: {  	[smem:$0x3FA8] =	sst s2  }
0xb: {  	[smem:$0x3FA9] =	sst s3  }
0xc: {  	[smem:$0x3FAA] =	sst s4  }
0xd: {  	[smem:$0x3FAB] =	sst s5  }
0xe: {  	[smem:$0x3FAC] =	sst s6  }
0xf: {  	[smem:$0x3FAD] =	sst s7  }
0x10: {  	[smem:$0x3FAE] =	sst s8  }
0x11: {  	[smem:$0x3FAF] =	sst s9;
	s0 =	simm.s32 @!p0 $0x0  }
0x12: {  	s1 =	sld [smem:$0x3F95];
	s0 =	simm.s32 @p0 $0x1  }
0x13: {  	[smem:$0x3FB0] =	sst s0;
	s0 =	simm.s32 @!p1 $0x0  }
0x14: {  	s2 =	sld [smem:$0x3F94];
	s0 =	simm.s32 @p1 $0x1  }
0x15: {  	[smem:$0x3FB1] =	sst s0;
	s0 =	simm.s32 @!p2 $0x0  }
0x16: {  	s3 =	sld [smem:$0x3FDB];
	s0 =	simm.s32 @p2 $0x1  }
0x17: {  	s4 =	simm.s32 $0x1BF5;
	[smem:$0x3FB3] =	sst s0  }
0x18: {  	s0 =	sld [smem:$0x3F96];
	_ =	swait.ge [sflag:s4], $0x0  }
0x19: {  	s7 =	sld [smem:$0x3F97]  }
0x1a: {  	s8 =	sadd.s32 $0xFFFFE003, lr  }
0x1b: {  	s9 =	sadd.s32 $0xFFFFFEF7, lr;
	s5 =	simm.s32 $0xFFFFFFFF;
	p2 =	slt.u32 s8, $0xFFFFF086  }
0x1c: {  	p1 =	slt.u32 s9, $0xF7A;
	s5 =	simm.s32 @!p2 $0x0  }
0x1d: {  	s5 =	simm.s32 @p1 $0x1;
	p0 =	seq.s32 s7, s2  }
0x1e: {  	s7 =	smul.u32 @!p0 $0xF7A, s2;
	p2 =	seq.s32 @!p0 s5, $0x0  }
0x1f: {  	s9 =	smul.u32 $0xF7A, s1;
	s8 =	simm.s32 @!p0 $0x1BF5;
	p2 =	por !p2, p0  }
0x20: {  	[sflag:s8] =	ssyncset.s32 @!p0 $0xFFFFF086;
	s6 =	sadd.s32 @!p0 s3, s7;
	s7 =	simm.s32 @!p0 $0x108  }
0x21: {  	s3 =	sadd.s32 s3, s9;
	s6 =	sadd.s32 @!p0 $0x88, s6;
	s7 =	simm.s32 @p2 $0x1082  }
0x22: {  	[simem:s7], [sflag:s8] =	dma.local @!p0 [hbm:s6], $0xF7A  }
0x23: {  	s9 =	sor.u32 $0xD0000000, s2;
	s6 =	simm.s32 $0x108;
	_ =	swait.ge @!p0 [sflag:s8], $0x0  }
0x24: {  	s3 =	sadd.s32 $0x88, s3;
	s6 =	simm.s32 @!p1 $0x1082;
	[sflag:s4] =	ssyncset.s32 $0xFFFFF086  }
0x25: {  	[simem:s6], [sflag:s4] =	dma.local [hbm:s3], $0xF7A  }
0x26: {  	[smem:$0x3F97] =	sst s1;
	(tag) =	ssettag s2;
	_ =	strace s9  }
0x27: {  	s1 =	sld [smem:$0x3FA7]  }
0x28: {  	s2 =	sld [smem:$0x3FA8]  }
0x29: {  	s4 =	sld [smem:$0x3FAA]  }
0x2a: {  	p0 =	seq.s32 s5, $0x0;
	s5 =	sld [smem:$0x3FAB]  }
0x2b: {  	s6 =	sld [smem:$0x3FAC]  }
0x2c: {  	s7 =	sld [smem:$0x3FAD]  }
0x2d: {  	s3 =	simm.s32 $0x108;
	s8 =	sld [smem:$0x3FAE]  }
0x2e: {  	s3 =	simm.s32 @!p0 $0x1082;
	s9 =	sld [smem:$0x3FAF]  }
0x2f: {  	lr =	sadd.s32 s0, s3;
	s0 =	sld [smem:$0x3FA6]  }
0x30: {  	s3 =	sld [smem:$0x3FA9]  }
0x31: {  	[smem:$0x3FB2] =	sst s10  }
0x32: {  	s10 =	sld [smem:$0x3FB0];
	_ =	sdelay $0x3  }
0x33: {  	p0 =	seq.s32 s10, $0x1;
	s10 =	sld [smem:$0x3FB2];
	_ =	sdelay $0x3  }
0x34: {  	[smem:$0x3FB2] =	sst s10  }
0x35: {  	s10 =	sld [smem:$0x3FB1];
	_ =	sdelay $0x3  }
0x36: {  	p1 =	seq.s32 s10, $0x1;
	s10 =	sld [smem:$0x3FB2];
	_ =	sdelay $0x3  }
0x37: {  	[smem:$0x3FB2] =	sst s10  }
0x38: {  	s10 =	sld [smem:$0x3FB3]  }
0x39: {  	_ = 	snop;
	(pc) =	sbr.ind lr, $3  }
0x3a: {  	_ = 	snop  }
0x3b: {  	_ = 	snop  }
0x3c: {  	p2 =	seq.s32 s10, $0x1;
	s10 =	sld [smem:$0x3FB2]  }
0x3d: {  	_ =	shalt  }
0x3e: {  	_ =	shalt  }
0x3f: {  	_ =	shalt  }
0x40: {  	_ =	shalt  }
0x41: {  	_ =	shalt  }
0x42: {  	_ =	shalt  }
0x43: {  	_ =	shalt  }
0x44: {  	_ =	shalt  }
0x45: {  	_ =	shalt  }
0x46: {  	_ =	shalt  }
0x47: {  	_ =	shalt  }
0x48: {  	_ =	shalt  }
0x49: {  	_ =	shalt  }
0x4a: {  	_ =	shalt  }
0x4b: {  	_ =	shalt  }
0x4c: {  	_ =	shalt  }
0x4d: {  	_ =	shalt  }
0x4e: {  	_ =	shalt  }
0x4f: {  	_ =	shalt  }
0x50: {  	_ =	shalt  }
0x51: {  	_ =	shalt  }
0x52: {  	_ =	shalt  }
0x53: {  	_ =	shalt  }
0x54: {  	_ =	shalt  }
0x55: {  	_ =	shalt  }
0x56: {  	_ =	shalt  }
0x57: {  	_ =	shalt  }
0x58: {  	_ =	shalt  }
0x59: {  	_ =	shalt  }
0x5a: {  	_ =	shalt  }
0x5b: {  	_ =	shalt  }
0x5c: {  	_ =	shalt  }
0x5d: {  	_ =	shalt  }
0x5e: {  	_ =	shalt  }
0x5f: {  	_ =	shalt  }
0x60: {  	_ =	shalt  }
0x61: {  	_ =	shalt  }
0x62: {  	_ =	shalt  }
0x63: {  	_ =	shalt  }
0x64: {  	_ =	shalt  }
0x65: {  	_ =	shalt  }
0x66: {  	_ =	shalt  }
0x67: {  	_ =	shalt  }
0x68: {  	_ =	shalt  }
0x69: {  	_ =	shalt  }
0x6a: {  	_ =	shalt  }
0x6b: {  	_ =	shalt  }
0x6c: {  	_ =	shalt  }
0x6d: {  	_ =	shalt  }
0x6e: {  	_ =	shalt  }
0x6f: {  	_ =	shalt  }
0x70: {  	_ =	shalt  }
0x71: {  	_ =	shalt  }
0x72: {  	_ =	shalt  }
0x73: {  	_ =	shalt  }
0x74: {  	_ =	shalt  }
0x75: {  	_ =	shalt  }
0x76: {  	_ =	shalt  }
0x77: {  	_ =	shalt  }
0x78: {  	_ =	shalt  }
0x79: {  	_ =	shalt  }
0x7a: {  	_ =	shalt  }
0x7b: {  	_ =	shalt  }
0x7c: {  	_ =	shalt  }
0x7d: {  	_ =	shalt  }
0x7e: {  	_ =	shalt  }
0x7f: {  	_ =	shalt  }
0x80: {  	_ =	shalt  }
0x81: {  	_ =	shalt  }
0x82: {  	_ =	shalt  }
0x83: {  	_ =	shalt  }
0x84: {  	_ =	shalt  }
0x85: {  	_ =	shalt  }
0x86: {  	_ =	shalt  }
0x87: {  	_ =	shalt  }
.Lfunc_end0:
.L_simem_size_0:
called_computation_lowered:
.L_overlay_start_0:
0x88: {  	s2 =	sld [smem:$0x3FD9]  }
0x89: {  	s3 =	sld [smem:$0x3FFE];
	_ =	sdelay $0x1  }
0x8a: {  	s1 =	srdreg.scid  }
0x8b: {  	s0 =	sand.u32 $0x1, s1  }
0x8c: {  	s17 =	sshll.u32 s0, $0xA;
	s2 =	sadd.s32 s3, s2  }
0x8d: {  	s2 =	sadd.s32 s2, s17  }
0x8e: {  	[smem:$0x3FBE] =	sst s2  }
0x8f: {  	_ = 	snop  }
0x90: {  	s2 =	sld [smem:$0x3FD0];
	(tm) =	ssettm $0x1  }
0x91: {  	s18 =	sld [smem:$0x3FFB];
	_ =	sdelay $0x3  }
0x92: {  	_ =	strace s18  }
0x93: {  	s3 =	sld [smem:$0x3FFC];
	_ =	sdelay $0x3  }
0x94: {  	_ =	strace s3  }
0x95: {  	s3 =	sld [smem:$0x3FFD];
	_ =	sdelay $0x3  }
0x96: {  	_ =	strace s3  }
0x97: {  	_ =	strace $0x8FFFFFFF  }
0x98: {  	s19 =	sld [smem:$0x3FDB];
	_ =	sdelay $0x1  }
0x99: {  	s4 =	simm.s32 $_scs_section_size  }
0x9a: {  	s5 =	simm.s32 $_size__tile_overlayer_lowered;
	s6 =	simm.s32 $_tile_overlayer_lowered  }
0x9b: {  	s22 =	simm.s32 $0x1BFF;
	s21 =	sshll.u32 s6, $0x1;
	s3 =	sadd.s32 s4, s19  }
0x9c: {  	s7 =	simm.s32 $0x0;
	s20 =	sshll.u32 s5, $0x1;
	s5 =	sadd.s32 s21, s3  }
0x9d: {  	[timem:s7], [sflag:s22] =	dma.local [hbm:s5], s20  }
0x9e: {  	_ =	swait.ge [sflag:s22], s20  }
0x9f: {  	s4 =	ssub.s32 $0x0, s20;
	[sflag:s22] =	ssyncset.done $0x0  }
0xa0: {  	[sflag:s22] =	ssyncadd.s32 s4;
	_ =	sdelay $0x1  }
0xa1: {  	s23 =	simm.s32 $0x1B8B  }
0xa2: {  	_ =	swait.ge [sflag:s23], $0x1  }
0xa3: {  	[sflag:s23] =	ssyncset.done $0x0  }
0xa4: {  	s25 =	simm.s32 $0x1B8E;
	s24 =	sld [smem:$0x3FFE];
	[sflag:s23] =	ssyncadd.s32 $0xFFFFFFFF  }
0xa5: {  	s26 =	simm.s32 $execute0_lowered;
	[smem:$0x3FD2] =	sst s25  }
0xa6: {  	s5 =	sshll.u32 s26, $0x1;
	_ =	strace $0x80000046;
	[dreg:$0x1] =	wrdreg $0xFFFFFFFF  }
0xa7: {  	s28 =	simm.s32 $_size_execute0_lowered;
	s3 =	sadd.s32 s3, s5;
	[dreg:$0x0] =	wrdreg $0x0  }
0xa8: {  	s5 =	sshll.u32 s28, $0x1;
	[dreg:$0x2] =	wrdreg s3  }
0xa9: {  	[dreg:$0x3] =	wrdreg s5  }
0xaa: {  	[dreg:$0x4] =	wrdreg $0xC0  }
0xab: {  	_ =	task [dreg:s7], $0x5FFFF  }
0xac: {  	[dreg:$0x1] =	wrdreg $0xFFFFFFFF  }
0xad: {  	[dreg:$0x0] =	wrdreg $0x60  }
0xae: {  	[dreg:$0x2] =	wrdreg s24  }
0xaf: {  	[dreg:$0x3] =	wrdreg s2  }
0xb0: {  	[dreg:$0x4] =	wrdreg $0x9  }
0xb1: {  	_ =	task.clear_ibuf [dreg:s7], $0x5FFFF;
	_ =	strace $0x90000046  }
0xb2: {  	s29 =	simm.s32 $0x9;
	_ =	strace $0x80000048  }
0xb3: {  	_ =	swait.ge [sflag:s29], $0x1  }
0xb4: {  	[sflag:s29] =	ssyncadd.s32 $0xFFFFFFFF  }
0xb5: {  	_ =	strace $0x90000048  }
0xb6: {  	_ =	sfence  }
0xb7: {  	s30 =	sld [smem:$0x0];
	_ =	sdelay $0x2  }
0xb8: {  	s31 =	sshll.u32 s1, $0xD;
	s1 =	sshrl.u32 s1, $0x2  }
0xb9: {  	s3 =	sand.u32 $0x4000, s31;
	s1 =	sadd.s32 s1, s30  }
0xba: {  	s0 =	sor.u32 s3, s0;
	s1 =	sshll.u32 s1, $0x11  }
0xbb: {  	s0 =	sor.u32 s1, s0  }
0xbc: {  	s0 =	sadd.s32 $0x8F2B, s0  }
0xbd: {  	[sflag:s0] =	ssyncadd.remote.s32 $0x1  }
0xbe: {  	_ =	sfence.sel $0xFFFF  }
0xbf: {  	[dreg:$0x0] =	wrdreg $0xFFFFFFFF;
	(pc) =	sbr.abs _section_cstart, $3  }
0xc0: {  	[dreg:$0x1] =	wrdreg $0xFFFFFFFF  }
0xc1: {  	_ =	task.clear_ibuf [dreg:s7], $0x2FFFF;
	_ =	strace $0x9FFFFFFF  }
0xc2: {  	(tm) =	ssettm $0x7FFFFFFF  }
0xc3: {  	_ =	shalt  }
tec
execute0_lowered:
.L_overlay_start_1:
0x0: {  	(tag) =	ssettag $0x1  }
0x1: {  	s6 =	rddreg [dreg:$0x0]  }
0x2: {  	s1 =	rddreg [dreg:$0x1];
	s2 =	srdreg.scid  }
0x3: {  	s0 =	rddreg [dreg:$0x2];
	s3 =	simm.s32 $0x0;
	s12 =	simm.s32 $0x2800  }
0x4: {  	s13 =	simm.s32 $0x5000;
	s14 =	simm.s32 $0x7780;
	s15 =	simm.s32 $0xEE80  }
0x5: {  	s16 =	simm.s32 $0x9F00;
	s17 =	simm.s32 $0xC680;
	s5 =	sand.u32 $0x1, s2  }
0x6: {  	s18 =	simm.s32 $0x0;
	s2 =	stileid.u32;
	s4 =	sshll.u32 s5, $0x4  }
0x7: {  	[smem:$0x7FF] =	sst s3;
	s9 =	ssub.s32 $0x2, s5;
	s7 =	sor.u32 s2, s4  }
0x8: {  	_ =	strace $0x80000047;
	s10 =	sshrl.u32 s9, $0x1;
	s8 =	smul.u32 $0x500, s7  }
0x9: {  	s5 =	sadd.s32 $0x3FA00, s6;
	s7 =	smul.u32 $0x4F0, s7;
	s10 =	ssub.s32 s9, s10  }
0xa: {  	s4 =	sadd.s32 $0x3F400, s6;
	s10 =	smax.u32 s10, $0x1;
	s8 =	sadd.s32 s8, s6  }
0xb: {  	s11 =	sadd.s32 s7, s6;
	s6 =	sadd.s32 $0xE200, s8;
	s7 =	sadd.s32 $0x4200, s8  }
0xc: {  	v0 =	vimm.f32 $0.0e+00;
	s8 =	sadd.s32 $0x49E00, s8;
	s9 =	sadd.s32 $0x40000, s11;
	s11 =	simm.s32 $0x1  }
.LBB2_1:
0xd: {  	[tilespmem:s3], [sflag:$0x1] =	stream.linear.gather [hbm4b:s6+s3], $0x2800, $0x38;
	[tilespmem:$0xEF00] =	vst v63  }
0xe: {  	_ =	swait.ge [sflag:s11], $0x2800  }
0xf: {  	[sflag:s11] =	ssyncset.done $0x0  }
0x10: {  	[sflag:s11] =	ssyncadd.s32 $0xFFFFD800  }
0x11: {  	[tilespmem:s12], [sflag:$0x1] =	stream.linear.gather [hbm4b:s7+s3], $0x2800, $0x38;
	[tilespmem:$0xEF00] =	vst v63  }
0x12: {  	_ =	swait.ge [sflag:s11], $0x2800  }
0x13: {  	[sflag:s11] =	ssyncset.done $0x0  }
0x14: {  	[sflag:s11] =	ssyncadd.s32 $0xFFFFD800  }
0x15: {  	[tilespmem:s13], [sflag:$0x1] =	stream.linear.gather [hbm4b:s4+s3], $0x2780, $0x38;
	[tilespmem:$0xEF00] =	vst v63  }
0x16: {  	_ =	swait.ge [sflag:s11], $0x2780  }
0x17: {  	[sflag:s11] =	ssyncset.done $0x0  }
0x18: {  	[sflag:s11] =	ssyncadd.s32 $0xFFFFD880  }
0x19: {  	[tilespmem:s14], [sflag:$0x1] =	stream.linear.gather [hbm4b:s5+s3], $0x2780, $0x38;
	[tilespmem:$0xEF00] =	vst v63  }
0x1a: {  	_ =	swait.ge [sflag:s11], $0x2780  }
0x1b: {  	[sflag:s11] =	ssyncset.done $0x0  }
0x1c: {  	[sflag:s11] =	ssyncadd.s32 $0xFFFFD880  }
0x1d: {  	[tilespmem:s15], [sflag:$0x1] =	stream.linear.gather [hbm4b:s1+s3], $0x80, $0x38;
	[tilespmem:$0xEF00] =	vst v63  }
0x1e: {  	_ =	swait.ge [sflag:s11], $0x80  }
0x1f: {  	[sflag:s11] =	ssyncset.done $0x0  }
0x20: {  	[sflag:s11] =	ssyncadd.s32 $0xFFFFFF80  }
0x21: {  	s19 =	simm.s32 $0x40;
	s20 =	simm.s32 $0x0;
	v1 =	vld [tilespmem:$0xEE80]  }
.LBB2_2:
0x22: {  	p0 =	sne.s32 s19, $0x9C00;
	[tilespmem:s20+$0x9F00] =	vst v0;
	s20 =	smov.u32 s19;
	s19 =	sadd.s32 $0x40, s19  }
.Ltmp0:
0x23: {  	(pc) =	sbr.rel @p0 .LBB2_2-.Ltmp0, $2  }
0x24: {  	_ =	sdelay $0x2  }
0x25: {  	s20 =	sshra.s32 s20, $0x2  }
0x26: {  	[tilespmem:s20+$0x9F00] =	vst v0  }
0x27: {  	[tilespmem:$0xED90] =	vst v0  }
0x28: {  	[tilespmem:$0xEDA0] =	vst v0  }
0x29: {  	[tilespmem:$0xEDB0] =	vst v0  }
0x2a: {  	[tilespmem:$0xEDC0] =	vst v0  }
0x2b: {  	[tilespmem:$0xEDD0] =	vst v0  }
0x2c: {  	[tilespmem:$0xEDE0] =	vst v0  }
0x2d: {  	[tilespmem:$0xEDF0] =	vst v0  }
0x2e: {  	[tilespmem:$0xEE00] =	vst v0  }
0x2f: {  	[tilespmem:$0xEE10] =	vst v0  }
0x30: {  	[tilespmem:$0xEE20] =	vst v0  }
0x31: {  	[tilespmem:$0xEE30] =	vst v0  }
0x32: {  	[tilespmem:$0xEE40] =	vst v0  }
0x33: {  	[tilespmem:$0xEE50] =	vst v0  }
0x34: {  	[tilespmem:$0xEE60] =	vst v0  }
0x35: {  	s19 =	simm.s32 $0x0;
	[tilespmem:$0xEE70] =	vst v0  }
.LBB2_4:
0x36: {  	s20 =	sshra.s32 s19, $0x2  }
0x37: {  	v2 =	vld [tilespmem:s20+$0x0]  }
0x38: {  	v3 =	vld [tilespmem:s20+$0x2800];
	_ =	sdelay $0x6  }
0x39: {  	v2 =	vld.idx.msk [tilespmem:v2+s13+$0x0], $0xffff  }
0x3a: {  	v4 =	vld.idx.msk [tilespmem:v3+s14+$0x0], $0xffff;
	_ =	sdelay $0x4  }
0x3b: {  	v2 =	vadd.f32 v4, v2;
	_ =	sdelay $0x1  }
0x3c: {  	v4 =	vmul.f32 $2.000000030e-01, v2;
	_ =	sdelay $0x1  }
0x3d: {  	v2 =	vmax.f32 v2, v4  }
0x3e: {  	v2 =	vsub.f32 v2, v1;
	_ =	sdelay $0x1  }
0x3f: {  	v2 =	vmul.f32 $1.442695020e+00, v2;
	_ =	sdelay $0x1  }
0x40: {  	(erf) = vpow2.f32 v2;
	_ =	sdelay $0x8  }
0x41: {  	v2 =	vpop (erf)  }
0x42: {  	[tilespmem:s20+$0xC680] =	vst v2  }
0x43: {  	[tilespmem:v3+s16+$0x0] =	vst.idx.add.f32.msk $0xffff, v2  }
0x44: {  	v2 =	vld [tilespmem:s20+$0x10]  }
0x45: {  	v3 =	vld [tilespmem:s20+$0x2810];
	_ =	sdelay $0x6  }
0x46: {  	v2 =	vld.idx.msk [tilespmem:v2+s13+$0x0], $0xffff  }
0x47: {  	v57 =	vld.idx.msk [tilespmem:v3+s14+$0x0], $0xffff;
	_ =	sdelay $0x4  }
0x48: {  	v2 =	vadd.f32 v57, v2;
	_ =	sdelay $0x1  }
0x49: {  	v4 =	vmul.f32 $2.000000030e-01, v2;
	_ =	sdelay $0x1  }
0x4a: {  	v2 =	vmax.f32 v2, v4  }
0x4b: {  	v2 =	vsub.f32 v2, v1;
	_ =	sdelay $0x1  }
0x4c: {  	v2 =	vmul.f32 $1.442695020e+00, v2;
	_ =	sdelay $0x1  }
0x4d: {  	(erf) = vpow2.f32 v2;
	_ =	sdelay $0x8  }
0x4e: {  	v2 =	vpop (erf)  }
0x4f: {  	[tilespmem:s20+$0xC690] =	vst v2  }
0x50: {  	[tilespmem:v3+s16+$0x0] =	vst.idx.add.f32.msk $0xffff, v2  }
0x51: {  	v2 =	vld [tilespmem:s20+$0x20]  }
0x52: {  	v3 =	vld [tilespmem:s20+$0x2820];
	_ =	sdelay $0x6  }
0x53: {  	v2 =	vld.idx.msk [tilespmem:v2+s13+$0x0], $0xffff  }
0x54: {  	v58 =	vld.idx.msk [tilespmem:v3+s14+$0x0], $0xffff;
	_ =	sdelay $0x4  }
0x55: {  	v2 =	vadd.f32 v58, v2;
	_ =	sdelay $0x1  }
0x56: {  	v4 =	vmul.f32 $2.000000030e-01, v2;
	_ =	sdelay $0x1  }
0x57: {  	v2 =	vmax.f32 v2, v4  }
0x58: {  	v2 =	vsub.f32 v2, v1;
	_ =	sdelay $0x1  }
0x59: {  	v2 =	vmul.f32 $1.442695020e+00, v2;
	_ =	sdelay $0x1  }
0x5a: {  	(erf) = vpow2.f32 v2;
	_ =	sdelay $0x8  }
0x5b: {  	v2 =	vpop (erf)  }
0x5c: {  	[tilespmem:s20+$0xC6A0] =	vst v2  }
0x5d: {  	[tilespmem:v3+s16+$0x0] =	vst.idx.add.f32.msk $0xffff, v2  }
0x5e: {  	v2 =	vld [tilespmem:s20+$0x30]  }
0x5f: {  	v3 =	vld [tilespmem:s20+$0x2830];
	_ =	sdelay $0x6  }
0x60: {  	v2 =	vld.idx.msk [tilespmem:v2+s13+$0x0], $0xffff  }
0x61: {  	v59 =	vld.idx.msk [tilespmem:v3+s14+$0x0], $0xffff;
	_ =	sdelay $0x4  }
0x62: {  	v2 =	vadd.f32 v59, v2;
	_ =	sdelay $0x1  }
0x63: {  	v4 =	vmul.f32 $2.000000030e-01, v2;
	_ =	sdelay $0x1  }
0x64: {  	v2 =	vmax.f32 v2, v4  }
0x65: {  	v2 =	vsub.f32 v2, v1;
	_ =	sdelay $0x1  }
0x66: {  	v2 =	vmul.f32 $1.442695020e+00, v2;
	_ =	sdelay $0x1  }
0x67: {  	(erf) = vpow2.f32 v2;
	_ =	sdelay $0x8  }
0x68: {  	v2 =	vpop (erf)  }
0x69: {  	[tilespmem:s20+$0xC6B0] =	vst v2  }
0x6a: {  	[tilespmem:v3+s16+$0x0] =	vst.idx.add.f32.msk $0xffff, v2  }
0x6b: {  	v2 =	vld [tilespmem:s20+$0x40]  }
0x6c: {  	v3 =	vld [tilespmem:s20+$0x2840];
	_ =	sdelay $0x6  }
0x6d: {  	v2 =	vld.idx.msk [tilespmem:v2+s13+$0x0], $0xffff  }
0x6e: {  	v60 =	vld.idx.msk [tilespmem:v3+s14+$0x0], $0xffff;
	_ =	sdelay $0x4  }
0x6f: {  	v2 =	vadd.f32 v60, v2;
	_ =	sdelay $0x1  }
0x70: {  	v4 =	vmul.f32 $2.000000030e-01, v2;
	_ =	sdelay $0x1  }
0x71: {  	v2 =	vmax.f32 v2, v4  }
0x72: {  	v2 =	vsub.f32 v2, v1;
	_ =	sdelay $0x1  }
0x73: {  	v2 =	vmul.f32 $1.442695020e+00, v2;
	_ =	sdelay $0x1  }
0x74: {  	(erf) = vpow2.f32 v2;
	_ =	sdelay $0x8  }
0x75: {  	v2 =	vpop (erf)  }
0x76: {  	[tilespmem:s20+$0xC6C0] =	vst v2  }
0x77: {  	[tilespmem:v3+s16+$0x0] =	vst.idx.add.f32.msk $0xffff, v2  }
0x78: {  	v2 =	vld [tilespmem:s20+$0x50]  }
0x79: {  	v3 =	vld [tilespmem:s20+$0x2850];
	_ =	sdelay $0x6  }
0x7a: {  	v2 =	vld.idx.msk [tilespmem:v2+s13+$0x0], $0xffff  }
0x7b: {  	v61 =	vld.idx.msk [tilespmem:v3+s14+$0x0], $0xffff;
	_ =	sdelay $0x4  }
0x7c: {  	v2 =	vadd.f32 v61, v2;
	_ =	sdelay $0x1  }
0x7d: {  	v4 =	vmul.f32 $2.000000030e-01, v2;
	_ =	sdelay $0x1  }
0x7e: {  	v2 =	vmax.f32 v2, v4  }
0x7f: {  	v2 =	vsub.f32 v2, v1;
	_ =	sdelay $0x1  }
0x80: {  	v2 =	vmul.f32 $1.442695020e+00, v2;
	_ =	sdelay $0x1  }
0x81: {  	(erf) = vpow2.f32 v2;
	_ =	sdelay $0x8  }
0x82: {  	v2 =	vpop (erf)  }
0x83: {  	[tilespmem:s20+$0xC6D0] =	vst v2  }
0x84: {  	[tilespmem:v3+s16+$0x0] =	vst.idx.add.f32.msk $0xffff, v2  }
0x85: {  	v2 =	vld [tilespmem:s20+$0x60]  }
0x86: {  	v3 =	vld [tilespmem:s20+$0x2860];
	_ =	sdelay $0x6  }
0x87: {  	v2 =	vld.idx.msk [tilespmem:v2+s13+$0x0], $0xffff  }
0x88: {  	v62 =	vld.idx.msk [tilespmem:v3+s14+$0x0], $0xffff;
	_ =	sdelay $0x4  }
0x89: {  	v2 =	vadd.f32 v62, v2;
	_ =	sdelay $0x1  }
0x8a: {  	v4 =	vmul.f32 $2.000000030e-01, v2;
	_ =	sdelay $0x1  }
0x8b: {  	v2 =	vmax.f32 v2, v4  }
0x8c: {  	v2 =	vsub.f32 v2, v1;
	_ =	sdelay $0x1  }
0x8d: {  	v2 =	vmul.f32 $1.442695020e+00, v2;
	_ =	sdelay $0x1  }
0x8e: {  	(erf) = vpow2.f32 v2;
	_ =	sdelay $0x8  }
0x8f: {  	v2 =	vpop (erf)  }
0x90: {  	[tilespmem:s20+$0xC6E0] =	vst v2  }
0x91: {  	[tilespmem:v3+s16+$0x0] =	vst.idx.add.f32.msk $0xffff, v2  }
0x92: {  	v2 =	vld [tilespmem:s20+$0x70]  }
0x93: {  	v3 =	vld [tilespmem:s20+$0x2870];
	_ =	sdelay $0x6  }
0x94: {  	v2 =	vld.idx.msk [tilespmem:v2+s13+$0x0], $0xffff  }
0x95: {  	v63 =	vld.idx.msk [tilespmem:v3+s14+$0x0], $0xffff;
	_ =	sdelay $0x4  }
0x96: {  	v2 =	vadd.f32 v63, v2;
	_ =	sdelay $0x1  }
0x97: {  	v4 =	vmul.f32 $2.000000030e-01, v2;
	_ =	sdelay $0x1  }
0x98: {  	v2 =	vmax.f32 v2, v4  }
0x99: {  	v2 =	vsub.f32 v2, v1;
	_ =	sdelay $0x1  }
0x9a: {  	v2 =	vmul.f32 $1.442695020e+00, v2;
	_ =	sdelay $0x1  }
0x9b: {  	(erf) = vpow2.f32 v2;
	_ =	sdelay $0x5  }
0x9c: {  	p0 =	sne.s32 s19, $0x9A00  }
.Ltmp1:
0x9d: {  	_ = 	snop;
	(pc) =	sbr.rel @p0 .LBB2_4-.Ltmp1, $4  }
0x9e: {  	_ = 	snop  }
0x9f: {  	v2 =	vpop (erf)  }
0xa0: {  	[tilespmem:s20+$0xC6F0] =	vst v2  }
0xa1: {  	s19 =	sadd.s32 $0x200, s19;
	[tilespmem:v3+s16+$0x0] =	vst.idx.add.f32.msk $0xffff, v2  }
0xa2: {  	v2 =	vld [tilespmem:$0x2700]  }
0xa3: {  	v3 =	vld [tilespmem:$0x4F00];
	_ =	sdelay $0x6  }
0xa4: {  	v2 =	vld.idx.msk [tilespmem:v2+s13+$0x0], $0xffff  }
0xa5: {  	v4 =	vld.idx.msk [tilespmem:v3+s14+$0x0], $0xffff;
	_ =	sdelay $0x4  }
0xa6: {  	v2 =	vadd.f32 v4, v2;
	_ =	sdelay $0x1  }
0xa7: {  	v4 =	vmul.f32 $2.000000030e-01, v2;
	_ =	sdelay $0x1  }
0xa8: {  	v2 =	vmax.f32 v2, v4  }
0xa9: {  	v1 =	vsub.f32 v2, v1;
	_ =	sdelay $0x1  }
0xaa: {  	v1 =	vmul.f32 $1.442695020e+00, v1;
	_ =	sdelay $0x1  }
0xab: {  	(erf) = vpow2.f32 v1;
	_ =	sdelay $0x8  }
0xac: {  	v1 =	vpop (erf)  }
0xad: {  	[tilespmem:$0xED80] =	vst v1  }
0xae: {  	[tilespmem:v3+s16+$0x0] =	vst.idx.add.f32.msk $0xffff, v1  }
0xaf: {  	[hbm4b:s8+s3] =	stream.linear.scatter [tilespmem:s17], [sflag:$0x1], $0x2800, $0x38;
	[tilespmem:$0xEF00] =	vst v63  }
0xb0: {  	s18 =	sadd.s32 $0x1, s18;
	_ =	swait.ge [sflag:s11], $0x2800  }
0xb1: {  	p0 =	sne.s32 s18, s10;
	[sflag:s11] =	ssyncset.done $0x0  }
.Ltmp2:
0xb2: {  	[sflag:s11] =	ssyncadd.s32 $0xFFFFD800;
	(pc) =	sbr.rel @p0 .LBB2_1-.Ltmp2, $4  }
0xb3: {  	[hbm4b:s9+s3] =	stream.linear.scatter [tilespmem:s16], [sflag:$0x1], $0x2780, $0x38;
	[tilespmem:$0xEF00] =	vst v63  }
0xb4: {  	_ =	swait.ge [sflag:s11], $0x2780  }
0xb5: {  	[sflag:s11] =	ssyncset.done $0x0  }
0xb6: {  	[sflag:s11] =	ssyncadd.s32 $0xFFFFD880  }
0xb7: {  	_ =	sfence.sel $0x180000  }
0xb8: {  	[bflag:$0x0] =	sbarrier.arrive $0xFFFF  }
0xb9: {  	p0 =	sne.s32 s2, $0x0;
	_ =	strace $0x90000047  }
0xba: {  	s0 =	sadd.s32 @!p0 $0x100000, s0;
	[bflag:$0x2] =	sbarrier.arrive $0xFFFF  }
0xbb: {  	[sflag:s0] =	ssyncadd.tile.s32 @!p0 $0x1;
	_ =	shalt  }
.Lfunc_end2:
_tile_overlayer_lowered:
.L_overlay_start_2:
0xbc: {  	(tag) =	ssettag $0x2  }
0xbd: {  	s0 =	rddreg [dreg:$0x0];
	s2 =	stileid.u32  }
0xbe: {  	s1 =	rddreg [dreg:$0x1];
	p0 =	sne.s32 s2, $0x0  }
0xbf: {  	s3 =	rddreg [dreg:$0x2];
	[bflag:$0x3] =	sbarrier.arrive $0xFFFF;
	s2 =	simm.s32 @!p0 $0x1C01  }
0xc0: {  	[timem:s3], [sflag:s2] =	dma.local @!p0 [hbm:s0], s1  }
0xc1: {  	s0 =	simm.s32 @!p0 $0x1  }
0xc2: {  	_ =	swait.ge @!p0 [sflag:s0], s1  }
0xc3: {  	s1 =	ssub.s32 @!p0 $0x0, s1;
	[sflag:s0] =	ssyncset.done @!p0 $0x0  }
0xc4: {  	[sflag:s0] =	ssyncadd.s32 @!p0 s1  }
0xc5: {  	[bflag:$0x3] =	sbarrier.arrive $0xFFFF  }
0xc6: {  	_ =	shalt  }

// kernel: kernel.13.cloned.1.call-start
scs
__scs_entry_jumppad:
0x0: {  	(pc) =	sbr.rel $0x88, $3  }
0x1: {  	(tag) =	ssettag $0x0;
	lr =	simm.s32 $0x1  }
0x2: {  	[smem:$0x3F97] =	sst lr;
	_ =	strace $0xD0000000  }
0x3: {  	_ = 	snop  }
0x4: {  	_ = 	snop  }
0x5: {  	_ = 	snop  }
0x6: {  	_ = 	snop  }
0x7: {  	_ = 	snop  }
__scs_overlays_trampoline_lowered:
0x8: {  	[smem:$0x3FA6] =	sst s0  }
0x9: {  	[smem:$0x3FA7] =	sst s1  }
0xa: {  	[smem:$0x3FA8] =	sst s2  }
0xb: {  	[smem:$0x3FA9] =	sst s3  }
0xc: {  	[smem:$0x3FAA] =	sst s4  }
0xd: {  	[smem:$0x3FAB] =	sst s5  }
0xe: {  	[smem:$0x3FAC] =	sst s6  }
0xf: {  	[smem:$0x3FAD] =	sst s7  }
0x10: {  	[smem:$0x3FAE] =	sst s8  }
0x11: {  	[smem:$0x3FAF] =	sst s9;
	s0 =	simm.s32 @!p0 $0x0  }
0x12: {  	s1 =	sld [smem:$0x3F95];
	s0 =	simm.s32 @p0 $0x1  }
0x13: {  	[smem:$0x3FB0] =	sst s0;
	s0 =	simm.s32 @!p1 $0x0  }
0x14: {  	s2 =	sld [smem:$0x3F94];
	s0 =	simm.s32 @p1 $0x1  }
0x15: {  	[smem:$0x3FB1] =	sst s0;
	s0 =	simm.s32 @!p2 $0x0  }
0x16: {  	s3 =	sld [smem:$0x3FDB];
	s0 =	simm.s32 @p2 $0x1  }
0x17: {  	s4 =	simm.s32 $0x1BF5;
	[smem:$0x3FB3] =	sst s0  }
0x18: {  	s0 =	sld [smem:$0x3F96];
	_ =	swait.ge [sflag:s4], $0x0  }
0x19: {  	s7 =	sld [smem:$0x3F97]  }
0x1a: {  	s8 =	sadd.s32 $0xFFFFE003, lr  }
0x1b: {  	s9 =	sadd.s32 $0xFFFFFEF7, lr;
	s5 =	simm.s32 $0xFFFFFFFF;
	p2 =	slt.u32 s8, $0xFFFFF086  }
0x1c: {  	p1 =	slt.u32 s9, $0xF7A;
	s5 =	simm.s32 @!p2 $0x0  }
0x1d: {  	s5 =	simm.s32 @p1 $0x1;
	p0 =	seq.s32 s7, s2  }
0x1e: {  	s7 =	smul.u32 @!p0 $0xF7A, s2;
	p2 =	seq.s32 @!p0 s5, $0x0  }
0x1f: {  	s9 =	smul.u32 $0xF7A, s1;
	s8 =	simm.s32 @!p0 $0x1BF5;
	p2 =	por !p2, p0  }
0x20: {  	[sflag:s8] =	ssyncset.s32 @!p0 $0xFFFFF086;
	s6 =	sadd.s32 @!p0 s3, s7;
	s7 =	simm.s32 @!p0 $0x108  }
0x21: {  	s3 =	sadd.s32 s3, s9;
	s6 =	sadd.s32 @!p0 $0x88, s6;
	s7 =	simm.s32 @p2 $0x1082  }
0x22: {  	[simem:s7], [sflag:s8] =	dma.local @!p0 [hbm:s6], $0xF7A  }
0x23: {  	s9 =	sor.u32 $0xD0000000, s2;
	s6 =	simm.s32 $0x108;
	_ =	swait.ge @!p0 [sflag:s8], $0x0  }
0x24: {  	s3 =	sadd.s32 $0x88, s3;
	s6 =	simm.s32 @!p1 $0x1082;
	[sflag:s4] =	ssyncset.s32 $0xFFFFF086  }
0x25: {  	[simem:s6], [sflag:s4] =	dma.local [hbm:s3], $0xF7A  }
0x26: {  	[smem:$0x3F97] =	sst s1;
	(tag) =	ssettag s2;
	_ =	strace s9  }
0x27: {  	s1 =	sld [smem:$0x3FA7]  }
0x28: {  	s2 =	sld [smem:$0x3FA8]  }
0x29: {  	s4 =	sld [smem:$0x3FAA]  }
0x2a: {  	p0 =	seq.s32 s5, $0x0;
	s5 =	sld [smem:$0x3FAB]  }
0x2b: {  	s6 =	sld [smem:$0x3FAC]  }
0x2c: {  	s7 =	sld [smem:$0x3FAD]  }
0x2d: {  	s3 =	simm.s32 $0x108;
	s8 =	sld [smem:$0x3FAE]  }
0x2e: {  	s3 =	simm.s32 @!p0 $0x1082;
	s9 =	sld [smem:$0x3FAF]  }
0x2f: {  	lr =	sadd.s32 s0, s3;
	s0 =	sld [smem:$0x3FA6]  }
0x30: {  	s3 =	sld [smem:$0x3FA9]  }
0x31: {  	[smem:$0x3FB2] =	sst s10  }
0x32: {  	s10 =	sld [smem:$0x3FB0];
	_ =	sdelay $0x3  }
0x33: {  	p0 =	seq.s32 s10, $0x1;
	s10 =	sld [smem:$0x3FB2];
	_ =	sdelay $0x3  }
0x34: {  	[smem:$0x3FB2] =	sst s10  }
0x35: {  	s10 =	sld [smem:$0x3FB1];
	_ =	sdelay $0x3  }
0x36: {  	p1 =	seq.s32 s10, $0x1;
	s10 =	sld [smem:$0x3FB2];
	_ =	sdelay $0x3  }
0x37: {  	[smem:$0x3FB2] =	sst s10  }
0x38: {  	s10 =	sld [smem:$0x3FB3]  }
0x39: {  	_ = 	snop;
	(pc) =	sbr.ind lr, $3  }
0x3a: {  	_ = 	snop  }
0x3b: {  	_ = 	snop  }
0x3c: {  	p2 =	seq.s32 s10, $0x1;
	s10 =	sld [smem:$0x3FB2]  }
0x3d: {  	_ =	shalt  }
0x3e: {  	_ =	shalt  }
0x3f: {  	_ =	shalt  }
0x40: {  	_ =	shalt  }
0x41: {  	_ =	shalt  }
0x42: {  	_ =	shalt  }
0x43: {  	_ =	shalt  }
0x44: {  	_ =	shalt  }
0x45: {  	_ =	shalt  }
0x46: {  	_ =	shalt  }
0x47: {  	_ =	shalt  }
0x48: {  	_ =	shalt  }
0x49: {  	_ =	shalt  }
0x4a: {  	_ =	shalt  }
0x4b: {  	_ =	shalt  }
0x4c: {  	_ =	shalt  }
0x4d: {  	_ =	shalt  }
0x4e: {  	_ =	shalt  }
0x4f: {  	_ =	shalt  }
0x50: {  	_ =	shalt  }
0x51: {  	_ =	shalt  }
0x52: {  	_ =	shalt  }
0x53: {  	_ =	shalt  }
0x54: {  	_ =	shalt  }
0x55: {  	_ =	shalt  }
0x56: {  	_ =	shalt  }
0x57: {  	_ =	shalt  }
0x58: {  	_ =	shalt  }
0x59: {  	_ =	shalt  }
0x5a: {  	_ =	shalt  }
0x5b: {  	_ =	shalt  }
0x5c: {  	_ =	shalt  }
0x5d: {  	_ =	shalt  }
0x5e: {  	_ =	shalt  }
0x5f: {  	_ =	shalt  }
0x60: {  	_ =	shalt  }
0x61: {  	_ =	shalt  }
0x62: {  	_ =	shalt  }
0x63: {  	_ =	shalt  }
0x64: {  	_ =	shalt  }
0x65: {  	_ =	shalt  }
0x66: {  	_ =	shalt  }
0x67: {  	_ =	shalt  }
0x68: {  	_ =	shalt  }
0x69: {  	_ =	shalt  }
0x6a: {  	_ =	shalt  }
0x6b: {  	_ =	shalt  }
0x6c: {  	_ =	shalt  }
0x6d: {  	_ =	shalt  }
0x6e: {  	_ =	shalt  }
0x6f: {  	_ =	shalt  }
0x70: {  	_ =	shalt  }
0x71: {  	_ =	shalt  }
0x72: {  	_ =	shalt  }
0x73: {  	_ =	shalt  }
0x74: {  	_ =	shalt  }
0x75: {  	_ =	shalt  }
0x76: {  	_ =	shalt  }
0x77: {  	_ =	shalt  }
0x78: {  	_ =	shalt  }
0x79: {  	_ =	shalt  }
0x7a: {  	_ =	shalt  }
0x7b: {  	_ =	shalt  }
0x7c: {  	_ =	shalt  }
0x7d: {  	_ =	shalt  }
0x7e: {  	_ =	shalt  }
0x7f: {  	_ =	shalt  }
0x80: {  	_ =	shalt  }
0x81: {  	_ =	shalt  }
0x82: {  	_ =	shalt  }
0x83: {  	_ =	shalt  }
0x84: {  	_ =	shalt  }
0x85: {  	_ =	shalt  }
0x86: {  	_ =	shalt  }
0x87: {  	_ =	shalt  }
.Lfunc_end0:
.L_simem_size_0:
called_computation.1_lowered:
.L_overlay_start_0:
0x88: {  	s2 =	sld [smem:$0x3FD9]  }
0x89: {  	s3 =	sld [smem:$0x3FFE];
	_ =	sdelay $0x1  }
0x8a: {  	s1 =	srdreg.scid  }
0x8b: {  	s0 =	sand.u32 $0x1, s1  }
0x8c: {  	s16 =	sshll.u32 s0, $0xA;
	s2 =	sadd.s32 s3, s2  }
0x8d: {  	s2 =	sadd.s32 s2, s16  }
0x8e: {  	[smem:$0x3FBE] =	sst s2  }
0x8f: {  	_ = 	snop  }
0x90: {  	(tm) =	ssettm $0x1  }
0x91: {  	s17 =	sld [smem:$0x3FFB];
	_ =	sdelay $0x3  }
0x92: {  	_ =	strace s17  }
0x93: {  	s2 =	sld [smem:$0x3FFC];
	_ =	sdelay $0x3  }
0x94: {  	_ =	strace s2  }
0x95: {  	s2 =	sld [smem:$0x3FFD];
	_ =	sdelay $0x3  }
0x96: {  	_ =	strace s2  }
0x97: {  	_ =	strace $0x8FFFFFFF  }
0x98: {  	s18 =	sld [smem:$0x3FDB];
	_ =	sdelay $0x1  }
0x99: {  	s19 =	simm.s32 $_scs_section_size  }
0x9a: {  	s4 =	simm.s32 $_size__tile_overlayer_lowered;
	s5 =	simm.s32 $_tile_overlayer_lowered  }
0x9b: {  	s22 =	simm.s32 $0x1BFF;
	s21 =	sshll.u32 s5, $0x1;
	s2 =	sadd.s32 s19, s18  }
0x9c: {  	s6 =	simm.s32 $0x0;
	s20 =	sshll.u32 s4, $0x1;
	s4 =	sadd.s32 s21, s2  }
0x9d: {  	[timem:s6], [sflag:s22] =	dma.local [hbm:s4], s20  }
0x9e: {  	_ =	swait.ge [sflag:s22], s20  }
0x9f: {  	s3 =	ssub.s32 $0x0, s20;
	[sflag:s22] =	ssyncset.done $0x0  }
0xa0: {  	[sflag:s22] =	ssyncadd.s32 s3;
	_ =	sdelay $0x1  }
0xa1: {  	s23 =	simm.s32 $0x1B8B  }
0xa2: {  	_ =	swait.ge [sflag:s23], $0x1  }
0xa3: {  	[sflag:s23] =	ssyncset.done $0x0  }
0xa4: {  	s25 =	simm.s32 $0x1B8E;
	s24 =	sld [smem:$0x3FFE];
	[sflag:s23] =	ssyncadd.s32 $0xFFFFFFFF  }
0xa5: {  	s26 =	simm.s32 $execute0_lowered;
	[smem:$0x3FD2] =	sst s25  }
0xa6: {  	s4 =	sshll.u32 s26, $0x1;
	_ =	strace $0x80000049;
	[dreg:$0x1] =	wrdreg $0xFFFFFFFF  }
0xa7: {  	s28 =	simm.s32 $_size_execute0_lowered;
	s2 =	sadd.s32 s2, s4;
	[dreg:$0x0] =	wrdreg $0x0  }
0xa8: {  	s4 =	sshll.u32 s28, $0x1;
	[dreg:$0x2] =	wrdreg s2  }
0xa9: {  	[dreg:$0x3] =	wrdreg s4  }
0xaa: {  	[dreg:$0x4] =	wrdreg $0xC0  }
0xab: {  	_ =	task [dreg:s6], $0x5FFFF  }
0xac: {  	[dreg:$0x1] =	wrdreg $0xFFFFFFFF  }
0xad: {  	[dreg:$0x0] =	wrdreg $0x60  }
0xae: {  	[dreg:$0x2] =	wrdreg s24  }
0xaf: {  	[dreg:$0x3] =	wrdreg $0xAA000  }
0xb0: {  	[dreg:$0x4] =	wrdreg $0x9  }
0xb1: {  	_ =	task.clear_ibuf [dreg:s6], $0x5FFFF;
	_ =	strace $0x90000049  }
0xb2: {  	s29 =	simm.s32 $0x9;
	_ =	strace $0x8000004B  }
0xb3: {  	_ =	swait.ge [sflag:s29], $0x1  }
0xb4: {  	[sflag:s29] =	ssyncadd.s32 $0xFFFFFFFF  }
0xb5: {  	_ =	strace $0x9000004B  }
0xb6: {  	_ =	sfence  }
0xb7: {  	s30 =	sld [smem:$0x0];
	_ =	sdelay $0x2  }
0xb8: {  	s31 =	sshll.u32 s1, $0xD;
	s1 =	sshrl.u32 s1, $0x2  }
0xb9: {  	s3 =	sand.u32 $0x4000, s31;
	s1 =	sadd.s32 s1, s30  }
0xba: {  	s0 =	sor.u32 s3, s0;
	s1 =	sshll.u32 s1, $0x11  }
0xbb: {  	s0 =	sor.u32 s1, s0  }
0xbc: {  	s0 =	sadd.s32 $0x8F2B, s0  }
0xbd: {  	[sflag:s0] =	ssyncadd.remote.s32 $0x1  }
0xbe: {  	_ =	sfence.sel $0xFFFF  }
0xbf: {  	[dreg:$0x0] =	wrdreg $0xFFFFFFFF;
	(pc) =	sbr.abs _section_cstart, $3  }
0xc0: {  	[dreg:$0x1] =	wrdreg $0xFFFFFFFF  }
0xc1: {  	_ =	task.clear_ibuf [dreg:s6], $0x2FFFF;
	_ =	strace $0x9FFFFFFF  }
0xc2: {  	(tm) =	ssettm $0x7FFFFFFF  }
0xc3: {  	_ =	shalt  }
tec
execute0_lowered:
.L_overlay_start_1:
0x0: {  	(tag) =	ssettag $0x1  }
0x1: {  	s1 =	rddreg [dreg:$0x0]  }
0x2: {  	s0 =	srdreg.scid;
	s2 =	rddreg [dreg:$0x1]  }
0x3: {  	s21 =	stileid.u32;
	s3 =	simm.s32 $0x0;
	s29 =	simm.s32 $0x3  }
0x4: {  	s30 =	simm.s32 $0x5;
	s31 =	simm.s32 $0x2;
	s28 =	simm.s32 $0x1  }
0x5: {  	s0 =	sand.u32 $0x1, s0;
	[smem:$0x7FF] =	sst s3;
	s9 =	smul.u32 $0x2780, s21  }
0x6: {  	s5 =	sadd.s32 $0x53E00, s1;
	s12 =	smul.u32 $0x4F000, s21;
	s6 =	sadd.s32 $0x49E00, s1  }
0x7: {  	s17 =	sadd.s32 $0x85000, s1;
	s20 =	smul.u32 $0x13C00, s21;
	p0 =	seq.s32 s21, $0xF  }
0x8: {  	s4 =	sshll.u32 s0, $0x4;
	_ =	strace $0x8000004A;
	s11 =	ssub.s32 $0x2, s0  }
0x9: {  	s0 =	smul.u32 $0x138800, s0;
	s4 =	sor.u32 s21, s4;
	s9 =	sadd.s32 s9, s1  }
0xa: {  	s13 =	sshrl.u32 s11, $0x1;
	s12 =	sshrl.u32 s12, $0x2;
	s7 =	smul.u32 $0x2800, s4  }
0xb: {  	s4 =	sadd.s32 $0x18200, s1;
	s11 =	ssub.s32 s11, s13;
	s19 =	sadd.s32 s12, s2  }
0xc: {  	s9 =	sadd.s32 $0x5DE00, s9;
	s25 =	sadd.s32 s20, s0;
	[dreg:$0x4] =	wrdreg s19  }
0xd: {  	s0 =	sshrl.u32 s0, $0x3;
	[dreg:$0x5] =	wrdreg s9;
	s9 =	sadd.s32 $0x128400, s2  }
0xe: {  	s26 =	sshrl.u32 s25, $0x3;
	s0 =	sadd.s32 s17, s0;
	s18 =	smax.u32 s11, $0x1  }
0xf: {  	s19 =	simm.s32 $0x7;
	s25 =	simm.s32 $0x2A00;
	s8 =	sshrl.u32 s7, $0x3  }
0x10: {  	s15 =	sor.u32 $0x100, s7;
	s16 =	sadd.s32 s17, s26;
	s17 =	sadd.s32 $0x25080, s0  }
0x11: {  	s20 =	sshrl.u32 @p0 s9, $0x3;
	s0 =	sshll.u32 @!p0 s21, $0x6;
	s26 =	simm.s32 $0x2880  }
0x12: {  	s7 =	simm.s32 $0x0;
	s10 =	sadd.s32 s8, s1;
	s1 =	sadd.s32 $0x82E80, s1  }
0x13: {  	s22 =	sadd.s32 s5, s8;
	s23 =	sor.u32 $0x10, s8;
	s8 =	sadd.s32 s6, s8  }
.Ltmp0:
0x14: {  	s21 =	sor.u32 @!p0 $0x1C07, s0;
	[dreg:$0x6] =	wrdreg s1;
	(pc) =	sbr.rel .LBB2_1-.Ltmp0, $4  }
0x15: {  	s0 =	simm.s32 $0x6A00;
	s10 =	sadd.s32 $0x4200, s10;
	[dreg:$0x7] =	wrdreg s22  }
0x16: {  	[dreg:$0x8] =	wrdreg s8;
	s24 =	sadd.s32 s5, s23;
	s14 =	sadd.s32 s6, s23  }
0x17: {  	s22 =	simm.s32 $0x2800;
	s1 =	simm.s32 $0x4;
	[dreg:$0x3] =	wrdreg s10  }
0x18: {  	s23 =	simm.s32 $0x6;
	[dreg:$0x9] =	wrdreg s24;
	s24 =	simm.s32 $0x80  }
.LBB2_14:
0x19: {  	_ =	swait.ge [sflag:s1], $0x4000  }
0x1a: {  	[sflag:s1] =	ssyncset.done $0x0  }
0x1b: {  	[sflag:s1] =	ssyncadd.s32 $0xFFFFC000  }
0x1c: {  	_ =	swait.ge [sflag:s29], $0x4000  }
0x1d: {  	[sflag:s29] =	ssyncset.done $0x0  }
0x1e: {  	[sflag:s29] =	ssyncadd.s32 $0xFFFFC000  }
0x1f: {  	s9 =	simm.s32 @p0 $0x1FC7;
	[bflag:$0x0] =	sbarrier.arrive $0xFFFF  }
0x20: {  	[hbm:s17], [sflag:s9] =	dma.local @p0 [spmem:s20], $0x2080  }
0x21: {  	s9 =	simm.s32 @p0 $0x7  }
0x22: {  	_ =	swait.ge @p0 [sflag:s9], $0x2080  }
0x23: {  	s7 =	sadd.s32 $0x1, s7;
	[sflag:s9] =	ssyncset.done @p0 $0x0  }
0x24: {  	p1 =	sne.s32 s7, s18;
	[sflag:s9] =	ssyncadd.s32 @p0 $0xFFFFDF80  }
0x25: {  	[hbm:s16], [sflag:s21] =	dma.local @!p0 [spmem:s8], $0x2780  }
.Ltmp1:
0x26: {  	_ = 	snop;
	(pc) =	sbr.rel @!p1 .LBB2_15-.Ltmp1, $4  }
0x27: {  	s8 =	simm.s32 @!p0 $0x7  }
0x28: {  	_ =	swait.ge @!p0 [sflag:s8], $0x2780  }
0x29: {  	[sflag:s8] =	ssyncset.done @!p0 $0x0  }
0x2a: {  	[sflag:s8] =	ssyncadd.s32 @!p0 $0xFFFFD880  }
.LBB2_1:
0x2b: {  	s8 =	rddreg [dreg:$0x3]  }
0x2c: {  	[tilespmem:s3], [sflag:$0x7] =	stream.linear.gather [hbm4b:s8+s3], $0x2800, $0x38;
	[tilespmem:$0x1E280] =	vst v63  }
0x2d: {  	_ =	swait.ge [sflag:s19], $0x2800  }
0x2e: {  	[sflag:s19] =	ssyncset.done $0x0  }
0x2f: {  	s8 =	simm.s32 @p0 $0x1FC7;
	s9 =	rddreg [dreg:$0x6];
	[sflag:s19] =	ssyncadd.s32 $0xFFFFD800  }
0x30: {  	[spmem:s20], [sflag:s8] =	dma.local @p0 [hbm:s9], $0x2080  }
0x31: {  	s8 =	simm.s32 @p0 $0x7  }
0x32: {  	_ =	swait.ge @p0 [sflag:s8], $0x2080  }
0x33: {  	[sflag:s8] =	ssyncset.done @p0 $0x0  }
0x34: {  	[sflag:s8] =	ssyncadd.s32 @p0 $0xFFFFDF80;
	s8 =	rddreg [dreg:$0x4]  }
0x35: {  	s9 =	rddreg [dreg:$0x5];
	s8 =	sshrl.u32 @!p0 s8, $0x3  }
0x36: {  	[spmem:s8], [sflag:s21] =	dma.local @!p0 [hbm:s9], $0x2780  }
0x37: {  	s9 =	simm.s32 @!p0 $0x7  }
0x38: {  	_ =	swait.ge @!p0 [sflag:s9], $0x2780  }
0x39: {  	[sflag:s9] =	ssyncset.done @!p0 $0x0  }
0x3a: {  	[sflag:s9] =	ssyncadd.s32 @!p0 $0xFFFFD880  }
0x3b: {  	[bflag:$0x0] =	sbarrier.arrive $0xFFFF  }
0x3c: {  	s10 =	rddreg [dreg:$0x7]  }
0x3d: {  	[tilespmem:s22], [sflag:$0x7] =	stream.linear.gather [hbm4b:s10+s3], $0x80, $0x38;
	[tilespmem:$0x1E280] =	vst v63  }
0x3e: {  	_ =	swait.ge [sflag:s19], $0x80  }
0x3f: {  	[sflag:s19] =	ssyncset.done $0x0  }
0x40: {  	s10 =	simm.s32 $0x2900;
	s11 =	rddreg [dreg:$0x8];
	[sflag:s19] =	ssyncadd.s32 $0xFFFFFF80  }
0x41: {  	[tilespmem:s10], [sflag:$0x7] =	stream.linear.gather [hbm4b:s11+s3], $0x80, $0x38;
	[tilespmem:$0x1E280] =	vst v63  }
0x42: {  	_ =	swait.ge [sflag:s19], $0x80  }
0x43: {  	[sflag:s19] =	ssyncset.done $0x0  }
0x44: {  	[sflag:s19] =	ssyncadd.s32 $0xFFFFFF80  }
0x45: {  	[tilespmem:s25], [sflag:$0x1] =	stream.indirect.gather [hbm4b:s4+s24], $0x80, s22, s24, $0xb8;
	[tilespmem:$0x1E280] =	vst v63  }
.Ltmp2:
0x46: {  	_ = 	snop;
	(pc) =	sbr.rel .LBB2_2-.Ltmp2, $4  }
0x47: {  	s12 =	rddreg [dreg:$0x9]  }
0x48: {  	[tilespmem:s26], [sflag:$0x6] =	stream.linear.gather [hbm4b:s12+s3], $0x80, $0x38;
	[tilespmem:$0x1E280] =	vst v63  }
0x49: {  	s13 =	simm.s32 $0x2980;
	s9 =	simm.s32 $0x0  }
0x4a: {  	[tilespmem:s13], [sflag:$0x6] =	stream.linear.gather [hbm4b:s14+s3], $0x80, $0x38;
	[tilespmem:$0x1E280] =	vst v63  }
.LBB2_9:
0x4b: {  	s10 =	sshll.u32 s9, $0x7  }
0x4c: {  	p1 =	sgt.u32 s9, $0x4C;
	s10 =	sand.u32 $0x3FFFFF80, s10  }
0x4d: {  	[spmem:s2] =	stream.indirect.scatter.add.f32 [tilespmem:s25], [sflag:$0x3], $0x80, s10, s24, $0xb8;
	[tilespmem:$0x1E280] =	vst v63  }
0x4e: {  	s10 =	sshll.u32 @!p1 s9, $0x7  }
0x4f: {  	s10 =	sadd.s32 @!p1 s10, s15  }
0x50: {  	s10 =	sshrl.u32 @!p1 s10, $0x3  }
0x51: {  	s12 =	simm.s32 @!p1 $0x0;
	s13 =	simm.s32 @!p1 $0x2800;
	s11 =	sadd.s32 @!p1 s5, s10  }
0x52: {  	[tilespmem:s13], [sflag:$0x5] =	stream.linear.gather @!p1 [hbm4b:s11+s12], $0x80, $0x38;
	[tilespmem:$0x1E280] =	vst v63  }
0x53: {  	s10 =	sadd.s32 @!p1 s6, s10;
	s11 =	simm.s32 @!p1 $0x2900  }
0x54: {  	[tilespmem:s11], [sflag:$0x5] =	stream.linear.gather @!p1 [hbm4b:s10+s12], $0x80, $0x38;
	[tilespmem:$0x1E280] =	vst v63  }
.LBB2_13:
0x55: {  	s9 =	sadd.s32 $0x1, s9  }
0x56: {  	p1 =	sne.s32 s9, $0x4F  }
.Ltmp3:
0x57: {  	_ = 	snop;
	(pc) =	sbr.rel @!p1 .LBB2_14-.Ltmp3, $1  }
0x58: {  	_ =	sdelay $0x3  }
.LBB2_2:
0x59: {  	s10 =	sand.u32 $0x1, s9  }
0x5a: {  	p1 =	seq.s32 s10, $0x1  }
.Ltmp4:
0x5b: {  	_ = 	snop;
	(pc) =	sbr.rel @!p1 .LBB2_3-.Ltmp4, $1  }
0x5c: {  	_ =	sdelay $0x3  }
0x5d: {  	_ =	swait.ge [sflag:s29], $0x4000  }
0x5e: {  	[sflag:s29] =	ssyncset.done $0x0  }
0x5f: {  	[sflag:s29] =	ssyncadd.s32 $0xFFFFC000  }
0x60: {  	_ =	swait.ge [sflag:s30], $0x80  }
0x61: {  	[sflag:s30] =	ssyncset.done $0x0  }
0x62: {  	[sflag:s30] =	ssyncadd.s32 $0xFFFFFF80  }
0x63: {  	_ =	swait.ge [sflag:s30], $0x80  }
0x64: {  	[sflag:s30] =	ssyncset.done $0x0  }
0x65: {  	[sflag:s30] =	ssyncadd.s32 $0xFFFFFF80  }
0x66: {  	[tilespmem:s25], [sflag:$0x1] =	stream.indirect.gather [hbm4b:s4+s24], $0x80, s22, s24, $0xb8;
	[tilespmem:$0x1E280] =	vst v63  }
0x67: {  	_ =	swait.ge [sflag:s31], $0x4000  }
0x68: {  	[sflag:s31] =	ssyncset.done $0x0  }
0x69: {  	s10 =	simm.s32 $0x0;
	[sflag:s31] =	ssyncadd.s32 $0xFFFFC000  }
.LBB2_11:
0x6a: {  	s11 =	sshll.u32 s10, $0x4  }
0x6b: {  	s11 =	sand.u32 $0x3FFFFFF0, s11  }
0x6c: {  	s13 =	sshll.u32 s10, $0xB;
	v0 =	vld [tilespmem:s11+$0x2980]  }
0x6d: {  	s11 =	sand.u32 $0x3FFFF800, s13  }
0x6e: {  	v1 =	vld [tilespmem:s11+$0x6A00]  }
0x6f: {  	v2 =	vld [tilespmem:s11+$0x6A10]  }
0x70: {  	v3 =	vld [tilespmem:s11+$0x6A20]  }
0x71: {  	v5 =	vld [tilespmem:s11+$0x6A30];
	v4 =	vbroadcast v0, $0x0  }
0x72: {  	v6 =	vld [tilespmem:s11+$0x6A40]  }
0x73: {  	v7 =	vld [tilespmem:s11+$0x6A50];
	v1 =	vmul.f32 v4, v1  }
0x74: {  	v8 =	vld [tilespmem:s11+$0x6A60];
	v2 =	vmul.f32 v2, v4  }
0x75: {  	v14 =	vld [tilespmem:s11+$0x6A70];
	v13 =	vmul.f32 v3, v4;
	[tilespmem:s11+$0x6A00] =	vst v1  }
0x76: {  	v16 =	vld [tilespmem:s11+$0x6A80];
	v15 =	vmul.f32 v5, v4;
	[tilespmem:s11+$0x6A10] =	vst v2  }
0x77: {  	v18 =	vld [tilespmem:s11+$0x6A90];
	v17 =	vmul.f32 v6, v4;
	[tilespmem:s11+$0x6A20] =	vst v13  }
0x78: {  	v20 =	vld [tilespmem:s11+$0x6AA0];
	v19 =	vmul.f32 v7, v4;
	[tilespmem:s11+$0x6A30] =	vst v15  }
0x79: {  	v9 =	vld [tilespmem:s11+$0x6AB0];
	v22 =	vbroadcast v0, $0x1;
	v21 =	vmul.f32 v8, v4;
	[tilespmem:s11+$0x6A40] =	vst v17  }
0x7a: {  	v24 =	vld [tilespmem:s11+$0x6AC0];
	v23 =	vmul.f32 v14, v4;
	[tilespmem:s11+$0x6A50] =	vst v19  }
0x7b: {  	v26 =	vld [tilespmem:s11+$0x6AD0];
	v25 =	vmul.f32 v16, v22;
	[tilespmem:s11+$0x6A60] =	vst v21  }
0x7c: {  	v28 =	vld [tilespmem:s11+$0x6AE0];
	v27 =	vmul.f32 v18, v22;
	[tilespmem:s11+$0x6A70] =	vst v23  }
0x7d: {  	v30 =	vld [tilespmem:s11+$0x6AF0];
	v29 =	vmul.f32 v20, v22;
	[tilespmem:s11+$0x6A80] =	vst v25  }
0x7e: {  	v32 =	vld [tilespmem:s11+$0x6B00];
	v31 =	vmul.f32 v9, v22;
	[tilespmem:s11+$0x6A90] =	vst v27  }
0x7f: {  	v34 =	vld [tilespmem:s11+$0x6B10];
	v33 =	vmul.f32 v24, v22;
	[tilespmem:s11+$0x6AA0] =	vst v29  }
0x80: {  	v36 =	vld [tilespmem:s11+$0x6B20];
	v35 =	vmul.f32 v26, v22;
	[tilespmem:s11+$0x6AB0] =	vst v31  }
0x81: {  	v39 =	vld [tilespmem:s11+$0x6B30];
	v38 =	vbroadcast v0, $0x2;
	v37 =	vmul.f32 v28, v22;
	[tilespmem:s11+$0x6AC0] =	vst v33  }
0x82: {  	v41 =	vld [tilespmem:s11+$0x6B40];
	v40 =	vmul.f32 v30, v22;
	[tilespmem:s11+$0x6AD0] =	vst v35  }
0x83: {  	v43 =	vld [tilespmem:s11+$0x6B50];
	v42 =	vmul.f32 v32, v38;
	[tilespmem:s11+$0x6AE0] =	vst v37  }
0x84: {  	v45 =	vld [tilespmem:s11+$0x6B60];
	v44 =	vmul.f32 v34, v38;
	[tilespmem:s11+$0x6AF0] =	vst v40  }
0x85: {  	v47 =	vld [tilespmem:s11+$0x6B70];
	v46 =	vmul.f32 v36, v38;
	[tilespmem:s11+$0x6B00] =	vst v42  }
0x86: {  	v49 =	vld [tilespmem:s11+$0x6B80];
	v48 =	vmul.f32 v39, v38;
	[tilespmem:s11+$0x6B10] =	vst v44  }
0x87: {  	v51 =	vld [tilespmem:s11+$0x6B90];
	v50 =	vmul.f32 v41, v38;
	[tilespmem:s11+$0x6B20] =	vst v46  }
0x88: {  	v53 =	vld [tilespmem:s11+$0x6BA0];
	v52 =	vmul.f32 v43, v38;
	[tilespmem:s11+$0x6B30] =	vst v48  }
0x89: {  	v12 =	vld [tilespmem:s11+$0x6BF0];
	v55 =	vbroadcast v0, $0x3;
	v54 =	vmul.f32 v45, v38;
	[tilespmem:s11+$0x6B40] =	vst v50  }
0x8a: {  	v56 =	vld [tilespmem:s11+$0x6BB0];
	v57 =	vmul.f32 v47, v38;
	[tilespmem:s11+$0x6B50] =	vst v52  }
0x8b: {  	v58 =	vld [tilespmem:s11+$0x6BC0];
	v59 =	vmul.f32 v49, v55;
	[tilespmem:s11+$0x6B60] =	vst v54  }
0x8c: {  	v60 =	vld [tilespmem:s11+$0x6BD0];
	v61 =	vmul.f32 v51, v55;
	[tilespmem:s11+$0x6B70] =	vst v57  }
0x8d: {  	v62 =	vld [tilespmem:s11+$0x6BE0];
	v63 =	vmul.f32 v53, v55;
	[tilespmem:s11+$0x6B80] =	vst v59  }
0x8e: {  	v14 =	vld [tilespmem:s11+$0x6C00];
	v22 =	vmul.f32 v12, v55;
	[tilespmem:s11+$0x6B90] =	vst v61  }
0x8f: {  	v16 =	vld [tilespmem:s11+$0x6C10];
	v13 =	vmul.f32 v56, v55;
	[tilespmem:s11+$0x6BA0] =	vst v63  }
0x90: {  	v18 =	vld [tilespmem:s11+$0x6C20];
	v15 =	vmul.f32 v58, v55;
	[tilespmem:s11+$0x6BF0] =	vst v22  }
0x91: {  	v20 =	vbroadcast v0, $0x4;
	v38 =	vld [tilespmem:s11+$0x6CB0];
	v17 =	vmul.f32 v60, v55;
	[tilespmem:s11+$0x6BB0] =	vst v13  }
0x92: {  	v19 =	vmul.f32 v62, v55;
	v21 =	vld [tilespmem:s11+$0x6C30];
	[tilespmem:s11+$0x6BC0] =	vst v15  }
0x93: {  	v23 =	vld [tilespmem:s11+$0x6C40];
	[tilespmem:s11+$0x6BD0] =	vst v17;
	v24 =	vmul.f32 v14, v20  }
0x94: {  	v25 =	vld [tilespmem:s11+$0x6C50];
	v37 =	vbroadcast v0, $0x5;
	[tilespmem:s11+$0x6BE0] =	vst v19;
	v26 =	vmul.f32 v16, v20  }
0x95: {  	v27 =	vld [tilespmem:s11+$0x6C60];
	v28 =	vmul.f32 v18, v20;
	[tilespmem:s11+$0x6C00] =	vst v24  }
0x96: {  	v29 =	vld [tilespmem:s11+$0x6C70];
	v47 =	vmul.f32 v38, v37;
	[tilespmem:s11+$0x6C10] =	vst v26  }
0x97: {  	v31 =	vld [tilespmem:s11+$0x6C80];
	v30 =	vmul.f32 v21, v20;
	[tilespmem:s11+$0x6C20] =	vst v28  }
0x98: {  	v33 =	vld [tilespmem:s11+$0x6C90];
	v32 =	vmul.f32 v23, v20;
	[tilespmem:s11+$0x6CB0] =	vst v47  }
0x99: {  	v35 =	vld [tilespmem:s11+$0x6CA0];
	v34 =	vmul.f32 v25, v20;
	[tilespmem:s11+$0x6C30] =	vst v30  }
0x9a: {  	v40 =	vld [tilespmem:s11+$0x6CC0];
	v36 =	vmul.f32 v27, v20;
	[tilespmem:s11+$0x6C40] =	vst v32  }
0x9b: {  	v42 =	vld [tilespmem:s11+$0x6CD0];
	v39 =	vmul.f32 v29, v20;
	[tilespmem:s11+$0x6C50] =	vst v34  }
0x9c: {  	v44 =	vld [tilespmem:s11+$0x6CE0];
	v41 =	vmul.f32 v31, v37;
	[tilespmem:s11+$0x6C60] =	vst v36  }
0x9d: {  	v46 =	vld [tilespmem:s11+$0x6CF0];
	v43 =	vmul.f32 v33, v37;
	[tilespmem:s11+$0x6C70] =	vst v39  }
0x9e: {  	v48 =	vld [tilespmem:s11+$0x6D00];
	v45 =	vmul.f32 v35, v37;
	[tilespmem:s11+$0x6C80] =	vst v41  }
0x9f: {  	v50 =	vld [tilespmem:s11+$0x6D10];
	v49 =	vmul.f32 v40, v37;
	[tilespmem:s11+$0x6C90] =	vst v43  }
0xa0: {  	v52 =	vld [tilespmem:s11+$0x6D20];
	v51 =	vmul.f32 v42, v37;
	[tilespmem:s11+$0x6CA0] =	vst v45  }
0xa1: {  	v54 =	vbroadcast v0, $0x6;
	v55 =	vld [tilespmem:s11+$0x6D30];
	v53 =	vmul.f32 v44, v37;
	[tilespmem:s11+$0x6CC0] =	vst v49  }
0xa2: {  	v57 =	vld [tilespmem:s11+$0x6D40];
	v56 =	vmul.f32 v46, v37;
	[tilespmem:s11+$0x6CD0] =	vst v51  }
0xa3: {  	v59 =	vld [tilespmem:s11+$0x6D50];
	v58 =	vmul.f32 v48, v54;
	[tilespmem:s11+$0x6CE0] =	vst v53  }
0xa4: {  	v61 =	vld [tilespmem:s11+$0x6D60];
	v60 =	vmul.f32 v50, v54;
	[tilespmem:s11+$0x6CF0] =	vst v56  }
0xa5: {  	v63 =	vld [tilespmem:s11+$0x6D70];
	v62 =	vmul.f32 v52, v54;
	[tilespmem:s11+$0x6D00] =	vst v58  }
0xa6: {  	v22 =	vld [tilespmem:s11+$0x6DC0];
	v12 =	vmul.f32 v55, v54;
	[tilespmem:s11+$0x6D10] =	vst v60  }
0xa7: {  	v13 =	vld [tilespmem:s11+$0x6D80];
	v14 =	vmul.f32 v57, v54;
	[tilespmem:s11+$0x6D20] =	vst v62  }
0xa8: {  	v15 =	vld [tilespmem:s11+$0x6D90];
	v16 =	vmul.f32 v59, v54;
	[tilespmem:s11+$0x6D30] =	vst v12  }
0xa9: {  	v17 =	vld [tilespmem:s11+$0x6DA0];
	v19 =	vbroadcast v0, $0x7;
	v18 =	vmul.f32 v61, v54;
	[tilespmem:s11+$0x6D40] =	vst v14  }
0xaa: {  	v20 =	vld [tilespmem:s11+$0x6DB0];
	v21 =	vmul.f32 v63, v54;
	[tilespmem:s11+$0x6D50] =	vst v16  }
0xab: {  	v24 =	vld [tilespmem:s11+$0x6DD0];
	v31 =	vmul.f32 v22, v19;
	[tilespmem:s11+$0x6D60] =	vst v18  }
0xac: {  	v26 =	vld [tilespmem:s11+$0x6DE0];
	v23 =	vmul.f32 v13, v19;
	[tilespmem:s11+$0x6D70] =	vst v21  }
0xad: {  	v28 =	vld [tilespmem:s11+$0x6DF0];
	v25 =	vmul.f32 v15, v19;
	[tilespmem:s11+$0x6DC0] =	vst v31  }
0xae: {  	v37 =	vld [tilespmem:s11+$0x6E30];
	v27 =	vmul.f32 v17, v19;
	[tilespmem:s11+$0x6D80] =	vst v23  }
0xaf: {  	v47 =	vld [tilespmem:s11+$0x6E80];
	[tilespmem:s11+$0x6D90] =	vst v25;
	v29 =	vmul.f32 v20, v19  }
0xb0: {  	v54 =	vld [tilespmem:s11+$0x6EB0];
	[tilespmem:s11+$0x6DA0] =	vst v27;
	v33 =	vmul.f32 v24, v19  }
0xb1: {  	v30 =	vld [tilespmem:s11+$0x6E00];
	v36 =	vbroadcast v0, $0x8;
	v35 =	vmul.f32 v26, v19;
	[tilespmem:s11+$0x6DB0] =	vst v29  }
0xb2: {  	v32 =	vld [tilespmem:s11+$0x6E10];
	v53 =	vbroadcast v0, $0x9;
	v38 =	vmul.f32 v28, v19;
	[tilespmem:s11+$0x6DD0] =	vst v33  }
0xb3: {  	v34 =	vld [tilespmem:s11+$0x6E20];
	v46 =	vmul.f32 v37, v36;
	[tilespmem:s11+$0x6DE0] =	vst v35  }
0xb4: {  	v39 =	vld [tilespmem:s11+$0x6E40];
	v57 =	vmul.f32 v47, v53;
	[tilespmem:s11+$0x6DF0] =	vst v38  }
0xb5: {  	v41 =	vld [tilespmem:s11+$0x6E50];
	v63 =	vmul.f32 v54, v53;
	[tilespmem:s11+$0x6E30] =	vst v46  }
0xb6: {  	v43 =	vld [tilespmem:s11+$0x6E60];
	v40 =	vmul.f32 v30, v36;
	[tilespmem:s11+$0x6E80] =	vst v57  }
0xb7: {  	v45 =	vld [tilespmem:s11+$0x6E70];
	v42 =	vmul.f32 v32, v36;
	[tilespmem:s11+$0x6EB0] =	vst v63  }
0xb8: {  	v49 =	vld [tilespmem:s11+$0x6E90];
	v44 =	vmul.f32 v34, v36;
	[tilespmem:s11+$0x6E00] =	vst v40  }
0xb9: {  	v51 =	vld [tilespmem:s11+$0x6EA0];
	v48 =	vmul.f32 v39, v36;
	[tilespmem:s11+$0x6E10] =	vst v42  }
0xba: {  	v56 =	vld [tilespmem:s11+$0x6EC0];
	v50 =	vmul.f32 v41, v36;
	[tilespmem:s11+$0x6E20] =	vst v44  }
0xbb: {  	v58 =	vld [tilespmem:s11+$0x6ED0];
	v52 =	vmul.f32 v43, v36;
	[tilespmem:s11+$0x6E40] =	vst v48  }
0xbc: {  	v60 =	vld [tilespmem:s11+$0x6EE0];
	v55 =	vmul.f32 v45, v36;
	[tilespmem:s11+$0x6E50] =	vst v50  }
0xbd: {  	v62 =	vld [tilespmem:s11+$0x6EF0];
	v59 =	vmul.f32 v49, v53;
	[tilespmem:s11+$0x6E60] =	vst v52  }
0xbe: {  	v12 =	vld [tilespmem:s11+$0x6F00];
	v61 =	vmul.f32 v51, v53;
	[tilespmem:s11+$0x6E70] =	vst v55  }
0xbf: {  	v14 =	vld [tilespmem:s11+$0x6F10];
	v13 =	vmul.f32 v56, v53;
	[tilespmem:s11+$0x6E90] =	vst v59  }
0xc0: {  	v16 =	vld [tilespmem:s11+$0x6F20];
	v15 =	vmul.f32 v58, v53;
	[tilespmem:s11+$0x6EA0] =	vst v61  }
0xc1: {  	v18 =	vbroadcast v0, $0xA;
	v21 =	vld [tilespmem:s11+$0x6F40];
	v17 =	vmul.f32 v60, v53;
	[tilespmem:s11+$0x6EC0] =	vst v13  }
0xc2: {  	v23 =	vld [tilespmem:s11+$0x6F50];
	v20 =	vmul.f32 v62, v53;
	[tilespmem:s11+$0x6ED0] =	vst v15  }
0xc3: {  	v25 =	vld [tilespmem:s11+$0x6F60];
	v22 =	vmul.f32 v12, v18;
	[tilespmem:s11+$0x6EE0] =	vst v17  }
0xc4: {  	v27 =	vld [tilespmem:s11+$0x6F70];
	v24 =	vmul.f32 v14, v18;
	[tilespmem:s11+$0x6EF0] =	vst v20  }
0xc5: {  	v31 =	vld [tilespmem:s11+$0x6F90];
	v26 =	vmul.f32 v16, v18;
	[tilespmem:s11+$0x6F00] =	vst v22  }
0xc6: {  	v19 =	vld [tilespmem:s11+$0x6F30];
	v30 =	vmul.f32 v21, v18;
	[tilespmem:s11+$0x6F10] =	vst v24  }
0xc7: {  	v29 =	vld [tilespmem:s11+$0x6F80];
	[tilespmem:s11+$0x6F20] =	vst v26;
	v32 =	vmul.f32 v23, v18  }
0xc8: {  	v33 =	vld [tilespmem:s11+$0x6FA0];
	v35 =	vbroadcast v0, $0xB;
	[tilespmem:s11+$0x6F40] =	vst v30;
	v34 =	vmul.f32 v25, v18  }
0xc9: {  	v36 =	vld [tilespmem:s11+$0x6FB0];
	v37 =	vmul.f32 v27, v18;
	[tilespmem:s11+$0x6F50] =	vst v32  }
0xca: {  	v38 =	vld [tilespmem:s11+$0x6FC0];
	v41 =	vmul.f32 v31, v35;
	[tilespmem:s11+$0x6F60] =	vst v34  }
0xcb: {  	v46 =	vld [tilespmem:s11+$0x7000];
	v28 =	vmul.f32 v19, v18;
	[tilespmem:s11+$0x6F70] =	vst v37  }
0xcc: {  	v53 =	vld [tilespmem:s11+$0x7030];
	[tilespmem:s11+$0x6F90] =	vst v41;
	v39 =	vmul.f32 v29, v35  }
0xcd: {  	v57 =	vld [tilespmem:s11+$0x7050];
	[tilespmem:s11+$0x6F30] =	vst v28;
	v43 =	vmul.f32 v33, v35  }
0xce: {  	v63 =	vld [tilespmem:s11+$0x7080];
	v52 =	vbroadcast v0, $0xC;
	v45 =	vmul.f32 v36, v35;
	[tilespmem:s11+$0x6F80] =	vst v39  }
0xcf: {  	v40 =	vld [tilespmem:s11+$0x6FD0];
	v47 =	vmul.f32 v38, v35;
	[tilespmem:s11+$0x6FA0] =	vst v43  }
0xd0: {  	v42 =	vld [tilespmem:s11+$0x6FE0];
	v56 =	vmul.f32 v46, v52;
	[tilespmem:s11+$0x6FB0] =	vst v45  }
0xd1: {  	v44 =	vld [tilespmem:s11+$0x6FF0];
	v17 =	vbroadcast v0, $0xD;
	v62 =	vmul.f32 v53, v52;
	[tilespmem:s11+$0x6FC0] =	vst v47  }
0xd2: {  	v48 =	vld [tilespmem:s11+$0x7010];
	v14 =	vmul.f32 v57, v52;
	[tilespmem:s11+$0x7000] =	vst v56  }
0xd3: {  	v50 =	vld [tilespmem:s11+$0x7020];
	v21 =	vmul.f32 v63, v17;
	[tilespmem:s11+$0x7030] =	vst v62  }
0xd4: {  	v55 =	vld [tilespmem:s11+$0x7040];
	v49 =	vmul.f32 v40, v35;
	[tilespmem:s11+$0x7050] =	vst v14  }
0xd5: {  	v59 =	vld [tilespmem:s11+$0x7060];
	v51 =	vmul.f32 v42, v35;
	[tilespmem:s11+$0x7080] =	vst v21  }
0xd6: {  	v61 =	vld [tilespmem:s11+$0x7070];
	v54 =	vmul.f32 v44, v35;
	[tilespmem:s11+$0x6FD0] =	vst v49  }
0xd7: {  	v13 =	vld [tilespmem:s11+$0x7090];
	v58 =	vmul.f32 v48, v52;
	[tilespmem:s11+$0x6FE0] =	vst v51  }
0xd8: {  	v15 =	vld [tilespmem:s11+$0x70A0];
	v60 =	vmul.f32 v50, v52;
	[tilespmem:s11+$0x6FF0] =	vst v54  }
0xd9: {  	v20 =	vld [tilespmem:s11+$0x70C0];
	v12 =	vmul.f32 v55, v52;
	[tilespmem:s11+$0x7010] =	vst v58  }
0xda: {  	v22 =	vld [tilespmem:s11+$0x70D0];
	v16 =	vmul.f32 v59, v52;
	[tilespmem:s11+$0x7020] =	vst v60  }
0xdb: {  	v24 =	vld [tilespmem:s11+$0x70E0];
	v19 =	vmul.f32 v61, v52;
	[tilespmem:s11+$0x7040] =	vst v12  }
0xdc: {  	v26 =	vld [tilespmem:s11+$0x70F0];
	v23 =	vmul.f32 v13, v17;
	[tilespmem:s11+$0x7060] =	vst v16  }
0xdd: {  	v30 =	vld [tilespmem:s11+$0x7110];
	v25 =	vmul.f32 v15, v17;
	[tilespmem:s11+$0x7070] =	vst v19  }
0xde: {  	v18 =	vld [tilespmem:s11+$0x70B0];
	v29 =	vmul.f32 v20, v17;
	[tilespmem:s11+$0x7090] =	vst v23  }
0xdf: {  	v32 =	vld [tilespmem:s11+$0x7120];
	v31 =	vmul.f32 v22, v17;
	[tilespmem:s11+$0x70A0] =	vst v25  }
0xe0: {  	v34 =	vbroadcast v0, $0xE;
	v37 =	vld [tilespmem:s11+$0x7140];
	v33 =	vmul.f32 v24, v17;
	[tilespmem:s11+$0x70C0] =	vst v29  }
0xe1: {  	v41 =	vld [tilespmem:s11+$0x7160];
	v36 =	vmul.f32 v26, v17;
	[tilespmem:s11+$0x70D0] =	vst v31  }
0xe2: {  	v28 =	vld [tilespmem:s11+$0x7100];
	v40 =	vmul.f32 v30, v34;
	[tilespmem:s11+$0x70E0] =	vst v33  }
0xe3: {  	v53 =	vld [tilespmem:s11+$0x71C0];
	v27 =	vmul.f32 v18, v17;
	[tilespmem:s11+$0x70F0] =	vst v36  }
0xe4: {  	v57 =	vld [tilespmem:s11+$0x71E0];
	v42 =	vmul.f32 v32, v34;
	[tilespmem:s11+$0x7110] =	vst v40  }
0xe5: {  	v35 =	vld [tilespmem:s11+$0x7130];
	v46 =	vmul.f32 v37, v34;
	[tilespmem:s11+$0x70B0] =	vst v27  }
0xe6: {  	v0 =	vbroadcast v0, $0xF;
	v39 =	vld [tilespmem:s11+$0x7150];
	v50 =	vmul.f32 v41, v34;
	[tilespmem:s11+$0x7120] =	vst v42  }
0xe7: {  	v43 =	vld [tilespmem:s11+$0x7170];
	v38 =	vmul.f32 v28, v34;
	[tilespmem:s11+$0x7140] =	vst v46  }
0xe8: {  	v45 =	vld [tilespmem:s11+$0x7180];
	v61 =	vmul.f32 v53, v0;
	[tilespmem:s11+$0x7160] =	vst v50  }
0xe9: {  	v47 =	vld [tilespmem:s11+$0x7190];
	v63 =	vmul.f32 v57, v0;
	[tilespmem:s11+$0x7100] =	vst v38  }
0xea: {  	v55 =	vld [tilespmem:s11+$0x71D0];
	v44 =	vmul.f32 v35, v34;
	[tilespmem:s11+$0x71C0] =	vst v61  }
0xeb: {  	v49 =	vld [tilespmem:s11+$0x71A0];
	v48 =	vmul.f32 v39, v34;
	[tilespmem:s11+$0x71E0] =	vst v63  }
0xec: {  	v51 =	vld [tilespmem:s11+$0x71B0];
	v52 =	vmul.f32 v43, v34;
	[tilespmem:s11+$0x7130] =	vst v44  }
0xed: {  	v59 =	vld [tilespmem:s11+$0x71F0];
	v54 =	vmul.f32 v45, v0;
	[tilespmem:s11+$0x7150] =	vst v48  }
0xee: {  	v56 =	vmul.f32 v47, v0;
	[tilespmem:s11+$0x7170] =	vst v52  }
0xef: {  	p1 =	sne.s32 s10, $0x7;
	v62 =	vmul.f32 v55, v0;
	[tilespmem:s11+$0x7180] =	vst v54  }
.Ltmp5:
0xf0: {  	v58 =	vmul.f32 v49, v0;
	[tilespmem:s11+$0x7190] =	vst v56;
	(pc) =	sbr.rel @p1 .LBB2_11-.Ltmp5, $4  }
0xf1: {  	v60 =	vmul.f32 v51, v0;
	[tilespmem:s11+$0x71D0] =	vst v62  }
0xf2: {  	v0 =	vmul.f32 v59, v0;
	[tilespmem:s11+$0x71A0] =	vst v58  }
0xf3: {  	[tilespmem:s11+$0x71B0] =	vst v60  }
0xf4: {  	s10 =	sadd.s32 $0x1, s10;
	[tilespmem:s11+$0x71F0] =	vst v0  }
0xf5: {  	s10 =	sshll.u32 s9, $0x7  }
0xf6: {  	p1 =	sgt.u32 s9, $0x4C;
	s10 =	sand.u32 $0x3FFFFF80, s10  }
0xf7: {  	[spmem:s2] =	stream.indirect.scatter.add.f32 [tilespmem:s0], [sflag:$0x4], $0x80, s10, s24, $0xb8;
	[tilespmem:$0x1E280] =	vst v63  }
0xf8: {  	s10 =	sshll.u32 @!p1 s9, $0x7  }
0xf9: {  	s10 =	sadd.s32 @!p1 s10, s15  }
.Ltmp6:
0xfa: {  	s10 =	sshrl.u32 @!p1 s10, $0x3;
	(pc) =	sbr.rel .LBB2_13-.Ltmp6, $4  }
0xfb: {  	s12 =	simm.s32 @!p1 $0x0;
	s13 =	simm.s32 @!p1 $0x2880;
	s11 =	sadd.s32 @!p1 s5, s10  }
0xfc: {  	[tilespmem:s13], [sflag:$0x6] =	stream.linear.gather @!p1 [hbm4b:s11+s12], $0x80, $0x38;
	[tilespmem:$0x1E280] =	vst v63  }
0xfd: {  	s10 =	sadd.s32 @!p1 s6, s10;
	s11 =	simm.s32 @!p1 $0x2980  }
0xfe: {  	[tilespmem:s11], [sflag:$0x6] =	stream.linear.gather @!p1 [hbm4b:s10+s12], $0x80, $0x38;
	[tilespmem:$0x1E280] =	vst v63  }
.LBB2_3:
0xff: {  	p1 =	seq.s32 s9, $0x0  }
.Ltmp7:
0x100: {  	_ = 	snop;
	(pc) =	sbr.rel @p1 .LBB2_6-.Ltmp7, $1  }
0x101: {  	_ =	sdelay $0x3  }
0x102: {  	p1 =	seq.s32 s9, $0x4E  }
.Ltmp8:
0x103: {  	_ = 	snop;
	(pc) =	sbr.rel @p1 .LBB2_7-.Ltmp8, $1  }
0x104: {  	_ =	sdelay $0x3  }
0x105: {  	_ =	swait.ge [sflag:s1], $0x4000  }
0x106: {  	[sflag:s1] =	ssyncset.done $0x0  }
0x107: {  	[sflag:s1] =	ssyncadd.s32 $0xFFFFC000  }
.LBB2_6:
0x108: {  	_ =	swait.ge [sflag:s23], $0x80  }
0x109: {  	[sflag:s23] =	ssyncset.done $0x0  }
0x10a: {  	[sflag:s23] =	ssyncadd.s32 $0xFFFFFF80  }
0x10b: {  	_ =	swait.ge [sflag:s23], $0x80  }
0x10c: {  	[sflag:s23] =	ssyncset.done $0x0  }
0x10d: {  	[sflag:s23] =	ssyncadd.s32 $0xFFFFFF80  }
0x10e: {  	[tilespmem:s0], [sflag:$0x2] =	stream.indirect.gather [hbm4b:s4+s24], $0x80, s26, s24, $0xb8;
	[tilespmem:$0x1E280] =	vst v63  }
.LBB2_7:
0x10f: {  	_ =	swait.ge [sflag:s28], $0x4000  }
0x110: {  	[sflag:s28] =	ssyncset.done $0x0  }
0x111: {  	s10 =	simm.s32 $0x0;
	[sflag:s28] =	ssyncadd.s32 $0xFFFFC000  }
.LBB2_8:
0x112: {  	s11 =	sshll.u32 s10, $0x4  }
0x113: {  	s11 =	sand.u32 $0x3FFFFFF0, s11  }
0x114: {  	s13 =	sshll.u32 s10, $0xB;
	v0 =	vld [tilespmem:s11+$0x2900]  }
0x115: {  	s11 =	sand.u32 $0x3FFFF800, s13  }
0x116: {  	v1 =	vld [tilespmem:s11+$0x2A00]  }
0x117: {  	v2 =	vld [tilespmem:s11+$0x2A10]  }
0x118: {  	v3 =	vld [tilespmem:s11+$0x2A20]  }
0x119: {  	v5 =	vld [tilespmem:s11+$0x2A30];
	v4 =	vbroadcast v0, $0x0  }
0x11a: {  	v6 =	vld [tilespmem:s11+$0x2A40]  }
0x11b: {  	v7 =	vld [tilespmem:s11+$0x2A50];
	v1 =	vmul.f32 v4, v1  }
0x11c: {  	v8 =	vld [tilespmem:s11+$0x2A60];
	v2 =	vmul.f32 v2, v4  }
0x11d: {  	v14 =	vld [tilespmem:s11+$0x2A70];
	v13 =	vmul.f32 v3, v4;
	[tilespmem:s11+$0x2A00] =	vst v1  }
0x11e: {  	v16 =	vld [tilespmem:s11+$0x2A80];
	v15 =	vmul.f32 v5, v4;
	[tilespmem:s11+$0x2A10] =	vst v2  }
0x11f: {  	v18 =	vld [tilespmem:s11+$0x2A90];
	v17 =	vmul.f32 v6, v4;
	[tilespmem:s11+$0x2A20] =	vst v13  }
0x120: {  	v20 =	vld [tilespmem:s11+$0x2AA0];
	v19 =	vmul.f32 v7, v4;
	[tilespmem:s11+$0x2A30] =	vst v15  }
0x121: {  	v9 =	vld [tilespmem:s11+$0x2AB0];
	v22 =	vbroadcast v0, $0x1;
	v21 =	vmul.f32 v8, v4;
	[tilespmem:s11+$0x2A40] =	vst v17  }
0x122: {  	v24 =	vld [tilespmem:s11+$0x2AC0];
	v23 =	vmul.f32 v14, v4;
	[tilespmem:s11+$0x2A50] =	vst v19  }
0x123: {  	v26 =	vld [tilespmem:s11+$0x2AD0];
	v25 =	vmul.f32 v16, v22;
	[tilespmem:s11+$0x2A60] =	vst v21  }
0x124: {  	v28 =	vld [tilespmem:s11+$0x2AE0];
	v27 =	vmul.f32 v18, v22;
	[tilespmem:s11+$0x2A70] =	vst v23  }
0x125: {  	v30 =	vld [tilespmem:s11+$0x2AF0];
	v29 =	vmul.f32 v20, v22;
	[tilespmem:s11+$0x2A80] =	vst v25  }
0x126: {  	v32 =	vld [tilespmem:s11+$0x2B00];
	v31 =	vmul.f32 v9, v22;
	[tilespmem:s11+$0x2A90] =	vst v27  }
0x127: {  	v34 =	vld [tilespmem:s11+$0x2B10];
	v33 =	vmul.f32 v24, v22;
	[tilespmem:s11+$0x2AA0] =	vst v29  }
0x128: {  	v36 =	vld [tilespmem:s11+$0x2B20];
	v35 =	vmul.f32 v26, v22;
	[tilespmem:s11+$0x2AB0] =	vst v31  }
0x129: {  	v39 =	vld [tilespmem:s11+$0x2B30];
	v38 =	vbroadcast v0, $0x2;
	v37 =	vmul.f32 v28, v22;
	[tilespmem:s11+$0x2AC0] =	vst v33  }
0x12a: {  	v41 =	vld [tilespmem:s11+$0x2B40];
	v40 =	vmul.f32 v30, v22;
	[tilespmem:s11+$0x2AD0] =	vst v35  }
0x12b: {  	v43 =	vld [tilespmem:s11+$0x2B50];
	v42 =	vmul.f32 v32, v38;
	[tilespmem:s11+$0x2AE0] =	vst v37  }
0x12c: {  	v45 =	vld [tilespmem:s11+$0x2B60];
	v44 =	vmul.f32 v34, v38;
	[tilespmem:s11+$0x2AF0] =	vst v40  }
0x12d: {  	v47 =	vld [tilespmem:s11+$0x2B70];
	v46 =	vmul.f32 v36, v38;
	[tilespmem:s11+$0x2B00] =	vst v42  }
0x12e: {  	v49 =	vld [tilespmem:s11+$0x2B80];
	v48 =	vmul.f32 v39, v38;
	[tilespmem:s11+$0x2B10] =	vst v44  }
0x12f: {  	v51 =	vld [tilespmem:s11+$0x2B90];
	v50 =	vmul.f32 v41, v38;
	[tilespmem:s11+$0x2B20] =	vst v46  }
0x130: {  	v53 =	vld [tilespmem:s11+$0x2BA0];
	v52 =	vmul.f32 v43, v38;
	[tilespmem:s11+$0x2B30] =	vst v48  }
0x131: {  	v12 =	vld [tilespmem:s11+$0x2BF0];
	v55 =	vbroadcast v0, $0x3;
	v54 =	vmul.f32 v45, v38;
	[tilespmem:s11+$0x2B40] =	vst v50  }
0x132: {  	v56 =	vld [tilespmem:s11+$0x2BB0];
	v57 =	vmul.f32 v47, v38;
	[tilespmem:s11+$0x2B50] =	vst v52  }
0x133: {  	v58 =	vld [tilespmem:s11+$0x2BC0];
	v59 =	vmul.f32 v49, v55;
	[tilespmem:s11+$0x2B60] =	vst v54  }
0x134: {  	v60 =	vld [tilespmem:s11+$0x2BD0];
	v61 =	vmul.f32 v51, v55;
	[tilespmem:s11+$0x2B70] =	vst v57  }
0x135: {  	v62 =	vld [tilespmem:s11+$0x2BE0];
	v63 =	vmul.f32 v53, v55;
	[tilespmem:s11+$0x2B80] =	vst v59  }
0x136: {  	v14 =	vld [tilespmem:s11+$0x2C00];
	v22 =	vmul.f32 v12, v55;
	[tilespmem:s11+$0x2B90] =	vst v61  }
0x137: {  	v16 =	vld [tilespmem:s11+$0x2C10];
	v13 =	vmul.f32 v56, v55;
	[tilespmem:s11+$0x2BA0] =	vst v63  }
0x138: {  	v18 =	vld [tilespmem:s11+$0x2C20];
	v15 =	vmul.f32 v58, v55;
	[tilespmem:s11+$0x2BF0] =	vst v22  }
0x139: {  	v20 =	vbroadcast v0, $0x4;
	v38 =	vld [tilespmem:s11+$0x2CB0];
	v17 =	vmul.f32 v60, v55;
	[tilespmem:s11+$0x2BB0] =	vst v13  }
0x13a: {  	v19 =	vmul.f32 v62, v55;
	v21 =	vld [tilespmem:s11+$0x2C30];
	[tilespmem:s11+$0x2BC0] =	vst v15  }
0x13b: {  	v23 =	vld [tilespmem:s11+$0x2C40];
	[tilespmem:s11+$0x2BD0] =	vst v17;
	v24 =	vmul.f32 v14, v20  }
0x13c: {  	v25 =	vld [tilespmem:s11+$0x2C50];
	v37 =	vbroadcast v0, $0x5;
	[tilespmem:s11+$0x2BE0] =	vst v19;
	v26 =	vmul.f32 v16, v20  }
0x13d: {  	v27 =	vld [tilespmem:s11+$0x2C60];
	v28 =	vmul.f32 v18, v20;
	[tilespmem:s11+$0x2C00] =	vst v24  }
0x13e: {  	v29 =	vld [tilespmem:s11+$0x2C70];
	v47 =	vmul.f32 v38, v37;
	[tilespmem:s11+$0x2C10] =	vst v26  }
0x13f: {  	v31 =	vld [tilespmem:s11+$0x2C80];
	v30 =	vmul.f32 v21, v20;
	[tilespmem:s11+$0x2C20] =	vst v28  }
0x140: {  	v33 =	vld [tilespmem:s11+$0x2C90];
	v32 =	vmul.f32 v23, v20;
	[tilespmem:s11+$0x2CB0] =	vst v47  }
0x141: {  	v35 =	vld [tilespmem:s11+$0x2CA0];
	v34 =	vmul.f32 v25, v20;
	[tilespmem:s11+$0x2C30] =	vst v30  }
0x142: {  	v40 =	vld [tilespmem:s11+$0x2CC0];
	v36 =	vmul.f32 v27, v20;
	[tilespmem:s11+$0x2C40] =	vst v32  }
0x143: {  	v42 =	vld [tilespmem:s11+$0x2CD0];
	v39 =	vmul.f32 v29, v20;
	[tilespmem:s11+$0x2C50] =	vst v34  }
0x144: {  	v44 =	vld [tilespmem:s11+$0x2CE0];
	v41 =	vmul.f32 v31, v37;
	[tilespmem:s11+$0x2C60] =	vst v36  }
0x145: {  	v46 =	vld [tilespmem:s11+$0x2CF0];
	v43 =	vmul.f32 v33, v37;
	[tilespmem:s11+$0x2C70] =	vst v39  }
0x146: {  	v48 =	vld [tilespmem:s11+$0x2D00];
	v45 =	vmul.f32 v35, v37;
	[tilespmem:s11+$0x2C80] =	vst v41  }
0x147: {  	v50 =	vld [tilespmem:s11+$0x2D10];
	v49 =	vmul.f32 v40, v37;
	[tilespmem:s11+$0x2C90] =	vst v43  }
0x148: {  	v52 =	vld [tilespmem:s11+$0x2D20];
	v51 =	vmul.f32 v42, v37;
	[tilespmem:s11+$0x2CA0] =	vst v45  }
0x149: {  	v54 =	vbroadcast v0, $0x6;
	v55 =	vld [tilespmem:s11+$0x2D30];
	v53 =	vmul.f32 v44, v37;
	[tilespmem:s11+$0x2CC0] =	vst v49  }
0x14a: {  	v57 =	vld [tilespmem:s11+$0x2D40];
	v56 =	vmul.f32 v46, v37;
	[tilespmem:s11+$0x2CD0] =	vst v51  }
0x14b: {  	v59 =	vld [tilespmem:s11+$0x2D50];
	v58 =	vmul.f32 v48, v54;
	[tilespmem:s11+$0x2CE0] =	vst v53  }
0x14c: {  	v61 =	vld [tilespmem:s11+$0x2D60];
	v60 =	vmul.f32 v50, v54;
	[tilespmem:s11+$0x2CF0] =	vst v56  }
0x14d: {  	v63 =	vld [tilespmem:s11+$0x2D70];
	v62 =	vmul.f32 v52, v54;
	[tilespmem:s11+$0x2D00] =	vst v58  }
0x14e: {  	v22 =	vld [tilespmem:s11+$0x2DC0];
	v12 =	vmul.f32 v55, v54;
	[tilespmem:s11+$0x2D10] =	vst v60  }
0x14f: {  	v13 =	vld [tilespmem:s11+$0x2D80];
	v14 =	vmul.f32 v57, v54;
	[tilespmem:s11+$0x2D20] =	vst v62  }
0x150: {  	v15 =	vld [tilespmem:s11+$0x2D90];
	v16 =	vmul.f32 v59, v54;
	[tilespmem:s11+$0x2D30] =	vst v12  }
0x151: {  	v17 =	vld [tilespmem:s11+$0x2DA0];
	v19 =	vbroadcast v0, $0x7;
	v18 =	vmul.f32 v61, v54;
	[tilespmem:s11+$0x2D40] =	vst v14  }
0x152: {  	v20 =	vld [tilespmem:s11+$0x2DB0];
	v21 =	vmul.f32 v63, v54;
	[tilespmem:s11+$0x2D50] =	vst v16  }
0x153: {  	v24 =	vld [tilespmem:s11+$0x2DD0];
	v31 =	vmul.f32 v22, v19;
	[tilespmem:s11+$0x2D60] =	vst v18  }
0x154: {  	v26 =	vld [tilespmem:s11+$0x2DE0];
	v23 =	vmul.f32 v13, v19;
	[tilespmem:s11+$0x2D70] =	vst v21  }
0x155: {  	v28 =	vld [tilespmem:s11+$0x2DF0];
	v25 =	vmul.f32 v15, v19;
	[tilespmem:s11+$0x2DC0] =	vst v31  }
0x156: {  	v37 =	vld [tilespmem:s11+$0x2E30];
	v27 =	vmul.f32 v17, v19;
	[tilespmem:s11+$0x2D80] =	vst v23  }
0x157: {  	v47 =	vld [tilespmem:s11+$0x2E80];
	[tilespmem:s11+$0x2D90] =	vst v25;
	v29 =	vmul.f32 v20, v19  }
0x158: {  	v54 =	vld [tilespmem:s11+$0x2EB0];
	[tilespmem:s11+$0x2DA0] =	vst v27;
	v33 =	vmul.f32 v24, v19  }
0x159: {  	v30 =	vld [tilespmem:s11+$0x2E00];
	v36 =	vbroadcast v0, $0x8;
	v35 =	vmul.f32 v26, v19;
	[tilespmem:s11+$0x2DB0] =	vst v29  }
0x15a: {  	v32 =	vld [tilespmem:s11+$0x2E10];
	v53 =	vbroadcast v0, $0x9;
	v38 =	vmul.f32 v28, v19;
	[tilespmem:s11+$0x2DD0] =	vst v33  }
0x15b: {  	v34 =	vld [tilespmem:s11+$0x2E20];
	v46 =	vmul.f32 v37, v36;
	[tilespmem:s11+$0x2DE0] =	vst v35  }
0x15c: {  	v39 =	vld [tilespmem:s11+$0x2E40];
	v57 =	vmul.f32 v47, v53;
	[tilespmem:s11+$0x2DF0] =	vst v38  }
0x15d: {  	v41 =	vld [tilespmem:s11+$0x2E50];
	v63 =	vmul.f32 v54, v53;
	[tilespmem:s11+$0x2E30] =	vst v46  }
0x15e: {  	v43 =	vld [tilespmem:s11+$0x2E60];
	v40 =	vmul.f32 v30, v36;
	[tilespmem:s11+$0x2E80] =	vst v57  }
0x15f: {  	v45 =	vld [tilespmem:s11+$0x2E70];
	v42 =	vmul.f32 v32, v36;
	[tilespmem:s11+$0x2EB0] =	vst v63  }
0x160: {  	v49 =	vld [tilespmem:s11+$0x2E90];
	v44 =	vmul.f32 v34, v36;
	[tilespmem:s11+$0x2E00] =	vst v40  }
0x161: {  	v51 =	vld [tilespmem:s11+$0x2EA0];
	v48 =	vmul.f32 v39, v36;
	[tilespmem:s11+$0x2E10] =	vst v42  }
0x162: {  	v56 =	vld [tilespmem:s11+$0x2EC0];
	v50 =	vmul.f32 v41, v36;
	[tilespmem:s11+$0x2E20] =	vst v44  }
0x163: {  	v58 =	vld [tilespmem:s11+$0x2ED0];
	v52 =	vmul.f32 v43, v36;
	[tilespmem:s11+$0x2E40] =	vst v48  }
0x164: {  	v60 =	vld [tilespmem:s11+$0x2EE0];
	v55 =	vmul.f32 v45, v36;
	[tilespmem:s11+$0x2E50] =	vst v50  }
0x165: {  	v62 =	vld [tilespmem:s11+$0x2EF0];
	v59 =	vmul.f32 v49, v53;
	[tilespmem:s11+$0x2E60] =	vst v52  }
0x166: {  	v12 =	vld [tilespmem:s11+$0x2F00];
	v61 =	vmul.f32 v51, v53;
	[tilespmem:s11+$0x2E70] =	vst v55  }
0x167: {  	v14 =	vld [tilespmem:s11+$0x2F10];
	v13 =	vmul.f32 v56, v53;
	[tilespmem:s11+$0x2E90] =	vst v59  }
0x168: {  	v16 =	vld [tilespmem:s11+$0x2F20];
	v15 =	vmul.f32 v58, v53;
	[tilespmem:s11+$0x2EA0] =	vst v61  }
0x169: {  	v18 =	vbroadcast v0, $0xA;
	v21 =	vld [tilespmem:s11+$0x2F40];
	v17 =	vmul.f32 v60, v53;
	[tilespmem:s11+$0x2EC0] =	vst v13  }
0x16a: {  	v23 =	vld [tilespmem:s11+$0x2F50];
	v20 =	vmul.f32 v62, v53;
	[tilespmem:s11+$0x2ED0] =	vst v15  }
0x16b: {  	v25 =	vld [tilespmem:s11+$0x2F60];
	v22 =	vmul.f32 v12, v18;
	[tilespmem:s11+$0x2EE0] =	vst v17  }
0x16c: {  	v27 =	vld [tilespmem:s11+$0x2F70];
	v24 =	vmul.f32 v14, v18;
	[tilespmem:s11+$0x2EF0] =	vst v20  }
0x16d: {  	v31 =	vld [tilespmem:s11+$0x2F90];
	v26 =	vmul.f32 v16, v18;
	[tilespmem:s11+$0x2F00] =	vst v22  }
0x16e: {  	v19 =	vld [tilespmem:s11+$0x2F30];
	v30 =	vmul.f32 v21, v18;
	[tilespmem:s11+$0x2F10] =	vst v24  }
0x16f: {  	v29 =	vld [tilespmem:s11+$0x2F80];
	[tilespmem:s11+$0x2F20] =	vst v26;
	v32 =	vmul.f32 v23, v18  }
0x170: {  	v33 =	vld [tilespmem:s11+$0x2FA0];
	v35 =	vbroadcast v0, $0xB;
	[tilespmem:s11+$0x2F40] =	vst v30;
	v34 =	vmul.f32 v25, v18  }
0x171: {  	v36 =	vld [tilespmem:s11+$0x2FB0];
	v37 =	vmul.f32 v27, v18;
	[tilespmem:s11+$0x2F50] =	vst v32  }
0x172: {  	v38 =	vld [tilespmem:s11+$0x2FC0];
	v41 =	vmul.f32 v31, v35;
	[tilespmem:s11+$0x2F60] =	vst v34  }
0x173: {  	v46 =	vld [tilespmem:s11+$0x3000];
	v28 =	vmul.f32 v19, v18;
	[tilespmem:s11+$0x2F70] =	vst v37  }
0x174: {  	v53 =	vld [tilespmem:s11+$0x3030];
	[tilespmem:s11+$0x2F90] =	vst v41;
	v39 =	vmul.f32 v29, v35  }
0x175: {  	v57 =	vld [tilespmem:s11+$0x3050];
	[tilespmem:s11+$0x2F30] =	vst v28;
	v43 =	vmul.f32 v33, v35  }
0x176: {  	v63 =	vld [tilespmem:s11+$0x3080];
	v52 =	vbroadcast v0, $0xC;
	v45 =	vmul.f32 v36, v35;
	[tilespmem:s11+$0x2F80] =	vst v39  }
0x177: {  	v40 =	vld [tilespmem:s11+$0x2FD0];
	v47 =	vmul.f32 v38, v35;
	[tilespmem:s11+$0x2FA0] =	vst v43  }
0x178: {  	v42 =	vld [tilespmem:s11+$0x2FE0];
	v56 =	vmul.f32 v46, v52;
	[tilespmem:s11+$0x2FB0] =	vst v45  }
0x179: {  	v44 =	vld [tilespmem:s11+$0x2FF0];
	v17 =	vbroadcast v0, $0xD;
	v62 =	vmul.f32 v53, v52;
	[tilespmem:s11+$0x2FC0] =	vst v47  }
0x17a: {  	v48 =	vld [tilespmem:s11+$0x3010];
	v14 =	vmul.f32 v57, v52;
	[tilespmem:s11+$0x3000] =	vst v56  }
0x17b: {  	v50 =	vld [tilespmem:s11+$0x3020];
	v21 =	vmul.f32 v63, v17;
	[tilespmem:s11+$0x3030] =	vst v62  }
0x17c: {  	v55 =	vld [tilespmem:s11+$0x3040];
	v49 =	vmul.f32 v40, v35;
	[tilespmem:s11+$0x3050] =	vst v14  }
0x17d: {  	v59 =	vld [tilespmem:s11+$0x3060];
	v51 =	vmul.f32 v42, v35;
	[tilespmem:s11+$0x3080] =	vst v21  }
0x17e: {  	v61 =	vld [tilespmem:s11+$0x3070];
	v54 =	vmul.f32 v44, v35;
	[tilespmem:s11+$0x2FD0] =	vst v49  }
0x17f: {  	v13 =	vld [tilespmem:s11+$0x3090];
	v58 =	vmul.f32 v48, v52;
	[tilespmem:s11+$0x2FE0] =	vst v51  }
0x180: {  	v15 =	vld [tilespmem:s11+$0x30A0];
	v60 =	vmul.f32 v50, v52;
	[tilespmem:s11+$0x2FF0] =	vst v54  }
0x181: {  	v20 =	vld [tilespmem:s11+$0x30C0];
	v12 =	vmul.f32 v55, v52;
	[tilespmem:s11+$0x3010] =	vst v58  }
0x182: {  	v22 =	vld [tilespmem:s11+$0x30D0];
	v16 =	vmul.f32 v59, v52;
	[tilespmem:s11+$0x3020] =	vst v60  }
0x183: {  	v24 =	vld [tilespmem:s11+$0x30E0];
	v19 =	vmul.f32 v61, v52;
	[tilespmem:s11+$0x3040] =	vst v12  }
0x184: {  	v26 =	vld [tilespmem:s11+$0x30F0];
	v23 =	vmul.f32 v13, v17;
	[tilespmem:s11+$0x3060] =	vst v16  }
0x185: {  	v30 =	vld [tilespmem:s11+$0x3110];
	v25 =	vmul.f32 v15, v17;
	[tilespmem:s11+$0x3070] =	vst v19  }
0x186: {  	v18 =	vld [tilespmem:s11+$0x30B0];
	v29 =	vmul.f32 v20, v17;
	[tilespmem:s11+$0x3090] =	vst v23  }
0x187: {  	v32 =	vld [tilespmem:s11+$0x3120];
	v31 =	vmul.f32 v22, v17;
	[tilespmem:s11+$0x30A0] =	vst v25  }
0x188: {  	v34 =	vbroadcast v0, $0xE;
	v37 =	vld [tilespmem:s11+$0x3140];
	v33 =	vmul.f32 v24, v17;
	[tilespmem:s11+$0x30C0] =	vst v29  }
0x189: {  	v41 =	vld [tilespmem:s11+$0x3160];
	v36 =	vmul.f32 v26, v17;
	[tilespmem:s11+$0x30D0] =	vst v31  }
0x18a: {  	v28 =	vld [tilespmem:s11+$0x3100];
	v40 =	vmul.f32 v30, v34;
	[tilespmem:s11+$0x30E0] =	vst v33  }
0x18b: {  	v53 =	vld [tilespmem:s11+$0x31C0];
	v27 =	vmul.f32 v18, v17;
	[tilespmem:s11+$0x30F0] =	vst v36  }
0x18c: {  	v57 =	vld [tilespmem:s11+$0x31E0];
	v42 =	vmul.f32 v32, v34;
	[tilespmem:s11+$0x3110] =	vst v40  }
0x18d: {  	v35 =	vld [tilespmem:s11+$0x3130];
	v46 =	vmul.f32 v37, v34;
	[tilespmem:s11+$0x30B0] =	vst v27  }
0x18e: {  	v0 =	vbroadcast v0, $0xF;
	v39 =	vld [tilespmem:s11+$0x3150];
	v50 =	vmul.f32 v41, v34;
	[tilespmem:s11+$0x3120] =	vst v42  }
0x18f: {  	v43 =	vld [tilespmem:s11+$0x3170];
	v38 =	vmul.f32 v28, v34;
	[tilespmem:s11+$0x3140] =	vst v46  }
0x190: {  	v45 =	vld [tilespmem:s11+$0x3180];
	v61 =	vmul.f32 v53, v0;
	[tilespmem:s11+$0x3160] =	vst v50  }
0x191: {  	v47 =	vld [tilespmem:s11+$0x3190];
	v63 =	vmul.f32 v57, v0;
	[tilespmem:s11+$0x3100] =	vst v38  }
0x192: {  	v55 =	vld [tilespmem:s11+$0x31D0];
	v44 =	vmul.f32 v35, v34;
	[tilespmem:s11+$0x31C0] =	vst v61  }
0x193: {  	v49 =	vld [tilespmem:s11+$0x31A0];
	v48 =	vmul.f32 v39, v34;
	[tilespmem:s11+$0x31E0] =	vst v63  }
0x194: {  	v51 =	vld [tilespmem:s11+$0x31B0];
	v52 =	vmul.f32 v43, v34;
	[tilespmem:s11+$0x3130] =	vst v44  }
0x195: {  	v59 =	vld [tilespmem:s11+$0x31F0];
	v54 =	vmul.f32 v45, v0;
	[tilespmem:s11+$0x3150] =	vst v48  }
0x196: {  	v56 =	vmul.f32 v47, v0;
	[tilespmem:s11+$0x3170] =	vst v52  }
0x197: {  	p1 =	sne.s32 s10, $0x7;
	v62 =	vmul.f32 v55, v0;
	[tilespmem:s11+$0x3180] =	vst v54  }
.Ltmp9:
0x198: {  	v58 =	vmul.f32 v49, v0;
	[tilespmem:s11+$0x3190] =	vst v56;
	(pc) =	sbr.rel @p1 .LBB2_8-.Ltmp9, $4  }
0x199: {  	v60 =	vmul.f32 v51, v0;
	[tilespmem:s11+$0x31D0] =	vst v62  }
0x19a: {  	v0 =	vmul.f32 v59, v0;
	[tilespmem:s11+$0x31A0] =	vst v58  }
0x19b: {  	[tilespmem:s11+$0x31B0] =	vst v60  }
0x19c: {  	s10 =	sadd.s32 $0x1, s10;
	[tilespmem:s11+$0x31F0] =	vst v0  }
.Ltmp10:
0x19d: {  	_ = 	snop;
	(pc) =	sbr.rel .LBB2_9-.Ltmp10, $1  }
0x19e: {  	_ =	sdelay $0x3  }
.LBB2_15:
0x19f: {  	_ =	sfence.sel $0x180000  }
0x1a0: {  	[bflag:$0x0] =	sbarrier.arrive $0xFFFF  }
0x1a1: {  	_ =	strace $0x9000004A  }
0x1a2: {  	s0 =	stileid.u32;
	[bflag:$0x2] =	sbarrier.arrive $0xFFFF  }
0x1a3: {  	p0 =	sne.s32 s0, $0x0;
	s0 =	rddreg [dreg:$0x2]  }
0x1a4: {  	s0 =	sadd.s32 @!p0 $0x100000, s0  }
0x1a5: {  	[sflag:s0] =	ssyncadd.tile.s32 @!p0 $0x1;
	_ =	shalt  }
.Lfunc_end2:
_tile_overlayer_lowered:
.L_overlay_start_2:
0x1a6: {  	(tag) =	ssettag $0x2  }
0x1a7: {  	s0 =	rddreg [dreg:$0x0];
	s2 =	stileid.u32  }
0x1a8: {  	s1 =	rddreg [dreg:$0x1];
	p0 =	sne.s32 s2, $0x0  }
0x1a9: {  	s3 =	rddreg [dreg:$0x2];
	[bflag:$0x3] =	sbarrier.arrive $0xFFFF;
	s2 =	simm.s32 @!p0 $0x1C07  }
0x1aa: {  	[timem:s3], [sflag:s2] =	dma.local @!p0 [hbm:s0], s1  }
0x1ab: {  	s0 =	simm.s32 @!p0 $0x7  }
0x1ac: {  	_ =	swait.ge @!p0 [sflag:s0], s1  }
0x1ad: {  	s1 =	ssub.s32 @!p0 $0x0, s1;
	[sflag:s0] =	ssyncset.done @!p0 $0x0  }
0x1ae: {  	[sflag:s0] =	ssyncadd.s32 @!p0 s1  }
0x1af: {  	[bflag:$0x3] =	sbarrier.arrive $0xFFFF  }
0x1b0: {  	_ =	shalt  }

// kernel: kernel.16.cloned.1.call-start
scs
__scs_entry_jumppad:
0x0: {  	(pc) =	sbr.rel $0x88, $3  }
0x1: {  	(tag) =	ssettag $0x0;
	lr =	simm.s32 $0x1  }
0x2: {  	[smem:$0x3F97] =	sst lr;
	_ =	strace $0xD0000000  }
0x3: {  	_ = 	snop  }
0x4: {  	_ = 	snop  }
0x5: {  	_ = 	snop  }
0x6: {  	_ = 	snop  }
0x7: {  	_ = 	snop  }
__scs_overlays_trampoline_lowered:
0x8: {  	[smem:$0x3FA6] =	sst s0  }
0x9: {  	[smem:$0x3FA7] =	sst s1  }
0xa: {  	[smem:$0x3FA8] =	sst s2  }
0xb: {  	[smem:$0x3FA9] =	sst s3  }
0xc: {  	[smem:$0x3FAA] =	sst s4  }
0xd: {  	[smem:$0x3FAB] =	sst s5  }
0xe: {  	[smem:$0x3FAC] =	sst s6  }
0xf: {  	[smem:$0x3FAD] =	sst s7  }
0x10: {  	[smem:$0x3FAE] =	sst s8  }
0x11: {  	[smem:$0x3FAF] =	sst s9;
	s0 =	simm.s32 @!p0 $0x0  }
0x12: {  	s1 =	sld [smem:$0x3F95];
	s0 =	simm.s32 @p0 $0x1  }
0x13: {  	[smem:$0x3FB0] =	sst s0;
	s0 =	simm.s32 @!p1 $0x0  }
0x14: {  	s2 =	sld [smem:$0x3F94];
	s0 =	simm.s32 @p1 $0x1  }
0x15: {  	[smem:$0x3FB1] =	sst s0;
	s0 =	simm.s32 @!p2 $0x0  }
0x16: {  	s3 =	sld [smem:$0x3FDB];
	s0 =	simm.s32 @p2 $0x1  }
0x17: {  	s4 =	simm.s32 $0x1BF5;
	[smem:$0x3FB3] =	sst s0  }
0x18: {  	s0 =	sld [smem:$0x3F96];
	_ =	swait.ge [sflag:s4], $0x0  }
0x19: {  	s7 =	sld [smem:$0x3F97]  }
0x1a: {  	s8 =	sadd.s32 $0xFFFFE003, lr  }
0x1b: {  	s9 =	sadd.s32 $0xFFFFFEF7, lr;
	s5 =	simm.s32 $0xFFFFFFFF;
	p2 =	slt.u32 s8, $0xFFFFF086  }
0x1c: {  	p1 =	slt.u32 s9, $0xF7A;
	s5 =	simm.s32 @!p2 $0x0  }
0x1d: {  	s5 =	simm.s32 @p1 $0x1;
	p0 =	seq.s32 s7, s2  }
0x1e: {  	s7 =	smul.u32 @!p0 $0xF7A, s2;
	p2 =	seq.s32 @!p0 s5, $0x0  }
0x1f: {  	s9 =	smul.u32 $0xF7A, s1;
	s8 =	simm.s32 @!p0 $0x1BF5;
	p2 =	por !p2, p0  }
0x20: {  	[sflag:s8] =	ssyncset.s32 @!p0 $0xFFFFF086;
	s6 =	sadd.s32 @!p0 s3, s7;
	s7 =	simm.s32 @!p0 $0x108  }
0x21: {  	s3 =	sadd.s32 s3, s9;
	s6 =	sadd.s32 @!p0 $0x88, s6;
	s7 =	simm.s32 @p2 $0x1082  }
0x22: {  	[simem:s7], [sflag:s8] =	dma.local @!p0 [hbm:s6], $0xF7A  }
0x23: {  	s9 =	sor.u32 $0xD0000000, s2;
	s6 =	simm.s32 $0x108;
	_ =	swait.ge @!p0 [sflag:s8], $0x0  }
0x24: {  	s3 =	sadd.s32 $0x88, s3;
	s6 =	simm.s32 @!p1 $0x1082;
	[sflag:s4] =	ssyncset.s32 $0xFFFFF086  }
0x25: {  	[simem:s6], [sflag:s4] =	dma.local [hbm:s3], $0xF7A  }
0x26: {  	[smem:$0x3F97] =	sst s1;
	(tag) =	ssettag s2;
	_ =	strace s9  }
0x27: {  	s1 =	sld [smem:$0x3FA7]  }
0x28: {  	s2 =	sld [smem:$0x3FA8]  }
0x29: {  	s4 =	sld [smem:$0x3FAA]  }
0x2a: {  	p0 =	seq.s32 s5, $0x0;
	s5 =	sld [smem:$0x3FAB]  }
0x2b: {  	s6 =	sld [smem:$0x3FAC]  }
0x2c: {  	s7 =	sld [smem:$0x3FAD]  }
0x2d: {  	s3 =	simm.s32 $0x108;
	s8 =	sld [smem:$0x3FAE]  }
0x2e: {  	s3 =	simm.s32 @!p0 $0x1082;
	s9 =	sld [smem:$0x3FAF]  }
0x2f: {  	lr =	sadd.s32 s0, s3;
	s0 =	sld [smem:$0x3FA6]  }
0x30: {  	s3 =	sld [smem:$0x3FA9]  }
0x31: {  	[smem:$0x3FB2] =	sst s10  }
0x32: {  	s10 =	sld [smem:$0x3FB0];
	_ =	sdelay $0x3  }
0x33: {  	p0 =	seq.s32 s10, $0x1;
	s10 =	sld [smem:$0x3FB2];
	_ =	sdelay $0x3  }
0x34: {  	[smem:$0x3FB2] =	sst s10  }
0x35: {  	s10 =	sld [smem:$0x3FB1];
	_ =	sdelay $0x3  }
0x36: {  	p1 =	seq.s32 s10, $0x1;
	s10 =	sld [smem:$0x3FB2];
	_ =	sdelay $0x3  }
0x37: {  	[smem:$0x3FB2] =	sst s10  }
0x38: {  	s10 =	sld [smem:$0x3FB3]  }
0x39: {  	_ = 	snop;
	(pc) =	sbr.ind lr, $3  }
0x3a: {  	_ = 	snop  }
0x3b: {  	_ = 	snop  }
0x3c: {  	p2 =	seq.s32 s10, $0x1;
	s10 =	sld [smem:$0x3FB2]  }
0x3d: {  	_ =	shalt  }
0x3e: {  	_ =	shalt  }
0x3f: {  	_ =	shalt  }
0x40: {  	_ =	shalt  }
0x41: {  	_ =	shalt  }
0x42: {  	_ =	shalt  }
0x43: {  	_ =	shalt  }
0x44: {  	_ =	shalt  }
0x45: {  	_ =	shalt  }
0x46: {  	_ =	shalt  }
0x47: {  	_ =	shalt  }
0x48: {  	_ =	shalt  }
0x49: {  	_ =	shalt  }
0x4a: {  	_ =	shalt  }
0x4b: {  	_ =	shalt  }
0x4c: {  	_ =	shalt  }
0x4d: {  	_ =	shalt  }
0x4e: {  	_ =	shalt  }
0x4f: {  	_ =	shalt  }
0x50: {  	_ =	shalt  }
0x51: {  	_ =	shalt  }
0x52: {  	_ =	shalt  }
0x53: {  	_ =	shalt  }
0x54: {  	_ =	shalt  }
0x55: {  	_ =	shalt  }
0x56: {  	_ =	shalt  }
0x57: {  	_ =	shalt  }
0x58: {  	_ =	shalt  }
0x59: {  	_ =	shalt  }
0x5a: {  	_ =	shalt  }
0x5b: {  	_ =	shalt  }
0x5c: {  	_ =	shalt  }
0x5d: {  	_ =	shalt  }
0x5e: {  	_ =	shalt  }
0x5f: {  	_ =	shalt  }
0x60: {  	_ =	shalt  }
0x61: {  	_ =	shalt  }
0x62: {  	_ =	shalt  }
0x63: {  	_ =	shalt  }
0x64: {  	_ =	shalt  }
0x65: {  	_ =	shalt  }
0x66: {  	_ =	shalt  }
0x67: {  	_ =	shalt  }
0x68: {  	_ =	shalt  }
0x69: {  	_ =	shalt  }
0x6a: {  	_ =	shalt  }
0x6b: {  	_ =	shalt  }
0x6c: {  	_ =	shalt  }
0x6d: {  	_ =	shalt  }
0x6e: {  	_ =	shalt  }
0x6f: {  	_ =	shalt  }
0x70: {  	_ =	shalt  }
0x71: {  	_ =	shalt  }
0x72: {  	_ =	shalt  }
0x73: {  	_ =	shalt  }
0x74: {  	_ =	shalt  }
0x75: {  	_ =	shalt  }
0x76: {  	_ =	shalt  }
0x77: {  	_ =	shalt  }
0x78: {  	_ =	shalt  }
0x79: {  	_ =	shalt  }
0x7a: {  	_ =	shalt  }
0x7b: {  	_ =	shalt  }
0x7c: {  	_ =	shalt  }
0x7d: {  	_ =	shalt  }
0x7e: {  	_ =	shalt  }
0x7f: {  	_ =	shalt  }
0x80: {  	_ =	shalt  }
0x81: {  	_ =	shalt  }
0x82: {  	_ =	shalt  }
0x83: {  	_ =	shalt  }
0x84: {  	_ =	shalt  }
0x85: {  	_ =	shalt  }
0x86: {  	_ =	shalt  }
0x87: {  	_ =	shalt  }
.Lfunc_end0:
.L_simem_size_0:
called_computation.2_lowered:
.L_overlay_start_0:
0x88: {  	s2 =	sld [smem:$0x3FD9]  }
0x89: {  	s3 =	sld [smem:$0x3FFE];
	_ =	sdelay $0x1  }
0x8a: {  	s1 =	srdreg.scid  }
0x8b: {  	s0 =	sand.u32 $0x1, s1  }
0x8c: {  	s17 =	sshll.u32 s0, $0xA;
	s2 =	sadd.s32 s3, s2  }
0x8d: {  	s2 =	sadd.s32 s2, s17  }
0x8e: {  	[smem:$0x3FBE] =	sst s2  }
0x8f: {  	_ = 	snop  }
0x90: {  	s2 =	sld [smem:$0x3FD0];
	(tm) =	ssettm $0x1  }
0x91: {  	s18 =	sld [smem:$0x3FFB];
	_ =	sdelay $0x3  }
0x92: {  	_ =	strace s18  }
0x93: {  	s3 =	sld [smem:$0x3FFC];
	_ =	sdelay $0x3  }
0x94: {  	_ =	strace s3  }
0x95: {  	s3 =	sld [smem:$0x3FFD];
	_ =	sdelay $0x3  }
0x96: {  	_ =	strace s3  }
0x97: {  	_ =	strace $0x8FFFFFFF  }
0x98: {  	s19 =	sld [smem:$0x3FDB];
	_ =	sdelay $0x1  }
0x99: {  	s4 =	simm.s32 $_scs_section_size  }
0x9a: {  	s5 =	simm.s32 $_size__tile_overlayer_lowered;
	s6 =	simm.s32 $_tile_overlayer_lowered  }
0x9b: {  	s22 =	simm.s32 $0x1BFF;
	s21 =	sshll.u32 s6, $0x1;
	s3 =	sadd.s32 s4, s19  }
0x9c: {  	s7 =	simm.s32 $0x0;
	s20 =	sshll.u32 s5, $0x1;
	s5 =	sadd.s32 s21, s3  }
0x9d: {  	[timem:s7], [sflag:s22] =	dma.local [hbm:s5], s20  }
0x9e: {  	_ =	swait.ge [sflag:s22], s20  }
0x9f: {  	s4 =	ssub.s32 $0x0, s20;
	[sflag:s22] =	ssyncset.done $0x0  }
0xa0: {  	[sflag:s22] =	ssyncadd.s32 s4;
	_ =	sdelay $0x1  }
0xa1: {  	s23 =	simm.s32 $0x1B8B  }
0xa2: {  	_ =	swait.ge [sflag:s23], $0x1  }
0xa3: {  	[sflag:s23] =	ssyncset.done $0x0  }
0xa4: {  	s25 =	simm.s32 $0x1B8E;
	s24 =	sld [smem:$0x3FFE];
	[sflag:s23] =	ssyncadd.s32 $0xFFFFFFFF  }
0xa5: {  	s26 =	simm.s32 $execute0_lowered;
	[smem:$0x3FD2] =	sst s25  }
0xa6: {  	s5 =	sshll.u32 s26, $0x1;
	_ =	strace $0x8000004C;
	[dreg:$0x1] =	wrdreg $0xFFFFFFFF  }
0xa7: {  	s28 =	simm.s32 $_size_execute0_lowered;
	s3 =	sadd.s32 s3, s5;
	[dreg:$0x0] =	wrdreg $0x0  }
0xa8: {  	s5 =	sshll.u32 s28, $0x1;
	[dreg:$0x2] =	wrdreg s3  }
0xa9: {  	[dreg:$0x3] =	wrdreg s5  }
0xaa: {  	[dreg:$0x4] =	wrdreg $0xC0  }
0xab: {  	_ =	task [dreg:s7], $0x5FFFF  }
0xac: {  	[dreg:$0x1] =	wrdreg $0xFFFFFFFF  }
0xad: {  	[dreg:$0x0] =	wrdreg $0x60  }
0xae: {  	[dreg:$0x2] =	wrdreg s24  }
0xaf: {  	[dreg:$0x3] =	wrdreg s2  }
0xb0: {  	[dreg:$0x4] =	wrdreg $0x9  }
0xb1: {  	_ =	task.clear_ibuf [dreg:s7], $0x5FFFF;
	_ =	strace $0x9000004C  }
0xb2: {  	s29 =	simm.s32 $0x9;
	_ =	strace $0x8000004E  }
0xb3: {  	_ =	swait.ge [sflag:s29], $0x1  }
0xb4: {  	[sflag:s29] =	ssyncadd.s32 $0xFFFFFFFF  }
0xb5: {  	_ =	strace $0x9000004E  }
0xb6: {  	_ =	sfence  }
0xb7: {  	s30 =	sld [smem:$0x0];
	_ =	sdelay $0x2  }
0xb8: {  	s31 =	sshll.u32 s1, $0xD;
	s1 =	sshrl.u32 s1, $0x2  }
0xb9: {  	s3 =	sand.u32 $0x4000, s31;
	s1 =	sadd.s32 s1, s30  }
0xba: {  	s0 =	sor.u32 s3, s0;
	s1 =	sshll.u32 s1, $0x11  }
0xbb: {  	s0 =	sor.u32 s1, s0  }
0xbc: {  	s0 =	sadd.s32 $0x8F2B, s0  }
0xbd: {  	[sflag:s0] =	ssyncadd.remote.s32 $0x1  }
0xbe: {  	_ =	sfence.sel $0xFFFF  }
0xbf: {  	[dreg:$0x0] =	wrdreg $0xFFFFFFFF;
	(pc) =	sbr.abs _section_cstart, $3  }
0xc0: {  	[dreg:$0x1] =	wrdreg $0xFFFFFFFF  }
0xc1: {  	_ =	task.clear_ibuf [dreg:s7], $0x2FFFF;
	_ =	strace $0x9FFFFFFF  }
0xc2: {  	(tm) =	ssettm $0x7FFFFFFF  }
0xc3: {  	_ =	shalt  }
tec
execute0_lowered:
.L_overlay_start_1:
0x0: {  	(tag) =	ssettag $0x1  }
0x1: {  	s6 =	rddreg [dreg:$0x0]  }
0x2: {  	s1 =	rddreg [dreg:$0x1];
	s2 =	srdreg.scid  }
0x3: {  	s0 =	rddreg [dreg:$0x2];
	s3 =	simm.s32 $0x0;
	s12 =	simm.s32 $0x2800  }
0x4: {  	s13 =	simm.s32 $0x5000;
	s14 =	simm.s32 $0x7780;
	s15 =	simm.s32 $0xEE80  }
0x5: {  	s16 =	simm.s32 $0x9F00;
	s17 =	simm.s32 $0xC680;
	s5 =	sand.u32 $0x1, s2  }
0x6: {  	s18 =	simm.s32 $0x0;
	s2 =	stileid.u32;
	s4 =	sshll.u32 s5, $0x4  }
0x7: {  	[smem:$0x7FF] =	sst s3;
	s9 =	ssub.s32 $0x2, s5;
	s7 =	sor.u32 s2, s4  }
0x8: {  	_ =	strace $0x8000004D;
	s10 =	sshrl.u32 s9, $0x1;
	s8 =	smul.u32 $0x500, s7  }
0x9: {  	s5 =	sadd.s32 $0x18800, s6;
	s7 =	smul.u32 $0x4F0, s7;
	s10 =	ssub.s32 s9, s10  }
0xa: {  	s4 =	sadd.s32 $0x18200, s6;
	s10 =	smax.u32 s10, $0x1;
	s8 =	sadd.s32 s8, s6  }
0xb: {  	s11 =	sadd.s32 s7, s6;
	s6 =	sadd.s32 $0xE200, s8;
	s7 =	sadd.s32 $0x4200, s8  }
0xc: {  	v0 =	vimm.f32 $0.0e+00;
	s8 =	sadd.s32 $0x22C00, s8;
	s9 =	sadd.s32 $0x18E00, s11;
	s11 =	simm.s32 $0x1  }
.LBB2_1:
0xd: {  	[tilespmem:s3], [sflag:$0x1] =	stream.linear.gather [hbm4b:s6+s3], $0x2800, $0x38;
	[tilespmem:$0xEF00] =	vst v63  }
0xe: {  	_ =	swait.ge [sflag:s11], $0x2800  }
0xf: {  	[sflag:s11] =	ssyncset.done $0x0  }
0x10: {  	[sflag:s11] =	ssyncadd.s32 $0xFFFFD800  }
0x11: {  	[tilespmem:s12], [sflag:$0x1] =	stream.linear.gather [hbm4b:s7+s3], $0x2800, $0x38;
	[tilespmem:$0xEF00] =	vst v63  }
0x12: {  	_ =	swait.ge [sflag:s11], $0x2800  }
0x13: {  	[sflag:s11] =	ssyncset.done $0x0  }
0x14: {  	[sflag:s11] =	ssyncadd.s32 $0xFFFFD800  }
0x15: {  	[tilespmem:s13], [sflag:$0x1] =	stream.linear.gather [hbm4b:s4+s3], $0x2780, $0x38;
	[tilespmem:$0xEF00] =	vst v63  }
0x16: {  	_ =	swait.ge [sflag:s11], $0x2780  }
0x17: {  	[sflag:s11] =	ssyncset.done $0x0  }
0x18: {  	[sflag:s11] =	ssyncadd.s32 $0xFFFFD880  }
0x19: {  	[tilespmem:s14], [sflag:$0x1] =	stream.linear.gather [hbm4b:s5+s3], $0x2780, $0x38;
	[tilespmem:$0xEF00] =	vst v63  }
0x1a: {  	_ =	swait.ge [sflag:s11], $0x2780  }
0x1b: {  	[sflag:s11] =	ssyncset.done $0x0  }
0x1c: {  	[sflag:s11] =	ssyncadd.s32 $0xFFFFD880  }
0x1d: {  	[tilespmem:s15], [sflag:$0x1] =	stream.linear.gather [hbm4b:s1+s3], $0x80, $0x38;
	[tilespmem:$0xEF00] =	vst v63  }
0x1e: {  	_ =	swait.ge [sflag:s11], $0x80  }
0x1f: {  	[sflag:s11] =	ssyncset.done $0x0  }
0x20: {  	[sflag:s11] =	ssyncadd.s32 $0xFFFFFF80  }
0x21: {  	s19 =	simm.s32 $0x40;
	s20 =	simm.s32 $0x0;
	v1 =	vld [tilespmem:$0xEE80]  }
.LBB2_2:
0x22: {  	p0 =	sne.s32 s19, $0x9C00;
	[tilespmem:s20+$0x9F00] =	vst v0;
	s20 =	smov.u32 s19;
	s19 =	sadd.s32 $0x40, s19  }
.Ltmp0:
0x23: {  	(pc) =	sbr.rel @p0 .LBB2_2-.Ltmp0, $2  }
0x24: {  	_ =	sdelay $0x2  }
0x25: {  	s20 =	sshra.s32 s20, $0x2  }
0x26: {  	[tilespmem:s20+$0x9F00] =	vst v0  }
0x27: {  	[tilespmem:$0xED90] =	vst v0  }
0x28: {  	[tilespmem:$0xEDA0] =	vst v0  }
0x29: {  	[tilespmem:$0xEDB0] =	vst v0  }
0x2a: {  	[tilespmem:$0xEDC0] =	vst v0  }
0x2b: {  	[tilespmem:$0xEDD0] =	vst v0  }
0x2c: {  	[tilespmem:$0xEDE0] =	vst v0  }
0x2d: {  	[tilespmem:$0xEDF0] =	vst v0  }
0x2e: {  	[tilespmem:$0xEE00] =	vst v0  }
0x2f: {  	[tilespmem:$0xEE10] =	vst v0  }
0x30: {  	[tilespmem:$0xEE20] =	vst v0  }
0x31: {  	[tilespmem:$0xEE30] =	vst v0  }
0x32: {  	[tilespmem:$0xEE40] =	vst v0  }
0x33: {  	[tilespmem:$0xEE50] =	vst v0  }
0x34: {  	[tilespmem:$0xEE60] =	vst v0  }
0x35: {  	s19 =	simm.s32 $0x0;
	[tilespmem:$0xEE70] =	vst v0  }
.LBB2_4:
0x36: {  	s20 =	sshra.s32 s19, $0x2  }
0x37: {  	v2 =	vld [tilespmem:s20+$0x0]  }
0x38: {  	v3 =	vld [tilespmem:s20+$0x2800];
	_ =	sdelay $0x6  }
0x39: {  	v2 =	vld.idx.msk [tilespmem:v2+s13+$0x0], $0xffff  }
0x3a: {  	v4 =	vld.idx.msk [tilespmem:v3+s14+$0x0], $0xffff;
	_ =	sdelay $0x4  }
0x3b: {  	v2 =	vadd.f32 v4, v2;
	_ =	sdelay $0x1  }
0x3c: {  	v4 =	vmul.f32 $2.000000030e-01, v2;
	_ =	sdelay $0x1  }
0x3d: {  	v2 =	vmax.f32 v2, v4  }
0x3e: {  	v2 =	vsub.f32 v2, v1;
	_ =	sdelay $0x1  }
0x3f: {  	v2 =	vmul.f32 $1.442695020e+00, v2;
	_ =	sdelay $0x1  }
0x40: {  	(erf) = vpow2.f32 v2;
	_ =	sdelay $0x8  }
0x41: {  	v2 =	vpop (erf)  }
0x42: {  	[tilespmem:s20+$0xC680] =	vst v2  }
0x43: {  	[tilespmem:v3+s16+$0x0] =	vst.idx.add.f32.msk $0xffff, v2  }
0x44: {  	v2 =	vld [tilespmem:s20+$0x10]  }
0x45: {  	v3 =	vld [tilespmem:s20+$0x2810];
	_ =	sdelay $0x6  }
0x46: {  	v2 =	vld.idx.msk [tilespmem:v2+s13+$0x0], $0xffff  }
0x47: {  	v57 =	vld.idx.msk [tilespmem:v3+s14+$0x0], $0xffff;
	_ =	sdelay $0x4  }
0x48: {  	v2 =	vadd.f32 v57, v2;
	_ =	sdelay $0x1  }
0x49: {  	v4 =	vmul.f32 $2.000000030e-01, v2;
	_ =	sdelay $0x1  }
0x4a: {  	v2 =	vmax.f32 v2, v4  }
0x4b: {  	v2 =	vsub.f32 v2, v1;
	_ =	sdelay $0x1  }
0x4c: {  	v2 =	vmul.f32 $1.442695020e+00, v2;
	_ =	sdelay $0x1  }
0x4d: {  	(erf) = vpow2.f32 v2;
	_ =	sdelay $0x8  }
0x4e: {  	v2 =	vpop (erf)  }
0x4f: {  	[tilespmem:s20+$0xC690] =	vst v2  }
0x50: {  	[tilespmem:v3+s16+$0x0] =	vst.idx.add.f32.msk $0xffff, v2  }
0x51: {  	v2 =	vld [tilespmem:s20+$0x20]  }
0x52: {  	v3 =	vld [tilespmem:s20+$0x2820];
	_ =	sdelay $0x6  }
0x53: {  	v2 =	vld.idx.msk [tilespmem:v2+s13+$0x0], $0xffff  }
0x54: {  	v58 =	vld.idx.msk [tilespmem:v3+s14+$0x0], $0xffff;
	_ =	sdelay $0x4  }
0x55: {  	v2 =	vadd.f32 v58, v2;
	_ =	sdelay $0x1  }
0x56: {  	v4 =	vmul.f32 $2.000000030e-01, v2;
	_ =	sdelay $0x1  }
0x57: {  	v2 =	vmax.f32 v2, v4  }
0x58: {  	v2 =	vsub.f32 v2, v1;
	_ =	sdelay $0x1  }
0x59: {  	v2 =	vmul.f32 $1.442695020e+00, v2;
	_ =	sdelay $0x1  }
0x5a: {  	(erf) = vpow2.f32 v2;
	_ =	sdelay $0x8  }
0x5b: {  	v2 =	vpop (erf)  }
0x5c: {  	[tilespmem:s20+$0xC6A0] =	vst v2  }
0x5d: {  	[tilespmem:v3+s16+$0x0] =	vst.idx.add.f32.msk $0xffff, v2  }
0x5e: {  	v2 =	vld [tilespmem:s20+$0x30]  }
0x5f: {  	v3 =	vld [tilespmem:s20+$0x2830];
	_ =	sdelay $0x6  }
0x60: {  	v2 =	vld.idx.msk [tilespmem:v2+s13+$0x0], $0xffff  }
0x61: {  	v59 =	vld.idx.msk [tilespmem:v3+s14+$0x0], $0xffff;
	_ =	sdelay $0x4  }
0x62: {  	v2 =	vadd.f32 v59, v2;
	_ =	sdelay $0x1  }
0x63: {  	v4 =	vmul.f32 $2.000000030e-01, v2;
	_ =	sdelay $0x1  }
0x64: {  	v2 =	vmax.f32 v2, v4  }
0x65: {  	v2 =	vsub.f32 v2, v1;
	_ =	sdelay $0x1  }
0x66: {  	v2 =	vmul.f32 $1.442695020e+00, v2;
	_ =	sdelay $0x1  }
0x67: {  	(erf) = vpow2.f32 v2;
	_ =	sdelay $0x8  }
0x68: {  	v2 =	vpop (erf)  }
0x69: {  	[tilespmem:s20+$0xC6B0] =	vst v2  }
0x6a: {  	[tilespmem:v3+s16+$0x0] =	vst.idx.add.f32.msk $0xffff, v2  }
0x6b: {  	v2 =	vld [tilespmem:s20+$0x40]  }
0x6c: {  	v3 =	vld [tilespmem:s20+$0x2840];
	_ =	sdelay $0x6  }
0x6d: {  	v2 =	vld.idx.msk [tilespmem:v2+s13+$0x0], $0xffff  }
0x6e: {  	v60 =	vld.idx.msk [tilespmem:v3+s14+$0x0], $0xffff;
	_ =	sdelay $0x4  }
0x6f: {  	v2 =	vadd.f32 v60, v2;
	_ =	sdelay $0x1  }
0x70: {  	v4 =	vmul.f32 $2.000000030e-01, v2;
	_ =	sdelay $0x1  }
0x71: {  	v2 =	vmax.f32 v2, v4  }
0x72: {  	v2 =	vsub.f32 v2, v1;
	_ =	sdelay $0x1  }
0x73: {  	v2 =	vmul.f32 $1.442695020e+00, v2;
	_ =	sdelay $0x1  }
0x74: {  	(erf) = vpow2.f32 v2;
	_ =	sdelay $0x8  }
0x75: {  	v2 =	vpop (erf)  }
0x76: {  	[tilespmem:s20+$0xC6C0] =	vst v2  }
0x77: {  	[tilespmem:v3+s16+$0x0] =	vst.idx.add.f32.msk $0xffff, v2  }
0x78: {  	v2 =	vld [tilespmem:s20+$0x50]  }
0x79: {  	v3 =	vld [tilespmem:s20+$0x2850];
	_ =	sdelay $0x6  }
0x7a: {  	v2 =	vld.idx.msk [tilespmem:v2+s13+$0x0], $0xffff  }
0x7b: {  	v61 =	vld.idx.msk [tilespmem:v3+s14+$0x0], $0xffff;
	_ =	sdelay $0x4  }
0x7c: {  	v2 =	vadd.f32 v61, v2;
	_ =	sdelay $0x1  }
0x7d: {  	v4 =	vmul.f32 $2.000000030e-01, v2;
	_ =	sdelay $0x1  }
0x7e: {  	v2 =	vmax.f32 v2, v4  }
0x7f: {  	v2 =	vsub.f32 v2, v1;
	_ =	sdelay $0x1  }
0x80: {  	v2 =	vmul.f32 $1.442695020e+00, v2;
	_ =	sdelay $0x1  }
0x81: {  	(erf) = vpow2.f32 v2;
	_ =	sdelay $0x8  }
0x82: {  	v2 =	vpop (erf)  }
0x83: {  	[tilespmem:s20+$0xC6D0] =	vst v2  }
0x84: {  	[tilespmem:v3+s16+$0x0] =	vst.idx.add.f32.msk $0xffff, v2  }
0x85: {  	v2 =	vld [tilespmem:s20+$0x60]  }
0x86: {  	v3 =	vld [tilespmem:s20+$0x2860];
	_ =	sdelay $0x6  }
0x87: {  	v2 =	vld.idx.msk [tilespmem:v2+s13+$0x0], $0xffff  }
0x88: {  	v62 =	vld.idx.msk [tilespmem:v3+s14+$0x0], $0xffff;
	_ =	sdelay $0x4  }
0x89: {  	v2 =	vadd.f32 v62, v2;
	_ =	sdelay $0x1  }
0x8a: {  	v4 =	vmul.f32 $2.000000030e-01, v2;
	_ =	sdelay $0x1  }
0x8b: {  	v2 =	vmax.f32 v2, v4  }
0x8c: {  	v2 =	vsub.f32 v2, v1;
	_ =	sdelay $0x1  }
0x8d: {  	v2 =	vmul.f32 $1.442695020e+00, v2;
	_ =	sdelay $0x1  }
0x8e: {  	(erf) = vpow2.f32 v2;
	_ =	sdelay $0x8  }
0x8f: {  	v2 =	vpop (erf)  }
0x90: {  	[tilespmem:s20+$0xC6E0] =	vst v2  }
0x91: {  	[tilespmem:v3+s16+$0x0] =	vst.idx.add.f32.msk $0xffff, v2  }
0x92: {  	v2 =	vld [tilespmem:s20+$0x70]  }
0x93: {  	v3 =	vld [tilespmem:s20+$0x2870];
	_ =	sdelay $0x6  }
0x94: {  	v2 =	vld.idx.msk [tilespmem:v2+s13+$0x0], $0xffff  }
0x95: {  	v63 =	vld.idx.msk [tilespmem:v3+s14+$0x0], $0xffff;
	_ =	sdelay $0x4  }
0x96: {  	v2 =	vadd.f32 v63, v2;
	_ =	sdelay $0x1  }
0x97: {  	v4 =	vmul.f32 $2.000000030e-01, v2;
	_ =	sdelay $0x1  }
0x98: {  	v2 =	vmax.f32 v2, v4  }
0x99: {  	v2 =	vsub.f32 v2, v1;
	_ =	sdelay $0x1  }
0x9a: {  	v2 =	vmul.f32 $1.442695020e+00, v2;
	_ =	sdelay $0x1  }
0x9b: {  	(erf) = vpow2.f32 v2;
	_ =	sdelay $0x5  }
0x9c: {  	p0 =	sne.s32 s19, $0x9A00  }
.Ltmp1:
0x9d: {  	_ = 	snop;
	(pc) =	sbr.rel @p0 .LBB2_4-.Ltmp1, $4  }
0x9e: {  	_ = 	snop  }
0x9f: {  	v2 =	vpop (erf)  }
0xa0: {  	[tilespmem:s20+$0xC6F0] =	vst v2  }
0xa1: {  	s19 =	sadd.s32 $0x200, s19;
	[tilespmem:v3+s16+$0x0] =	vst.idx.add.f32.msk $0xffff, v2  }
0xa2: {  	v2 =	vld [tilespmem:$0x2700]  }
0xa3: {  	v3 =	vld [tilespmem:$0x4F00];
	_ =	sdelay $0x6  }
0xa4: {  	v2 =	vld.idx.msk [tilespmem:v2+s13+$0x0], $0xffff  }
0xa5: {  	v4 =	vld.idx.msk [tilespmem:v3+s14+$0x0], $0xffff;
	_ =	sdelay $0x4  }
0xa6: {  	v2 =	vadd.f32 v4, v2;
	_ =	sdelay $0x1  }
0xa7: {  	v4 =	vmul.f32 $2.000000030e-01, v2;
	_ =	sdelay $0x1  }
0xa8: {  	v2 =	vmax.f32 v2, v4  }
0xa9: {  	v1 =	vsub.f32 v2, v1;
	_ =	sdelay $0x1  }
0xaa: {  	v1 =	vmul.f32 $1.442695020e+00, v1;
	_ =	sdelay $0x1  }
0xab: {  	(erf) = vpow2.f32 v1;
	_ =	sdelay $0x8  }
0xac: {  	v1 =	vpop (erf)  }
0xad: {  	[tilespmem:$0xED80] =	vst v1  }
0xae: {  	[tilespmem:v3+s16+$0x0] =	vst.idx.add.f32.msk $0xffff, v1  }
0xaf: {  	[hbm4b:s8+s3] =	stream.linear.scatter [tilespmem:s17], [sflag:$0x1], $0x2800, $0x38;
	[tilespmem:$0xEF00] =	vst v63  }
0xb0: {  	s18 =	sadd.s32 $0x1, s18;
	_ =	swait.ge [sflag:s11], $0x2800  }
0xb1: {  	p0 =	sne.s32 s18, s10;
	[sflag:s11] =	ssyncset.done $0x0  }
.Ltmp2:
0xb2: {  	[sflag:s11] =	ssyncadd.s32 $0xFFFFD800;
	(pc) =	sbr.rel @p0 .LBB2_1-.Ltmp2, $4  }
0xb3: {  	[hbm4b:s9+s3] =	stream.linear.scatter [tilespmem:s16], [sflag:$0x1], $0x2780, $0x38;
	[tilespmem:$0xEF00] =	vst v63  }
0xb4: {  	_ =	swait.ge [sflag:s11], $0x2780  }
0xb5: {  	[sflag:s11] =	ssyncset.done $0x0  }
0xb6: {  	[sflag:s11] =	ssyncadd.s32 $0xFFFFD880  }
0xb7: {  	_ =	sfence.sel $0x180000  }
0xb8: {  	[bflag:$0x0] =	sbarrier.arrive $0xFFFF  }
0xb9: {  	p0 =	sne.s32 s2, $0x0;
	_ =	strace $0x9000004D  }
0xba: {  	s0 =	sadd.s32 @!p0 $0x100000, s0;
	[bflag:$0x2] =	sbarrier.arrive $0xFFFF  }
0xbb: {  	[sflag:s0] =	ssyncadd.tile.s32 @!p0 $0x1;
	_ =	shalt  }
.Lfunc_end2:
_tile_overlayer_lowered:
.L_overlay_start_2:
0xbc: {  	(tag) =	ssettag $0x2  }
0xbd: {  	s0 =	rddreg [dreg:$0x0];
	s2 =	stileid.u32  }
0xbe: {  	s1 =	rddreg [dreg:$0x1];
	p0 =	sne.s32 s2, $0x0  }
0xbf: {  	s3 =	rddreg [dreg:$0x2];
	[bflag:$0x3] =	sbarrier.arrive $0xFFFF;
	s2 =	simm.s32 @!p0 $0x1C01  }
0xc0: {  	[timem:s3], [sflag:s2] =	dma.local @!p0 [hbm:s0], s1  }
0xc1: {  	s0 =	simm.s32 @!p0 $0x1  }
0xc2: {  	_ =	swait.ge @!p0 [sflag:s0], s1  }
0xc3: {  	s1 =	ssub.s32 @!p0 $0x0, s1;
	[sflag:s0] =	ssyncset.done @!p0 $0x0  }
0xc4: {  	[sflag:s0] =	ssyncadd.s32 @!p0 s1  }
0xc5: {  	[bflag:$0x3] =	sbarrier.arrive $0xFFFF  }
0xc6: {  	_ =	shalt  }

// kernel: kernel.19.cloned.1.call-start
scs
__scs_entry_jumppad:
0x0: {  	(pc) =	sbr.rel $0x88, $3  }
0x1: {  	(tag) =	ssettag $0x0;
	lr =	simm.s32 $0x1  }
0x2: {  	[smem:$0x3F97] =	sst lr;
	_ =	strace $0xD0000000  }
0x3: {  	_ = 	snop  }
0x4: {  	_ = 	snop  }
0x5: {  	_ = 	snop  }
0x6: {  	_ = 	snop  }
0x7: {  	_ = 	snop  }
__scs_overlays_trampoline_lowered:
0x8: {  	[smem:$0x3FA6] =	sst s0  }
0x9: {  	[smem:$0x3FA7] =	sst s1  }
0xa: {  	[smem:$0x3FA8] =	sst s2  }
0xb: {  	[smem:$0x3FA9] =	sst s3  }
0xc: {  	[smem:$0x3FAA] =	sst s4  }
0xd: {  	[smem:$0x3FAB] =	sst s5  }
0xe: {  	[smem:$0x3FAC] =	sst s6  }
0xf: {  	[smem:$0x3FAD] =	sst s7  }
0x10: {  	[smem:$0x3FAE] =	sst s8  }
0x11: {  	[smem:$0x3FAF] =	sst s9;
	s0 =	simm.s32 @!p0 $0x0  }
0x12: {  	s1 =	sld [smem:$0x3F95];
	s0 =	simm.s32 @p0 $0x1  }
0x13: {  	[smem:$0x3FB0] =	sst s0;
	s0 =	simm.s32 @!p1 $0x0  }
0x14: {  	s2 =	sld [smem:$0x3F94];
	s0 =	simm.s32 @p1 $0x1  }
0x15: {  	[smem:$0x3FB1] =	sst s0;
	s0 =	simm.s32 @!p2 $0x0  }
0x16: {  	s3 =	sld [smem:$0x3FDB];
	s0 =	simm.s32 @p2 $0x1  }
0x17: {  	s4 =	simm.s32 $0x1BF5;
	[smem:$0x3FB3] =	sst s0  }
0x18: {  	s0 =	sld [smem:$0x3F96];
	_ =	swait.ge [sflag:s4], $0x0  }
0x19: {  	s7 =	sld [smem:$0x3F97]  }
0x1a: {  	s8 =	sadd.s32 $0xFFFFE003, lr  }
0x1b: {  	s9 =	sadd.s32 $0xFFFFFEF7, lr;
	s5 =	simm.s32 $0xFFFFFFFF;
	p2 =	slt.u32 s8, $0xFFFFF086  }
0x1c: {  	p1 =	slt.u32 s9, $0xF7A;
	s5 =	simm.s32 @!p2 $0x0  }
0x1d: {  	s5 =	simm.s32 @p1 $0x1;
	p0 =	seq.s32 s7, s2  }
0x1e: {  	s7 =	smul.u32 @!p0 $0xF7A, s2;
	p2 =	seq.s32 @!p0 s5, $0x0  }
0x1f: {  	s9 =	smul.u32 $0xF7A, s1;
	s8 =	simm.s32 @!p0 $0x1BF5;
	p2 =	por !p2, p0  }
0x20: {  	[sflag:s8] =	ssyncset.s32 @!p0 $0xFFFFF086;
	s6 =	sadd.s32 @!p0 s3, s7;
	s7 =	simm.s32 @!p0 $0x108  }
0x21: {  	s3 =	sadd.s32 s3, s9;
	s6 =	sadd.s32 @!p0 $0x88, s6;
	s7 =	simm.s32 @p2 $0x1082  }
0x22: {  	[simem:s7], [sflag:s8] =	dma.local @!p0 [hbm:s6], $0xF7A  }
0x23: {  	s9 =	sor.u32 $0xD0000000, s2;
	s6 =	simm.s32 $0x108;
	_ =	swait.ge @!p0 [sflag:s8], $0x0  }
0x24: {  	s3 =	sadd.s32 $0x88, s3;
	s6 =	simm.s32 @!p1 $0x1082;
	[sflag:s4] =	ssyncset.s32 $0xFFFFF086  }
0x25: {  	[simem:s6], [sflag:s4] =	dma.local [hbm:s3], $0xF7A  }
0x26: {  	[smem:$0x3F97] =	sst s1;
	(tag) =	ssettag s2;
	_ =	strace s9  }
0x27: {  	s1 =	sld [smem:$0x3FA7]  }
0x28: {  	s2 =	sld [smem:$0x3FA8]  }
0x29: {  	s4 =	sld [smem:$0x3FAA]  }
0x2a: {  	p0 =	seq.s32 s5, $0x0;
	s5 =	sld [smem:$0x3FAB]  }
0x2b: {  	s6 =	sld [smem:$0x3FAC]  }
0x2c: {  	s7 =	sld [smem:$0x3FAD]  }
0x2d: {  	s3 =	simm.s32 $0x108;
	s8 =	sld [smem:$0x3FAE]  }
0x2e: {  	s3 =	simm.s32 @!p0 $0x1082;
	s9 =	sld [smem:$0x3FAF]  }
0x2f: {  	lr =	sadd.s32 s0, s3;
	s0 =	sld [smem:$0x3FA6]  }
0x30: {  	s3 =	sld [smem:$0x3FA9]  }
0x31: {  	[smem:$0x3FB2] =	sst s10  }
0x32: {  	s10 =	sld [smem:$0x3FB0];
	_ =	sdelay $0x3  }
0x33: {  	p0 =	seq.s32 s10, $0x1;
	s10 =	sld [smem:$0x3FB2];
	_ =	sdelay $0x3  }
0x34: {  	[smem:$0x3FB2] =	sst s10  }
0x35: {  	s10 =	sld [smem:$0x3FB1];
	_ =	sdelay $0x3  }
0x36: {  	p1 =	seq.s32 s10, $0x1;
	s10 =	sld [smem:$0x3FB2];
	_ =	sdelay $0x3  }
0x37: {  	[smem:$0x3FB2] =	sst s10  }
0x38: {  	s10 =	sld [smem:$0x3FB3]  }
0x39: {  	_ = 	snop;
	(pc) =	sbr.ind lr, $3  }
0x3a: {  	_ = 	snop  }
0x3b: {  	_ = 	snop  }
0x3c: {  	p2 =	seq.s32 s10, $0x1;
	s10 =	sld [smem:$0x3FB2]  }
0x3d: {  	_ =	shalt  }
0x3e: {  	_ =	shalt  }
0x3f: {  	_ =	shalt  }
0x40: {  	_ =	shalt  }
0x41: {  	_ =	shalt  }
0x42: {  	_ =	shalt  }
0x43: {  	_ =	shalt  }
0x44: {  	_ =	shalt  }
0x45: {  	_ =	shalt  }
0x46: {  	_ =	shalt  }
0x47: {  	_ =	shalt  }
0x48: {  	_ =	shalt  }
0x49: {  	_ =	shalt  }
0x4a: {  	_ =	shalt  }
0x4b: {  	_ =	shalt  }
0x4c: {  	_ =	shalt  }
0x4d: {  	_ =	shalt  }
0x4e: {  	_ =	shalt  }
0x4f: {  	_ =	shalt  }
0x50: {  	_ =	shalt  }
0x51: {  	_ =	shalt  }
0x52: {  	_ =	shalt  }
0x53: {  	_ =	shalt  }
0x54: {  	_ =	shalt  }
0x55: {  	_ =	shalt  }
0x56: {  	_ =	shalt  }
0x57: {  	_ =	shalt  }
0x58: {  	_ =	shalt  }
0x59: {  	_ =	shalt  }
0x5a: {  	_ =	shalt  }
0x5b: {  	_ =	shalt  }
0x5c: {  	_ =	shalt  }
0x5d: {  	_ =	shalt  }
0x5e: {  	_ =	shalt  }
0x5f: {  	_ =	shalt  }
0x60: {  	_ =	shalt  }
0x61: {  	_ =	shalt  }
0x62: {  	_ =	shalt  }
0x63: {  	_ =	shalt  }
0x64: {  	_ =	shalt  }
0x65: {  	_ =	shalt  }
0x66: {  	_ =	shalt  }
0x67: {  	_ =	shalt  }
0x68: {  	_ =	shalt  }
0x69: {  	_ =	shalt  }
0x6a: {  	_ =	shalt  }
0x6b: {  	_ =	shalt  }
0x6c: {  	_ =	shalt  }
0x6d: {  	_ =	shalt  }
0x6e: {  	_ =	shalt  }
0x6f: {  	_ =	shalt  }
0x70: {  	_ =	shalt  }
0x71: {  	_ =	shalt  }
0x72: {  	_ =	shalt  }
0x73: {  	_ =	shalt  }
0x74: {  	_ =	shalt  }
0x75: {  	_ =	shalt  }
0x76: {  	_ =	shalt  }
0x77: {  	_ =	shalt  }
0x78: {  	_ =	shalt  }
0x79: {  	_ =	shalt  }
0x7a: {  	_ =	shalt  }
0x7b: {  	_ =	shalt  }
0x7c: {  	_ =	shalt  }
0x7d: {  	_ =	shalt  }
0x7e: {  	_ =	shalt  }
0x7f: {  	_ =	shalt  }
0x80: {  	_ =	shalt  }
0x81: {  	_ =	shalt  }
0x82: {  	_ =	shalt  }
0x83: {  	_ =	shalt  }
0x84: {  	_ =	shalt  }
0x85: {  	_ =	shalt  }
0x86: {  	_ =	shalt  }
0x87: {  	_ =	shalt  }
.Lfunc_end0:
.L_simem_size_0:
called_computation.3_lowered:
.L_overlay_start_0:
0x88: {  	s2 =	sld [smem:$0x3FD9]  }
0x89: {  	s3 =	sld [smem:$0x3FFE];
	_ =	sdelay $0x1  }
0x8a: {  	s1 =	srdreg.scid  }
0x8b: {  	s0 =	sand.u32 $0x1, s1  }
0x8c: {  	s16 =	sshll.u32 s0, $0xA;
	s2 =	sadd.s32 s3, s2  }
0x8d: {  	s2 =	sadd.s32 s2, s16  }
0x8e: {  	[smem:$0x3FBE] =	sst s2  }
0x8f: {  	_ = 	snop  }
0x90: {  	(tm) =	ssettm $0x1  }
0x91: {  	s17 =	sld [smem:$0x3FFB];
	_ =	sdelay $0x3  }
0x92: {  	_ =	strace s17  }
0x93: {  	s2 =	sld [smem:$0x3FFC];
	_ =	sdelay $0x3  }
0x94: {  	_ =	strace s2  }
0x95: {  	s2 =	sld [smem:$0x3FFD];
	_ =	sdelay $0x3  }
0x96: {  	_ =	strace s2  }
0x97: {  	_ =	strace $0x8FFFFFFF  }
0x98: {  	s18 =	sld [smem:$0x3FDB];
	_ =	sdelay $0x1  }
0x99: {  	s19 =	simm.s32 $_scs_section_size  }
0x9a: {  	s4 =	simm.s32 $_size__tile_overlayer_lowered;
	s5 =	simm.s32 $_tile_overlayer_lowered  }
0x9b: {  	s22 =	simm.s32 $0x1BFF;
	s21 =	sshll.u32 s5, $0x1;
	s2 =	sadd.s32 s19, s18  }
0x9c: {  	s6 =	simm.s32 $0x0;
	s20 =	sshll.u32 s4, $0x1;
	s4 =	sadd.s32 s21, s2  }
0x9d: {  	[timem:s6], [sflag:s22] =	dma.local [hbm:s4], s20  }
0x9e: {  	_ =	swait.ge [sflag:s22], s20  }
0x9f: {  	s3 =	ssub.s32 $0x0, s20;
	[sflag:s22] =	ssyncset.done $0x0  }
0xa0: {  	[sflag:s22] =	ssyncadd.s32 s3;
	_ =	sdelay $0x1  }
0xa1: {  	s23 =	simm.s32 $0x1B8B  }
0xa2: {  	_ =	swait.ge [sflag:s23], $0x1  }
0xa3: {  	[sflag:s23] =	ssyncset.done $0x0  }
0xa4: {  	s25 =	simm.s32 $0x1B8E;
	s24 =	sld [smem:$0x3FFE];
	[sflag:s23] =	ssyncadd.s32 $0xFFFFFFFF  }
0xa5: {  	s26 =	simm.s32 $execute0_lowered;
	[smem:$0x3FD2] =	sst s25  }
0xa6: {  	s4 =	sshll.u32 s26, $0x1;
	_ =	strace $0x8000004F;
	[dreg:$0x1] =	wrdreg $0xFFFFFFFF  }
0xa7: {  	s28 =	simm.s32 $_size_execute0_lowered;
	s2 =	sadd.s32 s2, s4;
	[dreg:$0x0] =	wrdreg $0x0  }
0xa8: {  	s4 =	sshll.u32 s28, $0x1;
	[dreg:$0x2] =	wrdreg s2  }
0xa9: {  	[dreg:$0x3] =	wrdreg s4  }
0xaa: {  	[dreg:$0x4] =	wrdreg $0xC0  }
0xab: {  	_ =	task [dreg:s6], $0x5FFFF  }
0xac: {  	[dreg:$0x1] =	wrdreg $0xFFFFFFFF  }
0xad: {  	[dreg:$0x0] =	wrdreg $0x60  }
0xae: {  	[dreg:$0x2] =	wrdreg s24  }
0xaf: {  	[dreg:$0x3] =	wrdreg $0x9  }
0xb0: {  	_ =	task.clear_ibuf [dreg:s6], $0x4FFFF;
	_ =	strace $0x9000004F  }
0xb1: {  	s29 =	simm.s32 $0x9;
	_ =	strace $0x80000051  }
0xb2: {  	_ =	swait.ge [sflag:s29], $0x1  }
0xb3: {  	[sflag:s29] =	ssyncadd.s32 $0xFFFFFFFF  }
0xb4: {  	_ =	strace $0x90000051  }
0xb5: {  	_ =	sfence  }
0xb6: {  	s30 =	sld [smem:$0x0];
	_ =	sdelay $0x2  }
0xb7: {  	s31 =	sshll.u32 s1, $0xD;
	s1 =	sshrl.u32 s1, $0x2  }
0xb8: {  	s3 =	sand.u32 $0x4000, s31;
	s1 =	sadd.s32 s1, s30  }
0xb9: {  	s0 =	sor.u32 s3, s0;
	s1 =	sshll.u32 s1, $0x11  }
0xba: {  	s0 =	sor.u32 s1, s0  }
0xbb: {  	s0 =	sadd.s32 $0x8F2B, s0  }
0xbc: {  	[sflag:s0] =	ssyncadd.remote.s32 $0x1  }
0xbd: {  	_ =	sfence.sel $0xFFFF  }
0xbe: {  	[dreg:$0x0] =	wrdreg $0xFFFFFFFF;
	(pc) =	sbr.abs _section_cstart, $3  }
0xbf: {  	[dreg:$0x1] =	wrdreg $0xFFFFFFFF  }
0xc0: {  	_ =	task.clear_ibuf [dreg:s6], $0x2FFFF;
	_ =	strace $0x9FFFFFFF  }
0xc1: {  	(tm) =	ssettm $0x7FFFFFFF  }
tec
execute0_lowered:
.L_overlay_start_1:
0x0: {  	(tag) =	ssettag $0x1  }
0x1: {  	s0 =	srdreg.scid;
	s4 =	rddreg [dreg:$0x0]  }
0x2: {  	s2 =	simm.s32 $0x0;
	s10 =	simm.s32 $0x2800;
	s3 =	sand.u32 $0x1, s0  }
0x3: {  	s11 =	simm.s32 $0x5000;
	s0 =	stileid.u32;
	s1 =	sshll.u32 s3, $0x4  }
0x4: {  	s12 =	simm.s32 $0x7800;
	s13 =	simm.s32 $0x9F80;
	s5 =	sor.u32 s0, s1  }
0x5: {  	s14 =	simm.s32 $0x0;
	[smem:$0x7FF] =	sst s2;
	s6 =	smul.u32 $0x500, s5  }
0x6: {  	s7 =	ssub.s32 $0x2, s3;
	s3 =	sadd.s32 $0x18200, s4;
	s5 =	smul.u32 $0x4F0, s5  }
0x7: {  	s1 =	rddreg [dreg:$0x1];
	_ =	strace $0x80000050;
	s31 =	sshrl.u32 s7, $0x1  }
0x8: {  	s9 =	ssub.s32 s7, s31;
	s6 =	sadd.s32 s6, s4;
	s8 =	sadd.s32 s5, s4  }
0x9: {  	s4 =	sadd.s32 $0xE200, s6;
	s5 =	sadd.s32 $0x4200, s6;
	s6 =	sadd.s32 $0x22C00, s6  }
0xa: {  	v0 =	vimm.f32 $0.0e+00;
	s7 =	sadd.s32 $0x18800, s8;
	s8 =	smax.u32 s9, $0x1;
	s9 =	simm.s32 $0x1  }
.LBB2_1:
0xb: {  	[tilespmem:s2], [sflag:$0x1] =	stream.linear.gather [hbm4b:s4+s2], $0x2800, $0x38;
	[tilespmem:$0xC700] =	vst v63  }
0xc: {  	_ =	swait.ge [sflag:s9], $0x2800  }
0xd: {  	[sflag:s9] =	ssyncset.done $0x0  }
0xe: {  	[sflag:s9] =	ssyncadd.s32 $0xFFFFD800  }
0xf: {  	[tilespmem:s10], [sflag:$0x1] =	stream.linear.gather [hbm4b:s5+s2], $0x2800, $0x38;
	[tilespmem:$0xC700] =	vst v63  }
0x10: {  	_ =	swait.ge [sflag:s9], $0x2800  }
0x11: {  	[sflag:s9] =	ssyncset.done $0x0  }
0x12: {  	[sflag:s9] =	ssyncadd.s32 $0xFFFFD800  }
0x13: {  	[tilespmem:s11], [sflag:$0x1] =	stream.linear.gather [hbm4b:s6+s2], $0x2800, $0x38;
	[tilespmem:$0xC700] =	vst v63  }
0x14: {  	_ =	swait.ge [sflag:s9], $0x2800  }
0x15: {  	[sflag:s9] =	ssyncset.done $0x0  }
0x16: {  	[sflag:s9] =	ssyncadd.s32 $0xFFFFD800  }
0x17: {  	[tilespmem:s12], [sflag:$0x1] =	stream.linear.gather [hbm4b:s3+s2], $0x2780, $0x38;
	[tilespmem:$0xC700] =	vst v63  }
0x18: {  	_ =	swait.ge [sflag:s9], $0x2780  }
0x19: {  	[sflag:s9] =	ssyncset.done $0x0  }
0x1a: {  	s15 =	simm.s32 $0x0;
	[sflag:s9] =	ssyncadd.s32 $0xFFFFD880  }
.LBB2_2:
0x1b: {  	p0 =	sne.s32 s15, $0x9C00  }
.Ltmp0:
0x1c: {  	_ = 	snop;
	(pc) =	sbr.rel @p0 .LBB2_2-.Ltmp0, $3  }
0x1d: {  	_ =	sdelay $0x1  }
0x1e: {  	s16 =	sshra.s32 s15, $0x2  }
0x1f: {  	s15 =	sadd.s32 $0x40, s15;
	[tilespmem:s16+$0x9F80] =	vst v0  }
0x20: {  	s15 =	simm.s32 $0x0  }
.LBB2_4:
0x21: {  	s16 =	sshra.s32 s15, $0x2  }
0x22: {  	v1 =	vld [tilespmem:s16+$0x2800];
	_ =	sdelay $0x7  }
0x23: {  	v1 =	vld.idx.msk [tilespmem:v1+s12+$0x0], $0xffff;
	_ =	sdelay $0x4  }
0x24: {  	v1 =	vadd.f32 $1.000000020e-16, v1;
	_ =	sdelay $0x1  }
0x25: {  	(erf) = vrcp.f32 v1;
	_ =	sdelay $0x3  }
0x26: {  	v1 =	vld [tilespmem:s16+$0x0]  }
0x27: {  	v2 =	vld [tilespmem:s16+$0x5000];
	_ =	sdelay $0x3  }
0x28: {  	v3 =	vpop (erf)  }
0x29: {  	v2 =	vmul.f32 v3, v2;
	_ =	sdelay $0x1  }
0x2a: {  	[tilespmem:v1+s13+$0x0] =	vst.idx.add.f32.msk $0xffff, v2  }
0x2b: {  	v1 =	vld [tilespmem:s16+$0x2810];
	_ =	sdelay $0x7  }
0x2c: {  	v1 =	vld.idx.msk [tilespmem:v1+s12+$0x0], $0xffff;
	_ =	sdelay $0x4  }
0x2d: {  	v1 =	vadd.f32 $1.000000020e-16, v1;
	_ =	sdelay $0x1  }
0x2e: {  	(erf) = vrcp.f32 v1;
	_ =	sdelay $0x3  }
0x2f: {  	v1 =	vld [tilespmem:s16+$0x10]  }
0x30: {  	v2 =	vld [tilespmem:s16+$0x5010];
	_ =	sdelay $0x3  }
0x31: {  	v3 =	vpop (erf)  }
0x32: {  	v2 =	vmul.f32 v3, v2;
	_ =	sdelay $0x1  }
0x33: {  	[tilespmem:v1+s13+$0x0] =	vst.idx.add.f32.msk $0xffff, v2  }
0x34: {  	v1 =	vld [tilespmem:s16+$0x2820];
	_ =	sdelay $0x7  }
0x35: {  	v1 =	vld.idx.msk [tilespmem:v1+s12+$0x0], $0xffff;
	_ =	sdelay $0x4  }
0x36: {  	v1 =	vadd.f32 $1.000000020e-16, v1;
	_ =	sdelay $0x1  }
0x37: {  	(erf) = vrcp.f32 v1;
	_ =	sdelay $0x3  }
0x38: {  	v1 =	vld [tilespmem:s16+$0x20]  }
0x39: {  	v2 =	vld [tilespmem:s16+$0x5020];
	_ =	sdelay $0x3  }
0x3a: {  	v3 =	vpop (erf)  }
0x3b: {  	v2 =	vmul.f32 v3, v2;
	_ =	sdelay $0x1  }
0x3c: {  	[tilespmem:v1+s13+$0x0] =	vst.idx.add.f32.msk $0xffff, v2  }
0x3d: {  	v1 =	vld [tilespmem:s16+$0x2830];
	_ =	sdelay $0x7  }
0x3e: {  	v1 =	vld.idx.msk [tilespmem:v1+s12+$0x0], $0xffff;
	_ =	sdelay $0x4  }
0x3f: {  	v1 =	vadd.f32 $1.000000020e-16, v1;
	_ =	sdelay $0x1  }
0x40: {  	(erf) = vrcp.f32 v1;
	_ =	sdelay $0x3  }
0x41: {  	v1 =	vld [tilespmem:s16+$0x30]  }
0x42: {  	v2 =	vld [tilespmem:s16+$0x5030];
	_ =	sdelay $0x3  }
0x43: {  	v3 =	vpop (erf)  }
0x44: {  	v2 =	vmul.f32 v3, v2;
	_ =	sdelay $0x1  }
0x45: {  	[tilespmem:v1+s13+$0x0] =	vst.idx.add.f32.msk $0xffff, v2  }
0x46: {  	v1 =	vld [tilespmem:s16+$0x2840];
	_ =	sdelay $0x7  }
0x47: {  	v1 =	vld.idx.msk [tilespmem:v1+s12+$0x0], $0xffff;
	_ =	sdelay $0x4  }
0x48: {  	v1 =	vadd.f32 $1.000000020e-16, v1;
	_ =	sdelay $0x1  }
0x49: {  	(erf) = vrcp.f32 v1;
	_ =	sdelay $0x3  }
0x4a: {  	v1 =	vld [tilespmem:s16+$0x40]  }
0x4b: {  	v2 =	vld [tilespmem:s16+$0x5040];
	_ =	sdelay $0x3  }
0x4c: {  	v3 =	vpop (erf)  }
0x4d: {  	v2 =	vmul.f32 v3, v2;
	_ =	sdelay $0x1  }
0x4e: {  	[tilespmem:v1+s13+$0x0] =	vst.idx.add.f32.msk $0xffff, v2  }
0x4f: {  	v1 =	vld [tilespmem:s16+$0x2850];
	_ =	sdelay $0x7  }
0x50: {  	v1 =	vld.idx.msk [tilespmem:v1+s12+$0x0], $0xffff;
	_ =	sdelay $0x4  }
0x51: {  	v1 =	vadd.f32 $1.000000020e-16, v1;
	_ =	sdelay $0x1  }
0x52: {  	(erf) = vrcp.f32 v1;
	_ =	sdelay $0x3  }
0x53: {  	v1 =	vld [tilespmem:s16+$0x50]  }
0x54: {  	v2 =	vld [tilespmem:s16+$0x5050];
	_ =	sdelay $0x3  }
0x55: {  	v3 =	vpop (erf)  }
0x56: {  	v2 =	vmul.f32 v3, v2;
	_ =	sdelay $0x1  }
0x57: {  	[tilespmem:v1+s13+$0x0] =	vst.idx.add.f32.msk $0xffff, v2  }
0x58: {  	v1 =	vld [tilespmem:s16+$0x2860];
	_ =	sdelay $0x7  }
0x59: {  	v1 =	vld.idx.msk [tilespmem:v1+s12+$0x0], $0xffff;
	_ =	sdelay $0x4  }
0x5a: {  	v1 =	vadd.f32 $1.000000020e-16, v1;
	_ =	sdelay $0x1  }
0x5b: {  	(erf) = vrcp.f32 v1;
	_ =	sdelay $0x3  }
0x5c: {  	v1 =	vld [tilespmem:s16+$0x60]  }
0x5d: {  	v2 =	vld [tilespmem:s16+$0x5060];
	_ =	sdelay $0x3  }
0x5e: {  	v3 =	vpop (erf)  }
0x5f: {  	v2 =	vmul.f32 v3, v2;
	_ =	sdelay $0x1  }
0x60: {  	[tilespmem:v1+s13+$0x0] =	vst.idx.add.f32.msk $0xffff, v2  }
0x61: {  	v1 =	vld [tilespmem:s16+$0x2870];
	_ =	sdelay $0x7  }
0x62: {  	v1 =	vld.idx.msk [tilespmem:v1+s12+$0x0], $0xffff;
	_ =	sdelay $0x4  }
0x63: {  	v1 =	vadd.f32 $1.000000020e-16, v1;
	_ =	sdelay $0x1  }
0x64: {  	(erf) = vrcp.f32 v1;
	_ =	sdelay $0x3  }
0x65: {  	v1 =	vld [tilespmem:s16+$0x70]  }
0x66: {  	v2 =	vld [tilespmem:s16+$0x5070];
	_ =	sdelay $0x1  }
0x67: {  	p0 =	sne.s32 s15, $0x9A00  }
.Ltmp1:
0x68: {  	_ = 	snop;
	(pc) =	sbr.rel @p0 .LBB2_4-.Ltmp1, $3  }
0x69: {  	v3 =	vpop (erf)  }
0x6a: {  	v2 =	vmul.f32 v3, v2;
	_ =	sdelay $0x1  }
0x6b: {  	s15 =	sadd.s32 $0x200, s15;
	[tilespmem:v1+s13+$0x0] =	vst.idx.add.f32.msk $0xffff, v2  }
0x6c: {  	v1 =	vld [tilespmem:$0x4F00];
	_ =	sdelay $0x7  }
0x6d: {  	v1 =	vld.idx.msk [tilespmem:v1+s12+$0x0], $0xffff;
	_ =	sdelay $0x4  }
0x6e: {  	v1 =	vadd.f32 $1.000000020e-16, v1;
	_ =	sdelay $0x1  }
0x6f: {  	(erf) = vrcp.f32 v1;
	_ =	sdelay $0x3  }
0x70: {  	v1 =	vld [tilespmem:$0x2700]  }
0x71: {  	v2 =	vld [tilespmem:$0x7700];
	_ =	sdelay $0x3  }
0x72: {  	v3 =	vpop (erf)  }
0x73: {  	s14 =	sadd.s32 $0x1, s14;
	v2 =	vmul.f32 v3, v2  }
0x74: {  	p0 =	sne.s32 s14, s8  }
.Ltmp2:
0x75: {  	[tilespmem:v1+s13+$0x0] =	vst.idx.add.f32.msk $0xffff, v2;
	(pc) =	sbr.rel @p0 .LBB2_1-.Ltmp2, $4  }
0x76: {  	[hbm4b:s7+s2] =	stream.linear.scatter [tilespmem:s13], [sflag:$0x1], $0x2780, $0x38;
	[tilespmem:$0xC700] =	vst v63  }
0x77: {  	_ =	swait.ge [sflag:s9], $0x2780  }
0x78: {  	[sflag:s9] =	ssyncset.done $0x0  }
0x79: {  	[sflag:s9] =	ssyncadd.s32 $0xFFFFD880  }
0x7a: {  	_ =	sfence.sel $0x180000  }
0x7b: {  	[bflag:$0x0] =	sbarrier.arrive $0xFFFF  }
0x7c: {  	p0 =	sne.s32 s0, $0x0;
	_ =	strace $0x90000050  }
0x7d: {  	s0 =	sadd.s32 @!p0 $0x100000, s1;
	[bflag:$0x2] =	sbarrier.arrive $0xFFFF  }
0x7e: {  	[sflag:s0] =	ssyncadd.tile.s32 @!p0 $0x1;
	_ =	shalt  }
.Lfunc_end2:
_tile_overlayer_lowered:
.L_overlay_start_2:
0x7f: {  	(tag) =	ssettag $0x2  }
0x80: {  	s0 =	rddreg [dreg:$0x0];
	s2 =	stileid.u32  }
0x81: {  	s1 =	rddreg [dreg:$0x1];
	p0 =	sne.s32 s2, $0x0  }
0x82: {  	s3 =	rddreg [dreg:$0x2];
	[bflag:$0x3] =	sbarrier.arrive $0xFFFF;
	s2 =	simm.s32 @!p0 $0x1C01  }
0x83: {  	[timem:s3], [sflag:s2] =	dma.local @!p0 [hbm:s0], s1  }
0x84: {  	s0 =	simm.s32 @!p0 $0x1  }
0x85: {  	_ =	swait.ge @!p0 [sflag:s0], s1  }
0x86: {  	s1 =	ssub.s32 @!p0 $0x0, s1;
	[sflag:s0] =	ssyncset.done @!p0 $0x0  }
0x87: {  	[sflag:s0] =	ssyncadd.s32 @!p0 s1  }
0x88: {  	[bflag:$0x3] =	sbarrier.arrive $0xFFFF  }
0x89: {  	_ =	shalt  }

</sc_bundles>
